<compile_context>
chip_gen: v7x
topology: tpu7x:2x2x1
jax: 0.10.2.dev20260603
libtpu: 0.0.44.dev20260713+nightly
codegen_flags: <defaults>
</compile_context>

<pallas_src>
import functools

import jax
import jax.numpy as jnp
from jax import lax
from jax.experimental import pallas as pl
from jax.experimental.pallas import tpu as pltpu
from jax.experimental.pallas import tpu_sc as plsc

N = 10000
E = 320000
D = 128
H = 128
C = 40
CP = 64
EPS = 1e-5

NC = 2
NS = 16
NW = NC * NS
CHUNK = 80
EDGES_PER_TILE = E // NW
STEPS = EDGES_PER_TILE // CHUNK
NBUF = 3
STRIPE = 640
NP = NS * STRIPE
ZR = 128

_MESH = plsc.VectorSubcoreMesh(core_axis_name="c", subcore_axis_name="s")


@functools.partial(
    pl.kernel,
    out_type=jax.ShapeDtypeStruct((NC, NP, 16), jnp.float32),
    mesh=_MESH,
    scratch_types=[
        pltpu.VMEM((STEPS, CHUNK), jnp.int32),
        pltpu.VMEM((CHUNK, 16), jnp.float32),
        pltpu.VMEM((8, 16), jnp.float32),
        pltpu.VMEM_SHARED((NP, 16), jnp.float32),
        pltpu.SemaphoreType.DMA,
    ],
)
def _deg_kernel(dst_hbm, onesz_hbm, out_hbm, di_v, ones_v, zrow_v, acc_sh, dsem):
    c = lax.axis_index("c")
    s = lax.axis_index("s")
    wid = s * NC + c

    pltpu.sync_copy(dst_hbm.at[wid], di_v)
    pltpu.sync_copy(onesz_hbm.at[pl.ds(0, CHUNK)], ones_v)
    pltpu.sync_copy(onesz_hbm.at[pl.ds(CHUNK, 8)], zrow_v)

    def zstep(z, carry):
        pltpu.sync_copy(zrow_v, acc_sh.at[pl.ds(s * STRIPE + z * 8, 8)])
        return carry

    lax.fori_loop(0, STRIPE // 8, zstep, 0)
    plsc.subcore_barrier()

    def step(j, carry):
        pltpu.async_copy(ones_v, acc_sh.at[di_v.at[j]], dsem, add=True)
        return carry

    lax.fori_loop(0, STEPS, step, 0)

    def drain(j, carry):
        pltpu.make_async_copy(ones_v, acc_sh.at[di_v.at[j]], dsem).wait()
        return carry

    lax.fori_loop(0, STEPS, drain, 0)
    plsc.subcore_barrier()
    pltpu.sync_copy(
        acc_sh.at[pl.ds(s * STRIPE, STRIPE)],
        out_hbm.at[c, pl.ds(s * STRIPE, STRIPE)],
    )


def _make_msg_kernel(width, tc_tiling=True):
    rpt = N // NS

    @functools.partial(
        pl.kernel,
        out_type=jax.ShapeDtypeStruct((NC, N, width), jnp.float32),
        mesh=_MESH,
        compiler_params=pltpu.CompilerParams(use_tc_tiling_on_sc=False),
        scratch_types=[
            pltpu.VMEM((EDGES_PER_TILE,), jnp.int32),
            pltpu.VMEM((STEPS, CHUNK), jnp.int32),
            pltpu.VMEM((NBUF, CHUNK, width), jnp.float32),
            pltpu.VMEM_SHARED((N, width), jnp.float32),
            [pltpu.SemaphoreType.DMA] * (2 * NBUF),
        ],
    )
    def _msg(y_hbm, src_hbm, dst_hbm, zeros_hbm, out_hbm, si_v, di_v, rows_v, acc_sh, sems):
        c = lax.axis_index("c")
        s = lax.axis_index("s")
        wid = s * NC + c
        gsem = sems[:NBUF]
        ssem = sems[NBUF:]

        pltpu.sync_copy(src_hbm.at[wid], si_v)
        pltpu.sync_copy(dst_hbm.at[wid], di_v)
        pltpu.sync_copy(zeros_hbm, rows_v.at[0])
        for z in range(rpt // CHUNK):
            pltpu.sync_copy(
                rows_v.at[0], acc_sh.at[pl.ds(s * rpt + z * CHUNK, CHUNK)]
            )
        tail = rpt % CHUNK
        pltpu.sync_copy(
            rows_v.at[0].at[pl.ds(0, tail)],
            acc_sh.at[pl.ds(s * rpt + rpt - tail, tail)],
        )
        plsc.subcore_barrier()

        for b in range(NBUF - 1):
            pltpu.async_copy(
                y_hbm.at[si_v.at[pl.ds(b * CHUNK, CHUNK)]], rows_v.at[b], gsem[b]
            )

        def step(jj, carry):
            for u in range(NBUF):
                j = jj * NBUF + u

                @pl.when(j < STEPS)
                def _():
                    pltpu.make_async_copy(
                        y_hbm.at[si_v.at[pl.ds(j * CHUNK, CHUNK)]],
                        rows_v.at[u],
                        gsem[u],
                    ).wait()
                    pltpu.async_copy(
                        rows_v.at[u], acc_sh.at[di_v.at[j]], ssem[u], add=True
                    )

                    @pl.when(j == 0)
                    def _():
                        pltpu.async_copy(
                            y_hbm.at[si_v.at[pl.ds(2 * CHUNK, CHUNK)]],
                            rows_v.at[2],
                            gsem[2],
                        )

                    @pl.when((j >= 1) & (j + NBUF - 1 < STEPS))
                    def _():
                        up = (u + NBUF - 1) % NBUF
                        pltpu.make_async_copy(
                            rows_v.at[up], acc_sh.at[di_v.at[j - 1]], ssem[up]
                        ).wait()
                        pltpu.async_copy(
                            y_hbm.at[si_v.at[pl.ds((j + NBUF - 1) * CHUNK, CHUNK)]],
                            rows_v.at[up],
                            gsem[up],
                        )

            return carry

        lax.fori_loop(0, (STEPS + NBUF - 1) // NBUF, step, 0)
        for k in range(NBUF):
            j = STEPS - NBUF + k
            pltpu.make_async_copy(
                rows_v.at[j % NBUF], acc_sh.at[di_v.at[j]], ssem[j % NBUF]
            ).wait()
        plsc.subcore_barrier()
        pltpu.sync_copy(
            acc_sh.at[pl.ds(s * rpt, rpt)],
            out_hbm.at[c, pl.ds(s * rpt, rpt)],
        )

    return _msg


_msg_h = _make_msg_kernel(H)
_msg_c = _make_msg_kernel(CP, tc_tiling=False)

NB = 2000


def _tca_body(degp_ref, x_ref, w_ref, dinv_ref, y_ref):
    deg = degp_ref[0, :, 0:1] + degp_ref[1, :, 0:1] + 1.0
    dinv = lax.rsqrt(deg)
    dinv_ref[...] = dinv
    y_ref[...] = (
        jnp.dot(x_ref[...], w_ref[...], preferred_element_type=jnp.float32) * dinv
    )


def _tca(degp, x, w):
    return pl.pallas_call(
        _tca_body,
        grid=(N // NB,),
        in_specs=[
            pl.BlockSpec((2, NB, 16), lambda i: (0, i, 0)),
            pl.BlockSpec((NB, D), lambda i: (i, 0)),
            pl.BlockSpec((D, H), lambda i: (0, 0)),
        ],
        out_specs=[
            pl.BlockSpec((NB, 1), lambda i: (i, 0)),
            pl.BlockSpec((NB, H), lambda i: (i, 0)),
        ],
        out_shape=[
            jax.ShapeDtypeStruct((N, 1), jnp.float32),
            jax.ShapeDtypeStruct((N, H), jnp.float32),
        ],
    )(degp, x, w)


def _tcb_body(accp_ref, y_ref, dinv_ref, st_ref, w_ref, out_ref):
    dinv = dinv_ref[...]
    z = (accp_ref[0] + accp_ref[1] + y_ref[...]) * dinv
    h = jnp.maximum(z * st_ref[0:1, :] + st_ref[1:2, :], 0.0)
    out_ref[...] = (
        jnp.dot(h, w_ref[...], preferred_element_type=jnp.float32) * dinv
    )


def _tcb(accp, y, dinv, st, w):
    wo = w.shape[1]
    return pl.pallas_call(
        _tcb_body,
        grid=(N // NB,),
        in_specs=[
            pl.BlockSpec((2, NB, H), lambda i: (0, i, 0)),
            pl.BlockSpec((NB, H), lambda i: (i, 0)),
            pl.BlockSpec((NB, 1), lambda i: (i, 0)),
            pl.BlockSpec((2, H), lambda i: (0, 0)),
            pl.BlockSpec((H, wo), lambda i: (0, 0)),
        ],
        out_specs=pl.BlockSpec((NB, wo), lambda i: (i, 0)),
        out_shape=jax.ShapeDtypeStruct((N, wo), jnp.float32),
    )(accp, y, dinv, st, w)


def _tcc_body(accp_ref, y_ref, dinv_ref, b_ref, out_ref):
    out_ref[...] = (
        accp_ref[0] + accp_ref[1] + y_ref[...]
    ) * dinv_ref[...] + b_ref[0:1, :]


def _tcc(accp, y, dinv, b):
    return pl.pallas_call(
        _tcc_body,
        grid=(N // NB,),
        in_specs=[
            pl.BlockSpec((2, NB, CP), lambda i: (0, i, 0)),
            pl.BlockSpec((NB, CP), lambda i: (i, 0)),
            pl.BlockSpec((NB, 1), lambda i: (i, 0)),
            pl.BlockSpec((1, CP), lambda i: (0, 0)),
        ],
        out_specs=pl.BlockSpec((NB, CP), lambda i: (i, 0)),
        out_shape=jax.ShapeDtypeStruct((N, CP), jnp.float32),
    )(accp, y, dinv, b)


def kernel(x, edge_index, W1, b1, W2, b2, W3, b3, g1, beta1, rm1, rv1, g2, beta2, rm2, rv2):
    src = edge_index[0].reshape(NW, EDGES_PER_TILE)
    dst = edge_index[1].reshape(NW, STEPS, CHUNK)
    s1 = g1 * lax.rsqrt(rv1 + EPS)
    t1 = (b1 - rm1) * s1 + beta1
    s2 = g2 * lax.rsqrt(rv2 + EPS)
    t2 = (b2 - rm2) * s2 + beta2
    st1 = jnp.stack([s1, t1])
    st2 = jnp.stack([s2, t2])
    w3p = jnp.pad(W3, ((0, 0), (0, CP - C)))
    b3p = jnp.pad(b3, (0, CP - C)).reshape(1, CP)

    onesz = jnp.concatenate(
        [jnp.ones((CHUNK, 16), jnp.float32), jnp.zeros((8, 16), jnp.float32)]
    )
    zeros_h = jnp.zeros((CHUNK, H), jnp.float32)
    zeros_c = jnp.zeros((CHUNK, CP), jnp.float32)
    degp = _deg_kernel(dst, onesz)
    dinv, y1 = _tca(degp, x, W1)
    acc1 = _msg_h(y1, src, dst, zeros_h)
    y2 = _tcb(acc1, y1, dinv, st1, W2)
    acc2 = _msg_h(y2, src, dst, zeros_h)
    y3 = _tcb(acc2, y2, dinv, st2, w3p)
    acc3 = _msg_c(y3, src, dst, zeros_c)
    outp = _tcc(acc3, y3, dinv, b3p)
    return outp[:, :C]

# --- scband reference (transcript-rebuilt; emitter-appended) ---
"""Pipeline reference for scband-gcn-7035156431540 (READ-ONLY COPY).

The authoritative reference and input builder live on the scoring server;
editing this copy changes nothing except your own understanding.
"""

import jax, jax.numpy as jnp
import numpy as np

N = 10000
E = 320000
D = 128
H = 128
C = 40
EPS = 1e-5


def gcn_conv(x, src, dst, W, b):
    # PyG GCNConv: add self-loops, symmetric normalization, linear transform
    loop = jnp.arange(N, dtype=src.dtype)
    s = jnp.concatenate([src, loop])
    d = jnp.concatenate([dst, loop])
    deg = jnp.zeros((N,), dtype=x.dtype).at[d].add(1.0)
    dinv = jnp.where(deg > 0, 1.0 / jnp.sqrt(deg), 0.0)
    norm = dinv[s] * dinv[d]
    xw = x @ W
    msg = xw[s] * norm[:, None]
    out = jnp.zeros((N, W.shape[1]), dtype=x.dtype).at[d].add(msg)
    return out + b


def batch_norm_eval(x, gamma, beta, rm, rv):
    return (x - rm) / jnp.sqrt(rv + EPS) * gamma + beta


def setup_inputs(seed: int = 0):
    key = jax.random.key(seed)
    ks = jax.random.split(key, 12)
    x = jax.random.normal(ks[0], (N, D), dtype=jnp.float32)
    edge_index = jax.random.randint(ks[1], (2, E), 0, N, dtype=jnp.int32)
    W1 = jax.random.normal(ks[2], (D, H), dtype=jnp.float32) * (1.0 / np.sqrt(D))
    b1 = jnp.zeros((H,), dtype=jnp.float32)
    W2 = jax.random.normal(ks[3], (H, H), dtype=jnp.float32) * (1.0 / np.sqrt(H))
    b2 = jnp.zeros((H,), dtype=jnp.float32)
    W3 = jax.random.normal(ks[4], (H, C), dtype=jnp.float32) * (1.0 / np.sqrt(H))
    b3 = jnp.zeros((C,), dtype=jnp.float32)
    g1 = jnp.ones((H,), dtype=jnp.float32)
    beta1 = jnp.zeros((H,), dtype=jnp.float32)
    rm1 = jnp.zeros((H,), dtype=jnp.float32)
    rv1 = jnp.ones((H,), dtype=jnp.float32)
    g2 = jnp.ones((H,), dtype=jnp.float32)
    beta2 = jnp.zeros((H,), dtype=jnp.float32)
    rm2 = jnp.zeros((H,), dtype=jnp.float32)
    rv2 = jnp.ones((H,), dtype=jnp.float32)
    return {"x": x, "edge_index": edge_index, "W1": W1, "b1": b1, "W2": W2, "b2": b2,
            "W3": W3, "b3": b3, "g1": g1, "beta1": beta1, "rm1": rm1, "rv1": rv1,
            "g2": g2, "beta2": beta2, "rm2": rm2, "rv2": rv2}


def reference(x, edge_index, W1, b1, W2, b2, W3, b3, g1, beta1, rm1, rv1, g2, beta2, rm2, rv2):
    src, dst = edge_index[0], edge_index[1]
    h = gcn_conv(x, src, dst, W1, b1)
    h = batch_norm_eval(h, g1, beta1, rm1, rv1)
    h = jax.nn.relu(h)
    # dropout p=0.5: identity in eval mode
    h = gcn_conv(h, src, dst, W2, b2)
    h = batch_norm_eval(h, g2, beta2, rm2, rv2)
    h = jax.nn.relu(h)
    h = gcn_conv(h, src, dst, W3, b3)
    return h

if __name__ == "__main__":
    import jax
    _d = setup_inputs()
    print(jax.jit(kernel)(*tuple(_d.values())))

</pallas_src>

<mosaic_0001>
#map = affine_map<(d0, d1) -> (0, 0, 0)>
#map1 = affine_map<(d0, d1) -> (0, 0)>
module attributes {stable_mosaic.version = 14 : i64} {
  func.func @_deg_kernel(%arg0: i32, %arg1: i32, %arg2: memref<32x125x80xi32, #tpu.memory_space<hbm>>, %arg3: memref<88x16xf32, #tpu.memory_space<hbm>>, %arg4: memref<2x10240x16xf32, #tpu.memory_space<hbm>>, %arg5: memref<125x80xi32, #tpu.memory_space<vmem>>, %arg6: memref<80x16xf32, #tpu.memory_space<vmem>>, %arg7: memref<8x16xf32, #tpu.memory_space<vmem>>, %arg8: memref<10240x16xf32, #tpu.memory_space<vmem_shared>>, %arg9: memref<!tpu.dma_semaphore, #tpu.memory_space<semaphore_mem>>) attributes {dimension_semantics = [#tpu.dimension_semantics<core_parallel>, #tpu.dimension_semantics<subcore_parallel>], iteration_bounds = array<i64: 2, 16>, scalar_prefetch = 0 : i64, scratch_operands = 5 : i64, tpu.core_type = #tpu.core_type<sc_vector_subcore>, window_params = [{transform_indices = #map}, {transform_indices = #map1}, {transform_indices = #map}]} {
    %mul3A = arith.constant 2 : i32
    %mul3A_0 = arith.muli %arg1, %mul3A : i32
    %add3A = arith.addi %mul3A_0, %arg0 : i32
    "tpu.region"() ({
      %run_scoped3A = tpu.sem_alloc : memref<!tpu.dma_semaphore, #tpu.memory_space<semaphore_mem>>
      %dma_start3A = arith.constant 0 : i32
      %dma_start3A_23 = arith.constant 0 : i32
      %dma_start3A_24 = tpu.memref_slice %arg2[%add3A, %dma_start3A, %dma_start3A_23] : memref<32x125x80xi32, #tpu.memory_space<hbm>> -> memref<1x125x80xi32, #tpu.memory_space<hbm>>
      %dma_start3A_25 = tpu.memref_squeeze %dma_start3A_24 : memref<1x125x80xi32, #tpu.memory_space<hbm>> -> memref<125x80xi32, #tpu.memory_space<hbm>>
      %dma_start3A_26 = arith.constant 0 : i32
      %dma_start3A_27 = arith.constant 0 : i32
      %dma_start3A_28 = tpu.memref_slice %arg2[%add3A, %dma_start3A_26, %dma_start3A_27] : memref<32x125x80xi32, #tpu.memory_space<hbm>> -> memref<1x125x80xi32, #tpu.memory_space<hbm>>
      %dma_start3A_29 = tpu.memref_squeeze %dma_start3A_28 : memref<1x125x80xi32, #tpu.memory_space<hbm>> -> memref<125x80xi32, #tpu.memory_space<hbm>>
      tpu.enqueue_dma source(%dma_start3A_29 : memref<125x80xi32, #tpu.memory_space<hbm>>) target(%arg5 : memref<125x80xi32, #tpu.memory_space<vmem>>) target_semaphore(%run_scoped3A : memref<!tpu.dma_semaphore, #tpu.memory_space<semaphore_mem>>)
      %dma_wait3A = arith.constant 0 : i32
      %dma_wait3A_30 = arith.constant 0 : i32
      %dma_wait3A_31 = tpu.memref_slice %arg2[%add3A, %dma_wait3A, %dma_wait3A_30] : memref<32x125x80xi32, #tpu.memory_space<hbm>> -> memref<1x125x80xi32, #tpu.memory_space<hbm>>
      %dma_wait3A_32 = tpu.memref_squeeze %dma_wait3A_31 : memref<1x125x80xi32, #tpu.memory_space<hbm>> -> memref<125x80xi32, #tpu.memory_space<hbm>>
      %dma_wait3A_33 = arith.constant 0 : i32
      %dma_wait3A_34 = arith.constant 0 : i32
      %dma_wait3A_35 = tpu.memref_slice %arg2[%add3A, %dma_wait3A_33, %dma_wait3A_34] : memref<32x125x80xi32, #tpu.memory_space<hbm>> -> memref<1x125x80xi32, #tpu.memory_space<hbm>>
      %dma_wait3A_36 = tpu.memref_squeeze %dma_wait3A_35 : memref<1x125x80xi32, #tpu.memory_space<hbm>> -> memref<125x80xi32, #tpu.memory_space<hbm>>
      tpu.wait_dma2 semaphore(%run_scoped3A : memref<!tpu.dma_semaphore, #tpu.memory_space<semaphore_mem>>) src(%dma_wait3A_36 : memref<125x80xi32, #tpu.memory_space<hbm>>) dst(%arg5 : memref<125x80xi32, #tpu.memory_space<vmem>>)
      tpu.yield
    }) : () -> ()
    "tpu.region"() ({
      %run_scoped3A = tpu.sem_alloc : memref<!tpu.dma_semaphore, #tpu.memory_space<semaphore_mem>>
      %dma_start3A = arith.constant 0 : i32
      %dma_start3A_23 = arith.constant 0 : i32
      %dma_start3A_24 = tpu.memref_slice %arg3[%dma_start3A, %dma_start3A_23] : memref<88x16xf32, #tpu.memory_space<hbm>> -> memref<80x16xf32, #tpu.memory_space<hbm>>
      %dma_start3A_25 = arith.constant 0 : i32
      %dma_start3A_26 = arith.constant 0 : i32
      %dma_start3A_27 = tpu.memref_slice %arg3[%dma_start3A_25, %dma_start3A_26] : memref<88x16xf32, #tpu.memory_space<hbm>> -> memref<80x16xf32, #tpu.memory_space<hbm>>
      tpu.enqueue_dma source(%dma_start3A_27 : memref<80x16xf32, #tpu.memory_space<hbm>>) target(%arg6 : memref<80x16xf32, #tpu.memory_space<vmem>>) target_semaphore(%run_scoped3A : memref<!tpu.dma_semaphore, #tpu.memory_space<semaphore_mem>>)
      %dma_wait3A = arith.constant 0 : i32
      %dma_wait3A_28 = arith.constant 0 : i32
      %dma_wait3A_29 = tpu.memref_slice %arg3[%dma_wait3A, %dma_wait3A_28] : memref<88x16xf32, #tpu.memory_space<hbm>> -> memref<80x16xf32, #tpu.memory_space<hbm>>
      %dma_wait3A_30 = arith.constant 0 : i32
      %dma_wait3A_31 = arith.constant 0 : i32
      %dma_wait3A_32 = tpu.memref_slice %arg3[%dma_wait3A_30, %dma_wait3A_31] : memref<88x16xf32, #tpu.memory_space<hbm>> -> memref<80x16xf32, #tpu.memory_space<hbm>>
      tpu.wait_dma2 semaphore(%run_scoped3A : memref<!tpu.dma_semaphore, #tpu.memory_space<semaphore_mem>>) src(%dma_wait3A_32 : memref<80x16xf32, #tpu.memory_space<hbm>>) dst(%arg6 : memref<80x16xf32, #tpu.memory_space<vmem>>)
      tpu.yield
    }) : () -> ()
    "tpu.region"() ({
      %run_scoped3A = tpu.sem_alloc : memref<!tpu.dma_semaphore, #tpu.memory_space<semaphore_mem>>
      %dma_start3A = arith.constant 80 : i32
      %dma_start3A_23 = arith.constant 0 : i32
      %dma_start3A_24 = tpu.memref_slice %arg3[%dma_start3A, %dma_start3A_23] : memref<88x16xf32, #tpu.memory_space<hbm>> -> memref<8x16xf32, #tpu.memory_space<hbm>>
      %dma_start3A_25 = arith.constant 80 : i32
      %dma_start3A_26 = arith.constant 0 : i32
      %dma_start3A_27 = tpu.memref_slice %arg3[%dma_start3A_25, %dma_start3A_26] : memref<88x16xf32, #tpu.memory_space<hbm>> -> memref<8x16xf32, #tpu.memory_space<hbm>>
      tpu.enqueue_dma source(%dma_start3A_27 : memref<8x16xf32, #tpu.memory_space<hbm>>) target(%arg7 : memref<8x16xf32, #tpu.memory_space<vmem>>) target_semaphore(%run_scoped3A : memref<!tpu.dma_semaphore, #tpu.memory_space<semaphore_mem>>)
      %dma_wait3A = arith.constant 80 : i32
      %dma_wait3A_28 = arith.constant 0 : i32
      %dma_wait3A_29 = tpu.memref_slice %arg3[%dma_wait3A, %dma_wait3A_28] : memref<88x16xf32, #tpu.memory_space<hbm>> -> memref<8x16xf32, #tpu.memory_space<hbm>>
      %dma_wait3A_30 = arith.constant 80 : i32
      %dma_wait3A_31 = arith.constant 0 : i32
      %dma_wait3A_32 = tpu.memref_slice %arg3[%dma_wait3A_30, %dma_wait3A_31] : memref<88x16xf32, #tpu.memory_space<hbm>> -> memref<8x16xf32, #tpu.memory_space<hbm>>
      tpu.wait_dma2 semaphore(%run_scoped3A : memref<!tpu.dma_semaphore, #tpu.memory_space<semaphore_mem>>) src(%dma_wait3A_32 : memref<8x16xf32, #tpu.memory_space<hbm>>) dst(%arg7 : memref<8x16xf32, #tpu.memory_space<vmem>>)
      tpu.yield
    }) : () -> ()
    %scan3A = arith.constant 0 : i32
    %scan3A_1 = arith.constant 0 : i32
    %scan3A_2 = arith.constant 80 : i32
    %scan3A_3 = arith.addi %scan3A_1, %scan3A_2 : i32
    %scan3A_4 = arith.constant 1 : i32
    scf.for %scan3A_23 = %scan3A_1 to %scan3A_3 step %scan3A_4  : i32 {
      %mul3A_24 = arith.constant 640 : i32
      %mul3A_25 = arith.muli %arg1, %mul3A_24 : i32
      %mul3A_26 = arith.constant 8 : i32
      %mul3A_27 = arith.muli %scan3A_23, %mul3A_26 : i32
      %add3A_28 = arith.addi %mul3A_25, %mul3A_27 : i32
      "tpu.region"() ({
        %run_scoped3A = tpu.sem_alloc : memref<!tpu.dma_semaphore, #tpu.memory_space<semaphore_mem>>
        %dma_start3A = arith.constant 0 : i32
        %dma_start3A_29 = tpu.memref_slice %arg8[%add3A_28, %dma_start3A] : memref<10240x16xf32, #tpu.memory_space<vmem_shared>> -> memref<8x16xf32, #tpu.memory_space<vmem_shared>>
        %dma_start3A_30 = arith.constant 0 : i32
        %dma_start3A_31 = tpu.memref_slice %arg8[%add3A_28, %dma_start3A_30] : memref<10240x16xf32, #tpu.memory_space<vmem_shared>> -> memref<8x16xf32, #tpu.memory_space<vmem_shared>>
        tpu.enqueue_dma source(%arg7 : memref<8x16xf32, #tpu.memory_space<vmem>>) target(%dma_start3A_31 : memref<8x16xf32, #tpu.memory_space<vmem_shared>>) target_semaphore(%run_scoped3A : memref<!tpu.dma_semaphore, #tpu.memory_space<semaphore_mem>>)
        %dma_wait3A = arith.constant 0 : i32
        %dma_wait3A_32 = tpu.memref_slice %arg8[%add3A_28, %dma_wait3A] : memref<10240x16xf32, #tpu.memory_space<vmem_shared>> -> memref<8x16xf32, #tpu.memory_space<vmem_shared>>
        %dma_wait3A_33 = arith.constant 0 : i32
        %dma_wait3A_34 = tpu.memref_slice %arg8[%add3A_28, %dma_wait3A_33] : memref<10240x16xf32, #tpu.memory_space<vmem_shared>> -> memref<8x16xf32, #tpu.memory_space<vmem_shared>>
        tpu.wait_dma2 semaphore(%run_scoped3A : memref<!tpu.dma_semaphore, #tpu.memory_space<semaphore_mem>>) src(%arg7 : memref<8x16xf32, #tpu.memory_space<vmem>>) dst(%dma_wait3A_34 : memref<8x16xf32, #tpu.memory_space<vmem_shared>>)
        tpu.yield
      }) : () -> ()
    }
    %scan3A_5 = arith.constant 80 : i32
    %barrier3A = arith.constant 0 : index
    tpu.barrier barrier_id(%barrier3A)
    %scan3A_6 = arith.constant 0 : i32
    %scan3A_7 = arith.constant 0 : i32
    %scan3A_8 = arith.constant 125 : i32
    %scan3A_9 = arith.addi %scan3A_7, %scan3A_8 : i32
    %scan3A_10 = arith.constant 1 : i32
    scf.for %scan3A_23 = %scan3A_7 to %scan3A_9 step %scan3A_10  : i32 {
      %dma_start3A = arith.constant 0 : i32
      %dma_start3A_24 = tpu.memref_slice %arg5[%scan3A_23, %dma_start3A] : memref<125x80xi32, #tpu.memory_space<vmem>> -> memref<1x80xi32, #tpu.memory_space<vmem>>
      %dma_start3A_25 = tpu.memref_squeeze %dma_start3A_24 : memref<1x80xi32, #tpu.memory_space<vmem>> -> memref<80xi32, #tpu.memory_space<vmem>>
      %dma_start3A_26 = arith.constant 0 : i32
      %dma_start3A_27 = arith.constant 0 : i32
      %dma_start3A_28 = tpu.memref_slice %arg8[%dma_start3A_26, %dma_start3A_27] : memref<10240x16xf32, #tpu.memory_space<vmem_shared>> -> memref<10240x16xf32, #tpu.memory_space<vmem_shared>>
      tpu.enqueue_indirect_dma source(%arg6 : memref<80x16xf32, #tpu.memory_space<vmem>>) target(%dma_start3A_28 : memref<10240x16xf32, #tpu.memory_space<vmem_shared>>) offsets(%dma_start3A_25 : memref<80xi32, #tpu.memory_space<vmem>>) semaphore(%arg9 : memref<!tpu.dma_semaphore, #tpu.memory_space<semaphore_mem>>) {add = true}
    }
    %scan3A_11 = arith.constant 125 : i32
    %scan3A_12 = arith.constant 0 : i32
    %scan3A_13 = arith.constant 0 : i32
    %scan3A_14 = arith.constant 125 : i32
    %scan3A_15 = arith.addi %scan3A_13, %scan3A_14 : i32
    %scan3A_16 = arith.constant 1 : i32
    scf.for %scan3A_23 = %scan3A_13 to %scan3A_15 step %scan3A_16  : i32 {
      %dma_wait3A = arith.constant 0 : i32
      %dma_wait3A_24 = tpu.memref_slice %arg5[%scan3A_23, %dma_wait3A] : memref<125x80xi32, #tpu.memory_space<vmem>> -> memref<1x80xi32, #tpu.memory_space<vmem>>
      %dma_wait3A_25 = tpu.memref_squeeze %dma_wait3A_24 : memref<1x80xi32, #tpu.memory_space<vmem>> -> memref<80xi32, #tpu.memory_space<vmem>>
      %dma_wait3A_26 = arith.constant 0 : i32
      %dma_wait3A_27 = arith.constant 0 : i32
      %dma_wait3A_28 = tpu.memref_slice %arg8[%dma_wait3A_26, %dma_wait3A_27] : memref<10240x16xf32, #tpu.memory_space<vmem_shared>> -> memref<10240x16xf32, #tpu.memory_space<vmem_shared>>
      tpu.wait_indirect_dma semaphore(%arg9 : memref<!tpu.dma_semaphore, #tpu.memory_space<semaphore_mem>>) src(%arg6 : memref<80x16xf32, #tpu.memory_space<vmem>>) dst(%dma_wait3A_28 : memref<10240x16xf32, #tpu.memory_space<vmem_shared>>)
    }
    %scan3A_17 = arith.constant 125 : i32
    %barrier3A_18 = arith.constant 0 : index
    tpu.barrier barrier_id(%barrier3A_18)
    %mul3A_19 = arith.constant 640 : i32
    %mul3A_20 = arith.muli %arg1, %mul3A_19 : i32
    %mul3A_21 = arith.constant 640 : i32
    %mul3A_22 = arith.muli %arg1, %mul3A_21 : i32
    "tpu.region"() ({
      %run_scoped3A = tpu.sem_alloc : memref<!tpu.dma_semaphore, #tpu.memory_space<semaphore_mem>>
      %dma_start3A = arith.constant 0 : i32
      %dma_start3A_23 = tpu.memref_slice %arg4[%arg0, %mul3A_22, %dma_start3A] : memref<2x10240x16xf32, #tpu.memory_space<hbm>> -> memref<1x640x16xf32, #tpu.memory_space<hbm>>
      %dma_start3A_24 = tpu.memref_squeeze %dma_start3A_23 : memref<1x640x16xf32, #tpu.memory_space<hbm>> -> memref<640x16xf32, #tpu.memory_space<hbm>>
      %dma_start3A_25 = arith.constant 0 : i32
      %dma_start3A_26 = tpu.memref_slice %arg8[%mul3A_20, %dma_start3A_25] : memref<10240x16xf32, #tpu.memory_space<vmem_shared>> -> memref<640x16xf32, #tpu.memory_space<vmem_shared>>
      tpu.enqueue_dma source(%dma_start3A_26 : memref<640x16xf32, #tpu.memory_space<vmem_shared>>) target(%dma_start3A_24 : memref<640x16xf32, #tpu.memory_space<hbm>>) target_semaphore(%run_scoped3A : memref<!tpu.dma_semaphore, #tpu.memory_space<semaphore_mem>>)
      %dma_wait3A = arith.constant 0 : i32
      %dma_wait3A_27 = tpu.memref_slice %arg4[%arg0, %mul3A_22, %dma_wait3A] : memref<2x10240x16xf32, #tpu.memory_space<hbm>> -> memref<1x640x16xf32, #tpu.memory_space<hbm>>
      %dma_wait3A_28 = tpu.memref_squeeze %dma_wait3A_27 : memref<1x640x16xf32, #tpu.memory_space<hbm>> -> memref<640x16xf32, #tpu.memory_space<hbm>>
      %dma_wait3A_29 = arith.constant 0 : i32
      %dma_wait3A_30 = tpu.memref_slice %arg8[%mul3A_20, %dma_wait3A_29] : memref<10240x16xf32, #tpu.memory_space<vmem_shared>> -> memref<640x16xf32, #tpu.memory_space<vmem_shared>>
      tpu.wait_dma2 semaphore(%run_scoped3A : memref<!tpu.dma_semaphore, #tpu.memory_space<semaphore_mem>>) src(%dma_wait3A_30 : memref<640x16xf32, #tpu.memory_space<vmem_shared>>) dst(%dma_wait3A_28 : memref<640x16xf32, #tpu.memory_space<hbm>>)
      tpu.yield
    }) : () -> ()
    return
  }
}

#map = affine_map<(d0, d1) -> (0, 0)>
#map1 = affine_map<(d0, d1) -> (0, 0, 0)>
module attributes {stable_mosaic.version = 14 : i64} {
  func.func @_msg(%arg0: i32, %arg1: i32, %arg2: memref<10000x64xf32, #tpu.memory_space<hbm>>, %arg3: memref<32x10000xi32, #tpu.memory_space<hbm>>, %arg4: memref<32x125x80xi32, #tpu.memory_space<hbm>>, %arg5: memref<80x64xf32, #tpu.memory_space<hbm>>, %arg6: memref<2x10000x64xf32, #tpu.memory_space<hbm>>, %arg7: memref<10000xi32, #tpu.memory_space<vmem>>, %arg8: memref<125x80xi32, #tpu.memory_space<vmem>>, %arg9: memref<3x80x64xf32, #tpu.memory_space<vmem>>, %arg10: memref<10000x64xf32, #tpu.memory_space<vmem_shared>>, %arg11: memref<!tpu.dma_semaphore, #tpu.memory_space<semaphore_mem>>, %arg12: memref<!tpu.dma_semaphore, #tpu.memory_space<semaphore_mem>>, %arg13: memref<!tpu.dma_semaphore, #tpu.memory_space<semaphore_mem>>, %arg14: memref<!tpu.dma_semaphore, #tpu.memory_space<semaphore_mem>>, %arg15: memref<!tpu.dma_semaphore, #tpu.memory_space<semaphore_mem>>, %arg16: memref<!tpu.dma_semaphore, #tpu.memory_space<semaphore_mem>>) attributes {dimension_semantics = [#tpu.dimension_semantics<core_parallel>, #tpu.dimension_semantics<subcore_parallel>], iteration_bounds = array<i64: 2, 16>, scalar_prefetch = 0 : i64, scratch_operands = 10 : i64, tpu.core_type = #tpu.core_type<sc_vector_subcore>, window_params = [{transform_indices = #map}, {transform_indices = #map}, {transform_indices = #map1}, {transform_indices = #map}, {transform_indices = #map1}]} {
    %mul3A = arith.constant 2 : i32
    %mul3A_0 = arith.muli %arg1, %mul3A : i32
    %add3A = arith.addi %mul3A_0, %arg0 : i32
    "tpu.region"() ({
      %run_scoped3A_106 = tpu.sem_alloc : memref<!tpu.dma_semaphore, #tpu.memory_space<semaphore_mem>>
      %dma_start3A_107 = arith.constant 0 : i32
      %dma_start3A_108 = tpu.memref_slice %arg3[%add3A, %dma_start3A_107] : memref<32x10000xi32, #tpu.memory_space<hbm>> -> memref<1x10000xi32, #tpu.memory_space<hbm>>
      %dma_start3A_109 = tpu.memref_squeeze %dma_start3A_108 : memref<1x10000xi32, #tpu.memory_space<hbm>> -> memref<10000xi32, #tpu.memory_space<hbm>>
      %dma_start3A_110 = arith.constant 0 : i32
      %dma_start3A_111 = tpu.memref_slice %arg3[%add3A, %dma_start3A_110] : memref<32x10000xi32, #tpu.memory_space<hbm>> -> memref<1x10000xi32, #tpu.memory_space<hbm>>
      %dma_start3A_112 = tpu.memref_squeeze %dma_start3A_111 : memref<1x10000xi32, #tpu.memory_space<hbm>> -> memref<10000xi32, #tpu.memory_space<hbm>>
      tpu.enqueue_dma source(%dma_start3A_112 : memref<10000xi32, #tpu.memory_space<hbm>>) target(%arg7 : memref<10000xi32, #tpu.memory_space<vmem>>) target_semaphore(%run_scoped3A_106 : memref<!tpu.dma_semaphore, #tpu.memory_space<semaphore_mem>>)
      %dma_wait3A_113 = arith.constant 0 : i32
      %dma_wait3A_114 = tpu.memref_slice %arg3[%add3A, %dma_wait3A_113] : memref<32x10000xi32, #tpu.memory_space<hbm>> -> memref<1x10000xi32, #tpu.memory_space<hbm>>
      %dma_wait3A_115 = tpu.memref_squeeze %dma_wait3A_114 : memref<1x10000xi32, #tpu.memory_space<hbm>> -> memref<10000xi32, #tpu.memory_space<hbm>>
      %dma_wait3A_116 = arith.constant 0 : i32
      %dma_wait3A_117 = tpu.memref_slice %arg3[%add3A, %dma_wait3A_116] : memref<32x10000xi32, #tpu.memory_space<hbm>> -> memref<1x10000xi32, #tpu.memory_space<hbm>>
      %dma_wait3A_118 = tpu.memref_squeeze %dma_wait3A_117 : memref<1x10000xi32, #tpu.memory_space<hbm>> -> memref<10000xi32, #tpu.memory_space<hbm>>
      tpu.wait_dma2 semaphore(%run_scoped3A_106 : memref<!tpu.dma_semaphore, #tpu.memory_space<semaphore_mem>>) src(%dma_wait3A_118 : memref<10000xi32, #tpu.memory_space<hbm>>) dst(%arg7 : memref<10000xi32, #tpu.memory_space<vmem>>)
      tpu.yield
    }) : () -> ()
    "tpu.region"() ({
      %run_scoped3A_106 = tpu.sem_alloc : memref<!tpu.dma_semaphore, #tpu.memory_space<semaphore_mem>>
      %dma_start3A_107 = arith.constant 0 : i32
      %dma_start3A_108 = arith.constant 0 : i32
      %dma_start3A_109 = tpu.memref_slice %arg4[%add3A, %dma_start3A_107, %dma_start3A_108] : memref<32x125x80xi32, #tpu.memory_space<hbm>> -> memref<1x125x80xi32, #tpu.memory_space<hbm>>
      %dma_start3A_110 = tpu.memref_squeeze %dma_start3A_109 : memref<1x125x80xi32, #tpu.memory_space<hbm>> -> memref<125x80xi32, #tpu.memory_space<hbm>>
      %dma_start3A_111 = arith.constant 0 : i32
      %dma_start3A_112 = arith.constant 0 : i32
      %dma_start3A_113 = tpu.memref_slice %arg4[%add3A, %dma_start3A_111, %dma_start3A_112] : memref<32x125x80xi32, #tpu.memory_space<hbm>> -> memref<1x125x80xi32, #tpu.memory_space<hbm>>
      %dma_start3A_114 = tpu.memref_squeeze %dma_start3A_113 : memref<1x125x80xi32, #tpu.memory_space<hbm>> -> memref<125x80xi32, #tpu.memory_space<hbm>>
      tpu.enqueue_dma source(%dma_start3A_114 : memref<125x80xi32, #tpu.memory_space<hbm>>) target(%arg8 : memref<125x80xi32, #tpu.memory_space<vmem>>) target_semaphore(%run_scoped3A_106 : memref<!tpu.dma_semaphore, #tpu.memory_space<semaphore_mem>>)
      %dma_wait3A_115 = arith.constant 0 : i32
      %dma_wait3A_116 = arith.constant 0 : i32
      %dma_wait3A_117 = tpu.memref_slice %arg4[%add3A, %dma_wait3A_115, %dma_wait3A_116] : memref<32x125x80xi32, #tpu.memory_space<hbm>> -> memref<1x125x80xi32, #tpu.memory_space<hbm>>
      %dma_wait3A_118 = tpu.memref_squeeze %dma_wait3A_117 : memref<1x125x80xi32, #tpu.memory_space<hbm>> -> memref<125x80xi32, #tpu.memory_space<hbm>>
      %dma_wait3A_119 = arith.constant 0 : i32
      %dma_wait3A_120 = arith.constant 0 : i32
      %dma_wait3A_121 = tpu.memref_slice %arg4[%add3A, %dma_wait3A_119, %dma_wait3A_120] : memref<32x125x80xi32, #tpu.memory_space<hbm>> -> memref<1x125x80xi32, #tpu.memory_space<hbm>>
      %dma_wait3A_122 = tpu.memref_squeeze %dma_wait3A_121 : memref<1x125x80xi32, #tpu.memory_space<hbm>> -> memref<125x80xi32, #tpu.memory_space<hbm>>
      tpu.wait_dma2 semaphore(%run_scoped3A_106 : memref<!tpu.dma_semaphore, #tpu.memory_space<semaphore_mem>>) src(%dma_wait3A_122 : memref<125x80xi32, #tpu.memory_space<hbm>>) dst(%arg8 : memref<125x80xi32, #tpu.memory_space<vmem>>)
      tpu.yield
    }) : () -> ()
    %run_scoped3A = arith.constant 0 : i32
    "tpu.region"() ({
      %run_scoped3A_106 = tpu.sem_alloc : memref<!tpu.dma_semaphore, #tpu.memory_space<semaphore_mem>>
      %dma_start3A_107 = arith.constant 0 : i32
      %dma_start3A_108 = arith.constant 0 : i32
      %dma_start3A_109 = tpu.memref_slice %arg9[%run_scoped3A, %dma_start3A_107, %dma_start3A_108] : memref<3x80x64xf32, #tpu.memory_space<vmem>> -> memref<1x80x64xf32, #tpu.memory_space<vmem>>
      %dma_start3A_110 = tpu.memref_squeeze %dma_start3A_109 : memref<1x80x64xf32, #tpu.memory_space<vmem>> -> memref<80x64xf32, #tpu.memory_space<vmem>>
      %dma_start3A_111 = arith.constant 0 : i32
      %dma_start3A_112 = arith.constant 0 : i32
      %dma_start3A_113 = tpu.memref_slice %arg9[%run_scoped3A, %dma_start3A_111, %dma_start3A_112] : memref<3x80x64xf32, #tpu.memory_space<vmem>> -> memref<1x80x64xf32, #tpu.memory_space<vmem>>
      %dma_start3A_114 = tpu.memref_squeeze %dma_start3A_113 : memref<1x80x64xf32, #tpu.memory_space<vmem>> -> memref<80x64xf32, #tpu.memory_space<vmem>>
      tpu.enqueue_dma source(%arg5 : memref<80x64xf32, #tpu.memory_space<hbm>>) target(%dma_start3A_114 : memref<80x64xf32, #tpu.memory_space<vmem>>) target_semaphore(%run_scoped3A_106 : memref<!tpu.dma_semaphore, #tpu.memory_space<semaphore_mem>>)
      %dma_wait3A_115 = arith.constant 0 : i32
      %dma_wait3A_116 = arith.constant 0 : i32
      %dma_wait3A_117 = tpu.memref_slice %arg9[%run_scoped3A, %dma_wait3A_115, %dma_wait3A_116] : memref<3x80x64xf32, #tpu.memory_space<vmem>> -> memref<1x80x64xf32, #tpu.memory_space<vmem>>
      %dma_wait3A_118 = tpu.memref_squeeze %dma_wait3A_117 : memref<1x80x64xf32, #tpu.memory_space<vmem>> -> memref<80x64xf32, #tpu.memory_space<vmem>>
      %dma_wait3A_119 = arith.constant 0 : i32
      %dma_wait3A_120 = arith.constant 0 : i32
      %dma_wait3A_121 = tpu.memref_slice %arg9[%run_scoped3A, %dma_wait3A_119, %dma_wait3A_120] : memref<3x80x64xf32, #tpu.memory_space<vmem>> -> memref<1x80x64xf32, #tpu.memory_space<vmem>>
      %dma_wait3A_122 = tpu.memref_squeeze %dma_wait3A_121 : memref<1x80x64xf32, #tpu.memory_space<vmem>> -> memref<80x64xf32, #tpu.memory_space<vmem>>
      tpu.wait_dma2 semaphore(%run_scoped3A_106 : memref<!tpu.dma_semaphore, #tpu.memory_space<semaphore_mem>>) src(%arg5 : memref<80x64xf32, #tpu.memory_space<hbm>>) dst(%dma_wait3A_122 : memref<80x64xf32, #tpu.memory_space<vmem>>)
      tpu.yield
    }) : () -> ()
    %mul3A_1 = arith.constant 625 : i32
    %mul3A_2 = arith.muli %arg1, %mul3A_1 : i32
    %add3A_3 = arith.constant 0 : i32
    %add3A_4 = arith.addi %mul3A_2, %add3A_3 : i32
    %run_scoped3A_5 = arith.constant 0 : i32
    "tpu.region"() ({
      %run_scoped3A_106 = tpu.sem_alloc : memref<!tpu.dma_semaphore, #tpu.memory_space<semaphore_mem>>
      %dma_start3A_107 = arith.constant 0 : i32
      %dma_start3A_108 = arith.constant 0 : i32
      %dma_start3A_109 = tpu.memref_slice %arg9[%run_scoped3A_5, %dma_start3A_107, %dma_start3A_108] : memref<3x80x64xf32, #tpu.memory_space<vmem>> -> memref<1x80x64xf32, #tpu.memory_space<vmem>>
      %dma_start3A_110 = tpu.memref_squeeze %dma_start3A_109 : memref<1x80x64xf32, #tpu.memory_space<vmem>> -> memref<80x64xf32, #tpu.memory_space<vmem>>
      %dma_start3A_111 = arith.constant 0 : i32
      %dma_start3A_112 = tpu.memref_slice %arg10[%add3A_4, %dma_start3A_111] : memref<10000x64xf32, #tpu.memory_space<vmem_shared>> -> memref<80x64xf32, #tpu.memory_space<vmem_shared>>
      %dma_start3A_113 = arith.constant 0 : i32
      %dma_start3A_114 = tpu.memref_slice %arg10[%add3A_4, %dma_start3A_113] : memref<10000x64xf32, #tpu.memory_space<vmem_shared>> -> memref<80x64xf32, #tpu.memory_space<vmem_shared>>
      %dma_start3A_115 = arith.constant 0 : i32
      %dma_start3A_116 = arith.constant 0 : i32
      %dma_start3A_117 = tpu.memref_slice %arg9[%run_scoped3A_5, %dma_start3A_115, %dma_start3A_116] : memref<3x80x64xf32, #tpu.memory_space<vmem>> -> memref<1x80x64xf32, #tpu.memory_space<vmem>>
      %dma_start3A_118 = tpu.memref_squeeze %dma_start3A_117 : memref<1x80x64xf32, #tpu.memory_space<vmem>> -> memref<80x64xf32, #tpu.memory_space<vmem>>
      tpu.enqueue_dma source(%dma_start3A_118 : memref<80x64xf32, #tpu.memory_space<vmem>>) target(%dma_start3A_114 : memref<80x64xf32, #tpu.memory_space<vmem_shared>>) target_semaphore(%run_scoped3A_106 : memref<!tpu.dma_semaphore, #tpu.memory_space<semaphore_mem>>)
      %dma_wait3A_119 = arith.constant 0 : i32
      %dma_wait3A_120 = arith.constant 0 : i32
      %dma_wait3A_121 = tpu.memref_slice %arg9[%run_scoped3A_5, %dma_wait3A_119, %dma_wait3A_120] : memref<3x80x64xf32, #tpu.memory_space<vmem>> -> memref<1x80x64xf32, #tpu.memory_space<vmem>>
      %dma_wait3A_122 = tpu.memref_squeeze %dma_wait3A_121 : memref<1x80x64xf32, #tpu.memory_space<vmem>> -> memref<80x64xf32, #tpu.memory_space<vmem>>
      %dma_wait3A_123 = arith.constant 0 : i32
      %dma_wait3A_124 = tpu.memref_slice %arg10[%add3A_4, %dma_wait3A_123] : memref<10000x64xf32, #tpu.memory_space<vmem_shared>> -> memref<80x64xf32, #tpu.memory_space<vmem_shared>>
      %dma_wait3A_125 = arith.constant 0 : i32
      %dma_wait3A_126 = tpu.memref_slice %arg10[%add3A_4, %dma_wait3A_125] : memref<10000x64xf32, #tpu.memory_space<vmem_shared>> -> memref<80x64xf32, #tpu.memory_space<vmem_shared>>
      %dma_wait3A_127 = arith.constant 0 : i32
      %dma_wait3A_128 = arith.constant 0 : i32
      %dma_wait3A_129 = tpu.memref_slice %arg9[%run_scoped3A_5, %dma_wait3A_127, %dma_wait3A_128] : memref<3x80x64xf32, #tpu.memory_space<vmem>> -> memref<1x80x64xf32, #tpu.memory_space<vmem>>
      %dma_wait3A_130 = tpu.memref_squeeze %dma_wait3A_129 : memref<1x80x64xf32, #tpu.memory_space<vmem>> -> memref<80x64xf32, #tpu.memory_space<vmem>>
      tpu.wait_dma2 semaphore(%run_scoped3A_106 : memref<!tpu.dma_semaphore, #tpu.memory_space<semaphore_mem>>) src(%dma_wait3A_130 : memref<80x64xf32, #tpu.memory_space<vmem>>) dst(%dma_wait3A_126 : memref<80x64xf32, #tpu.memory_space<vmem_shared>>)
      tpu.yield
    }) : () -> ()
    %mul3A_6 = arith.constant 625 : i32
    %mul3A_7 = arith.muli %arg1, %mul3A_6 : i32
    %add3A_8 = arith.constant 80 : i32
    %add3A_9 = arith.addi %mul3A_7, %add3A_8 : i32
    %run_scoped3A_10 = arith.constant 0 : i32
    "tpu.region"() ({
      %run_scoped3A_106 = tpu.sem_alloc : memref<!tpu.dma_semaphore, #tpu.memory_space<semaphore_mem>>
      %dma_start3A_107 = arith.constant 0 : i32
      %dma_start3A_108 = arith.constant 0 : i32
      %dma_start3A_109 = tpu.memref_slice %arg9[%run_scoped3A_10, %dma_start3A_107, %dma_start3A_108] : memref<3x80x64xf32, #tpu.memory_space<vmem>> -> memref<1x80x64xf32, #tpu.memory_space<vmem>>
      %dma_start3A_110 = tpu.memref_squeeze %dma_start3A_109 : memref<1x80x64xf32, #tpu.memory_space<vmem>> -> memref<80x64xf32, #tpu.memory_space<vmem>>
      %dma_start3A_111 = arith.constant 0 : i32
      %dma_start3A_112 = tpu.memref_slice %arg10[%add3A_9, %dma_start3A_111] : memref<10000x64xf32, #tpu.memory_space<vmem_shared>> -> memref<80x64xf32, #tpu.memory_space<vmem_shared>>
      %dma_start3A_113 = arith.constant 0 : i32
      %dma_start3A_114 = tpu.memref_slice %arg10[%add3A_9, %dma_start3A_113] : memref<10000x64xf32, #tpu.memory_space<vmem_shared>> -> memref<80x64xf32, #tpu.memory_space<vmem_shared>>
      %dma_start3A_115 = arith.constant 0 : i32
      %dma_start3A_116 = arith.constant 0 : i32
      %dma_start3A_117 = tpu.memref_slice %arg9[%run_scoped3A_10, %dma_start3A_115, %dma_start3A_116] : memref<3x80x64xf32, #tpu.memory_space<vmem>> -> memref<1x80x64xf32, #tpu.memory_space<vmem>>
      %dma_start3A_118 = tpu.memref_squeeze %dma_start3A_117 : memref<1x80x64xf32, #tpu.memory_space<vmem>> -> memref<80x64xf32, #tpu.memory_space<vmem>>
      tpu.enqueue_dma source(%dma_start3A_118 : memref<80x64xf32, #tpu.memory_space<vmem>>) target(%dma_start3A_114 : memref<80x64xf32, #tpu.memory_space<vmem_shared>>) target_semaphore(%run_scoped3A_106 : memref<!tpu.dma_semaphore, #tpu.memory_space<semaphore_mem>>)
      %dma_wait3A_119 = arith.constant 0 : i32
      %dma_wait3A_120 = arith.constant 0 : i32
      %dma_wait3A_121 = tpu.memref_slice %arg9[%run_scoped3A_10, %dma_wait3A_119, %dma_wait3A_120] : memref<3x80x64xf32, #tpu.memory_space<vmem>> -> memref<1x80x64xf32, #tpu.memory_space<vmem>>
      %dma_wait3A_122 = tpu.memref_squeeze %dma_wait3A_121 : memref<1x80x64xf32, #tpu.memory_space<vmem>> -> memref<80x64xf32, #tpu.memory_space<vmem>>
      %dma_wait3A_123 = arith.constant 0 : i32
      %dma_wait3A_124 = tpu.memref_slice %arg10[%add3A_9, %dma_wait3A_123] : memref<10000x64xf32, #tpu.memory_space<vmem_shared>> -> memref<80x64xf32, #tpu.memory_space<vmem_shared>>
      %dma_wait3A_125 = arith.constant 0 : i32
      %dma_wait3A_126 = tpu.memref_slice %arg10[%add3A_9, %dma_wait3A_125] : memref<10000x64xf32, #tpu.memory_space<vmem_shared>> -> memref<80x64xf32, #tpu.memory_space<vmem_shared>>
      %dma_wait3A_127 = arith.constant 0 : i32
      %dma_wait3A_128 = arith.constant 0 : i32
      %dma_wait3A_129 = tpu.memref_slice %arg9[%run_scoped3A_10, %dma_wait3A_127, %dma_wait3A_128] : memref<3x80x64xf32, #tpu.memory_space<vmem>> -> memref<1x80x64xf32, #tpu.memory_space<vmem>>
      %dma_wait3A_130 = tpu.memref_squeeze %dma_wait3A_129 : memref<1x80x64xf32, #tpu.memory_space<vmem>> -> memref<80x64xf32, #tpu.memory_space<vmem>>
      tpu.wait_dma2 semaphore(%run_scoped3A_106 : memref<!tpu.dma_semaphore, #tpu.memory_space<semaphore_mem>>) src(%dma_wait3A_130 : memref<80x64xf32, #tpu.memory_space<vmem>>) dst(%dma_wait3A_126 : memref<80x64xf32, #tpu.memory_space<vmem_shared>>)
      tpu.yield
    }) : () -> ()
    %mul3A_11 = arith.constant 625 : i32
    %mul3A_12 = arith.muli %arg1, %mul3A_11 : i32
    %add3A_13 = arith.constant 160 : i32
    %add3A_14 = arith.addi %mul3A_12, %add3A_13 : i32
    %run_scoped3A_15 = arith.constant 0 : i32
    "tpu.region"() ({
      %run_scoped3A_106 = tpu.sem_alloc : memref<!tpu.dma_semaphore, #tpu.memory_space<semaphore_mem>>
      %dma_start3A_107 = arith.constant 0 : i32
      %dma_start3A_108 = arith.constant 0 : i32
      %dma_start3A_109 = tpu.memref_slice %arg9[%run_scoped3A_15, %dma_start3A_107, %dma_start3A_108] : memref<3x80x64xf32, #tpu.memory_space<vmem>> -> memref<1x80x64xf32, #tpu.memory_space<vmem>>
      %dma_start3A_110 = tpu.memref_squeeze %dma_start3A_109 : memref<1x80x64xf32, #tpu.memory_space<vmem>> -> memref<80x64xf32, #tpu.memory_space<vmem>>
      %dma_start3A_111 = arith.constant 0 : i32
      %dma_start3A_112 = tpu.memref_slice %arg10[%add3A_14, %dma_start3A_111] : memref<10000x64xf32, #tpu.memory_space<vmem_shared>> -> memref<80x64xf32, #tpu.memory_space<vmem_shared>>
      %dma_start3A_113 = arith.constant 0 : i32
      %dma_start3A_114 = tpu.memref_slice %arg10[%add3A_14, %dma_start3A_113] : memref<10000x64xf32, #tpu.memory_space<vmem_shared>> -> memref<80x64xf32, #tpu.memory_space<vmem_shared>>
      %dma_start3A_115 = arith.constant 0 : i32
      %dma_start3A_116 = arith.constant 0 : i32
      %dma_start3A_117 = tpu.memref_slice %arg9[%run_scoped3A_15, %dma_start3A_115, %dma_start3A_116] : memref<3x80x64xf32, #tpu.memory_space<vmem>> -> memref<1x80x64xf32, #tpu.memory_space<vmem>>
      %dma_start3A_118 = tpu.memref_squeeze %dma_start3A_117 : memref<1x80x64xf32, #tpu.memory_space<vmem>> -> memref<80x64xf32, #tpu.memory_space<vmem>>
      tpu.enqueue_dma source(%dma_start3A_118 : memref<80x64xf32, #tpu.memory_space<vmem>>) target(%dma_start3A_114 : memref<80x64xf32, #tpu.memory_space<vmem_shared>>) target_semaphore(%run_scoped3A_106 : memref<!tpu.dma_semaphore, #tpu.memory_space<semaphore_mem>>)
      %dma_wait3A_119 = arith.constant 0 : i32
      %dma_wait3A_120 = arith.constant 0 : i32
      %dma_wait3A_121 = tpu.memref_slice %arg9[%run_scoped3A_15, %dma_wait3A_119, %dma_wait3A_120] : memref<3x80x64xf32, #tpu.memory_space<vmem>> -> memref<1x80x64xf32, #tpu.memory_space<vmem>>
      %dma_wait3A_122 = tpu.memref_squeeze %dma_wait3A_121 : memref<1x80x64xf32, #tpu.memory_space<vmem>> -> memref<80x64xf32, #tpu.memory_space<vmem>>
      %dma_wait3A_123 = arith.constant 0 : i32
      %dma_wait3A_124 = tpu.memref_slice %arg10[%add3A_14, %dma_wait3A_123] : memref<10000x64xf32, #tpu.memory_space<vmem_shared>> -> memref<80x64xf32, #tpu.memory_space<vmem_shared>>
      %dma_wait3A_125 = arith.constant 0 : i32
      %dma_wait3A_126 = tpu.memref_slice %arg10[%add3A_14, %dma_wait3A_125] : memref<10000x64xf32, #tpu.memory_space<vmem_shared>> -> memref<80x64xf32, #tpu.memory_space<vmem_shared>>
      %dma_wait3A_127 = arith.constant 0 : i32
      %dma_wait3A_128 = arith.constant 0 : i32
      %dma_wait3A_129 = tpu.memref_slice %arg9[%run_scoped3A_15, %dma_wait3A_127, %dma_wait3A_128] : memref<3x80x64xf32, #tpu.memory_space<vmem>> -> memref<1x80x64xf32, #tpu.memory_space<vmem>>
      %dma_wait3A_130 = tpu.memref_squeeze %dma_wait3A_129 : memref<1x80x64xf32, #tpu.memory_space<vmem>> -> memref<80x64xf32, #tpu.memory_space<vmem>>
      tpu.wait_dma2 semaphore(%run_scoped3A_106 : memref<!tpu.dma_semaphore, #tpu.memory_space<semaphore_mem>>) src(%dma_wait3A_130 : memref<80x64xf32, #tpu.memory_space<vmem>>) dst(%dma_wait3A_126 : memref<80x64xf32, #tpu.memory_space<vmem_shared>>)
      tpu.yield
    }) : () -> ()
    %mul3A_16 = arith.constant 625 : i32
    %mul3A_17 = arith.muli %arg1, %mul3A_16 : i32
    %add3A_18 = arith.constant 240 : i32
    %add3A_19 = arith.addi %mul3A_17, %add3A_18 : i32
    %run_scoped3A_20 = arith.constant 0 : i32
    "tpu.region"() ({
      %run_scoped3A_106 = tpu.sem_alloc : memref<!tpu.dma_semaphore, #tpu.memory_space<semaphore_mem>>
      %dma_start3A_107 = arith.constant 0 : i32
      %dma_start3A_108 = arith.constant 0 : i32
      %dma_start3A_109 = tpu.memref_slice %arg9[%run_scoped3A_20, %dma_start3A_107, %dma_start3A_108] : memref<3x80x64xf32, #tpu.memory_space<vmem>> -> memref<1x80x64xf32, #tpu.memory_space<vmem>>
      %dma_start3A_110 = tpu.memref_squeeze %dma_start3A_109 : memref<1x80x64xf32, #tpu.memory_space<vmem>> -> memref<80x64xf32, #tpu.memory_space<vmem>>
      %dma_start3A_111 = arith.constant 0 : i32
      %dma_start3A_112 = tpu.memref_slice %arg10[%add3A_19, %dma_start3A_111] : memref<10000x64xf32, #tpu.memory_space<vmem_shared>> -> memref<80x64xf32, #tpu.memory_space<vmem_shared>>
      %dma_start3A_113 = arith.constant 0 : i32
      %dma_start3A_114 = tpu.memref_slice %arg10[%add3A_19, %dma_start3A_113] : memref<10000x64xf32, #tpu.memory_space<vmem_shared>> -> memref<80x64xf32, #tpu.memory_space<vmem_shared>>
      %dma_start3A_115 = arith.constant 0 : i32
      %dma_start3A_116 = arith.constant 0 : i32
      %dma_start3A_117 = tpu.memref_slice %arg9[%run_scoped3A_20, %dma_start3A_115, %dma_start3A_116] : memref<3x80x64xf32, #tpu.memory_space<vmem>> -> memref<1x80x64xf32, #tpu.memory_space<vmem>>
      %dma_start3A_118 = tpu.memref_squeeze %dma_start3A_117 : memref<1x80x64xf32, #tpu.memory_space<vmem>> -> memref<80x64xf32, #tpu.memory_space<vmem>>
      tpu.enqueue_dma source(%dma_start3A_118 : memref<80x64xf32, #tpu.memory_space<vmem>>) target(%dma_start3A_114 : memref<80x64xf32, #tpu.memory_space<vmem_shared>>) target_semaphore(%run_scoped3A_106 : memref<!tpu.dma_semaphore, #tpu.memory_space<semaphore_mem>>)
      %dma_wait3A_119 = arith.constant 0 : i32
      %dma_wait3A_120 = arith.constant 0 : i32
      %dma_wait3A_121 = tpu.memref_slice %arg9[%run_scoped3A_20, %dma_wait3A_119, %dma_wait3A_120] : memref<3x80x64xf32, #tpu.memory_space<vmem>> -> memref<1x80x64xf32, #tpu.memory_space<vmem>>
      %dma_wait3A_122 = tpu.memref_squeeze %dma_wait3A_121 : memref<1x80x64xf32, #tpu.memory_space<vmem>> -> memref<80x64xf32, #tpu.memory_space<vmem>>
      %dma_wait3A_123 = arith.constant 0 : i32
      %dma_wait3A_124 = tpu.memref_slice %arg10[%add3A_19, %dma_wait3A_123] : memref<10000x64xf32, #tpu.memory_space<vmem_shared>> -> memref<80x64xf32, #tpu.memory_space<vmem_shared>>
      %dma_wait3A_125 = arith.constant 0 : i32
      %dma_wait3A_126 = tpu.memref_slice %arg10[%add3A_19, %dma_wait3A_125] : memref<10000x64xf32, #tpu.memory_space<vmem_shared>> -> memref<80x64xf32, #tpu.memory_space<vmem_shared>>
      %dma_wait3A_127 = arith.constant 0 : i32
      %dma_wait3A_128 = arith.constant 0 : i32
      %dma_wait3A_129 = tpu.memref_slice %arg9[%run_scoped3A_20, %dma_wait3A_127, %dma_wait3A_128] : memref<3x80x64xf32, #tpu.memory_space<vmem>> -> memref<1x80x64xf32, #tpu.memory_space<vmem>>
      %dma_wait3A_130 = tpu.memref_squeeze %dma_wait3A_129 : memref<1x80x64xf32, #tpu.memory_space<vmem>> -> memref<80x64xf32, #tpu.memory_space<vmem>>
      tpu.wait_dma2 semaphore(%run_scoped3A_106 : memref<!tpu.dma_semaphore, #tpu.memory_space<semaphore_mem>>) src(%dma_wait3A_130 : memref<80x64xf32, #tpu.memory_space<vmem>>) dst(%dma_wait3A_126 : memref<80x64xf32, #tpu.memory_space<vmem_shared>>)
      tpu.yield
    }) : () -> ()
    %mul3A_21 = arith.constant 625 : i32
    %mul3A_22 = arith.muli %arg1, %mul3A_21 : i32
    %add3A_23 = arith.constant 320 : i32
    %add3A_24 = arith.addi %mul3A_22, %add3A_23 : i32
    %run_scoped3A_25 = arith.constant 0 : i32
    "tpu.region"() ({
      %run_scoped3A_106 = tpu.sem_alloc : memref<!tpu.dma_semaphore, #tpu.memory_space<semaphore_mem>>
      %dma_start3A_107 = arith.constant 0 : i32
      %dma_start3A_108 = arith.constant 0 : i32
      %dma_start3A_109 = tpu.memref_slice %arg9[%run_scoped3A_25, %dma_start3A_107, %dma_start3A_108] : memref<3x80x64xf32, #tpu.memory_space<vmem>> -> memref<1x80x64xf32, #tpu.memory_space<vmem>>
      %dma_start3A_110 = tpu.memref_squeeze %dma_start3A_109 : memref<1x80x64xf32, #tpu.memory_space<vmem>> -> memref<80x64xf32, #tpu.memory_space<vmem>>
      %dma_start3A_111 = arith.constant 0 : i32
      %dma_start3A_112 = tpu.memref_slice %arg10[%add3A_24, %dma_start3A_111] : memref<10000x64xf32, #tpu.memory_space<vmem_shared>> -> memref<80x64xf32, #tpu.memory_space<vmem_shared>>
      %dma_start3A_113 = arith.constant 0 : i32
      %dma_start3A_114 = tpu.memref_slice %arg10[%add3A_24, %dma_start3A_113] : memref<10000x64xf32, #tpu.memory_space<vmem_shared>> -> memref<80x64xf32, #tpu.memory_space<vmem_shared>>
      %dma_start3A_115 = arith.constant 0 : i32
      %dma_start3A_116 = arith.constant 0 : i32
      %dma_start3A_117 = tpu.memref_slice %arg9[%run_scoped3A_25, %dma_start3A_115, %dma_start3A_116] : memref<3x80x64xf32, #tpu.memory_space<vmem>> -> memref<1x80x64xf32, #tpu.memory_space<vmem>>
      %dma_start3A_118 = tpu.memref_squeeze %dma_start3A_117 : memref<1x80x64xf32, #tpu.memory_space<vmem>> -> memref<80x64xf32, #tpu.memory_space<vmem>>
      tpu.enqueue_dma source(%dma_start3A_118 : memref<80x64xf32, #tpu.memory_space<vmem>>) target(%dma_start3A_114 : memref<80x64xf32, #tpu.memory_space<vmem_shared>>) target_semaphore(%run_scoped3A_106 : memref<!tpu.dma_semaphore, #tpu.memory_space<semaphore_mem>>)
      %dma_wait3A_119 = arith.constant 0 : i32
      %dma_wait3A_120 = arith.constant 0 : i32
      %dma_wait3A_121 = tpu.memref_slice %arg9[%run_scoped3A_25, %dma_wait3A_119, %dma_wait3A_120] : memref<3x80x64xf32, #tpu.memory_space<vmem>> -> memref<1x80x64xf32, #tpu.memory_space<vmem>>
      %dma_wait3A_122 = tpu.memref_squeeze %dma_wait3A_121 : memref<1x80x64xf32, #tpu.memory_space<vmem>> -> memref<80x64xf32, #tpu.memory_space<vmem>>
      %dma_wait3A_123 = arith.constant 0 : i32
      %dma_wait3A_124 = tpu.memref_slice %arg10[%add3A_24, %dma_wait3A_123] : memref<10000x64xf32, #tpu.memory_space<vmem_shared>> -> memref<80x64xf32, #tpu.memory_space<vmem_shared>>
      %dma_wait3A_125 = arith.constant 0 : i32
      %dma_wait3A_126 = tpu.memref_slice %arg10[%add3A_24, %dma_wait3A_125] : memref<10000x64xf32, #tpu.memory_space<vmem_shared>> -> memref<80x64xf32, #tpu.memory_space<vmem_shared>>
      %dma_wait3A_127 = arith.constant 0 : i32
      %dma_wait3A_128 = arith.constant 0 : i32
      %dma_wait3A_129 = tpu.memref_slice %arg9[%run_scoped3A_25, %dma_wait3A_127, %dma_wait3A_128] : memref<3x80x64xf32, #tpu.memory_space<vmem>> -> memref<1x80x64xf32, #tpu.memory_space<vmem>>
      %dma_wait3A_130 = tpu.memref_squeeze %dma_wait3A_129 : memref<1x80x64xf32, #tpu.memory_space<vmem>> -> memref<80x64xf32, #tpu.memory_space<vmem>>
      tpu.wait_dma2 semaphore(%run_scoped3A_106 : memref<!tpu.dma_semaphore, #tpu.memory_space<semaphore_mem>>) src(%dma_wait3A_130 : memref<80x64xf32, #tpu.memory_space<vmem>>) dst(%dma_wait3A_126 : memref<80x64xf32, #tpu.memory_space<vmem_shared>>)
      tpu.yield
    }) : () -> ()
    %mul3A_26 = arith.constant 625 : i32
    %mul3A_27 = arith.muli %arg1, %mul3A_26 : i32
    %add3A_28 = arith.constant 400 : i32
    %add3A_29 = arith.addi %mul3A_27, %add3A_28 : i32
    %run_scoped3A_30 = arith.constant 0 : i32
    "tpu.region"() ({
      %run_scoped3A_106 = tpu.sem_alloc : memref<!tpu.dma_semaphore, #tpu.memory_space<semaphore_mem>>
      %dma_start3A_107 = arith.constant 0 : i32
      %dma_start3A_108 = arith.constant 0 : i32
      %dma_start3A_109 = tpu.memref_slice %arg9[%run_scoped3A_30, %dma_start3A_107, %dma_start3A_108] : memref<3x80x64xf32, #tpu.memory_space<vmem>> -> memref<1x80x64xf32, #tpu.memory_space<vmem>>
      %dma_start3A_110 = tpu.memref_squeeze %dma_start3A_109 : memref<1x80x64xf32, #tpu.memory_space<vmem>> -> memref<80x64xf32, #tpu.memory_space<vmem>>
      %dma_start3A_111 = arith.constant 0 : i32
      %dma_start3A_112 = tpu.memref_slice %arg10[%add3A_29, %dma_start3A_111] : memref<10000x64xf32, #tpu.memory_space<vmem_shared>> -> memref<80x64xf32, #tpu.memory_space<vmem_shared>>
      %dma_start3A_113 = arith.constant 0 : i32
      %dma_start3A_114 = tpu.memref_slice %arg10[%add3A_29, %dma_start3A_113] : memref<10000x64xf32, #tpu.memory_space<vmem_shared>> -> memref<80x64xf32, #tpu.memory_space<vmem_shared>>
      %dma_start3A_115 = arith.constant 0 : i32
      %dma_start3A_116 = arith.constant 0 : i32
      %dma_start3A_117 = tpu.memref_slice %arg9[%run_scoped3A_30, %dma_start3A_115, %dma_start3A_116] : memref<3x80x64xf32, #tpu.memory_space<vmem>> -> memref<1x80x64xf32, #tpu.memory_space<vmem>>
      %dma_start3A_118 = tpu.memref_squeeze %dma_start3A_117 : memref<1x80x64xf32, #tpu.memory_space<vmem>> -> memref<80x64xf32, #tpu.memory_space<vmem>>
      tpu.enqueue_dma source(%dma_start3A_118 : memref<80x64xf32, #tpu.memory_space<vmem>>) target(%dma_start3A_114 : memref<80x64xf32, #tpu.memory_space<vmem_shared>>) target_semaphore(%run_scoped3A_106 : memref<!tpu.dma_semaphore, #tpu.memory_space<semaphore_mem>>)
      %dma_wait3A_119 = arith.constant 0 : i32
      %dma_wait3A_120 = arith.constant 0 : i32
      %dma_wait3A_121 = tpu.memref_slice %arg9[%run_scoped3A_30, %dma_wait3A_119, %dma_wait3A_120] : memref<3x80x64xf32, #tpu.memory_space<vmem>> -> memref<1x80x64xf32, #tpu.memory_space<vmem>>
      %dma_wait3A_122 = tpu.memref_squeeze %dma_wait3A_121 : memref<1x80x64xf32, #tpu.memory_space<vmem>> -> memref<80x64xf32, #tpu.memory_space<vmem>>
      %dma_wait3A_123 = arith.constant 0 : i32
      %dma_wait3A_124 = tpu.memref_slice %arg10[%add3A_29, %dma_wait3A_123] : memref<10000x64xf32, #tpu.memory_space<vmem_shared>> -> memref<80x64xf32, #tpu.memory_space<vmem_shared>>
      %dma_wait3A_125 = arith.constant 0 : i32
      %dma_wait3A_126 = tpu.memref_slice %arg10[%add3A_29, %dma_wait3A_125] : memref<10000x64xf32, #tpu.memory_space<vmem_shared>> -> memref<80x64xf32, #tpu.memory_space<vmem_shared>>
      %dma_wait3A_127 = arith.constant 0 : i32
      %dma_wait3A_128 = arith.constant 0 : i32
      %dma_wait3A_129 = tpu.memref_slice %arg9[%run_scoped3A_30, %dma_wait3A_127, %dma_wait3A_128] : memref<3x80x64xf32, #tpu.memory_space<vmem>> -> memref<1x80x64xf32, #tpu.memory_space<vmem>>
      %dma_wait3A_130 = tpu.memref_squeeze %dma_wait3A_129 : memref<1x80x64xf32, #tpu.memory_space<vmem>> -> memref<80x64xf32, #tpu.memory_space<vmem>>
      tpu.wait_dma2 semaphore(%run_scoped3A_106 : memref<!tpu.dma_semaphore, #tpu.memory_space<semaphore_mem>>) src(%dma_wait3A_130 : memref<80x64xf32, #tpu.memory_space<vmem>>) dst(%dma_wait3A_126 : memref<80x64xf32, #tpu.memory_space<vmem_shared>>)
      tpu.yield
    }) : () -> ()
    %mul3A_31 = arith.constant 625 : i32
    %mul3A_32 = arith.muli %arg1, %mul3A_31 : i32
    %add3A_33 = arith.constant 480 : i32
    %add3A_34 = arith.addi %mul3A_32, %add3A_33 : i32
    %run_scoped3A_35 = arith.constant 0 : i32
    "tpu.region"() ({
      %run_scoped3A_106 = tpu.sem_alloc : memref<!tpu.dma_semaphore, #tpu.memory_space<semaphore_mem>>
      %dma_start3A_107 = arith.constant 0 : i32
      %dma_start3A_108 = arith.constant 0 : i32
      %dma_start3A_109 = tpu.memref_slice %arg9[%run_scoped3A_35, %dma_start3A_107, %dma_start3A_108] : memref<3x80x64xf32, #tpu.memory_space<vmem>> -> memref<1x80x64xf32, #tpu.memory_space<vmem>>
      %dma_start3A_110 = tpu.memref_squeeze %dma_start3A_109 : memref<1x80x64xf32, #tpu.memory_space<vmem>> -> memref<80x64xf32, #tpu.memory_space<vmem>>
      %dma_start3A_111 = arith.constant 0 : i32
      %dma_start3A_112 = tpu.memref_slice %arg10[%add3A_34, %dma_start3A_111] : memref<10000x64xf32, #tpu.memory_space<vmem_shared>> -> memref<80x64xf32, #tpu.memory_space<vmem_shared>>
      %dma_start3A_113 = arith.constant 0 : i32
      %dma_start3A_114 = tpu.memref_slice %arg10[%add3A_34, %dma_start3A_113] : memref<10000x64xf32, #tpu.memory_space<vmem_shared>> -> memref<80x64xf32, #tpu.memory_space<vmem_shared>>
      %dma_start3A_115 = arith.constant 0 : i32
      %dma_start3A_116 = arith.constant 0 : i32
      %dma_start3A_117 = tpu.memref_slice %arg9[%run_scoped3A_35, %dma_start3A_115, %dma_start3A_116] : memref<3x80x64xf32, #tpu.memory_space<vmem>> -> memref<1x80x64xf32, #tpu.memory_space<vmem>>
      %dma_start3A_118 = tpu.memref_squeeze %dma_start3A_117 : memref<1x80x64xf32, #tpu.memory_space<vmem>> -> memref<80x64xf32, #tpu.memory_space<vmem>>
      tpu.enqueue_dma source(%dma_start3A_118 : memref<80x64xf32, #tpu.memory_space<vmem>>) target(%dma_start3A_114 : memref<80x64xf32, #tpu.memory_space<vmem_shared>>) target_semaphore(%run_scoped3A_106 : memref<!tpu.dma_semaphore, #tpu.memory_space<semaphore_mem>>)
      %dma_wait3A_119 = arith.constant 0 : i32
      %dma_wait3A_120 = arith.constant 0 : i32
      %dma_wait3A_121 = tpu.memref_slice %arg9[%run_scoped3A_35, %dma_wait3A_119, %dma_wait3A_120] : memref<3x80x64xf32, #tpu.memory_space<vmem>> -> memref<1x80x64xf32, #tpu.memory_space<vmem>>
      %dma_wait3A_122 = tpu.memref_squeeze %dma_wait3A_121 : memref<1x80x64xf32, #tpu.memory_space<vmem>> -> memref<80x64xf32, #tpu.memory_space<vmem>>
      %dma_wait3A_123 = arith.constant 0 : i32
      %dma_wait3A_124 = tpu.memref_slice %arg10[%add3A_34, %dma_wait3A_123] : memref<10000x64xf32, #tpu.memory_space<vmem_shared>> -> memref<80x64xf32, #tpu.memory_space<vmem_shared>>
      %dma_wait3A_125 = arith.constant 0 : i32
      %dma_wait3A_126 = tpu.memref_slice %arg10[%add3A_34, %dma_wait3A_125] : memref<10000x64xf32, #tpu.memory_space<vmem_shared>> -> memref<80x64xf32, #tpu.memory_space<vmem_shared>>
      %dma_wait3A_127 = arith.constant 0 : i32
      %dma_wait3A_128 = arith.constant 0 : i32
      %dma_wait3A_129 = tpu.memref_slice %arg9[%run_scoped3A_35, %dma_wait3A_127, %dma_wait3A_128] : memref<3x80x64xf32, #tpu.memory_space<vmem>> -> memref<1x80x64xf32, #tpu.memory_space<vmem>>
      %dma_wait3A_130 = tpu.memref_squeeze %dma_wait3A_129 : memref<1x80x64xf32, #tpu.memory_space<vmem>> -> memref<80x64xf32, #tpu.memory_space<vmem>>
      tpu.wait_dma2 semaphore(%run_scoped3A_106 : memref<!tpu.dma_semaphore, #tpu.memory_space<semaphore_mem>>) src(%dma_wait3A_130 : memref<80x64xf32, #tpu.memory_space<vmem>>) dst(%dma_wait3A_126 : memref<80x64xf32, #tpu.memory_space<vmem_shared>>)
      tpu.yield
    }) : () -> ()
    %mul3A_36 = arith.constant 625 : i32
    %mul3A_37 = arith.muli %arg1, %mul3A_36 : i32
    %add3A_38 = arith.constant 625 : i32
    %add3A_39 = arith.addi %mul3A_37, %add3A_38 : i32
    %sub3A = arith.constant 65 : i32
    %sub3A_40 = arith.subi %add3A_39, %sub3A : i32
    %run_scoped3A_41 = arith.constant 0 : i32
    "tpu.region"() ({
      %run_scoped3A_106 = tpu.sem_alloc : memref<!tpu.dma_semaphore, #tpu.memory_space<semaphore_mem>>
      %dma_start3A_107 = arith.constant 0 : i32
      %dma_start3A_108 = arith.constant 0 : i32
      %dma_start3A_109 = tpu.memref_slice %arg9[%run_scoped3A_41, %dma_start3A_107, %dma_start3A_108] : memref<3x80x64xf32, #tpu.memory_space<vmem>> -> memref<1x80x64xf32, #tpu.memory_space<vmem>>
      %dma_start3A_110 = tpu.memref_squeeze %dma_start3A_109 : memref<1x80x64xf32, #tpu.memory_space<vmem>> -> memref<80x64xf32, #tpu.memory_space<vmem>>
      %dma_start3A_111 = arith.constant 0 : i32
      %dma_start3A_112 = arith.constant 0 : i32
      %dma_start3A_113 = tpu.memref_slice %dma_start3A_110[%dma_start3A_111, %dma_start3A_112] : memref<80x64xf32, #tpu.memory_space<vmem>> -> memref<65x64xf32, #tpu.memory_space<vmem>>
      %dma_start3A_114 = arith.constant 0 : i32
      %dma_start3A_115 = tpu.memref_slice %arg10[%sub3A_40, %dma_start3A_114] : memref<10000x64xf32, #tpu.memory_space<vmem_shared>> -> memref<65x64xf32, #tpu.memory_space<vmem_shared>>
      %dma_start3A_116 = arith.constant 0 : i32
      %dma_start3A_117 = tpu.memref_slice %arg10[%sub3A_40, %dma_start3A_116] : memref<10000x64xf32, #tpu.memory_space<vmem_shared>> -> memref<65x64xf32, #tpu.memory_space<vmem_shared>>
      %dma_start3A_118 = arith.constant 0 : i32
      %dma_start3A_119 = arith.constant 0 : i32
      %dma_start3A_120 = tpu.memref_slice %arg9[%run_scoped3A_41, %dma_start3A_118, %dma_start3A_119] : memref<3x80x64xf32, #tpu.memory_space<vmem>> -> memref<1x80x64xf32, #tpu.memory_space<vmem>>
      %dma_start3A_121 = tpu.memref_squeeze %dma_start3A_120 : memref<1x80x64xf32, #tpu.memory_space<vmem>> -> memref<80x64xf32, #tpu.memory_space<vmem>>
      %dma_start3A_122 = arith.constant 0 : i32
      %dma_start3A_123 = arith.constant 0 : i32
      %dma_start3A_124 = tpu.memref_slice %dma_start3A_121[%dma_start3A_122, %dma_start3A_123] : memref<80x64xf32, #tpu.memory_space<vmem>> -> memref<65x64xf32, #tpu.memory_space<vmem>>
      tpu.enqueue_dma source(%dma_start3A_124 : memref<65x64xf32, #tpu.memory_space<vmem>>) target(%dma_start3A_117 : memref<65x64xf32, #tpu.memory_space<vmem_shared>>) target_semaphore(%run_scoped3A_106 : memref<!tpu.dma_semaphore, #tpu.memory_space<semaphore_mem>>)
      %dma_wait3A_125 = arith.constant 0 : i32
      %dma_wait3A_126 = arith.constant 0 : i32
      %dma_wait3A_127 = tpu.memref_slice %arg9[%run_scoped3A_41, %dma_wait3A_125, %dma_wait3A_126] : memref<3x80x64xf32, #tpu.memory_space<vmem>> -> memref<1x80x64xf32, #tpu.memory_space<vmem>>
      %dma_wait3A_128 = tpu.memref_squeeze %dma_wait3A_127 : memref<1x80x64xf32, #tpu.memory_space<vmem>> -> memref<80x64xf32, #tpu.memory_space<vmem>>
      %dma_wait3A_129 = arith.constant 0 : i32
      %dma_wait3A_130 = arith.constant 0 : i32
      %dma_wait3A_131 = tpu.memref_slice %dma_wait3A_128[%dma_wait3A_129, %dma_wait3A_130] : memref<80x64xf32, #tpu.memory_space<vmem>> -> memref<65x64xf32, #tpu.memory_space<vmem>>
      %dma_wait3A_132 = arith.constant 0 : i32
      %dma_wait3A_133 = tpu.memref_slice %arg10[%sub3A_40, %dma_wait3A_132] : memref<10000x64xf32, #tpu.memory_space<vmem_shared>> -> memref<65x64xf32, #tpu.memory_space<vmem_shared>>
      %dma_wait3A_134 = arith.constant 0 : i32
      %dma_wait3A_135 = tpu.memref_slice %arg10[%sub3A_40, %dma_wait3A_134] : memref<10000x64xf32, #tpu.memory_space<vmem_shared>> -> memref<65x64xf32, #tpu.memory_space<vmem_shared>>
      %dma_wait3A_136 = arith.constant 0 : i32
      %dma_wait3A_137 = arith.constant 0 : i32
      %dma_wait3A_138 = tpu.memref_slice %arg9[%run_scoped3A_41, %dma_wait3A_136, %dma_wait3A_137] : memref<3x80x64xf32, #tpu.memory_space<vmem>> -> memref<1x80x64xf32, #tpu.memory_space<vmem>>
      %dma_wait3A_139 = tpu.memref_squeeze %dma_wait3A_138 : memref<1x80x64xf32, #tpu.memory_space<vmem>> -> memref<80x64xf32, #tpu.memory_space<vmem>>
      %dma_wait3A_140 = arith.constant 0 : i32
      %dma_wait3A_141 = arith.constant 0 : i32
      %dma_wait3A_142 = tpu.memref_slice %dma_wait3A_139[%dma_wait3A_140, %dma_wait3A_141] : memref<80x64xf32, #tpu.memory_space<vmem>> -> memref<65x64xf32, #tpu.memory_space<vmem>>
      tpu.wait_dma2 semaphore(%run_scoped3A_106 : memref<!tpu.dma_semaphore, #tpu.memory_space<semaphore_mem>>) src(%dma_wait3A_142 : memref<65x64xf32, #tpu.memory_space<vmem>>) dst(%dma_wait3A_135 : memref<65x64xf32, #tpu.memory_space<vmem_shared>>)
      tpu.yield
    }) : () -> ()
    %barrier3A = arith.constant 0 : index
    tpu.barrier barrier_id(%barrier3A)
    %dma_start3A = arith.constant 0 : i32
    %dma_start3A_42 = arith.constant 0 : i32
    %dma_start3A_43 = arith.constant 0 : i32
    %dma_start3A_44 = tpu.memref_slice %arg9[%dma_start3A, %dma_start3A_42, %dma_start3A_43] : memref<3x80x64xf32, #tpu.memory_space<vmem>> -> memref<1x80x64xf32, #tpu.memory_space<vmem>>
    %dma_start3A_45 = tpu.memref_squeeze %dma_start3A_44 : memref<1x80x64xf32, #tpu.memory_space<vmem>> -> memref<80x64xf32, #tpu.memory_space<vmem>>
    %dma_start3A_46 = arith.constant 0 : i32
    %dma_start3A_47 = tpu.memref_slice %arg7[%dma_start3A_46] : memref<10000xi32, #tpu.memory_space<vmem>> -> memref<80xi32, #tpu.memory_space<vmem>>
    %dma_start3A_48 = arith.constant 0 : i32
    %dma_start3A_49 = arith.constant 0 : i32
    %dma_start3A_50 = tpu.memref_slice %arg2[%dma_start3A_48, %dma_start3A_49] : memref<10000x64xf32, #tpu.memory_space<hbm>> -> memref<10000x64xf32, #tpu.memory_space<hbm>>
    tpu.enqueue_indirect_dma source(%dma_start3A_50 : memref<10000x64xf32, #tpu.memory_space<hbm>>) target(%dma_start3A_45 : memref<80x64xf32, #tpu.memory_space<vmem>>) offsets(%dma_start3A_47 : memref<80xi32, #tpu.memory_space<vmem>>) semaphore(%arg11 : memref<!tpu.dma_semaphore, #tpu.memory_space<semaphore_mem>>)
    %dma_start3A_51 = arith.constant 1 : i32
    %dma_start3A_52 = arith.constant 0 : i32
    %dma_start3A_53 = arith.constant 0 : i32
    %dma_start3A_54 = tpu.memref_slice %arg9[%dma_start3A_51, %dma_start3A_52, %dma_start3A_53] : memref<3x80x64xf32, #tpu.memory_space<vmem>> -> memref<1x80x64xf32, #tpu.memory_space<vmem>>
    %dma_start3A_55 = tpu.memref_squeeze %dma_start3A_54 : memref<1x80x64xf32, #tpu.memory_space<vmem>> -> memref<80x64xf32, #tpu.memory_space<vmem>>
    %dma_start3A_56 = arith.constant 80 : i32
    %dma_start3A_57 = tpu.memref_slice %arg7[%dma_start3A_56] : memref<10000xi32, #tpu.memory_space<vmem>> -> memref<80xi32, #tpu.memory_space<vmem>>
    %dma_start3A_58 = arith.constant 0 : i32
    %dma_start3A_59 = arith.constant 0 : i32
    %dma_start3A_60 = tpu.memref_slice %arg2[%dma_start3A_58, %dma_start3A_59] : memref<10000x64xf32, #tpu.memory_space<hbm>> -> memref<10000x64xf32, #tpu.memory_space<hbm>>
    tpu.enqueue_indirect_dma source(%dma_start3A_60 : memref<10000x64xf32, #tpu.memory_space<hbm>>) target(%dma_start3A_55 : memref<80x64xf32, #tpu.memory_space<vmem>>) offsets(%dma_start3A_57 : memref<80xi32, #tpu.memory_space<vmem>>) semaphore(%arg12 : memref<!tpu.dma_semaphore, #tpu.memory_space<semaphore_mem>>)
    %scan3A = arith.constant 0 : i32
    %scan3A_61 = arith.constant 0 : i32
    %scan3A_62 = arith.constant 42 : i32
    %scan3A_63 = arith.addi %scan3A_61, %scan3A_62 : i32
    %scan3A_64 = arith.constant 1 : i32
    scf.for %scan3A_106 = %scan3A_61 to %scan3A_63 step %scan3A_64  : i32 {
      %mul3A_107 = arith.constant 3 : i32
      %mul3A_108 = arith.muli %scan3A_106, %mul3A_107 : i32
      %add3A_109 = arith.constant 0 : i32
      %add3A_110 = arith.addi %mul3A_108, %add3A_109 : i32
      %lt3A = arith.constant 125 : i32
      %lt3A_111 = arith.cmpi slt, %add3A_110, %lt3A : i32
      %convert_element_type3A = arith.extui %lt3A_111 : i1 to i32
      %cond3A = arith.constant 0 : i32
      %cond3A_112 = arith.cmpi ne, %convert_element_type3A, %cond3A : i32
      scf.if %cond3A_112 {
        %mul3A_131 = arith.constant 80 : i32
        %mul3A_132 = arith.muli %add3A_110, %mul3A_131 : i32
        %dma_wait3A_133 = arith.constant 0 : i32
        %dma_wait3A_134 = arith.constant 0 : i32
        %dma_wait3A_135 = arith.constant 0 : i32
        %dma_wait3A_136 = tpu.memref_slice %arg9[%dma_wait3A_133, %dma_wait3A_134, %dma_wait3A_135] : memref<3x80x64xf32, #tpu.memory_space<vmem>> -> memref<1x80x64xf32, #tpu.memory_space<vmem>>
        %dma_wait3A_137 = tpu.memref_squeeze %dma_wait3A_136 : memref<1x80x64xf32, #tpu.memory_space<vmem>> -> memref<80x64xf32, #tpu.memory_space<vmem>>
        %dma_wait3A_138 = tpu.memref_slice %arg7[%mul3A_132] : memref<10000xi32, #tpu.memory_space<vmem>> -> memref<80xi32, #tpu.memory_space<vmem>>
        %dma_wait3A_139 = arith.constant 0 : i32
        %dma_wait3A_140 = arith.constant 0 : i32
        %dma_wait3A_141 = tpu.memref_slice %arg2[%dma_wait3A_139, %dma_wait3A_140] : memref<10000x64xf32, #tpu.memory_space<hbm>> -> memref<10000x64xf32, #tpu.memory_space<hbm>>
        tpu.wait_indirect_dma semaphore(%arg11 : memref<!tpu.dma_semaphore, #tpu.memory_space<semaphore_mem>>) src(%dma_wait3A_141 : memref<10000x64xf32, #tpu.memory_space<hbm>>) dst(%dma_wait3A_137 : memref<80x64xf32, #tpu.memory_space<vmem>>)
        %dma_start3A_142 = arith.constant 0 : i32
        %dma_start3A_143 = arith.constant 0 : i32
        %dma_start3A_144 = arith.constant 0 : i32
        %dma_start3A_145 = tpu.memref_slice %arg9[%dma_start3A_142, %dma_start3A_143, %dma_start3A_144] : memref<3x80x64xf32, #tpu.memory_space<vmem>> -> memref<1x80x64xf32, #tpu.memory_space<vmem>>
        %dma_start3A_146 = tpu.memref_squeeze %dma_start3A_145 : memref<1x80x64xf32, #tpu.memory_space<vmem>> -> memref<80x64xf32, #tpu.memory_space<vmem>>
        %dma_start3A_147 = arith.constant 0 : i32
        %dma_start3A_148 = tpu.memref_slice %arg8[%add3A_110, %dma_start3A_147] : memref<125x80xi32, #tpu.memory_space<vmem>> -> memref<1x80xi32, #tpu.memory_space<vmem>>
        %dma_start3A_149 = tpu.memref_squeeze %dma_start3A_148 : memref<1x80xi32, #tpu.memory_space<vmem>> -> memref<80xi32, #tpu.memory_space<vmem>>
        %dma_start3A_150 = arith.constant 0 : i32
        %dma_start3A_151 = arith.constant 0 : i32
        %dma_start3A_152 = tpu.memref_slice %arg10[%dma_start3A_150, %dma_start3A_151] : memref<10000x64xf32, #tpu.memory_space<vmem_shared>> -> memref<10000x64xf32, #tpu.memory_space<vmem_shared>>
        tpu.enqueue_indirect_dma source(%dma_start3A_146 : memref<80x64xf32, #tpu.memory_space<vmem>>) target(%dma_start3A_152 : memref<10000x64xf32, #tpu.memory_space<vmem_shared>>) offsets(%dma_start3A_149 : memref<80xi32, #tpu.memory_space<vmem>>) semaphore(%arg14 : memref<!tpu.dma_semaphore, #tpu.memory_space<semaphore_mem>>) {add = true}
        %eq3A = arith.constant 0 : i32
        %eq3A_153 = arith.cmpi eq, %add3A_110, %eq3A : i32
        %convert_element_type3A_154 = arith.extui %eq3A_153 : i1 to i32
        %cond3A_155 = arith.constant 0 : i32
        %cond3A_156 = arith.cmpi ne, %convert_element_type3A_154, %cond3A_155 : i32
        scf.if %cond3A_156 {
          %dma_start3A_167 = arith.constant 2 : i32
          %dma_start3A_168 = arith.constant 0 : i32
          %dma_start3A_169 = arith.constant 0 : i32
          %dma_start3A_170 = tpu.memref_slice %arg9[%dma_start3A_167, %dma_start3A_168, %dma_start3A_169] : memref<3x80x64xf32, #tpu.memory_space<vmem>> -> memref<1x80x64xf32, #tpu.memory_space<vmem>>
          %dma_start3A_171 = tpu.memref_squeeze %dma_start3A_170 : memref<1x80x64xf32, #tpu.memory_space<vmem>> -> memref<80x64xf32, #tpu.memory_space<vmem>>
          %dma_start3A_172 = arith.constant 160 : i32
          %dma_start3A_173 = tpu.memref_slice %arg7[%dma_start3A_172] : memref<10000xi32, #tpu.memory_space<vmem>> -> memref<80xi32, #tpu.memory_space<vmem>>
          %dma_start3A_174 = arith.constant 0 : i32
          %dma_start3A_175 = arith.constant 0 : i32
          %dma_start3A_176 = tpu.memref_slice %arg2[%dma_start3A_174, %dma_start3A_175] : memref<10000x64xf32, #tpu.memory_space<hbm>> -> memref<10000x64xf32, #tpu.memory_space<hbm>>
          tpu.enqueue_indirect_dma source(%dma_start3A_176 : memref<10000x64xf32, #tpu.memory_space<hbm>>) target(%dma_start3A_171 : memref<80x64xf32, #tpu.memory_space<vmem>>) offsets(%dma_start3A_173 : memref<80xi32, #tpu.memory_space<vmem>>) semaphore(%arg13 : memref<!tpu.dma_semaphore, #tpu.memory_space<semaphore_mem>>)
        } else {
        }
        %ge3A = arith.constant 1 : i32
        %ge3A_157 = arith.cmpi sge, %add3A_110, %ge3A : i32
        %add3A_158 = arith.constant 3 : i32
        %add3A_159 = arith.addi %add3A_110, %add3A_158 : i32
        %sub3A_160 = arith.constant 1 : i32
        %sub3A_161 = arith.subi %add3A_159, %sub3A_160 : i32
        %lt3A_162 = arith.constant 125 : i32
        %lt3A_163 = arith.cmpi slt, %sub3A_161, %lt3A_162 : i32
        %and3A = arith.andi %ge3A_157, %lt3A_163 : i1
        %convert_element_type3A_164 = arith.extui %and3A : i1 to i32
        %cond3A_165 = arith.constant 0 : i32
        %cond3A_166 = arith.cmpi ne, %convert_element_type3A_164, %cond3A_165 : i32
        scf.if %cond3A_166 {
          %sub3A_167 = arith.constant 1 : i32
          %sub3A_168 = arith.subi %add3A_110, %sub3A_167 : i32
          %dma_wait3A_169 = arith.constant 2 : i32
          %dma_wait3A_170 = arith.constant 0 : i32
          %dma_wait3A_171 = arith.constant 0 : i32
          %dma_wait3A_172 = tpu.memref_slice %arg9[%dma_wait3A_169, %dma_wait3A_170, %dma_wait3A_171] : memref<3x80x64xf32, #tpu.memory_space<vmem>> -> memref<1x80x64xf32, #tpu.memory_space<vmem>>
          %dma_wait3A_173 = tpu.memref_squeeze %dma_wait3A_172 : memref<1x80x64xf32, #tpu.memory_space<vmem>> -> memref<80x64xf32, #tpu.memory_space<vmem>>
          %dma_wait3A_174 = arith.constant 0 : i32
          %dma_wait3A_175 = tpu.memref_slice %arg8[%sub3A_168, %dma_wait3A_174] : memref<125x80xi32, #tpu.memory_space<vmem>> -> memref<1x80xi32, #tpu.memory_space<vmem>>
          %dma_wait3A_176 = tpu.memref_squeeze %dma_wait3A_175 : memref<1x80xi32, #tpu.memory_space<vmem>> -> memref<80xi32, #tpu.memory_space<vmem>>
          %dma_wait3A_177 = arith.constant 0 : i32
          %dma_wait3A_178 = arith.constant 0 : i32
          %dma_wait3A_179 = tpu.memref_slice %arg10[%dma_wait3A_177, %dma_wait3A_178] : memref<10000x64xf32, #tpu.memory_space<vmem_shared>> -> memref<10000x64xf32, #tpu.memory_space<vmem_shared>>
          tpu.wait_indirect_dma semaphore(%arg16 : memref<!tpu.dma_semaphore, #tpu.memory_space<semaphore_mem>>) src(%dma_wait3A_173 : memref<80x64xf32, #tpu.memory_space<vmem>>) dst(%dma_wait3A_179 : memref<10000x64xf32, #tpu.memory_space<vmem_shared>>)
          %add3A_180 = arith.constant 3 : i32
          %add3A_181 = arith.addi %add3A_110, %add3A_180 : i32
          %sub3A_182 = arith.constant 1 : i32
          %sub3A_183 = arith.subi %add3A_181, %sub3A_182 : i32
          %mul3A_184 = arith.constant 80 : i32
          %mul3A_185 = arith.muli %sub3A_183, %mul3A_184 : i32
          %dma_start3A_186 = arith.constant 2 : i32
          %dma_start3A_187 = arith.constant 0 : i32
          %dma_start3A_188 = arith.constant 0 : i32
          %dma_start3A_189 = tpu.memref_slice %arg9[%dma_start3A_186, %dma_start3A_187, %dma_start3A_188] : memref<3x80x64xf32, #tpu.memory_space<vmem>> -> memref<1x80x64xf32, #tpu.memory_space<vmem>>
          %dma_start3A_190 = tpu.memref_squeeze %dma_start3A_189 : memref<1x80x64xf32, #tpu.memory_space<vmem>> -> memref<80x64xf32, #tpu.memory_space<vmem>>
          %dma_start3A_191 = tpu.memref_slice %arg7[%mul3A_185] : memref<10000xi32, #tpu.memory_space<vmem>> -> memref<80xi32, #tpu.memory_space<vmem>>
          %dma_start3A_192 = arith.constant 0 : i32
          %dma_start3A_193 = arith.constant 0 : i32
          %dma_start3A_194 = tpu.memref_slice %arg2[%dma_start3A_192, %dma_start3A_193] : memref<10000x64xf32, #tpu.memory_space<hbm>> -> memref<10000x64xf32, #tpu.memory_space<hbm>>
          tpu.enqueue_indirect_dma source(%dma_start3A_194 : memref<10000x64xf32, #tpu.memory_space<hbm>>) target(%dma_start3A_190 : memref<80x64xf32, #tpu.memory_space<vmem>>) offsets(%dma_start3A_191 : memref<80xi32, #tpu.memory_space<vmem>>) semaphore(%arg13 : memref<!tpu.dma_semaphore, #tpu.memory_space<semaphore_mem>>)
        } else {
        }
      } else {
      }
      %mul3A_113 = arith.constant 3 : i32
      %mul3A_114 = arith.muli %scan3A_106, %mul3A_113 : i32
      %add3A_115 = arith.constant 1 : i32
      %add3A_116 = arith.addi %mul3A_114, %add3A_115 : i32
      %lt3A_117 = arith.constant 125 : i32
      %lt3A_118 = arith.cmpi slt, %add3A_116, %lt3A_117 : i32
      %convert_element_type3A_119 = arith.extui %lt3A_118 : i1 to i32
      %cond3A_120 = arith.constant 0 : i32
      %cond3A_121 = arith.cmpi ne, %convert_element_type3A_119, %cond3A_120 : i32
      scf.if %cond3A_121 {
        %mul3A_131 = arith.constant 80 : i32
        %mul3A_132 = arith.muli %add3A_116, %mul3A_131 : i32
        %dma_wait3A_133 = arith.constant 1 : i32
        %dma_wait3A_134 = arith.constant 0 : i32
        %dma_wait3A_135 = arith.constant 0 : i32
        %dma_wait3A_136 = tpu.memref_slice %arg9[%dma_wait3A_133, %dma_wait3A_134, %dma_wait3A_135] : memref<3x80x64xf32, #tpu.memory_space<vmem>> -> memref<1x80x64xf32, #tpu.memory_space<vmem>>
        %dma_wait3A_137 = tpu.memref_squeeze %dma_wait3A_136 : memref<1x80x64xf32, #tpu.memory_space<vmem>> -> memref<80x64xf32, #tpu.memory_space<vmem>>
        %dma_wait3A_138 = tpu.memref_slice %arg7[%mul3A_132] : memref<10000xi32, #tpu.memory_space<vmem>> -> memref<80xi32, #tpu.memory_space<vmem>>
        %dma_wait3A_139 = arith.constant 0 : i32
        %dma_wait3A_140 = arith.constant 0 : i32
        %dma_wait3A_141 = tpu.memref_slice %arg2[%dma_wait3A_139, %dma_wait3A_140] : memref<10000x64xf32, #tpu.memory_space<hbm>> -> memref<10000x64xf32, #tpu.memory_space<hbm>>
        tpu.wait_indirect_dma semaphore(%arg12 : memref<!tpu.dma_semaphore, #tpu.memory_space<semaphore_mem>>) src(%dma_wait3A_141 : memref<10000x64xf32, #tpu.memory_space<hbm>>) dst(%dma_wait3A_137 : memref<80x64xf32, #tpu.memory_space<vmem>>)
        %dma_start3A_142 = arith.constant 1 : i32
        %dma_start3A_143 = arith.constant 0 : i32
        %dma_start3A_144 = arith.constant 0 : i32
        %dma_start3A_145 = tpu.memref_slice %arg9[%dma_start3A_142, %dma_start3A_143, %dma_start3A_144] : memref<3x80x64xf32, #tpu.memory_space<vmem>> -> memref<1x80x64xf32, #tpu.memory_space<vmem>>
        %dma_start3A_146 = tpu.memref_squeeze %dma_start3A_145 : memref<1x80x64xf32, #tpu.memory_space<vmem>> -> memref<80x64xf32, #tpu.memory_space<vmem>>
        %dma_start3A_147 = arith.constant 0 : i32
        %dma_start3A_148 = tpu.memref_slice %arg8[%add3A_116, %dma_start3A_147] : memref<125x80xi32, #tpu.memory_space<vmem>> -> memref<1x80xi32, #tpu.memory_space<vmem>>
        %dma_start3A_149 = tpu.memref_squeeze %dma_start3A_148 : memref<1x80xi32, #tpu.memory_space<vmem>> -> memref<80xi32, #tpu.memory_space<vmem>>
        %dma_start3A_150 = arith.constant 0 : i32
        %dma_start3A_151 = arith.constant 0 : i32
        %dma_start3A_152 = tpu.memref_slice %arg10[%dma_start3A_150, %dma_start3A_151] : memref<10000x64xf32, #tpu.memory_space<vmem_shared>> -> memref<10000x64xf32, #tpu.memory_space<vmem_shared>>
        tpu.enqueue_indirect_dma source(%dma_start3A_146 : memref<80x64xf32, #tpu.memory_space<vmem>>) target(%dma_start3A_152 : memref<10000x64xf32, #tpu.memory_space<vmem_shared>>) offsets(%dma_start3A_149 : memref<80xi32, #tpu.memory_space<vmem>>) semaphore(%arg15 : memref<!tpu.dma_semaphore, #tpu.memory_space<semaphore_mem>>) {add = true}
        %eq3A = arith.constant 0 : i32
        %eq3A_153 = arith.cmpi eq, %add3A_116, %eq3A : i32
        %convert_element_type3A_154 = arith.extui %eq3A_153 : i1 to i32
        %cond3A_155 = arith.constant 0 : i32
        %cond3A_156 = arith.cmpi ne, %convert_element_type3A_154, %cond3A_155 : i32
        scf.if %cond3A_156 {
          %dma_start3A_167 = arith.constant 2 : i32
          %dma_start3A_168 = arith.constant 0 : i32
          %dma_start3A_169 = arith.constant 0 : i32
          %dma_start3A_170 = tpu.memref_slice %arg9[%dma_start3A_167, %dma_start3A_168, %dma_start3A_169] : memref<3x80x64xf32, #tpu.memory_space<vmem>> -> memref<1x80x64xf32, #tpu.memory_space<vmem>>
          %dma_start3A_171 = tpu.memref_squeeze %dma_start3A_170 : memref<1x80x64xf32, #tpu.memory_space<vmem>> -> memref<80x64xf32, #tpu.memory_space<vmem>>
          %dma_start3A_172 = arith.constant 160 : i32
          %dma_start3A_173 = tpu.memref_slice %arg7[%dma_start3A_172] : memref<10000xi32, #tpu.memory_space<vmem>> -> memref<80xi32, #tpu.memory_space<vmem>>
          %dma_start3A_174 = arith.constant 0 : i32
          %dma_start3A_175 = arith.constant 0 : i32
          %dma_start3A_176 = tpu.memref_slice %arg2[%dma_start3A_174, %dma_start3A_175] : memref<10000x64xf32, #tpu.memory_space<hbm>> -> memref<10000x64xf32, #tpu.memory_space<hbm>>
          tpu.enqueue_indirect_dma source(%dma_start3A_176 : memref<10000x64xf32, #tpu.memory_space<hbm>>) target(%dma_start3A_171 : memref<80x64xf32, #tpu.memory_space<vmem>>) offsets(%dma_start3A_173 : memref<80xi32, #tpu.memory_space<vmem>>) semaphore(%arg13 : memref<!tpu.dma_semaphore, #tpu.memory_space<semaphore_mem>>)
        } else {
        }
        %ge3A = arith.constant 1 : i32
        %ge3A_157 = arith.cmpi sge, %add3A_116, %ge3A : i32
        %add3A_158 = arith.constant 3 : i32
        %add3A_159 = arith.addi %add3A_116, %add3A_158 : i32
        %sub3A_160 = arith.constant 1 : i32
        %sub3A_161 = arith.subi %add3A_159, %sub3A_160 : i32
        %lt3A_162 = arith.constant 125 : i32
        %lt3A_163 = arith.cmpi slt, %sub3A_161, %lt3A_162 : i32
        %and3A = arith.andi %ge3A_157, %lt3A_163 : i1
        %convert_element_type3A_164 = arith.extui %and3A : i1 to i32
        %cond3A_165 = arith.constant 0 : i32
        %cond3A_166 = arith.cmpi ne, %convert_element_type3A_164, %cond3A_165 : i32
        scf.if %cond3A_166 {
          %sub3A_167 = arith.constant 1 : i32
          %sub3A_168 = arith.subi %add3A_116, %sub3A_167 : i32
          %dma_wait3A_169 = arith.constant 0 : i32
          %dma_wait3A_170 = arith.constant 0 : i32
          %dma_wait3A_171 = arith.constant 0 : i32
          %dma_wait3A_172 = tpu.memref_slice %arg9[%dma_wait3A_169, %dma_wait3A_170, %dma_wait3A_171] : memref<3x80x64xf32, #tpu.memory_space<vmem>> -> memref<1x80x64xf32, #tpu.memory_space<vmem>>
          %dma_wait3A_173 = tpu.memref_squeeze %dma_wait3A_172 : memref<1x80x64xf32, #tpu.memory_space<vmem>> -> memref<80x64xf32, #tpu.memory_space<vmem>>
          %dma_wait3A_174 = arith.constant 0 : i32
          %dma_wait3A_175 = tpu.memref_slice %arg8[%sub3A_168, %dma_wait3A_174] : memref<125x80xi32, #tpu.memory_space<vmem>> -> memref<1x80xi32, #tpu.memory_space<vmem>>
          %dma_wait3A_176 = tpu.memref_squeeze %dma_wait3A_175 : memref<1x80xi32, #tpu.memory_space<vmem>> -> memref<80xi32, #tpu.memory_space<vmem>>
          %dma_wait3A_177 = arith.constant 0 : i32
          %dma_wait3A_178 = arith.constant 0 : i32
          %dma_wait3A_179 = tpu.memref_slice %arg10[%dma_wait3A_177, %dma_wait3A_178] : memref<10000x64xf32, #tpu.memory_space<vmem_shared>> -> memref<10000x64xf32, #tpu.memory_space<vmem_shared>>
          tpu.wait_indirect_dma semaphore(%arg14 : memref<!tpu.dma_semaphore, #tpu.memory_space<semaphore_mem>>) src(%dma_wait3A_173 : memref<80x64xf32, #tpu.memory_space<vmem>>) dst(%dma_wait3A_179 : memref<10000x64xf32, #tpu.memory_space<vmem_shared>>)
          %add3A_180 = arith.constant 3 : i32
          %add3A_181 = arith.addi %add3A_116, %add3A_180 : i32
          %sub3A_182 = arith.constant 1 : i32
          %sub3A_183 = arith.subi %add3A_181, %sub3A_182 : i32
          %mul3A_184 = arith.constant 80 : i32
          %mul3A_185 = arith.muli %sub3A_183, %mul3A_184 : i32
          %dma_start3A_186 = arith.constant 0 : i32
          %dma_start3A_187 = arith.constant 0 : i32
          %dma_start3A_188 = arith.constant 0 : i32
          %dma_start3A_189 = tpu.memref_slice %arg9[%dma_start3A_186, %dma_start3A_187, %dma_start3A_188] : memref<3x80x64xf32, #tpu.memory_space<vmem>> -> memref<1x80x64xf32, #tpu.memory_space<vmem>>
          %dma_start3A_190 = tpu.memref_squeeze %dma_start3A_189 : memref<1x80x64xf32, #tpu.memory_space<vmem>> -> memref<80x64xf32, #tpu.memory_space<vmem>>
          %dma_start3A_191 = tpu.memref_slice %arg7[%mul3A_185] : memref<10000xi32, #tpu.memory_space<vmem>> -> memref<80xi32, #tpu.memory_space<vmem>>
          %dma_start3A_192 = arith.constant 0 : i32
          %dma_start3A_193 = arith.constant 0 : i32
          %dma_start3A_194 = tpu.memref_slice %arg2[%dma_start3A_192, %dma_start3A_193] : memref<10000x64xf32, #tpu.memory_space<hbm>> -> memref<10000x64xf32, #tpu.memory_space<hbm>>
          tpu.enqueue_indirect_dma source(%dma_start3A_194 : memref<10000x64xf32, #tpu.memory_space<hbm>>) target(%dma_start3A_190 : memref<80x64xf32, #tpu.memory_space<vmem>>) offsets(%dma_start3A_191 : memref<80xi32, #tpu.memory_space<vmem>>) semaphore(%arg11 : memref<!tpu.dma_semaphore, #tpu.memory_space<semaphore_mem>>)
        } else {
        }
      } else {
      }
      %mul3A_122 = arith.constant 3 : i32
      %mul3A_123 = arith.muli %scan3A_106, %mul3A_122 : i32
      %add3A_124 = arith.constant 2 : i32
      %add3A_125 = arith.addi %mul3A_123, %add3A_124 : i32
      %lt3A_126 = arith.constant 125 : i32
      %lt3A_127 = arith.cmpi slt, %add3A_125, %lt3A_126 : i32
      %convert_element_type3A_128 = arith.extui %lt3A_127 : i1 to i32
      %cond3A_129 = arith.constant 0 : i32
      %cond3A_130 = arith.cmpi ne, %convert_element_type3A_128, %cond3A_129 : i32
      scf.if %cond3A_130 {
        %mul3A_131 = arith.constant 80 : i32
        %mul3A_132 = arith.muli %add3A_125, %mul3A_131 : i32
        %dma_wait3A_133 = arith.constant 2 : i32
        %dma_wait3A_134 = arith.constant 0 : i32
        %dma_wait3A_135 = arith.constant 0 : i32
        %dma_wait3A_136 = tpu.memref_slice %arg9[%dma_wait3A_133, %dma_wait3A_134, %dma_wait3A_135] : memref<3x80x64xf32, #tpu.memory_space<vmem>> -> memref<1x80x64xf32, #tpu.memory_space<vmem>>
        %dma_wait3A_137 = tpu.memref_squeeze %dma_wait3A_136 : memref<1x80x64xf32, #tpu.memory_space<vmem>> -> memref<80x64xf32, #tpu.memory_space<vmem>>
        %dma_wait3A_138 = tpu.memref_slice %arg7[%mul3A_132] : memref<10000xi32, #tpu.memory_space<vmem>> -> memref<80xi32, #tpu.memory_space<vmem>>
        %dma_wait3A_139 = arith.constant 0 : i32
        %dma_wait3A_140 = arith.constant 0 : i32
        %dma_wait3A_141 = tpu.memref_slice %arg2[%dma_wait3A_139, %dma_wait3A_140] : memref<10000x64xf32, #tpu.memory_space<hbm>> -> memref<10000x64xf32, #tpu.memory_space<hbm>>
        tpu.wait_indirect_dma semaphore(%arg13 : memref<!tpu.dma_semaphore, #tpu.memory_space<semaphore_mem>>) src(%dma_wait3A_141 : memref<10000x64xf32, #tpu.memory_space<hbm>>) dst(%dma_wait3A_137 : memref<80x64xf32, #tpu.memory_space<vmem>>)
        %dma_start3A_142 = arith.constant 2 : i32
        %dma_start3A_143 = arith.constant 0 : i32
        %dma_start3A_144 = arith.constant 0 : i32
        %dma_start3A_145 = tpu.memref_slice %arg9[%dma_start3A_142, %dma_start3A_143, %dma_start3A_144] : memref<3x80x64xf32, #tpu.memory_space<vmem>> -> memref<1x80x64xf32, #tpu.memory_space<vmem>>
        %dma_start3A_146 = tpu.memref_squeeze %dma_start3A_145 : memref<1x80x64xf32, #tpu.memory_space<vmem>> -> memref<80x64xf32, #tpu.memory_space<vmem>>
        %dma_start3A_147 = arith.constant 0 : i32
        %dma_start3A_148 = tpu.memref_slice %arg8[%add3A_125, %dma_start3A_147] : memref<125x80xi32, #tpu.memory_space<vmem>> -> memref<1x80xi32, #tpu.memory_space<vmem>>
        %dma_start3A_149 = tpu.memref_squeeze %dma_start3A_148 : memref<1x80xi32, #tpu.memory_space<vmem>> -> memref<80xi32, #tpu.memory_space<vmem>>
        %dma_start3A_150 = arith.constant 0 : i32
        %dma_start3A_151 = arith.constant 0 : i32
        %dma_start3A_152 = tpu.memref_slice %arg10[%dma_start3A_150, %dma_start3A_151] : memref<10000x64xf32, #tpu.memory_space<vmem_shared>> -> memref<10000x64xf32, #tpu.memory_space<vmem_shared>>
        tpu.enqueue_indirect_dma source(%dma_start3A_146 : memref<80x64xf32, #tpu.memory_space<vmem>>) target(%dma_start3A_152 : memref<10000x64xf32, #tpu.memory_space<vmem_shared>>) offsets(%dma_start3A_149 : memref<80xi32, #tpu.memory_space<vmem>>) semaphore(%arg16 : memref<!tpu.dma_semaphore, #tpu.memory_space<semaphore_mem>>) {add = true}
        %eq3A = arith.constant 0 : i32
        %eq3A_153 = arith.cmpi eq, %add3A_125, %eq3A : i32
        %convert_element_type3A_154 = arith.extui %eq3A_153 : i1 to i32
        %cond3A_155 = arith.constant 0 : i32
        %cond3A_156 = arith.cmpi ne, %convert_element_type3A_154, %cond3A_155 : i32
        scf.if %cond3A_156 {
          %dma_start3A_167 = arith.constant 2 : i32
          %dma_start3A_168 = arith.constant 0 : i32
          %dma_start3A_169 = arith.constant 0 : i32
          %dma_start3A_170 = tpu.memref_slice %arg9[%dma_start3A_167, %dma_start3A_168, %dma_start3A_169] : memref<3x80x64xf32, #tpu.memory_space<vmem>> -> memref<1x80x64xf32, #tpu.memory_space<vmem>>
          %dma_start3A_171 = tpu.memref_squeeze %dma_start3A_170 : memref<1x80x64xf32, #tpu.memory_space<vmem>> -> memref<80x64xf32, #tpu.memory_space<vmem>>
          %dma_start3A_172 = arith.constant 160 : i32
          %dma_start3A_173 = tpu.memref_slice %arg7[%dma_start3A_172] : memref<10000xi32, #tpu.memory_space<vmem>> -> memref<80xi32, #tpu.memory_space<vmem>>
          %dma_start3A_174 = arith.constant 0 : i32
          %dma_start3A_175 = arith.constant 0 : i32
          %dma_start3A_176 = tpu.memref_slice %arg2[%dma_start3A_174, %dma_start3A_175] : memref<10000x64xf32, #tpu.memory_space<hbm>> -> memref<10000x64xf32, #tpu.memory_space<hbm>>
          tpu.enqueue_indirect_dma source(%dma_start3A_176 : memref<10000x64xf32, #tpu.memory_space<hbm>>) target(%dma_start3A_171 : memref<80x64xf32, #tpu.memory_space<vmem>>) offsets(%dma_start3A_173 : memref<80xi32, #tpu.memory_space<vmem>>) semaphore(%arg13 : memref<!tpu.dma_semaphore, #tpu.memory_space<semaphore_mem>>)
        } else {
        }
        %ge3A = arith.constant 1 : i32
        %ge3A_157 = arith.cmpi sge, %add3A_125, %ge3A : i32
        %add3A_158 = arith.constant 3 : i32
        %add3A_159 = arith.addi %add3A_125, %add3A_158 : i32
        %sub3A_160 = arith.constant 1 : i32
        %sub3A_161 = arith.subi %add3A_159, %sub3A_160 : i32
        %lt3A_162 = arith.constant 125 : i32
        %lt3A_163 = arith.cmpi slt, %sub3A_161, %lt3A_162 : i32
        %and3A = arith.andi %ge3A_157, %lt3A_163 : i1
        %convert_element_type3A_164 = arith.extui %and3A : i1 to i32
        %cond3A_165 = arith.constant 0 : i32
        %cond3A_166 = arith.cmpi ne, %convert_element_type3A_164, %cond3A_165 : i32
        scf.if %cond3A_166 {
          %sub3A_167 = arith.constant 1 : i32
          %sub3A_168 = arith.subi %add3A_125, %sub3A_167 : i32
          %dma_wait3A_169 = arith.constant 1 : i32
          %dma_wait3A_170 = arith.constant 0 : i32
          %dma_wait3A_171 = arith.constant 0 : i32
          %dma_wait3A_172 = tpu.memref_slice %arg9[%dma_wait3A_169, %dma_wait3A_170, %dma_wait3A_171] : memref<3x80x64xf32, #tpu.memory_space<vmem>> -> memref<1x80x64xf32, #tpu.memory_space<vmem>>
          %dma_wait3A_173 = tpu.memref_squeeze %dma_wait3A_172 : memref<1x80x64xf32, #tpu.memory_space<vmem>> -> memref<80x64xf32, #tpu.memory_space<vmem>>
          %dma_wait3A_174 = arith.constant 0 : i32
          %dma_wait3A_175 = tpu.memref_slice %arg8[%sub3A_168, %dma_wait3A_174] : memref<125x80xi32, #tpu.memory_space<vmem>> -> memref<1x80xi32, #tpu.memory_space<vmem>>
          %dma_wait3A_176 = tpu.memref_squeeze %dma_wait3A_175 : memref<1x80xi32, #tpu.memory_space<vmem>> -> memref<80xi32, #tpu.memory_space<vmem>>
          %dma_wait3A_177 = arith.constant 0 : i32
          %dma_wait3A_178 = arith.constant 0 : i32
          %dma_wait3A_179 = tpu.memref_slice %arg10[%dma_wait3A_177, %dma_wait3A_178] : memref<10000x64xf32, #tpu.memory_space<vmem_shared>> -> memref<10000x64xf32, #tpu.memory_space<vmem_shared>>
          tpu.wait_indirect_dma semaphore(%arg15 : memref<!tpu.dma_semaphore, #tpu.memory_space<semaphore_mem>>) src(%dma_wait3A_173 : memref<80x64xf32, #tpu.memory_space<vmem>>) dst(%dma_wait3A_179 : memref<10000x64xf32, #tpu.memory_space<vmem_shared>>)
          %add3A_180 = arith.constant 3 : i32
          %add3A_181 = arith.addi %add3A_125, %add3A_180 : i32
          %sub3A_182 = arith.constant 1 : i32
          %sub3A_183 = arith.subi %add3A_181, %sub3A_182 : i32
          %mul3A_184 = arith.constant 80 : i32
          %mul3A_185 = arith.muli %sub3A_183, %mul3A_184 : i32
          %dma_start3A_186 = arith.constant 1 : i32
          %dma_start3A_187 = arith.constant 0 : i32
          %dma_start3A_188 = arith.constant 0 : i32
          %dma_start3A_189 = tpu.memref_slice %arg9[%dma_start3A_186, %dma_start3A_187, %dma_start3A_188] : memref<3x80x64xf32, #tpu.memory_space<vmem>> -> memref<1x80x64xf32, #tpu.memory_space<vmem>>
          %dma_start3A_190 = tpu.memref_squeeze %dma_start3A_189 : memref<1x80x64xf32, #tpu.memory_space<vmem>> -> memref<80x64xf32, #tpu.memory_space<vmem>>
          %dma_start3A_191 = tpu.memref_slice %arg7[%mul3A_185] : memref<10000xi32, #tpu.memory_space<vmem>> -> memref<80xi32, #tpu.memory_space<vmem>>
          %dma_start3A_192 = arith.constant 0 : i32
          %dma_start3A_193 = arith.constant 0 : i32
          %dma_start3A_194 = tpu.memref_slice %arg2[%dma_start3A_192, %dma_start3A_193] : memref<10000x64xf32, #tpu.memory_space<hbm>> -> memref<10000x64xf32, #tpu.memory_space<hbm>>
          tpu.enqueue_indirect_dma source(%dma_start3A_194 : memref<10000x64xf32, #tpu.memory_space<hbm>>) target(%dma_start3A_190 : memref<80x64xf32, #tpu.memory_space<vmem>>) offsets(%dma_start3A_191 : memref<80xi32, #tpu.memory_space<vmem>>) semaphore(%arg12 : memref<!tpu.dma_semaphore, #tpu.memory_space<semaphore_mem>>)
        } else {
        }
      } else {
      }
    }
    %scan3A_65 = arith.constant 42 : i32
    %dma_wait3A = arith.constant 2 : i32
    %dma_wait3A_66 = arith.constant 122 : i32
    %dma_wait3A_67 = arith.constant 0 : i32
    %dma_wait3A_68 = arith.constant 0 : i32
    %dma_wait3A_69 = tpu.memref_slice %arg9[%dma_wait3A, %dma_wait3A_67, %dma_wait3A_68] : memref<3x80x64xf32, #tpu.memory_space<vmem>> -> memref<1x80x64xf32, #tpu.memory_space<vmem>>
    %dma_wait3A_70 = tpu.memref_squeeze %dma_wait3A_69 : memref<1x80x64xf32, #tpu.memory_space<vmem>> -> memref<80x64xf32, #tpu.memory_space<vmem>>
    %dma_wait3A_71 = arith.constant 0 : i32
    %dma_wait3A_72 = tpu.memref_slice %arg8[%dma_wait3A_66, %dma_wait3A_71] : memref<125x80xi32, #tpu.memory_space<vmem>> -> memref<1x80xi32, #tpu.memory_space<vmem>>
    %dma_wait3A_73 = tpu.memref_squeeze %dma_wait3A_72 : memref<1x80xi32, #tpu.memory_space<vmem>> -> memref<80xi32, #tpu.memory_space<vmem>>
    %dma_wait3A_74 = arith.constant 0 : i32
    %dma_wait3A_75 = arith.constant 0 : i32
    %dma_wait3A_76 = tpu.memref_slice %arg10[%dma_wait3A_74, %dma_wait3A_75] : memref<10000x64xf32, #tpu.memory_space<vmem_shared>> -> memref<10000x64xf32, #tpu.memory_space<vmem_shared>>
    tpu.wait_indirect_dma semaphore(%arg16 : memref<!tpu.dma_semaphore, #tpu.memory_space<semaphore_mem>>) src(%dma_wait3A_70 : memref<80x64xf32, #tpu.memory_space<vmem>>) dst(%dma_wait3A_76 : memref<10000x64xf32, #tpu.memory_space<vmem_shared>>)
    %dma_wait3A_77 = arith.constant 0 : i32
    %dma_wait3A_78 = arith.constant 123 : i32
    %dma_wait3A_79 = arith.constant 0 : i32
    %dma_wait3A_80 = arith.constant 0 : i32
    %dma_wait3A_81 = tpu.memref_slice %arg9[%dma_wait3A_77, %dma_wait3A_79, %dma_wait3A_80] : memref<3x80x64xf32, #tpu.memory_space<vmem>> -> memref<1x80x64xf32, #tpu.memory_space<vmem>>
    %dma_wait3A_82 = tpu.memref_squeeze %dma_wait3A_81 : memref<1x80x64xf32, #tpu.memory_space<vmem>> -> memref<80x64xf32, #tpu.memory_space<vmem>>
    %dma_wait3A_83 = arith.constant 0 : i32
    %dma_wait3A_84 = tpu.memref_slice %arg8[%dma_wait3A_78, %dma_wait3A_83] : memref<125x80xi32, #tpu.memory_space<vmem>> -> memref<1x80xi32, #tpu.memory_space<vmem>>
    %dma_wait3A_85 = tpu.memref_squeeze %dma_wait3A_84 : memref<1x80xi32, #tpu.memory_space<vmem>> -> memref<80xi32, #tpu.memory_space<vmem>>
    %dma_wait3A_86 = arith.constant 0 : i32
    %dma_wait3A_87 = arith.constant 0 : i32
    %dma_wait3A_88 = tpu.memref_slice %arg10[%dma_wait3A_86, %dma_wait3A_87] : memref<10000x64xf32, #tpu.memory_space<vmem_shared>> -> memref<10000x64xf32, #tpu.memory_space<vmem_shared>>
    tpu.wait_indirect_dma semaphore(%arg14 : memref<!tpu.dma_semaphore, #tpu.memory_space<semaphore_mem>>) src(%dma_wait3A_82 : memref<80x64xf32, #tpu.memory_space<vmem>>) dst(%dma_wait3A_88 : memref<10000x64xf32, #tpu.memory_space<vmem_shared>>)
    %dma_wait3A_89 = arith.constant 1 : i32
    %dma_wait3A_90 = arith.constant 124 : i32
    %dma_wait3A_91 = arith.constant 0 : i32
    %dma_wait3A_92 = arith.constant 0 : i32
    %dma_wait3A_93 = tpu.memref_slice %arg9[%dma_wait3A_89, %dma_wait3A_91, %dma_wait3A_92] : memref<3x80x64xf32, #tpu.memory_space<vmem>> -> memref<1x80x64xf32, #tpu.memory_space<vmem>>
    %dma_wait3A_94 = tpu.memref_squeeze %dma_wait3A_93 : memref<1x80x64xf32, #tpu.memory_space<vmem>> -> memref<80x64xf32, #tpu.memory_space<vmem>>
    %dma_wait3A_95 = arith.constant 0 : i32
    %dma_wait3A_96 = tpu.memref_slice %arg8[%dma_wait3A_90, %dma_wait3A_95] : memref<125x80xi32, #tpu.memory_space<vmem>> -> memref<1x80xi32, #tpu.memory_space<vmem>>
    %dma_wait3A_97 = tpu.memref_squeeze %dma_wait3A_96 : memref<1x80xi32, #tpu.memory_space<vmem>> -> memref<80xi32, #tpu.memory_space<vmem>>
    %dma_wait3A_98 = arith.constant 0 : i32
    %dma_wait3A_99 = arith.constant 0 : i32
    %dma_wait3A_100 = tpu.memref_slice %arg10[%dma_wait3A_98, %dma_wait3A_99] : memref<10000x64xf32, #tpu.memory_space<vmem_shared>> -> memref<10000x64xf32, #tpu.memory_space<vmem_shared>>
    tpu.wait_indirect_dma semaphore(%arg15 : memref<!tpu.dma_semaphore, #tpu.memory_space<semaphore_mem>>) src(%dma_wait3A_94 : memref<80x64xf32, #tpu.memory_space<vmem>>) dst(%dma_wait3A_100 : memref<10000x64xf32, #tpu.memory_space<vmem_shared>>)
    %barrier3A_101 = arith.constant 0 : index
    tpu.barrier barrier_id(%barrier3A_101)
    %mul3A_102 = arith.constant 625 : i32
    %mul3A_103 = arith.muli %arg1, %mul3A_102 : i32
    %mul3A_104 = arith.constant 625 : i32
    %mul3A_105 = arith.muli %arg1, %mul3A_104 : i32
    "tpu.region"() ({
      %run_scoped3A_106 = tpu.sem_alloc : memref<!tpu.dma_semaphore, #tpu.memory_space<semaphore_mem>>
      %dma_start3A_107 = arith.constant 0 : i32
      %dma_start3A_108 = tpu.memref_slice %arg6[%arg0, %mul3A_105, %dma_start3A_107] : memref<2x10000x64xf32, #tpu.memory_space<hbm>> -> memref<1x625x64xf32, #tpu.memory_space<hbm>>
      %dma_start3A_109 = tpu.memref_squeeze %dma_start3A_108 : memref<1x625x64xf32, #tpu.memory_space<hbm>> -> memref<625x64xf32, #tpu.memory_space<hbm>>
      %dma_start3A_110 = arith.constant 0 : i32
      %dma_start3A_111 = tpu.memref_slice %arg10[%mul3A_103, %dma_start3A_110] : memref<10000x64xf32, #tpu.memory_space<vmem_shared>> -> memref<625x64xf32, #tpu.memory_space<vmem_shared>>
      tpu.enqueue_dma source(%dma_start3A_111 : memref<625x64xf32, #tpu.memory_space<vmem_shared>>) target(%dma_start3A_109 : memref<625x64xf32, #tpu.memory_space<hbm>>) target_semaphore(%run_scoped3A_106 : memref<!tpu.dma_semaphore, #tpu.memory_space<semaphore_mem>>)
      %dma_wait3A_112 = arith.constant 0 : i32
      %dma_wait3A_113 = tpu.memref_slice %arg6[%arg0, %mul3A_105, %dma_wait3A_112] : memref<2x10000x64xf32, #tpu.memory_space<hbm>> -> memref<1x625x64xf32, #tpu.memory_space<hbm>>
      %dma_wait3A_114 = tpu.memref_squeeze %dma_wait3A_113 : memref<1x625x64xf32, #tpu.memory_space<hbm>> -> memref<625x64xf32, #tpu.memory_space<hbm>>
      %dma_wait3A_115 = arith.constant 0 : i32
      %dma_wait3A_116 = tpu.memref_slice %arg10[%mul3A_103, %dma_wait3A_115] : memref<10000x64xf32, #tpu.memory_space<vmem_shared>> -> memref<625x64xf32, #tpu.memory_space<vmem_shared>>
      tpu.wait_dma2 semaphore(%run_scoped3A_106 : memref<!tpu.dma_semaphore, #tpu.memory_space<semaphore_mem>>) src(%dma_wait3A_116 : memref<625x64xf32, #tpu.memory_space<vmem_shared>>) dst(%dma_wait3A_114 : memref<625x64xf32, #tpu.memory_space<hbm>>)
      tpu.yield
    }) : () -> ()
    return
  }
}

#map = affine_map<(d0, d1) -> (0, 0)>
#map1 = affine_map<(d0, d1) -> (0, 0, 0)>
module attributes {stable_mosaic.version = 14 : i64} {
  func.func @_msg(%arg0: i32, %arg1: i32, %arg2: memref<10000x128xf32, #tpu.memory_space<hbm>>, %arg3: memref<32x10000xi32, #tpu.memory_space<hbm>>, %arg4: memref<32x125x80xi32, #tpu.memory_space<hbm>>, %arg5: memref<80x128xf32, #tpu.memory_space<hbm>>, %arg6: memref<2x10000x128xf32, #tpu.memory_space<hbm>>, %arg7: memref<10000xi32, #tpu.memory_space<vmem>>, %arg8: memref<125x80xi32, #tpu.memory_space<vmem>>, %arg9: memref<3x80x128xf32, #tpu.memory_space<vmem>>, %arg10: memref<10000x128xf32, #tpu.memory_space<vmem_shared>>, %arg11: memref<!tpu.dma_semaphore, #tpu.memory_space<semaphore_mem>>, %arg12: memref<!tpu.dma_semaphore, #tpu.memory_space<semaphore_mem>>, %arg13: memref<!tpu.dma_semaphore, #tpu.memory_space<semaphore_mem>>, %arg14: memref<!tpu.dma_semaphore, #tpu.memory_space<semaphore_mem>>, %arg15: memref<!tpu.dma_semaphore, #tpu.memory_space<semaphore_mem>>, %arg16: memref<!tpu.dma_semaphore, #tpu.memory_space<semaphore_mem>>) attributes {dimension_semantics = [#tpu.dimension_semantics<core_parallel>, #tpu.dimension_semantics<subcore_parallel>], iteration_bounds = array<i64: 2, 16>, scalar_prefetch = 0 : i64, scratch_operands = 10 : i64, tpu.core_type = #tpu.core_type<sc_vector_subcore>, window_params = [{transform_indices = #map}, {transform_indices = #map}, {transform_indices = #map1}, {transform_indices = #map}, {transform_indices = #map1}]} {
    %mul3A = arith.constant 2 : i32
    %mul3A_0 = arith.muli %arg1, %mul3A : i32
    %add3A = arith.addi %mul3A_0, %arg0 : i32
    "tpu.region"() ({
      %run_scoped3A_106 = tpu.sem_alloc : memref<!tpu.dma_semaphore, #tpu.memory_space<semaphore_mem>>
      %dma_start3A_107 = arith.constant 0 : i32
      %dma_start3A_108 = tpu.memref_slice %arg3[%add3A, %dma_start3A_107] : memref<32x10000xi32, #tpu.memory_space<hbm>> -> memref<1x10000xi32, #tpu.memory_space<hbm>>
      %dma_start3A_109 = tpu.memref_squeeze %dma_start3A_108 : memref<1x10000xi32, #tpu.memory_space<hbm>> -> memref<10000xi32, #tpu.memory_space<hbm>>
      %dma_start3A_110 = arith.constant 0 : i32
      %dma_start3A_111 = tpu.memref_slice %arg3[%add3A, %dma_start3A_110] : memref<32x10000xi32, #tpu.memory_space<hbm>> -> memref<1x10000xi32, #tpu.memory_space<hbm>>
      %dma_start3A_112 = tpu.memref_squeeze %dma_start3A_111 : memref<1x10000xi32, #tpu.memory_space<hbm>> -> memref<10000xi32, #tpu.memory_space<hbm>>
      tpu.enqueue_dma source(%dma_start3A_112 : memref<10000xi32, #tpu.memory_space<hbm>>) target(%arg7 : memref<10000xi32, #tpu.memory_space<vmem>>) target_semaphore(%run_scoped3A_106 : memref<!tpu.dma_semaphore, #tpu.memory_space<semaphore_mem>>)
      %dma_wait3A_113 = arith.constant 0 : i32
      %dma_wait3A_114 = tpu.memref_slice %arg3[%add3A, %dma_wait3A_113] : memref<32x10000xi32, #tpu.memory_space<hbm>> -> memref<1x10000xi32, #tpu.memory_space<hbm>>
      %dma_wait3A_115 = tpu.memref_squeeze %dma_wait3A_114 : memref<1x10000xi32, #tpu.memory_space<hbm>> -> memref<10000xi32, #tpu.memory_space<hbm>>
      %dma_wait3A_116 = arith.constant 0 : i32
      %dma_wait3A_117 = tpu.memref_slice %arg3[%add3A, %dma_wait3A_116] : memref<32x10000xi32, #tpu.memory_space<hbm>> -> memref<1x10000xi32, #tpu.memory_space<hbm>>
      %dma_wait3A_118 = tpu.memref_squeeze %dma_wait3A_117 : memref<1x10000xi32, #tpu.memory_space<hbm>> -> memref<10000xi32, #tpu.memory_space<hbm>>
      tpu.wait_dma2 semaphore(%run_scoped3A_106 : memref<!tpu.dma_semaphore, #tpu.memory_space<semaphore_mem>>) src(%dma_wait3A_118 : memref<10000xi32, #tpu.memory_space<hbm>>) dst(%arg7 : memref<10000xi32, #tpu.memory_space<vmem>>)
      tpu.yield
    }) : () -> ()
    "tpu.region"() ({
      %run_scoped3A_106 = tpu.sem_alloc : memref<!tpu.dma_semaphore, #tpu.memory_space<semaphore_mem>>
      %dma_start3A_107 = arith.constant 0 : i32
      %dma_start3A_108 = arith.constant 0 : i32
      %dma_start3A_109 = tpu.memref_slice %arg4[%add3A, %dma_start3A_107, %dma_start3A_108] : memref<32x125x80xi32, #tpu.memory_space<hbm>> -> memref<1x125x80xi32, #tpu.memory_space<hbm>>
      %dma_start3A_110 = tpu.memref_squeeze %dma_start3A_109 : memref<1x125x80xi32, #tpu.memory_space<hbm>> -> memref<125x80xi32, #tpu.memory_space<hbm>>
      %dma_start3A_111 = arith.constant 0 : i32
      %dma_start3A_112 = arith.constant 0 : i32
      %dma_start3A_113 = tpu.memref_slice %arg4[%add3A, %dma_start3A_111, %dma_start3A_112] : memref<32x125x80xi32, #tpu.memory_space<hbm>> -> memref<1x125x80xi32, #tpu.memory_space<hbm>>
      %dma_start3A_114 = tpu.memref_squeeze %dma_start3A_113 : memref<1x125x80xi32, #tpu.memory_space<hbm>> -> memref<125x80xi32, #tpu.memory_space<hbm>>
      tpu.enqueue_dma source(%dma_start3A_114 : memref<125x80xi32, #tpu.memory_space<hbm>>) target(%arg8 : memref<125x80xi32, #tpu.memory_space<vmem>>) target_semaphore(%run_scoped3A_106 : memref<!tpu.dma_semaphore, #tpu.memory_space<semaphore_mem>>)
      %dma_wait3A_115 = arith.constant 0 : i32
      %dma_wait3A_116 = arith.constant 0 : i32
      %dma_wait3A_117 = tpu.memref_slice %arg4[%add3A, %dma_wait3A_115, %dma_wait3A_116] : memref<32x125x80xi32, #tpu.memory_space<hbm>> -> memref<1x125x80xi32, #tpu.memory_space<hbm>>
      %dma_wait3A_118 = tpu.memref_squeeze %dma_wait3A_117 : memref<1x125x80xi32, #tpu.memory_space<hbm>> -> memref<125x80xi32, #tpu.memory_space<hbm>>
      %dma_wait3A_119 = arith.constant 0 : i32
      %dma_wait3A_120 = arith.constant 0 : i32
      %dma_wait3A_121 = tpu.memref_slice %arg4[%add3A, %dma_wait3A_119, %dma_wait3A_120] : memref<32x125x80xi32, #tpu.memory_space<hbm>> -> memref<1x125x80xi32, #tpu.memory_space<hbm>>
      %dma_wait3A_122 = tpu.memref_squeeze %dma_wait3A_121 : memref<1x125x80xi32, #tpu.memory_space<hbm>> -> memref<125x80xi32, #tpu.memory_space<hbm>>
      tpu.wait_dma2 semaphore(%run_scoped3A_106 : memref<!tpu.dma_semaphore, #tpu.memory_space<semaphore_mem>>) src(%dma_wait3A_122 : memref<125x80xi32, #tpu.memory_space<hbm>>) dst(%arg8 : memref<125x80xi32, #tpu.memory_space<vmem>>)
      tpu.yield
    }) : () -> ()
    %run_scoped3A = arith.constant 0 : i32
    "tpu.region"() ({
      %run_scoped3A_106 = tpu.sem_alloc : memref<!tpu.dma_semaphore, #tpu.memory_space<semaphore_mem>>
      %dma_start3A_107 = arith.constant 0 : i32
      %dma_start3A_108 = arith.constant 0 : i32
      %dma_start3A_109 = tpu.memref_slice %arg9[%run_scoped3A, %dma_start3A_107, %dma_start3A_108] : memref<3x80x128xf32, #tpu.memory_space<vmem>> -> memref<1x80x128xf32, #tpu.memory_space<vmem>>
      %dma_start3A_110 = tpu.memref_squeeze %dma_start3A_109 : memref<1x80x128xf32, #tpu.memory_space<vmem>> -> memref<80x128xf32, #tpu.memory_space<vmem>>
      %dma_start3A_111 = arith.constant 0 : i32
      %dma_start3A_112 = arith.constant 0 : i32
      %dma_start3A_113 = tpu.memref_slice %arg9[%run_scoped3A, %dma_start3A_111, %dma_start3A_112] : memref<3x80x128xf32, #tpu.memory_space<vmem>> -> memref<1x80x128xf32, #tpu.memory_space<vmem>>
      %dma_start3A_114 = tpu.memref_squeeze %dma_start3A_113 : memref<1x80x128xf32, #tpu.memory_space<vmem>> -> memref<80x128xf32, #tpu.memory_space<vmem>>
      tpu.enqueue_dma source(%arg5 : memref<80x128xf32, #tpu.memory_space<hbm>>) target(%dma_start3A_114 : memref<80x128xf32, #tpu.memory_space<vmem>>) target_semaphore(%run_scoped3A_106 : memref<!tpu.dma_semaphore, #tpu.memory_space<semaphore_mem>>)
      %dma_wait3A_115 = arith.constant 0 : i32
      %dma_wait3A_116 = arith.constant 0 : i32
      %dma_wait3A_117 = tpu.memref_slice %arg9[%run_scoped3A, %dma_wait3A_115, %dma_wait3A_116] : memref<3x80x128xf32, #tpu.memory_space<vmem>> -> memref<1x80x128xf32, #tpu.memory_space<vmem>>
      %dma_wait3A_118 = tpu.memref_squeeze %dma_wait3A_117 : memref<1x80x128xf32, #tpu.memory_space<vmem>> -> memref<80x128xf32, #tpu.memory_space<vmem>>
      %dma_wait3A_119 = arith.constant 0 : i32
      %dma_wait3A_120 = arith.constant 0 : i32
      %dma_wait3A_121 = tpu.memref_slice %arg9[%run_scoped3A, %dma_wait3A_119, %dma_wait3A_120] : memref<3x80x128xf32, #tpu.memory_space<vmem>> -> memref<1x80x128xf32, #tpu.memory_space<vmem>>
      %dma_wait3A_122 = tpu.memref_squeeze %dma_wait3A_121 : memref<1x80x128xf32, #tpu.memory_space<vmem>> -> memref<80x128xf32, #tpu.memory_space<vmem>>
      tpu.wait_dma2 semaphore(%run_scoped3A_106 : memref<!tpu.dma_semaphore, #tpu.memory_space<semaphore_mem>>) src(%arg5 : memref<80x128xf32, #tpu.memory_space<hbm>>) dst(%dma_wait3A_122 : memref<80x128xf32, #tpu.memory_space<vmem>>)
      tpu.yield
    }) : () -> ()
    %mul3A_1 = arith.constant 625 : i32
    %mul3A_2 = arith.muli %arg1, %mul3A_1 : i32
    %add3A_3 = arith.constant 0 : i32
    %add3A_4 = arith.addi %mul3A_2, %add3A_3 : i32
    %run_scoped3A_5 = arith.constant 0 : i32
    "tpu.region"() ({
      %run_scoped3A_106 = tpu.sem_alloc : memref<!tpu.dma_semaphore, #tpu.memory_space<semaphore_mem>>
      %dma_start3A_107 = arith.constant 0 : i32
      %dma_start3A_108 = arith.constant 0 : i32
      %dma_start3A_109 = tpu.memref_slice %arg9[%run_scoped3A_5, %dma_start3A_107, %dma_start3A_108] : memref<3x80x128xf32, #tpu.memory_space<vmem>> -> memref<1x80x128xf32, #tpu.memory_space<vmem>>
      %dma_start3A_110 = tpu.memref_squeeze %dma_start3A_109 : memref<1x80x128xf32, #tpu.memory_space<vmem>> -> memref<80x128xf32, #tpu.memory_space<vmem>>
      %dma_start3A_111 = arith.constant 0 : i32
      %dma_start3A_112 = tpu.memref_slice %arg10[%add3A_4, %dma_start3A_111] : memref<10000x128xf32, #tpu.memory_space<vmem_shared>> -> memref<80x128xf32, #tpu.memory_space<vmem_shared>>
      %dma_start3A_113 = arith.constant 0 : i32
      %dma_start3A_114 = tpu.memref_slice %arg10[%add3A_4, %dma_start3A_113] : memref<10000x128xf32, #tpu.memory_space<vmem_shared>> -> memref<80x128xf32, #tpu.memory_space<vmem_shared>>
      %dma_start3A_115 = arith.constant 0 : i32
      %dma_start3A_116 = arith.constant 0 : i32
      %dma_start3A_117 = tpu.memref_slice %arg9[%run_scoped3A_5, %dma_start3A_115, %dma_start3A_116] : memref<3x80x128xf32, #tpu.memory_space<vmem>> -> memref<1x80x128xf32, #tpu.memory_space<vmem>>
      %dma_start3A_118 = tpu.memref_squeeze %dma_start3A_117 : memref<1x80x128xf32, #tpu.memory_space<vmem>> -> memref<80x128xf32, #tpu.memory_space<vmem>>
      tpu.enqueue_dma source(%dma_start3A_118 : memref<80x128xf32, #tpu.memory_space<vmem>>) target(%dma_start3A_114 : memref<80x128xf32, #tpu.memory_space<vmem_shared>>) target_semaphore(%run_scoped3A_106 : memref<!tpu.dma_semaphore, #tpu.memory_space<semaphore_mem>>)
      %dma_wait3A_119 = arith.constant 0 : i32
      %dma_wait3A_120 = arith.constant 0 : i32
      %dma_wait3A_121 = tpu.memref_slice %arg9[%run_scoped3A_5, %dma_wait3A_119, %dma_wait3A_120] : memref<3x80x128xf32, #tpu.memory_space<vmem>> -> memref<1x80x128xf32, #tpu.memory_space<vmem>>
      %dma_wait3A_122 = tpu.memref_squeeze %dma_wait3A_121 : memref<1x80x128xf32, #tpu.memory_space<vmem>> -> memref<80x128xf32, #tpu.memory_space<vmem>>
      %dma_wait3A_123 = arith.constant 0 : i32
      %dma_wait3A_124 = tpu.memref_slice %arg10[%add3A_4, %dma_wait3A_123] : memref<10000x128xf32, #tpu.memory_space<vmem_shared>> -> memref<80x128xf32, #tpu.memory_space<vmem_shared>>
      %dma_wait3A_125 = arith.constant 0 : i32
      %dma_wait3A_126 = tpu.memref_slice %arg10[%add3A_4, %dma_wait3A_125] : memref<10000x128xf32, #tpu.memory_space<vmem_shared>> -> memref<80x128xf32, #tpu.memory_space<vmem_shared>>
      %dma_wait3A_127 = arith.constant 0 : i32
      %dma_wait3A_128 = arith.constant 0 : i32
      %dma_wait3A_129 = tpu.memref_slice %arg9[%run_scoped3A_5, %dma_wait3A_127, %dma_wait3A_128] : memref<3x80x128xf32, #tpu.memory_space<vmem>> -> memref<1x80x128xf32, #tpu.memory_space<vmem>>
      %dma_wait3A_130 = tpu.memref_squeeze %dma_wait3A_129 : memref<1x80x128xf32, #tpu.memory_space<vmem>> -> memref<80x128xf32, #tpu.memory_space<vmem>>
      tpu.wait_dma2 semaphore(%run_scoped3A_106 : memref<!tpu.dma_semaphore, #tpu.memory_space<semaphore_mem>>) src(%dma_wait3A_130 : memref<80x128xf32, #tpu.memory_space<vmem>>) dst(%dma_wait3A_126 : memref<80x128xf32, #tpu.memory_space<vmem_shared>>)
      tpu.yield
    }) : () -> ()
    %mul3A_6 = arith.constant 625 : i32
    %mul3A_7 = arith.muli %arg1, %mul3A_6 : i32
    %add3A_8 = arith.constant 80 : i32
    %add3A_9 = arith.addi %mul3A_7, %add3A_8 : i32
    %run_scoped3A_10 = arith.constant 0 : i32
    "tpu.region"() ({
      %run_scoped3A_106 = tpu.sem_alloc : memref<!tpu.dma_semaphore, #tpu.memory_space<semaphore_mem>>
      %dma_start3A_107 = arith.constant 0 : i32
      %dma_start3A_108 = arith.constant 0 : i32
      %dma_start3A_109 = tpu.memref_slice %arg9[%run_scoped3A_10, %dma_start3A_107, %dma_start3A_108] : memref<3x80x128xf32, #tpu.memory_space<vmem>> -> memref<1x80x128xf32, #tpu.memory_space<vmem>>
      %dma_start3A_110 = tpu.memref_squeeze %dma_start3A_109 : memref<1x80x128xf32, #tpu.memory_space<vmem>> -> memref<80x128xf32, #tpu.memory_space<vmem>>
      %dma_start3A_111 = arith.constant 0 : i32
      %dma_start3A_112 = tpu.memref_slice %arg10[%add3A_9, %dma_start3A_111] : memref<10000x128xf32, #tpu.memory_space<vmem_shared>> -> memref<80x128xf32, #tpu.memory_space<vmem_shared>>
      %dma_start3A_113 = arith.constant 0 : i32
      %dma_start3A_114 = tpu.memref_slice %arg10[%add3A_9, %dma_start3A_113] : memref<10000x128xf32, #tpu.memory_space<vmem_shared>> -> memref<80x128xf32, #tpu.memory_space<vmem_shared>>
      %dma_start3A_115 = arith.constant 0 : i32
      %dma_start3A_116 = arith.constant 0 : i32
      %dma_start3A_117 = tpu.memref_slice %arg9[%run_scoped3A_10, %dma_start3A_115, %dma_start3A_116] : memref<3x80x128xf32, #tpu.memory_space<vmem>> -> memref<1x80x128xf32, #tpu.memory_space<vmem>>
      %dma_start3A_118 = tpu.memref_squeeze %dma_start3A_117 : memref<1x80x128xf32, #tpu.memory_space<vmem>> -> memref<80x128xf32, #tpu.memory_space<vmem>>
      tpu.enqueue_dma source(%dma_start3A_118 : memref<80x128xf32, #tpu.memory_space<vmem>>) target(%dma_start3A_114 : memref<80x128xf32, #tpu.memory_space<vmem_shared>>) target_semaphore(%run_scoped3A_106 : memref<!tpu.dma_semaphore, #tpu.memory_space<semaphore_mem>>)
      %dma_wait3A_119 = arith.constant 0 : i32
      %dma_wait3A_120 = arith.constant 0 : i32
      %dma_wait3A_121 = tpu.memref_slice %arg9[%run_scoped3A_10, %dma_wait3A_119, %dma_wait3A_120] : memref<3x80x128xf32, #tpu.memory_space<vmem>> -> memref<1x80x128xf32, #tpu.memory_space<vmem>>
      %dma_wait3A_122 = tpu.memref_squeeze %dma_wait3A_121 : memref<1x80x128xf32, #tpu.memory_space<vmem>> -> memref<80x128xf32, #tpu.memory_space<vmem>>
      %dma_wait3A_123 = arith.constant 0 : i32
      %dma_wait3A_124 = tpu.memref_slice %arg10[%add3A_9, %dma_wait3A_123] : memref<10000x128xf32, #tpu.memory_space<vmem_shared>> -> memref<80x128xf32, #tpu.memory_space<vmem_shared>>
      %dma_wait3A_125 = arith.constant 0 : i32
      %dma_wait3A_126 = tpu.memref_slice %arg10[%add3A_9, %dma_wait3A_125] : memref<10000x128xf32, #tpu.memory_space<vmem_shared>> -> memref<80x128xf32, #tpu.memory_space<vmem_shared>>
      %dma_wait3A_127 = arith.constant 0 : i32
      %dma_wait3A_128 = arith.constant 0 : i32
      %dma_wait3A_129 = tpu.memref_slice %arg9[%run_scoped3A_10, %dma_wait3A_127, %dma_wait3A_128] : memref<3x80x128xf32, #tpu.memory_space<vmem>> -> memref<1x80x128xf32, #tpu.memory_space<vmem>>
      %dma_wait3A_130 = tpu.memref_squeeze %dma_wait3A_129 : memref<1x80x128xf32, #tpu.memory_space<vmem>> -> memref<80x128xf32, #tpu.memory_space<vmem>>
      tpu.wait_dma2 semaphore(%run_scoped3A_106 : memref<!tpu.dma_semaphore, #tpu.memory_space<semaphore_mem>>) src(%dma_wait3A_130 : memref<80x128xf32, #tpu.memory_space<vmem>>) dst(%dma_wait3A_126 : memref<80x128xf32, #tpu.memory_space<vmem_shared>>)
      tpu.yield
    }) : () -> ()
    %mul3A_11 = arith.constant 625 : i32
    %mul3A_12 = arith.muli %arg1, %mul3A_11 : i32
    %add3A_13 = arith.constant 160 : i32
    %add3A_14 = arith.addi %mul3A_12, %add3A_13 : i32
    %run_scoped3A_15 = arith.constant 0 : i32
    "tpu.region"() ({
      %run_scoped3A_106 = tpu.sem_alloc : memref<!tpu.dma_semaphore, #tpu.memory_space<semaphore_mem>>
      %dma_start3A_107 = arith.constant 0 : i32
      %dma_start3A_108 = arith.constant 0 : i32
      %dma_start3A_109 = tpu.memref_slice %arg9[%run_scoped3A_15, %dma_start3A_107, %dma_start3A_108] : memref<3x80x128xf32, #tpu.memory_space<vmem>> -> memref<1x80x128xf32, #tpu.memory_space<vmem>>
      %dma_start3A_110 = tpu.memref_squeeze %dma_start3A_109 : memref<1x80x128xf32, #tpu.memory_space<vmem>> -> memref<80x128xf32, #tpu.memory_space<vmem>>
      %dma_start3A_111 = arith.constant 0 : i32
      %dma_start3A_112 = tpu.memref_slice %arg10[%add3A_14, %dma_start3A_111] : memref<10000x128xf32, #tpu.memory_space<vmem_shared>> -> memref<80x128xf32, #tpu.memory_space<vmem_shared>>
      %dma_start3A_113 = arith.constant 0 : i32
      %dma_start3A_114 = tpu.memref_slice %arg10[%add3A_14, %dma_start3A_113] : memref<10000x128xf32, #tpu.memory_space<vmem_shared>> -> memref<80x128xf32, #tpu.memory_space<vmem_shared>>
      %dma_start3A_115 = arith.constant 0 : i32
      %dma_start3A_116 = arith.constant 0 : i32
      %dma_start3A_117 = tpu.memref_slice %arg9[%run_scoped3A_15, %dma_start3A_115, %dma_start3A_116] : memref<3x80x128xf32, #tpu.memory_space<vmem>> -> memref<1x80x128xf32, #tpu.memory_space<vmem>>
      %dma_start3A_118 = tpu.memref_squeeze %dma_start3A_117 : memref<1x80x128xf32, #tpu.memory_space<vmem>> -> memref<80x128xf32, #tpu.memory_space<vmem>>
      tpu.enqueue_dma source(%dma_start3A_118 : memref<80x128xf32, #tpu.memory_space<vmem>>) target(%dma_start3A_114 : memref<80x128xf32, #tpu.memory_space<vmem_shared>>) target_semaphore(%run_scoped3A_106 : memref<!tpu.dma_semaphore, #tpu.memory_space<semaphore_mem>>)
      %dma_wait3A_119 = arith.constant 0 : i32
      %dma_wait3A_120 = arith.constant 0 : i32
      %dma_wait3A_121 = tpu.memref_slice %arg9[%run_scoped3A_15, %dma_wait3A_119, %dma_wait3A_120] : memref<3x80x128xf32, #tpu.memory_space<vmem>> -> memref<1x80x128xf32, #tpu.memory_space<vmem>>
      %dma_wait3A_122 = tpu.memref_squeeze %dma_wait3A_121 : memref<1x80x128xf32, #tpu.memory_space<vmem>> -> memref<80x128xf32, #tpu.memory_space<vmem>>
      %dma_wait3A_123 = arith.constant 0 : i32
      %dma_wait3A_124 = tpu.memref_slice %arg10[%add3A_14, %dma_wait3A_123] : memref<10000x128xf32, #tpu.memory_space<vmem_shared>> -> memref<80x128xf32, #tpu.memory_space<vmem_shared>>
      %dma_wait3A_125 = arith.constant 0 : i32
      %dma_wait3A_126 = tpu.memref_slice %arg10[%add3A_14, %dma_wait3A_125] : memref<10000x128xf32, #tpu.memory_space<vmem_shared>> -> memref<80x128xf32, #tpu.memory_space<vmem_shared>>
      %dma_wait3A_127 = arith.constant 0 : i32
      %dma_wait3A_128 = arith.constant 0 : i32
      %dma_wait3A_129 = tpu.memref_slice %arg9[%run_scoped3A_15, %dma_wait3A_127, %dma_wait3A_128] : memref<3x80x128xf32, #tpu.memory_space<vmem>> -> memref<1x80x128xf32, #tpu.memory_space<vmem>>
      %dma_wait3A_130 = tpu.memref_squeeze %dma_wait3A_129 : memref<1x80x128xf32, #tpu.memory_space<vmem>> -> memref<80x128xf32, #tpu.memory_space<vmem>>
      tpu.wait_dma2 semaphore(%run_scoped3A_106 : memref<!tpu.dma_semaphore, #tpu.memory_space<semaphore_mem>>) src(%dma_wait3A_130 : memref<80x128xf32, #tpu.memory_space<vmem>>) dst(%dma_wait3A_126 : memref<80x128xf32, #tpu.memory_space<vmem_shared>>)
      tpu.yield
    }) : () -> ()
    %mul3A_16 = arith.constant 625 : i32
    %mul3A_17 = arith.muli %arg1, %mul3A_16 : i32
    %add3A_18 = arith.constant 240 : i32
    %add3A_19 = arith.addi %mul3A_17, %add3A_18 : i32
    %run_scoped3A_20 = arith.constant 0 : i32
    "tpu.region"() ({
      %run_scoped3A_106 = tpu.sem_alloc : memref<!tpu.dma_semaphore, #tpu.memory_space<semaphore_mem>>
      %dma_start3A_107 = arith.constant 0 : i32
      %dma_start3A_108 = arith.constant 0 : i32
      %dma_start3A_109 = tpu.memref_slice %arg9[%run_scoped3A_20, %dma_start3A_107, %dma_start3A_108] : memref<3x80x128xf32, #tpu.memory_space<vmem>> -> memref<1x80x128xf32, #tpu.memory_space<vmem>>
      %dma_start3A_110 = tpu.memref_squeeze %dma_start3A_109 : memref<1x80x128xf32, #tpu.memory_space<vmem>> -> memref<80x128xf32, #tpu.memory_space<vmem>>
      %dma_start3A_111 = arith.constant 0 : i32
      %dma_start3A_112 = tpu.memref_slice %arg10[%add3A_19, %dma_start3A_111] : memref<10000x128xf32, #tpu.memory_space<vmem_shared>> -> memref<80x128xf32, #tpu.memory_space<vmem_shared>>
      %dma_start3A_113 = arith.constant 0 : i32
      %dma_start3A_114 = tpu.memref_slice %arg10[%add3A_19, %dma_start3A_113] : memref<10000x128xf32, #tpu.memory_space<vmem_shared>> -> memref<80x128xf32, #tpu.memory_space<vmem_shared>>
      %dma_start3A_115 = arith.constant 0 : i32
      %dma_start3A_116 = arith.constant 0 : i32
      %dma_start3A_117 = tpu.memref_slice %arg9[%run_scoped3A_20, %dma_start3A_115, %dma_start3A_116] : memref<3x80x128xf32, #tpu.memory_space<vmem>> -> memref<1x80x128xf32, #tpu.memory_space<vmem>>
      %dma_start3A_118 = tpu.memref_squeeze %dma_start3A_117 : memref<1x80x128xf32, #tpu.memory_space<vmem>> -> memref<80x128xf32, #tpu.memory_space<vmem>>
      tpu.enqueue_dma source(%dma_start3A_118 : memref<80x128xf32, #tpu.memory_space<vmem>>) target(%dma_start3A_114 : memref<80x128xf32, #tpu.memory_space<vmem_shared>>) target_semaphore(%run_scoped3A_106 : memref<!tpu.dma_semaphore, #tpu.memory_space<semaphore_mem>>)
      %dma_wait3A_119 = arith.constant 0 : i32
      %dma_wait3A_120 = arith.constant 0 : i32
      %dma_wait3A_121 = tpu.memref_slice %arg9[%run_scoped3A_20, %dma_wait3A_119, %dma_wait3A_120] : memref<3x80x128xf32, #tpu.memory_space<vmem>> -> memref<1x80x128xf32, #tpu.memory_space<vmem>>
      %dma_wait3A_122 = tpu.memref_squeeze %dma_wait3A_121 : memref<1x80x128xf32, #tpu.memory_space<vmem>> -> memref<80x128xf32, #tpu.memory_space<vmem>>
      %dma_wait3A_123 = arith.constant 0 : i32
      %dma_wait3A_124 = tpu.memref_slice %arg10[%add3A_19, %dma_wait3A_123] : memref<10000x128xf32, #tpu.memory_space<vmem_shared>> -> memref<80x128xf32, #tpu.memory_space<vmem_shared>>
      %dma_wait3A_125 = arith.constant 0 : i32
      %dma_wait3A_126 = tpu.memref_slice %arg10[%add3A_19, %dma_wait3A_125] : memref<10000x128xf32, #tpu.memory_space<vmem_shared>> -> memref<80x128xf32, #tpu.memory_space<vmem_shared>>
      %dma_wait3A_127 = arith.constant 0 : i32
      %dma_wait3A_128 = arith.constant 0 : i32
      %dma_wait3A_129 = tpu.memref_slice %arg9[%run_scoped3A_20, %dma_wait3A_127, %dma_wait3A_128] : memref<3x80x128xf32, #tpu.memory_space<vmem>> -> memref<1x80x128xf32, #tpu.memory_space<vmem>>
      %dma_wait3A_130 = tpu.memref_squeeze %dma_wait3A_129 : memref<1x80x128xf32, #tpu.memory_space<vmem>> -> memref<80x128xf32, #tpu.memory_space<vmem>>
      tpu.wait_dma2 semaphore(%run_scoped3A_106 : memref<!tpu.dma_semaphore, #tpu.memory_space<semaphore_mem>>) src(%dma_wait3A_130 : memref<80x128xf32, #tpu.memory_space<vmem>>) dst(%dma_wait3A_126 : memref<80x128xf32, #tpu.memory_space<vmem_shared>>)
      tpu.yield
    }) : () -> ()
    %mul3A_21 = arith.constant 625 : i32
    %mul3A_22 = arith.muli %arg1, %mul3A_21 : i32
    %add3A_23 = arith.constant 320 : i32
    %add3A_24 = arith.addi %mul3A_22, %add3A_23 : i32
    %run_scoped3A_25 = arith.constant 0 : i32
    "tpu.region"() ({
      %run_scoped3A_106 = tpu.sem_alloc : memref<!tpu.dma_semaphore, #tpu.memory_space<semaphore_mem>>
      %dma_start3A_107 = arith.constant 0 : i32
      %dma_start3A_108 = arith.constant 0 : i32
      %dma_start3A_109 = tpu.memref_slice %arg9[%run_scoped3A_25, %dma_start3A_107, %dma_start3A_108] : memref<3x80x128xf32, #tpu.memory_space<vmem>> -> memref<1x80x128xf32, #tpu.memory_space<vmem>>
      %dma_start3A_110 = tpu.memref_squeeze %dma_start3A_109 : memref<1x80x128xf32, #tpu.memory_space<vmem>> -> memref<80x128xf32, #tpu.memory_space<vmem>>
      %dma_start3A_111 = arith.constant 0 : i32
      %dma_start3A_112 = tpu.memref_slice %arg10[%add3A_24, %dma_start3A_111] : memref<10000x128xf32, #tpu.memory_space<vmem_shared>> -> memref<80x128xf32, #tpu.memory_space<vmem_shared>>
      %dma_start3A_113 = arith.constant 0 : i32
      %dma_start3A_114 = tpu.memref_slice %arg10[%add3A_24, %dma_start3A_113] : memref<10000x128xf32, #tpu.memory_space<vmem_shared>> -> memref<80x128xf32, #tpu.memory_space<vmem_shared>>
      %dma_start3A_115 = arith.constant 0 : i32
      %dma_start3A_116 = arith.constant 0 : i32
      %dma_start3A_117 = tpu.memref_slice %arg9[%run_scoped3A_25, %dma_start3A_115, %dma_start3A_116] : memref<3x80x128xf32, #tpu.memory_space<vmem>> -> memref<1x80x128xf32, #tpu.memory_space<vmem>>
      %dma_start3A_118 = tpu.memref_squeeze %dma_start3A_117 : memref<1x80x128xf32, #tpu.memory_space<vmem>> -> memref<80x128xf32, #tpu.memory_space<vmem>>
      tpu.enqueue_dma source(%dma_start3A_118 : memref<80x128xf32, #tpu.memory_space<vmem>>) target(%dma_start3A_114 : memref<80x128xf32, #tpu.memory_space<vmem_shared>>) target_semaphore(%run_scoped3A_106 : memref<!tpu.dma_semaphore, #tpu.memory_space<semaphore_mem>>)
      %dma_wait3A_119 = arith.constant 0 : i32
      %dma_wait3A_120 = arith.constant 0 : i32
      %dma_wait3A_121 = tpu.memref_slice %arg9[%run_scoped3A_25, %dma_wait3A_119, %dma_wait3A_120] : memref<3x80x128xf32, #tpu.memory_space<vmem>> -> memref<1x80x128xf32, #tpu.memory_space<vmem>>
      %dma_wait3A_122 = tpu.memref_squeeze %dma_wait3A_121 : memref<1x80x128xf32, #tpu.memory_space<vmem>> -> memref<80x128xf32, #tpu.memory_space<vmem>>
      %dma_wait3A_123 = arith.constant 0 : i32
      %dma_wait3A_124 = tpu.memref_slice %arg10[%add3A_24, %dma_wait3A_123] : memref<10000x128xf32, #tpu.memory_space<vmem_shared>> -> memref<80x128xf32, #tpu.memory_space<vmem_shared>>
      %dma_wait3A_125 = arith.constant 0 : i32
      %dma_wait3A_126 = tpu.memref_slice %arg10[%add3A_24, %dma_wait3A_125] : memref<10000x128xf32, #tpu.memory_space<vmem_shared>> -> memref<80x128xf32, #tpu.memory_space<vmem_shared>>
      %dma_wait3A_127 = arith.constant 0 : i32
      %dma_wait3A_128 = arith.constant 0 : i32
      %dma_wait3A_129 = tpu.memref_slice %arg9[%run_scoped3A_25, %dma_wait3A_127, %dma_wait3A_128] : memref<3x80x128xf32, #tpu.memory_space<vmem>> -> memref<1x80x128xf32, #tpu.memory_space<vmem>>
      %dma_wait3A_130 = tpu.memref_squeeze %dma_wait3A_129 : memref<1x80x128xf32, #tpu.memory_space<vmem>> -> memref<80x128xf32, #tpu.memory_space<vmem>>
      tpu.wait_dma2 semaphore(%run_scoped3A_106 : memref<!tpu.dma_semaphore, #tpu.memory_space<semaphore_mem>>) src(%dma_wait3A_130 : memref<80x128xf32, #tpu.memory_space<vmem>>) dst(%dma_wait3A_126 : memref<80x128xf32, #tpu.memory_space<vmem_shared>>)
      tpu.yield
    }) : () -> ()
    %mul3A_26 = arith.constant 625 : i32
    %mul3A_27 = arith.muli %arg1, %mul3A_26 : i32
    %add3A_28 = arith.constant 400 : i32
    %add3A_29 = arith.addi %mul3A_27, %add3A_28 : i32
    %run_scoped3A_30 = arith.constant 0 : i32
    "tpu.region"() ({
      %run_scoped3A_106 = tpu.sem_alloc : memref<!tpu.dma_semaphore, #tpu.memory_space<semaphore_mem>>
      %dma_start3A_107 = arith.constant 0 : i32
      %dma_start3A_108 = arith.constant 0 : i32
      %dma_start3A_109 = tpu.memref_slice %arg9[%run_scoped3A_30, %dma_start3A_107, %dma_start3A_108] : memref<3x80x128xf32, #tpu.memory_space<vmem>> -> memref<1x80x128xf32, #tpu.memory_space<vmem>>
      %dma_start3A_110 = tpu.memref_squeeze %dma_start3A_109 : memref<1x80x128xf32, #tpu.memory_space<vmem>> -> memref<80x128xf32, #tpu.memory_space<vmem>>
      %dma_start3A_111 = arith.constant 0 : i32
      %dma_start3A_112 = tpu.memref_slice %arg10[%add3A_29, %dma_start3A_111] : memref<10000x128xf32, #tpu.memory_space<vmem_shared>> -> memref<80x128xf32, #tpu.memory_space<vmem_shared>>
      %dma_start3A_113 = arith.constant 0 : i32
      %dma_start3A_114 = tpu.memref_slice %arg10[%add3A_29, %dma_start3A_113] : memref<10000x128xf32, #tpu.memory_space<vmem_shared>> -> memref<80x128xf32, #tpu.memory_space<vmem_shared>>
      %dma_start3A_115 = arith.constant 0 : i32
      %dma_start3A_116 = arith.constant 0 : i32
      %dma_start3A_117 = tpu.memref_slice %arg9[%run_scoped3A_30, %dma_start3A_115, %dma_start3A_116] : memref<3x80x128xf32, #tpu.memory_space<vmem>> -> memref<1x80x128xf32, #tpu.memory_space<vmem>>
      %dma_start3A_118 = tpu.memref_squeeze %dma_start3A_117 : memref<1x80x128xf32, #tpu.memory_space<vmem>> -> memref<80x128xf32, #tpu.memory_space<vmem>>
      tpu.enqueue_dma source(%dma_start3A_118 : memref<80x128xf32, #tpu.memory_space<vmem>>) target(%dma_start3A_114 : memref<80x128xf32, #tpu.memory_space<vmem_shared>>) target_semaphore(%run_scoped3A_106 : memref<!tpu.dma_semaphore, #tpu.memory_space<semaphore_mem>>)
      %dma_wait3A_119 = arith.constant 0 : i32
      %dma_wait3A_120 = arith.constant 0 : i32
      %dma_wait3A_121 = tpu.memref_slice %arg9[%run_scoped3A_30, %dma_wait3A_119, %dma_wait3A_120] : memref<3x80x128xf32, #tpu.memory_space<vmem>> -> memref<1x80x128xf32, #tpu.memory_space<vmem>>
      %dma_wait3A_122 = tpu.memref_squeeze %dma_wait3A_121 : memref<1x80x128xf32, #tpu.memory_space<vmem>> -> memref<80x128xf32, #tpu.memory_space<vmem>>
      %dma_wait3A_123 = arith.constant 0 : i32
      %dma_wait3A_124 = tpu.memref_slice %arg10[%add3A_29, %dma_wait3A_123] : memref<10000x128xf32, #tpu.memory_space<vmem_shared>> -> memref<80x128xf32, #tpu.memory_space<vmem_shared>>
      %dma_wait3A_125 = arith.constant 0 : i32
      %dma_wait3A_126 = tpu.memref_slice %arg10[%add3A_29, %dma_wait3A_125] : memref<10000x128xf32, #tpu.memory_space<vmem_shared>> -> memref<80x128xf32, #tpu.memory_space<vmem_shared>>
      %dma_wait3A_127 = arith.constant 0 : i32
      %dma_wait3A_128 = arith.constant 0 : i32
      %dma_wait3A_129 = tpu.memref_slice %arg9[%run_scoped3A_30, %dma_wait3A_127, %dma_wait3A_128] : memref<3x80x128xf32, #tpu.memory_space<vmem>> -> memref<1x80x128xf32, #tpu.memory_space<vmem>>
      %dma_wait3A_130 = tpu.memref_squeeze %dma_wait3A_129 : memref<1x80x128xf32, #tpu.memory_space<vmem>> -> memref<80x128xf32, #tpu.memory_space<vmem>>
      tpu.wait_dma2 semaphore(%run_scoped3A_106 : memref<!tpu.dma_semaphore, #tpu.memory_space<semaphore_mem>>) src(%dma_wait3A_130 : memref<80x128xf32, #tpu.memory_space<vmem>>) dst(%dma_wait3A_126 : memref<80x128xf32, #tpu.memory_space<vmem_shared>>)
      tpu.yield
    }) : () -> ()
    %mul3A_31 = arith.constant 625 : i32
    %mul3A_32 = arith.muli %arg1, %mul3A_31 : i32
    %add3A_33 = arith.constant 480 : i32
    %add3A_34 = arith.addi %mul3A_32, %add3A_33 : i32
    %run_scoped3A_35 = arith.constant 0 : i32
    "tpu.region"() ({
      %run_scoped3A_106 = tpu.sem_alloc : memref<!tpu.dma_semaphore, #tpu.memory_space<semaphore_mem>>
      %dma_start3A_107 = arith.constant 0 : i32
      %dma_start3A_108 = arith.constant 0 : i32
      %dma_start3A_109 = tpu.memref_slice %arg9[%run_scoped3A_35, %dma_start3A_107, %dma_start3A_108] : memref<3x80x128xf32, #tpu.memory_space<vmem>> -> memref<1x80x128xf32, #tpu.memory_space<vmem>>
      %dma_start3A_110 = tpu.memref_squeeze %dma_start3A_109 : memref<1x80x128xf32, #tpu.memory_space<vmem>> -> memref<80x128xf32, #tpu.memory_space<vmem>>
      %dma_start3A_111 = arith.constant 0 : i32
      %dma_start3A_112 = tpu.memref_slice %arg10[%add3A_34, %dma_start3A_111] : memref<10000x128xf32, #tpu.memory_space<vmem_shared>> -> memref<80x128xf32, #tpu.memory_space<vmem_shared>>
      %dma_start3A_113 = arith.constant 0 : i32
      %dma_start3A_114 = tpu.memref_slice %arg10[%add3A_34, %dma_start3A_113] : memref<10000x128xf32, #tpu.memory_space<vmem_shared>> -> memref<80x128xf32, #tpu.memory_space<vmem_shared>>
      %dma_start3A_115 = arith.constant 0 : i32
      %dma_start3A_116 = arith.constant 0 : i32
      %dma_start3A_117 = tpu.memref_slice %arg9[%run_scoped3A_35, %dma_start3A_115, %dma_start3A_116] : memref<3x80x128xf32, #tpu.memory_space<vmem>> -> memref<1x80x128xf32, #tpu.memory_space<vmem>>
      %dma_start3A_118 = tpu.memref_squeeze %dma_start3A_117 : memref<1x80x128xf32, #tpu.memory_space<vmem>> -> memref<80x128xf32, #tpu.memory_space<vmem>>
      tpu.enqueue_dma source(%dma_start3A_118 : memref<80x128xf32, #tpu.memory_space<vmem>>) target(%dma_start3A_114 : memref<80x128xf32, #tpu.memory_space<vmem_shared>>) target_semaphore(%run_scoped3A_106 : memref<!tpu.dma_semaphore, #tpu.memory_space<semaphore_mem>>)
      %dma_wait3A_119 = arith.constant 0 : i32
      %dma_wait3A_120 = arith.constant 0 : i32
      %dma_wait3A_121 = tpu.memref_slice %arg9[%run_scoped3A_35, %dma_wait3A_119, %dma_wait3A_120] : memref<3x80x128xf32, #tpu.memory_space<vmem>> -> memref<1x80x128xf32, #tpu.memory_space<vmem>>
      %dma_wait3A_122 = tpu.memref_squeeze %dma_wait3A_121 : memref<1x80x128xf32, #tpu.memory_space<vmem>> -> memref<80x128xf32, #tpu.memory_space<vmem>>
      %dma_wait3A_123 = arith.constant 0 : i32
      %dma_wait3A_124 = tpu.memref_slice %arg10[%add3A_34, %dma_wait3A_123] : memref<10000x128xf32, #tpu.memory_space<vmem_shared>> -> memref<80x128xf32, #tpu.memory_space<vmem_shared>>
      %dma_wait3A_125 = arith.constant 0 : i32
      %dma_wait3A_126 = tpu.memref_slice %arg10[%add3A_34, %dma_wait3A_125] : memref<10000x128xf32, #tpu.memory_space<vmem_shared>> -> memref<80x128xf32, #tpu.memory_space<vmem_shared>>
      %dma_wait3A_127 = arith.constant 0 : i32
      %dma_wait3A_128 = arith.constant 0 : i32
      %dma_wait3A_129 = tpu.memref_slice %arg9[%run_scoped3A_35, %dma_wait3A_127, %dma_wait3A_128] : memref<3x80x128xf32, #tpu.memory_space<vmem>> -> memref<1x80x128xf32, #tpu.memory_space<vmem>>
      %dma_wait3A_130 = tpu.memref_squeeze %dma_wait3A_129 : memref<1x80x128xf32, #tpu.memory_space<vmem>> -> memref<80x128xf32, #tpu.memory_space<vmem>>
      tpu.wait_dma2 semaphore(%run_scoped3A_106 : memref<!tpu.dma_semaphore, #tpu.memory_space<semaphore_mem>>) src(%dma_wait3A_130 : memref<80x128xf32, #tpu.memory_space<vmem>>) dst(%dma_wait3A_126 : memref<80x128xf32, #tpu.memory_space<vmem_shared>>)
      tpu.yield
    }) : () -> ()
    %mul3A_36 = arith.constant 625 : i32
    %mul3A_37 = arith.muli %arg1, %mul3A_36 : i32
    %add3A_38 = arith.constant 625 : i32
    %add3A_39 = arith.addi %mul3A_37, %add3A_38 : i32
    %sub3A = arith.constant 65 : i32
    %sub3A_40 = arith.subi %add3A_39, %sub3A : i32
    %run_scoped3A_41 = arith.constant 0 : i32
    "tpu.region"() ({
      %run_scoped3A_106 = tpu.sem_alloc : memref<!tpu.dma_semaphore, #tpu.memory_space<semaphore_mem>>
      %dma_start3A_107 = arith.constant 0 : i32
      %dma_start3A_108 = arith.constant 0 : i32
      %dma_start3A_109 = tpu.memref_slice %arg9[%run_scoped3A_41, %dma_start3A_107, %dma_start3A_108] : memref<3x80x128xf32, #tpu.memory_space<vmem>> -> memref<1x80x128xf32, #tpu.memory_space<vmem>>
      %dma_start3A_110 = tpu.memref_squeeze %dma_start3A_109 : memref<1x80x128xf32, #tpu.memory_space<vmem>> -> memref<80x128xf32, #tpu.memory_space<vmem>>
      %dma_start3A_111 = arith.constant 0 : i32
      %dma_start3A_112 = arith.constant 0 : i32
      %dma_start3A_113 = tpu.memref_slice %dma_start3A_110[%dma_start3A_111, %dma_start3A_112] : memref<80x128xf32, #tpu.memory_space<vmem>> -> memref<65x128xf32, #tpu.memory_space<vmem>>
      %dma_start3A_114 = arith.constant 0 : i32
      %dma_start3A_115 = tpu.memref_slice %arg10[%sub3A_40, %dma_start3A_114] : memref<10000x128xf32, #tpu.memory_space<vmem_shared>> -> memref<65x128xf32, #tpu.memory_space<vmem_shared>>
      %dma_start3A_116 = arith.constant 0 : i32
      %dma_start3A_117 = tpu.memref_slice %arg10[%sub3A_40, %dma_start3A_116] : memref<10000x128xf32, #tpu.memory_space<vmem_shared>> -> memref<65x128xf32, #tpu.memory_space<vmem_shared>>
      %dma_start3A_118 = arith.constant 0 : i32
      %dma_start3A_119 = arith.constant 0 : i32
      %dma_start3A_120 = tpu.memref_slice %arg9[%run_scoped3A_41, %dma_start3A_118, %dma_start3A_119] : memref<3x80x128xf32, #tpu.memory_space<vmem>> -> memref<1x80x128xf32, #tpu.memory_space<vmem>>
      %dma_start3A_121 = tpu.memref_squeeze %dma_start3A_120 : memref<1x80x128xf32, #tpu.memory_space<vmem>> -> memref<80x128xf32, #tpu.memory_space<vmem>>
      %dma_start3A_122 = arith.constant 0 : i32
      %dma_start3A_123 = arith.constant 0 : i32
      %dma_start3A_124 = tpu.memref_slice %dma_start3A_121[%dma_start3A_122, %dma_start3A_123] : memref<80x128xf32, #tpu.memory_space<vmem>> -> memref<65x128xf32, #tpu.memory_space<vmem>>
      tpu.enqueue_dma source(%dma_start3A_124 : memref<65x128xf32, #tpu.memory_space<vmem>>) target(%dma_start3A_117 : memref<65x128xf32, #tpu.memory_space<vmem_shared>>) target_semaphore(%run_scoped3A_106 : memref<!tpu.dma_semaphore, #tpu.memory_space<semaphore_mem>>)
      %dma_wait3A_125 = arith.constant 0 : i32
      %dma_wait3A_126 = arith.constant 0 : i32
      %dma_wait3A_127 = tpu.memref_slice %arg9[%run_scoped3A_41, %dma_wait3A_125, %dma_wait3A_126] : memref<3x80x128xf32, #tpu.memory_space<vmem>> -> memref<1x80x128xf32, #tpu.memory_space<vmem>>
      %dma_wait3A_128 = tpu.memref_squeeze %dma_wait3A_127 : memref<1x80x128xf32, #tpu.memory_space<vmem>> -> memref<80x128xf32, #tpu.memory_space<vmem>>
      %dma_wait3A_129 = arith.constant 0 : i32
      %dma_wait3A_130 = arith.constant 0 : i32
      %dma_wait3A_131 = tpu.memref_slice %dma_wait3A_128[%dma_wait3A_129, %dma_wait3A_130] : memref<80x128xf32, #tpu.memory_space<vmem>> -> memref<65x128xf32, #tpu.memory_space<vmem>>
      %dma_wait3A_132 = arith.constant 0 : i32
      %dma_wait3A_133 = tpu.memref_slice %arg10[%sub3A_40, %dma_wait3A_132] : memref<10000x128xf32, #tpu.memory_space<vmem_shared>> -> memref<65x128xf32, #tpu.memory_space<vmem_shared>>
      %dma_wait3A_134 = arith.constant 0 : i32
      %dma_wait3A_135 = tpu.memref_slice %arg10[%sub3A_40, %dma_wait3A_134] : memref<10000x128xf32, #tpu.memory_space<vmem_shared>> -> memref<65x128xf32, #tpu.memory_space<vmem_shared>>
      %dma_wait3A_136 = arith.constant 0 : i32
      %dma_wait3A_137 = arith.constant 0 : i32
      %dma_wait3A_138 = tpu.memref_slice %arg9[%run_scoped3A_41, %dma_wait3A_136, %dma_wait3A_137] : memref<3x80x128xf32, #tpu.memory_space<vmem>> -> memref<1x80x128xf32, #tpu.memory_space<vmem>>
      %dma_wait3A_139 = tpu.memref_squeeze %dma_wait3A_138 : memref<1x80x128xf32, #tpu.memory_space<vmem>> -> memref<80x128xf32, #tpu.memory_space<vmem>>
      %dma_wait3A_140 = arith.constant 0 : i32
      %dma_wait3A_141 = arith.constant 0 : i32
      %dma_wait3A_142 = tpu.memref_slice %dma_wait3A_139[%dma_wait3A_140, %dma_wait3A_141] : memref<80x128xf32, #tpu.memory_space<vmem>> -> memref<65x128xf32, #tpu.memory_space<vmem>>
      tpu.wait_dma2 semaphore(%run_scoped3A_106 : memref<!tpu.dma_semaphore, #tpu.memory_space<semaphore_mem>>) src(%dma_wait3A_142 : memref<65x128xf32, #tpu.memory_space<vmem>>) dst(%dma_wait3A_135 : memref<65x128xf32, #tpu.memory_space<vmem_shared>>)
      tpu.yield
    }) : () -> ()
    %barrier3A = arith.constant 0 : index
    tpu.barrier barrier_id(%barrier3A)
    %dma_start3A = arith.constant 0 : i32
    %dma_start3A_42 = arith.constant 0 : i32
    %dma_start3A_43 = arith.constant 0 : i32
    %dma_start3A_44 = tpu.memref_slice %arg9[%dma_start3A, %dma_start3A_42, %dma_start3A_43] : memref<3x80x128xf32, #tpu.memory_space<vmem>> -> memref<1x80x128xf32, #tpu.memory_space<vmem>>
    %dma_start3A_45 = tpu.memref_squeeze %dma_start3A_44 : memref<1x80x128xf32, #tpu.memory_space<vmem>> -> memref<80x128xf32, #tpu.memory_space<vmem>>
    %dma_start3A_46 = arith.constant 0 : i32
    %dma_start3A_47 = tpu.memref_slice %arg7[%dma_start3A_46] : memref<10000xi32, #tpu.memory_space<vmem>> -> memref<80xi32, #tpu.memory_space<vmem>>
    %dma_start3A_48 = arith.constant 0 : i32
    %dma_start3A_49 = arith.constant 0 : i32
    %dma_start3A_50 = tpu.memref_slice %arg2[%dma_start3A_48, %dma_start3A_49] : memref<10000x128xf32, #tpu.memory_space<hbm>> -> memref<10000x128xf32, #tpu.memory_space<hbm>>
    tpu.enqueue_indirect_dma source(%dma_start3A_50 : memref<10000x128xf32, #tpu.memory_space<hbm>>) target(%dma_start3A_45 : memref<80x128xf32, #tpu.memory_space<vmem>>) offsets(%dma_start3A_47 : memref<80xi32, #tpu.memory_space<vmem>>) semaphore(%arg11 : memref<!tpu.dma_semaphore, #tpu.memory_space<semaphore_mem>>)
    %dma_start3A_51 = arith.constant 1 : i32
    %dma_start3A_52 = arith.constant 0 : i32
    %dma_start3A_53 = arith.constant 0 : i32
    %dma_start3A_54 = tpu.memref_slice %arg9[%dma_start3A_51, %dma_start3A_52, %dma_start3A_53] : memref<3x80x128xf32, #tpu.memory_space<vmem>> -> memref<1x80x128xf32, #tpu.memory_space<vmem>>
    %dma_start3A_55 = tpu.memref_squeeze %dma_start3A_54 : memref<1x80x128xf32, #tpu.memory_space<vmem>> -> memref<80x128xf32, #tpu.memory_space<vmem>>
    %dma_start3A_56 = arith.constant 80 : i32
    %dma_start3A_57 = tpu.memref_slice %arg7[%dma_start3A_56] : memref<10000xi32, #tpu.memory_space<vmem>> -> memref<80xi32, #tpu.memory_space<vmem>>
    %dma_start3A_58 = arith.constant 0 : i32
    %dma_start3A_59 = arith.constant 0 : i32
    %dma_start3A_60 = tpu.memref_slice %arg2[%dma_start3A_58, %dma_start3A_59] : memref<10000x128xf32, #tpu.memory_space<hbm>> -> memref<10000x128xf32, #tpu.memory_space<hbm>>
    tpu.enqueue_indirect_dma source(%dma_start3A_60 : memref<10000x128xf32, #tpu.memory_space<hbm>>) target(%dma_start3A_55 : memref<80x128xf32, #tpu.memory_space<vmem>>) offsets(%dma_start3A_57 : memref<80xi32, #tpu.memory_space<vmem>>) semaphore(%arg12 : memref<!tpu.dma_semaphore, #tpu.memory_space<semaphore_mem>>)
    %scan3A = arith.constant 0 : i32
    %scan3A_61 = arith.constant 0 : i32
    %scan3A_62 = arith.constant 42 : i32
    %scan3A_63 = arith.addi %scan3A_61, %scan3A_62 : i32
    %scan3A_64 = arith.constant 1 : i32
    scf.for %scan3A_106 = %scan3A_61 to %scan3A_63 step %scan3A_64  : i32 {
      %mul3A_107 = arith.constant 3 : i32
      %mul3A_108 = arith.muli %scan3A_106, %mul3A_107 : i32
      %add3A_109 = arith.constant 0 : i32
      %add3A_110 = arith.addi %mul3A_108, %add3A_109 : i32
      %lt3A = arith.constant 125 : i32
      %lt3A_111 = arith.cmpi slt, %add3A_110, %lt3A : i32
      %convert_element_type3A = arith.extui %lt3A_111 : i1 to i32
      %cond3A = arith.constant 0 : i32
      %cond3A_112 = arith.cmpi ne, %convert_element_type3A, %cond3A : i32
      scf.if %cond3A_112 {
        %mul3A_131 = arith.constant 80 : i32
        %mul3A_132 = arith.muli %add3A_110, %mul3A_131 : i32
        %dma_wait3A_133 = arith.constant 0 : i32
        %dma_wait3A_134 = arith.constant 0 : i32
        %dma_wait3A_135 = arith.constant 0 : i32
        %dma_wait3A_136 = tpu.memref_slice %arg9[%dma_wait3A_133, %dma_wait3A_134, %dma_wait3A_135] : memref<3x80x128xf32, #tpu.memory_space<vmem>> -> memref<1x80x128xf32, #tpu.memory_space<vmem>>
        %dma_wait3A_137 = tpu.memref_squeeze %dma_wait3A_136 : memref<1x80x128xf32, #tpu.memory_space<vmem>> -> memref<80x128xf32, #tpu.memory_space<vmem>>
        %dma_wait3A_138 = tpu.memref_slice %arg7[%mul3A_132] : memref<10000xi32, #tpu.memory_space<vmem>> -> memref<80xi32, #tpu.memory_space<vmem>>
        %dma_wait3A_139 = arith.constant 0 : i32
        %dma_wait3A_140 = arith.constant 0 : i32
        %dma_wait3A_141 = tpu.memref_slice %arg2[%dma_wait3A_139, %dma_wait3A_140] : memref<10000x128xf32, #tpu.memory_space<hbm>> -> memref<10000x128xf32, #tpu.memory_space<hbm>>
        tpu.wait_indirect_dma semaphore(%arg11 : memref<!tpu.dma_semaphore, #tpu.memory_space<semaphore_mem>>) src(%dma_wait3A_141 : memref<10000x128xf32, #tpu.memory_space<hbm>>) dst(%dma_wait3A_137 : memref<80x128xf32, #tpu.memory_space<vmem>>)
        %dma_start3A_142 = arith.constant 0 : i32
        %dma_start3A_143 = arith.constant 0 : i32
        %dma_start3A_144 = arith.constant 0 : i32
        %dma_start3A_145 = tpu.memref_slice %arg9[%dma_start3A_142, %dma_start3A_143, %dma_start3A_144] : memref<3x80x128xf32, #tpu.memory_space<vmem>> -> memref<1x80x128xf32, #tpu.memory_space<vmem>>
        %dma_start3A_146 = tpu.memref_squeeze %dma_start3A_145 : memref<1x80x128xf32, #tpu.memory_space<vmem>> -> memref<80x128xf32, #tpu.memory_space<vmem>>
        %dma_start3A_147 = arith.constant 0 : i32
        %dma_start3A_148 = tpu.memref_slice %arg8[%add3A_110, %dma_start3A_147] : memref<125x80xi32, #tpu.memory_space<vmem>> -> memref<1x80xi32, #tpu.memory_space<vmem>>
        %dma_start3A_149 = tpu.memref_squeeze %dma_start3A_148 : memref<1x80xi32, #tpu.memory_space<vmem>> -> memref<80xi32, #tpu.memory_space<vmem>>
        %dma_start3A_150 = arith.constant 0 : i32
        %dma_start3A_151 = arith.constant 0 : i32
        %dma_start3A_152 = tpu.memref_slice %arg10[%dma_start3A_150, %dma_start3A_151] : memref<10000x128xf32, #tpu.memory_space<vmem_shared>> -> memref<10000x128xf32, #tpu.memory_space<vmem_shared>>
        tpu.enqueue_indirect_dma source(%dma_start3A_146 : memref<80x128xf32, #tpu.memory_space<vmem>>) target(%dma_start3A_152 : memref<10000x128xf32, #tpu.memory_space<vmem_shared>>) offsets(%dma_start3A_149 : memref<80xi32, #tpu.memory_space<vmem>>) semaphore(%arg14 : memref<!tpu.dma_semaphore, #tpu.memory_space<semaphore_mem>>) {add = true}
        %eq3A = arith.constant 0 : i32
        %eq3A_153 = arith.cmpi eq, %add3A_110, %eq3A : i32
        %convert_element_type3A_154 = arith.extui %eq3A_153 : i1 to i32
        %cond3A_155 = arith.constant 0 : i32
        %cond3A_156 = arith.cmpi ne, %convert_element_type3A_154, %cond3A_155 : i32
        scf.if %cond3A_156 {
          %dma_start3A_167 = arith.constant 2 : i32
          %dma_start3A_168 = arith.constant 0 : i32
          %dma_start3A_169 = arith.constant 0 : i32
          %dma_start3A_170 = tpu.memref_slice %arg9[%dma_start3A_167, %dma_start3A_168, %dma_start3A_169] : memref<3x80x128xf32, #tpu.memory_space<vmem>> -> memref<1x80x128xf32, #tpu.memory_space<vmem>>
          %dma_start3A_171 = tpu.memref_squeeze %dma_start3A_170 : memref<1x80x128xf32, #tpu.memory_space<vmem>> -> memref<80x128xf32, #tpu.memory_space<vmem>>
          %dma_start3A_172 = arith.constant 160 : i32
          %dma_start3A_173 = tpu.memref_slice %arg7[%dma_start3A_172] : memref<10000xi32, #tpu.memory_space<vmem>> -> memref<80xi32, #tpu.memory_space<vmem>>
          %dma_start3A_174 = arith.constant 0 : i32
          %dma_start3A_175 = arith.constant 0 : i32
          %dma_start3A_176 = tpu.memref_slice %arg2[%dma_start3A_174, %dma_start3A_175] : memref<10000x128xf32, #tpu.memory_space<hbm>> -> memref<10000x128xf32, #tpu.memory_space<hbm>>
          tpu.enqueue_indirect_dma source(%dma_start3A_176 : memref<10000x128xf32, #tpu.memory_space<hbm>>) target(%dma_start3A_171 : memref<80x128xf32, #tpu.memory_space<vmem>>) offsets(%dma_start3A_173 : memref<80xi32, #tpu.memory_space<vmem>>) semaphore(%arg13 : memref<!tpu.dma_semaphore, #tpu.memory_space<semaphore_mem>>)
        } else {
        }
        %ge3A = arith.constant 1 : i32
        %ge3A_157 = arith.cmpi sge, %add3A_110, %ge3A : i32
        %add3A_158 = arith.constant 3 : i32
        %add3A_159 = arith.addi %add3A_110, %add3A_158 : i32
        %sub3A_160 = arith.constant 1 : i32
        %sub3A_161 = arith.subi %add3A_159, %sub3A_160 : i32
        %lt3A_162 = arith.constant 125 : i32
        %lt3A_163 = arith.cmpi slt, %sub3A_161, %lt3A_162 : i32
        %and3A = arith.andi %ge3A_157, %lt3A_163 : i1
        %convert_element_type3A_164 = arith.extui %and3A : i1 to i32
        %cond3A_165 = arith.constant 0 : i32
        %cond3A_166 = arith.cmpi ne, %convert_element_type3A_164, %cond3A_165 : i32
        scf.if %cond3A_166 {
          %sub3A_167 = arith.constant 1 : i32
          %sub3A_168 = arith.subi %add3A_110, %sub3A_167 : i32
          %dma_wait3A_169 = arith.constant 2 : i32
          %dma_wait3A_170 = arith.constant 0 : i32
          %dma_wait3A_171 = arith.constant 0 : i32
          %dma_wait3A_172 = tpu.memref_slice %arg9[%dma_wait3A_169, %dma_wait3A_170, %dma_wait3A_171] : memref<3x80x128xf32, #tpu.memory_space<vmem>> -> memref<1x80x128xf32, #tpu.memory_space<vmem>>
          %dma_wait3A_173 = tpu.memref_squeeze %dma_wait3A_172 : memref<1x80x128xf32, #tpu.memory_space<vmem>> -> memref<80x128xf32, #tpu.memory_space<vmem>>
          %dma_wait3A_174 = arith.constant 0 : i32
          %dma_wait3A_175 = tpu.memref_slice %arg8[%sub3A_168, %dma_wait3A_174] : memref<125x80xi32, #tpu.memory_space<vmem>> -> memref<1x80xi32, #tpu.memory_space<vmem>>
          %dma_wait3A_176 = tpu.memref_squeeze %dma_wait3A_175 : memref<1x80xi32, #tpu.memory_space<vmem>> -> memref<80xi32, #tpu.memory_space<vmem>>
          %dma_wait3A_177 = arith.constant 0 : i32
          %dma_wait3A_178 = arith.constant 0 : i32
          %dma_wait3A_179 = tpu.memref_slice %arg10[%dma_wait3A_177, %dma_wait3A_178] : memref<10000x128xf32, #tpu.memory_space<vmem_shared>> -> memref<10000x128xf32, #tpu.memory_space<vmem_shared>>
          tpu.wait_indirect_dma semaphore(%arg16 : memref<!tpu.dma_semaphore, #tpu.memory_space<semaphore_mem>>) src(%dma_wait3A_173 : memref<80x128xf32, #tpu.memory_space<vmem>>) dst(%dma_wait3A_179 : memref<10000x128xf32, #tpu.memory_space<vmem_shared>>)
          %add3A_180 = arith.constant 3 : i32
          %add3A_181 = arith.addi %add3A_110, %add3A_180 : i32
          %sub3A_182 = arith.constant 1 : i32
          %sub3A_183 = arith.subi %add3A_181, %sub3A_182 : i32
          %mul3A_184 = arith.constant 80 : i32
          %mul3A_185 = arith.muli %sub3A_183, %mul3A_184 : i32
          %dma_start3A_186 = arith.constant 2 : i32
          %dma_start3A_187 = arith.constant 0 : i32
          %dma_start3A_188 = arith.constant 0 : i32
          %dma_start3A_189 = tpu.memref_slice %arg9[%dma_start3A_186, %dma_start3A_187, %dma_start3A_188] : memref<3x80x128xf32, #tpu.memory_space<vmem>> -> memref<1x80x128xf32, #tpu.memory_space<vmem>>
          %dma_start3A_190 = tpu.memref_squeeze %dma_start3A_189 : memref<1x80x128xf32, #tpu.memory_space<vmem>> -> memref<80x128xf32, #tpu.memory_space<vmem>>
          %dma_start3A_191 = tpu.memref_slice %arg7[%mul3A_185] : memref<10000xi32, #tpu.memory_space<vmem>> -> memref<80xi32, #tpu.memory_space<vmem>>
          %dma_start3A_192 = arith.constant 0 : i32
          %dma_start3A_193 = arith.constant 0 : i32
          %dma_start3A_194 = tpu.memref_slice %arg2[%dma_start3A_192, %dma_start3A_193] : memref<10000x128xf32, #tpu.memory_space<hbm>> -> memref<10000x128xf32, #tpu.memory_space<hbm>>
          tpu.enqueue_indirect_dma source(%dma_start3A_194 : memref<10000x128xf32, #tpu.memory_space<hbm>>) target(%dma_start3A_190 : memref<80x128xf32, #tpu.memory_space<vmem>>) offsets(%dma_start3A_191 : memref<80xi32, #tpu.memory_space<vmem>>) semaphore(%arg13 : memref<!tpu.dma_semaphore, #tpu.memory_space<semaphore_mem>>)
        } else {
        }
      } else {
      }
      %mul3A_113 = arith.constant 3 : i32
      %mul3A_114 = arith.muli %scan3A_106, %mul3A_113 : i32
      %add3A_115 = arith.constant 1 : i32
      %add3A_116 = arith.addi %mul3A_114, %add3A_115 : i32
      %lt3A_117 = arith.constant 125 : i32
      %lt3A_118 = arith.cmpi slt, %add3A_116, %lt3A_117 : i32
      %convert_element_type3A_119 = arith.extui %lt3A_118 : i1 to i32
      %cond3A_120 = arith.constant 0 : i32
      %cond3A_121 = arith.cmpi ne, %convert_element_type3A_119, %cond3A_120 : i32
      scf.if %cond3A_121 {
        %mul3A_131 = arith.constant 80 : i32
        %mul3A_132 = arith.muli %add3A_116, %mul3A_131 : i32
        %dma_wait3A_133 = arith.constant 1 : i32
        %dma_wait3A_134 = arith.constant 0 : i32
        %dma_wait3A_135 = arith.constant 0 : i32
        %dma_wait3A_136 = tpu.memref_slice %arg9[%dma_wait3A_133, %dma_wait3A_134, %dma_wait3A_135] : memref<3x80x128xf32, #tpu.memory_space<vmem>> -> memref<1x80x128xf32, #tpu.memory_space<vmem>>
        %dma_wait3A_137 = tpu.memref_squeeze %dma_wait3A_136 : memref<1x80x128xf32, #tpu.memory_space<vmem>> -> memref<80x128xf32, #tpu.memory_space<vmem>>
        %dma_wait3A_138 = tpu.memref_slice %arg7[%mul3A_132] : memref<10000xi32, #tpu.memory_space<vmem>> -> memref<80xi32, #tpu.memory_space<vmem>>
        %dma_wait3A_139 = arith.constant 0 : i32
        %dma_wait3A_140 = arith.constant 0 : i32
        %dma_wait3A_141 = tpu.memref_slice %arg2[%dma_wait3A_139, %dma_wait3A_140] : memref<10000x128xf32, #tpu.memory_space<hbm>> -> memref<10000x128xf32, #tpu.memory_space<hbm>>
        tpu.wait_indirect_dma semaphore(%arg12 : memref<!tpu.dma_semaphore, #tpu.memory_space<semaphore_mem>>) src(%dma_wait3A_141 : memref<10000x128xf32, #tpu.memory_space<hbm>>) dst(%dma_wait3A_137 : memref<80x128xf32, #tpu.memory_space<vmem>>)
        %dma_start3A_142 = arith.constant 1 : i32
        %dma_start3A_143 = arith.constant 0 : i32
        %dma_start3A_144 = arith.constant 0 : i32
        %dma_start3A_145 = tpu.memref_slice %arg9[%dma_start3A_142, %dma_start3A_143, %dma_start3A_144] : memref<3x80x128xf32, #tpu.memory_space<vmem>> -> memref<1x80x128xf32, #tpu.memory_space<vmem>>
        %dma_start3A_146 = tpu.memref_squeeze %dma_start3A_145 : memref<1x80x128xf32, #tpu.memory_space<vmem>> -> memref<80x128xf32, #tpu.memory_space<vmem>>
        %dma_start3A_147 = arith.constant 0 : i32
        %dma_start3A_148 = tpu.memref_slice %arg8[%add3A_116, %dma_start3A_147] : memref<125x80xi32, #tpu.memory_space<vmem>> -> memref<1x80xi32, #tpu.memory_space<vmem>>
        %dma_start3A_149 = tpu.memref_squeeze %dma_start3A_148 : memref<1x80xi32, #tpu.memory_space<vmem>> -> memref<80xi32, #tpu.memory_space<vmem>>
        %dma_start3A_150 = arith.constant 0 : i32
        %dma_start3A_151 = arith.constant 0 : i32
        %dma_start3A_152 = tpu.memref_slice %arg10[%dma_start3A_150, %dma_start3A_151] : memref<10000x128xf32, #tpu.memory_space<vmem_shared>> -> memref<10000x128xf32, #tpu.memory_space<vmem_shared>>
        tpu.enqueue_indirect_dma source(%dma_start3A_146 : memref<80x128xf32, #tpu.memory_space<vmem>>) target(%dma_start3A_152 : memref<10000x128xf32, #tpu.memory_space<vmem_shared>>) offsets(%dma_start3A_149 : memref<80xi32, #tpu.memory_space<vmem>>) semaphore(%arg15 : memref<!tpu.dma_semaphore, #tpu.memory_space<semaphore_mem>>) {add = true}
        %eq3A = arith.constant 0 : i32
        %eq3A_153 = arith.cmpi eq, %add3A_116, %eq3A : i32
        %convert_element_type3A_154 = arith.extui %eq3A_153 : i1 to i32
        %cond3A_155 = arith.constant 0 : i32
        %cond3A_156 = arith.cmpi ne, %convert_element_type3A_154, %cond3A_155 : i32
        scf.if %cond3A_156 {
          %dma_start3A_167 = arith.constant 2 : i32
          %dma_start3A_168 = arith.constant 0 : i32
          %dma_start3A_169 = arith.constant 0 : i32
          %dma_start3A_170 = tpu.memref_slice %arg9[%dma_start3A_167, %dma_start3A_168, %dma_start3A_169] : memref<3x80x128xf32, #tpu.memory_space<vmem>> -> memref<1x80x128xf32, #tpu.memory_space<vmem>>
          %dma_start3A_171 = tpu.memref_squeeze %dma_start3A_170 : memref<1x80x128xf32, #tpu.memory_space<vmem>> -> memref<80x128xf32, #tpu.memory_space<vmem>>
          %dma_start3A_172 = arith.constant 160 : i32
          %dma_start3A_173 = tpu.memref_slice %arg7[%dma_start3A_172] : memref<10000xi32, #tpu.memory_space<vmem>> -> memref<80xi32, #tpu.memory_space<vmem>>
          %dma_start3A_174 = arith.constant 0 : i32
          %dma_start3A_175 = arith.constant 0 : i32
          %dma_start3A_176 = tpu.memref_slice %arg2[%dma_start3A_174, %dma_start3A_175] : memref<10000x128xf32, #tpu.memory_space<hbm>> -> memref<10000x128xf32, #tpu.memory_space<hbm>>
          tpu.enqueue_indirect_dma source(%dma_start3A_176 : memref<10000x128xf32, #tpu.memory_space<hbm>>) target(%dma_start3A_171 : memref<80x128xf32, #tpu.memory_space<vmem>>) offsets(%dma_start3A_173 : memref<80xi32, #tpu.memory_space<vmem>>) semaphore(%arg13 : memref<!tpu.dma_semaphore, #tpu.memory_space<semaphore_mem>>)
        } else {
        }
        %ge3A = arith.constant 1 : i32
        %ge3A_157 = arith.cmpi sge, %add3A_116, %ge3A : i32
        %add3A_158 = arith.constant 3 : i32
        %add3A_159 = arith.addi %add3A_116, %add3A_158 : i32
        %sub3A_160 = arith.constant 1 : i32
        %sub3A_161 = arith.subi %add3A_159, %sub3A_160 : i32
        %lt3A_162 = arith.constant 125 : i32
        %lt3A_163 = arith.cmpi slt, %sub3A_161, %lt3A_162 : i32
        %and3A = arith.andi %ge3A_157, %lt3A_163 : i1
        %convert_element_type3A_164 = arith.extui %and3A : i1 to i32
        %cond3A_165 = arith.constant 0 : i32
        %cond3A_166 = arith.cmpi ne, %convert_element_type3A_164, %cond3A_165 : i32
        scf.if %cond3A_166 {
          %sub3A_167 = arith.constant 1 : i32
          %sub3A_168 = arith.subi %add3A_116, %sub3A_167 : i32
          %dma_wait3A_169 = arith.constant 0 : i32
          %dma_wait3A_170 = arith.constant 0 : i32
          %dma_wait3A_171 = arith.constant 0 : i32
          %dma_wait3A_172 = tpu.memref_slice %arg9[%dma_wait3A_169, %dma_wait3A_170, %dma_wait3A_171] : memref<3x80x128xf32, #tpu.memory_space<vmem>> -> memref<1x80x128xf32, #tpu.memory_space<vmem>>
          %dma_wait3A_173 = tpu.memref_squeeze %dma_wait3A_172 : memref<1x80x128xf32, #tpu.memory_space<vmem>> -> memref<80x128xf32, #tpu.memory_space<vmem>>
          %dma_wait3A_174 = arith.constant 0 : i32
          %dma_wait3A_175 = tpu.memref_slice %arg8[%sub3A_168, %dma_wait3A_174] : memref<125x80xi32, #tpu.memory_space<vmem>> -> memref<1x80xi32, #tpu.memory_space<vmem>>
          %dma_wait3A_176 = tpu.memref_squeeze %dma_wait3A_175 : memref<1x80xi32, #tpu.memory_space<vmem>> -> memref<80xi32, #tpu.memory_space<vmem>>
          %dma_wait3A_177 = arith.constant 0 : i32
          %dma_wait3A_178 = arith.constant 0 : i32
          %dma_wait3A_179 = tpu.memref_slice %arg10[%dma_wait3A_177, %dma_wait3A_178] : memref<10000x128xf32, #tpu.memory_space<vmem_shared>> -> memref<10000x128xf32, #tpu.memory_space<vmem_shared>>
          tpu.wait_indirect_dma semaphore(%arg14 : memref<!tpu.dma_semaphore, #tpu.memory_space<semaphore_mem>>) src(%dma_wait3A_173 : memref<80x128xf32, #tpu.memory_space<vmem>>) dst(%dma_wait3A_179 : memref<10000x128xf32, #tpu.memory_space<vmem_shared>>)
          %add3A_180 = arith.constant 3 : i32
          %add3A_181 = arith.addi %add3A_116, %add3A_180 : i32
          %sub3A_182 = arith.constant 1 : i32
          %sub3A_183 = arith.subi %add3A_181, %sub3A_182 : i32
          %mul3A_184 = arith.constant 80 : i32
          %mul3A_185 = arith.muli %sub3A_183, %mul3A_184 : i32
          %dma_start3A_186 = arith.constant 0 : i32
          %dma_start3A_187 = arith.constant 0 : i32
          %dma_start3A_188 = arith.constant 0 : i32
          %dma_start3A_189 = tpu.memref_slice %arg9[%dma_start3A_186, %dma_start3A_187, %dma_start3A_188] : memref<3x80x128xf32, #tpu.memory_space<vmem>> -> memref<1x80x128xf32, #tpu.memory_space<vmem>>
          %dma_start3A_190 = tpu.memref_squeeze %dma_start3A_189 : memref<1x80x128xf32, #tpu.memory_space<vmem>> -> memref<80x128xf32, #tpu.memory_space<vmem>>
          %dma_start3A_191 = tpu.memref_slice %arg7[%mul3A_185] : memref<10000xi32, #tpu.memory_space<vmem>> -> memref<80xi32, #tpu.memory_space<vmem>>
          %dma_start3A_192 = arith.constant 0 : i32
          %dma_start3A_193 = arith.constant 0 : i32
          %dma_start3A_194 = tpu.memref_slice %arg2[%dma_start3A_192, %dma_start3A_193] : memref<10000x128xf32, #tpu.memory_space<hbm>> -> memref<10000x128xf32, #tpu.memory_space<hbm>>
          tpu.enqueue_indirect_dma source(%dma_start3A_194 : memref<10000x128xf32, #tpu.memory_space<hbm>>) target(%dma_start3A_190 : memref<80x128xf32, #tpu.memory_space<vmem>>) offsets(%dma_start3A_191 : memref<80xi32, #tpu.memory_space<vmem>>) semaphore(%arg11 : memref<!tpu.dma_semaphore, #tpu.memory_space<semaphore_mem>>)
        } else {
        }
      } else {
      }
      %mul3A_122 = arith.constant 3 : i32
      %mul3A_123 = arith.muli %scan3A_106, %mul3A_122 : i32
      %add3A_124 = arith.constant 2 : i32
      %add3A_125 = arith.addi %mul3A_123, %add3A_124 : i32
      %lt3A_126 = arith.constant 125 : i32
      %lt3A_127 = arith.cmpi slt, %add3A_125, %lt3A_126 : i32
      %convert_element_type3A_128 = arith.extui %lt3A_127 : i1 to i32
      %cond3A_129 = arith.constant 0 : i32
      %cond3A_130 = arith.cmpi ne, %convert_element_type3A_128, %cond3A_129 : i32
      scf.if %cond3A_130 {
        %mul3A_131 = arith.constant 80 : i32
        %mul3A_132 = arith.muli %add3A_125, %mul3A_131 : i32
        %dma_wait3A_133 = arith.constant 2 : i32
        %dma_wait3A_134 = arith.constant 0 : i32
        %dma_wait3A_135 = arith.constant 0 : i32
        %dma_wait3A_136 = tpu.memref_slice %arg9[%dma_wait3A_133, %dma_wait3A_134, %dma_wait3A_135] : memref<3x80x128xf32, #tpu.memory_space<vmem>> -> memref<1x80x128xf32, #tpu.memory_space<vmem>>
        %dma_wait3A_137 = tpu.memref_squeeze %dma_wait3A_136 : memref<1x80x128xf32, #tpu.memory_space<vmem>> -> memref<80x128xf32, #tpu.memory_space<vmem>>
        %dma_wait3A_138 = tpu.memref_slice %arg7[%mul3A_132] : memref<10000xi32, #tpu.memory_space<vmem>> -> memref<80xi32, #tpu.memory_space<vmem>>
        %dma_wait3A_139 = arith.constant 0 : i32
        %dma_wait3A_140 = arith.constant 0 : i32
        %dma_wait3A_141 = tpu.memref_slice %arg2[%dma_wait3A_139, %dma_wait3A_140] : memref<10000x128xf32, #tpu.memory_space<hbm>> -> memref<10000x128xf32, #tpu.memory_space<hbm>>
        tpu.wait_indirect_dma semaphore(%arg13 : memref<!tpu.dma_semaphore, #tpu.memory_space<semaphore_mem>>) src(%dma_wait3A_141 : memref<10000x128xf32, #tpu.memory_space<hbm>>) dst(%dma_wait3A_137 : memref<80x128xf32, #tpu.memory_space<vmem>>)
        %dma_start3A_142 = arith.constant 2 : i32
        %dma_start3A_143 = arith.constant 0 : i32
        %dma_start3A_144 = arith.constant 0 : i32
        %dma_start3A_145 = tpu.memref_slice %arg9[%dma_start3A_142, %dma_start3A_143, %dma_start3A_144] : memref<3x80x128xf32, #tpu.memory_space<vmem>> -> memref<1x80x128xf32, #tpu.memory_space<vmem>>
        %dma_start3A_146 = tpu.memref_squeeze %dma_start3A_145 : memref<1x80x128xf32, #tpu.memory_space<vmem>> -> memref<80x128xf32, #tpu.memory_space<vmem>>
        %dma_start3A_147 = arith.constant 0 : i32
        %dma_start3A_148 = tpu.memref_slice %arg8[%add3A_125, %dma_start3A_147] : memref<125x80xi32, #tpu.memory_space<vmem>> -> memref<1x80xi32, #tpu.memory_space<vmem>>
        %dma_start3A_149 = tpu.memref_squeeze %dma_start3A_148 : memref<1x80xi32, #tpu.memory_space<vmem>> -> memref<80xi32, #tpu.memory_space<vmem>>
        %dma_start3A_150 = arith.constant 0 : i32
        %dma_start3A_151 = arith.constant 0 : i32
        %dma_start3A_152 = tpu.memref_slice %arg10[%dma_start3A_150, %dma_start3A_151] : memref<10000x128xf32, #tpu.memory_space<vmem_shared>> -> memref<10000x128xf32, #tpu.memory_space<vmem_shared>>
        tpu.enqueue_indirect_dma source(%dma_start3A_146 : memref<80x128xf32, #tpu.memory_space<vmem>>) target(%dma_start3A_152 : memref<10000x128xf32, #tpu.memory_space<vmem_shared>>) offsets(%dma_start3A_149 : memref<80xi32, #tpu.memory_space<vmem>>) semaphore(%arg16 : memref<!tpu.dma_semaphore, #tpu.memory_space<semaphore_mem>>) {add = true}
        %eq3A = arith.constant 0 : i32
        %eq3A_153 = arith.cmpi eq, %add3A_125, %eq3A : i32
        %convert_element_type3A_154 = arith.extui %eq3A_153 : i1 to i32
        %cond3A_155 = arith.constant 0 : i32
        %cond3A_156 = arith.cmpi ne, %convert_element_type3A_154, %cond3A_155 : i32
        scf.if %cond3A_156 {
          %dma_start3A_167 = arith.constant 2 : i32
          %dma_start3A_168 = arith.constant 0 : i32
          %dma_start3A_169 = arith.constant 0 : i32
          %dma_start3A_170 = tpu.memref_slice %arg9[%dma_start3A_167, %dma_start3A_168, %dma_start3A_169] : memref<3x80x128xf32, #tpu.memory_space<vmem>> -> memref<1x80x128xf32, #tpu.memory_space<vmem>>
          %dma_start3A_171 = tpu.memref_squeeze %dma_start3A_170 : memref<1x80x128xf32, #tpu.memory_space<vmem>> -> memref<80x128xf32, #tpu.memory_space<vmem>>
          %dma_start3A_172 = arith.constant 160 : i32
          %dma_start3A_173 = tpu.memref_slice %arg7[%dma_start3A_172] : memref<10000xi32, #tpu.memory_space<vmem>> -> memref<80xi32, #tpu.memory_space<vmem>>
          %dma_start3A_174 = arith.constant 0 : i32
          %dma_start3A_175 = arith.constant 0 : i32
          %dma_start3A_176 = tpu.memref_slice %arg2[%dma_start3A_174, %dma_start3A_175] : memref<10000x128xf32, #tpu.memory_space<hbm>> -> memref<10000x128xf32, #tpu.memory_space<hbm>>
          tpu.enqueue_indirect_dma source(%dma_start3A_176 : memref<10000x128xf32, #tpu.memory_space<hbm>>) target(%dma_start3A_171 : memref<80x128xf32, #tpu.memory_space<vmem>>) offsets(%dma_start3A_173 : memref<80xi32, #tpu.memory_space<vmem>>) semaphore(%arg13 : memref<!tpu.dma_semaphore, #tpu.memory_space<semaphore_mem>>)
        } else {
        }
        %ge3A = arith.constant 1 : i32
        %ge3A_157 = arith.cmpi sge, %add3A_125, %ge3A : i32
        %add3A_158 = arith.constant 3 : i32
        %add3A_159 = arith.addi %add3A_125, %add3A_158 : i32
        %sub3A_160 = arith.constant 1 : i32
        %sub3A_161 = arith.subi %add3A_159, %sub3A_160 : i32
        %lt3A_162 = arith.constant 125 : i32
        %lt3A_163 = arith.cmpi slt, %sub3A_161, %lt3A_162 : i32
        %and3A = arith.andi %ge3A_157, %lt3A_163 : i1
        %convert_element_type3A_164 = arith.extui %and3A : i1 to i32
        %cond3A_165 = arith.constant 0 : i32
        %cond3A_166 = arith.cmpi ne, %convert_element_type3A_164, %cond3A_165 : i32
        scf.if %cond3A_166 {
          %sub3A_167 = arith.constant 1 : i32
          %sub3A_168 = arith.subi %add3A_125, %sub3A_167 : i32
          %dma_wait3A_169 = arith.constant 1 : i32
          %dma_wait3A_170 = arith.constant 0 : i32
          %dma_wait3A_171 = arith.constant 0 : i32
          %dma_wait3A_172 = tpu.memref_slice %arg9[%dma_wait3A_169, %dma_wait3A_170, %dma_wait3A_171] : memref<3x80x128xf32, #tpu.memory_space<vmem>> -> memref<1x80x128xf32, #tpu.memory_space<vmem>>
          %dma_wait3A_173 = tpu.memref_squeeze %dma_wait3A_172 : memref<1x80x128xf32, #tpu.memory_space<vmem>> -> memref<80x128xf32, #tpu.memory_space<vmem>>
          %dma_wait3A_174 = arith.constant 0 : i32
          %dma_wait3A_175 = tpu.memref_slice %arg8[%sub3A_168, %dma_wait3A_174] : memref<125x80xi32, #tpu.memory_space<vmem>> -> memref<1x80xi32, #tpu.memory_space<vmem>>
          %dma_wait3A_176 = tpu.memref_squeeze %dma_wait3A_175 : memref<1x80xi32, #tpu.memory_space<vmem>> -> memref<80xi32, #tpu.memory_space<vmem>>
          %dma_wait3A_177 = arith.constant 0 : i32
          %dma_wait3A_178 = arith.constant 0 : i32
          %dma_wait3A_179 = tpu.memref_slice %arg10[%dma_wait3A_177, %dma_wait3A_178] : memref<10000x128xf32, #tpu.memory_space<vmem_shared>> -> memref<10000x128xf32, #tpu.memory_space<vmem_shared>>
          tpu.wait_indirect_dma semaphore(%arg15 : memref<!tpu.dma_semaphore, #tpu.memory_space<semaphore_mem>>) src(%dma_wait3A_173 : memref<80x128xf32, #tpu.memory_space<vmem>>) dst(%dma_wait3A_179 : memref<10000x128xf32, #tpu.memory_space<vmem_shared>>)
          %add3A_180 = arith.constant 3 : i32
          %add3A_181 = arith.addi %add3A_125, %add3A_180 : i32
          %sub3A_182 = arith.constant 1 : i32
          %sub3A_183 = arith.subi %add3A_181, %sub3A_182 : i32
          %mul3A_184 = arith.constant 80 : i32
          %mul3A_185 = arith.muli %sub3A_183, %mul3A_184 : i32
          %dma_start3A_186 = arith.constant 1 : i32
          %dma_start3A_187 = arith.constant 0 : i32
          %dma_start3A_188 = arith.constant 0 : i32
          %dma_start3A_189 = tpu.memref_slice %arg9[%dma_start3A_186, %dma_start3A_187, %dma_start3A_188] : memref<3x80x128xf32, #tpu.memory_space<vmem>> -> memref<1x80x128xf32, #tpu.memory_space<vmem>>
          %dma_start3A_190 = tpu.memref_squeeze %dma_start3A_189 : memref<1x80x128xf32, #tpu.memory_space<vmem>> -> memref<80x128xf32, #tpu.memory_space<vmem>>
          %dma_start3A_191 = tpu.memref_slice %arg7[%mul3A_185] : memref<10000xi32, #tpu.memory_space<vmem>> -> memref<80xi32, #tpu.memory_space<vmem>>
          %dma_start3A_192 = arith.constant 0 : i32
          %dma_start3A_193 = arith.constant 0 : i32
          %dma_start3A_194 = tpu.memref_slice %arg2[%dma_start3A_192, %dma_start3A_193] : memref<10000x128xf32, #tpu.memory_space<hbm>> -> memref<10000x128xf32, #tpu.memory_space<hbm>>
          tpu.enqueue_indirect_dma source(%dma_start3A_194 : memref<10000x128xf32, #tpu.memory_space<hbm>>) target(%dma_start3A_190 : memref<80x128xf32, #tpu.memory_space<vmem>>) offsets(%dma_start3A_191 : memref<80xi32, #tpu.memory_space<vmem>>) semaphore(%arg12 : memref<!tpu.dma_semaphore, #tpu.memory_space<semaphore_mem>>)
        } else {
        }
      } else {
      }
    }
    %scan3A_65 = arith.constant 42 : i32
    %dma_wait3A = arith.constant 2 : i32
    %dma_wait3A_66 = arith.constant 122 : i32
    %dma_wait3A_67 = arith.constant 0 : i32
    %dma_wait3A_68 = arith.constant 0 : i32
    %dma_wait3A_69 = tpu.memref_slice %arg9[%dma_wait3A, %dma_wait3A_67, %dma_wait3A_68] : memref<3x80x128xf32, #tpu.memory_space<vmem>> -> memref<1x80x128xf32, #tpu.memory_space<vmem>>
    %dma_wait3A_70 = tpu.memref_squeeze %dma_wait3A_69 : memref<1x80x128xf32, #tpu.memory_space<vmem>> -> memref<80x128xf32, #tpu.memory_space<vmem>>
    %dma_wait3A_71 = arith.constant 0 : i32
    %dma_wait3A_72 = tpu.memref_slice %arg8[%dma_wait3A_66, %dma_wait3A_71] : memref<125x80xi32, #tpu.memory_space<vmem>> -> memref<1x80xi32, #tpu.memory_space<vmem>>
    %dma_wait3A_73 = tpu.memref_squeeze %dma_wait3A_72 : memref<1x80xi32, #tpu.memory_space<vmem>> -> memref<80xi32, #tpu.memory_space<vmem>>
    %dma_wait3A_74 = arith.constant 0 : i32
    %dma_wait3A_75 = arith.constant 0 : i32
    %dma_wait3A_76 = tpu.memref_slice %arg10[%dma_wait3A_74, %dma_wait3A_75] : memref<10000x128xf32, #tpu.memory_space<vmem_shared>> -> memref<10000x128xf32, #tpu.memory_space<vmem_shared>>
    tpu.wait_indirect_dma semaphore(%arg16 : memref<!tpu.dma_semaphore, #tpu.memory_space<semaphore_mem>>) src(%dma_wait3A_70 : memref<80x128xf32, #tpu.memory_space<vmem>>) dst(%dma_wait3A_76 : memref<10000x128xf32, #tpu.memory_space<vmem_shared>>)
    %dma_wait3A_77 = arith.constant 0 : i32
    %dma_wait3A_78 = arith.constant 123 : i32
    %dma_wait3A_79 = arith.constant 0 : i32
    %dma_wait3A_80 = arith.constant 0 : i32
    %dma_wait3A_81 = tpu.memref_slice %arg9[%dma_wait3A_77, %dma_wait3A_79, %dma_wait3A_80] : memref<3x80x128xf32, #tpu.memory_space<vmem>> -> memref<1x80x128xf32, #tpu.memory_space<vmem>>
    %dma_wait3A_82 = tpu.memref_squeeze %dma_wait3A_81 : memref<1x80x128xf32, #tpu.memory_space<vmem>> -> memref<80x128xf32, #tpu.memory_space<vmem>>
    %dma_wait3A_83 = arith.constant 0 : i32
    %dma_wait3A_84 = tpu.memref_slice %arg8[%dma_wait3A_78, %dma_wait3A_83] : memref<125x80xi32, #tpu.memory_space<vmem>> -> memref<1x80xi32, #tpu.memory_space<vmem>>
    %dma_wait3A_85 = tpu.memref_squeeze %dma_wait3A_84 : memref<1x80xi32, #tpu.memory_space<vmem>> -> memref<80xi32, #tpu.memory_space<vmem>>
    %dma_wait3A_86 = arith.constant 0 : i32
    %dma_wait3A_87 = arith.constant 0 : i32
    %dma_wait3A_88 = tpu.memref_slice %arg10[%dma_wait3A_86, %dma_wait3A_87] : memref<10000x128xf32, #tpu.memory_space<vmem_shared>> -> memref<10000x128xf32, #tpu.memory_space<vmem_shared>>
    tpu.wait_indirect_dma semaphore(%arg14 : memref<!tpu.dma_semaphore, #tpu.memory_space<semaphore_mem>>) src(%dma_wait3A_82 : memref<80x128xf32, #tpu.memory_space<vmem>>) dst(%dma_wait3A_88 : memref<10000x128xf32, #tpu.memory_space<vmem_shared>>)
    %dma_wait3A_89 = arith.constant 1 : i32
    %dma_wait3A_90 = arith.constant 124 : i32
    %dma_wait3A_91 = arith.constant 0 : i32
    %dma_wait3A_92 = arith.constant 0 : i32
    %dma_wait3A_93 = tpu.memref_slice %arg9[%dma_wait3A_89, %dma_wait3A_91, %dma_wait3A_92] : memref<3x80x128xf32, #tpu.memory_space<vmem>> -> memref<1x80x128xf32, #tpu.memory_space<vmem>>
    %dma_wait3A_94 = tpu.memref_squeeze %dma_wait3A_93 : memref<1x80x128xf32, #tpu.memory_space<vmem>> -> memref<80x128xf32, #tpu.memory_space<vmem>>
    %dma_wait3A_95 = arith.constant 0 : i32
    %dma_wait3A_96 = tpu.memref_slice %arg8[%dma_wait3A_90, %dma_wait3A_95] : memref<125x80xi32, #tpu.memory_space<vmem>> -> memref<1x80xi32, #tpu.memory_space<vmem>>
    %dma_wait3A_97 = tpu.memref_squeeze %dma_wait3A_96 : memref<1x80xi32, #tpu.memory_space<vmem>> -> memref<80xi32, #tpu.memory_space<vmem>>
    %dma_wait3A_98 = arith.constant 0 : i32
    %dma_wait3A_99 = arith.constant 0 : i32
    %dma_wait3A_100 = tpu.memref_slice %arg10[%dma_wait3A_98, %dma_wait3A_99] : memref<10000x128xf32, #tpu.memory_space<vmem_shared>> -> memref<10000x128xf32, #tpu.memory_space<vmem_shared>>
    tpu.wait_indirect_dma semaphore(%arg15 : memref<!tpu.dma_semaphore, #tpu.memory_space<semaphore_mem>>) src(%dma_wait3A_94 : memref<80x128xf32, #tpu.memory_space<vmem>>) dst(%dma_wait3A_100 : memref<10000x128xf32, #tpu.memory_space<vmem_shared>>)
    %barrier3A_101 = arith.constant 0 : index
    tpu.barrier barrier_id(%barrier3A_101)
    %mul3A_102 = arith.constant 625 : i32
    %mul3A_103 = arith.muli %arg1, %mul3A_102 : i32
    %mul3A_104 = arith.constant 625 : i32
    %mul3A_105 = arith.muli %arg1, %mul3A_104 : i32
    "tpu.region"() ({
      %run_scoped3A_106 = tpu.sem_alloc : memref<!tpu.dma_semaphore, #tpu.memory_space<semaphore_mem>>
      %dma_start3A_107 = arith.constant 0 : i32
      %dma_start3A_108 = tpu.memref_slice %arg6[%arg0, %mul3A_105, %dma_start3A_107] : memref<2x10000x128xf32, #tpu.memory_space<hbm>> -> memref<1x625x128xf32, #tpu.memory_space<hbm>>
      %dma_start3A_109 = tpu.memref_squeeze %dma_start3A_108 : memref<1x625x128xf32, #tpu.memory_space<hbm>> -> memref<625x128xf32, #tpu.memory_space<hbm>>
      %dma_start3A_110 = arith.constant 0 : i32
      %dma_start3A_111 = tpu.memref_slice %arg10[%mul3A_103, %dma_start3A_110] : memref<10000x128xf32, #tpu.memory_space<vmem_shared>> -> memref<625x128xf32, #tpu.memory_space<vmem_shared>>
      tpu.enqueue_dma source(%dma_start3A_111 : memref<625x128xf32, #tpu.memory_space<vmem_shared>>) target(%dma_start3A_109 : memref<625x128xf32, #tpu.memory_space<hbm>>) target_semaphore(%run_scoped3A_106 : memref<!tpu.dma_semaphore, #tpu.memory_space<semaphore_mem>>)
      %dma_wait3A_112 = arith.constant 0 : i32
      %dma_wait3A_113 = tpu.memref_slice %arg6[%arg0, %mul3A_105, %dma_wait3A_112] : memref<2x10000x128xf32, #tpu.memory_space<hbm>> -> memref<1x625x128xf32, #tpu.memory_space<hbm>>
      %dma_wait3A_114 = tpu.memref_squeeze %dma_wait3A_113 : memref<1x625x128xf32, #tpu.memory_space<hbm>> -> memref<625x128xf32, #tpu.memory_space<hbm>>
      %dma_wait3A_115 = arith.constant 0 : i32
      %dma_wait3A_116 = tpu.memref_slice %arg10[%mul3A_103, %dma_wait3A_115] : memref<10000x128xf32, #tpu.memory_space<vmem_shared>> -> memref<625x128xf32, #tpu.memory_space<vmem_shared>>
      tpu.wait_dma2 semaphore(%run_scoped3A_106 : memref<!tpu.dma_semaphore, #tpu.memory_space<semaphore_mem>>) src(%dma_wait3A_116 : memref<625x128xf32, #tpu.memory_space<vmem_shared>>) dst(%dma_wait3A_114 : memref<625x128xf32, #tpu.memory_space<hbm>>)
      tpu.yield
    }) : () -> ()
    return
  }
}

#map = affine_map<(d0, d1) -> (0, 0)>
#map1 = affine_map<(d0, d1) -> (0, 0, 0)>
module attributes {stable_mosaic.version = 14 : i64} {
  func.func @_msg(%arg0: i32, %arg1: i32, %arg2: memref<10000x128xf32, #tpu.memory_space<hbm>>, %arg3: memref<32x10000xi32, #tpu.memory_space<hbm>>, %arg4: memref<32x125x80xi32, #tpu.memory_space<hbm>>, %arg5: memref<80x128xf32, #tpu.memory_space<hbm>>, %arg6: memref<2x10000x128xf32, #tpu.memory_space<hbm>>, %arg7: memref<10000xi32, #tpu.memory_space<vmem>>, %arg8: memref<125x80xi32, #tpu.memory_space<vmem>>, %arg9: memref<3x80x128xf32, #tpu.memory_space<vmem>>, %arg10: memref<10000x128xf32, #tpu.memory_space<vmem_shared>>, %arg11: memref<!tpu.dma_semaphore, #tpu.memory_space<semaphore_mem>>, %arg12: memref<!tpu.dma_semaphore, #tpu.memory_space<semaphore_mem>>, %arg13: memref<!tpu.dma_semaphore, #tpu.memory_space<semaphore_mem>>, %arg14: memref<!tpu.dma_semaphore, #tpu.memory_space<semaphore_mem>>, %arg15: memref<!tpu.dma_semaphore, #tpu.memory_space<semaphore_mem>>, %arg16: memref<!tpu.dma_semaphore, #tpu.memory_space<semaphore_mem>>) attributes {dimension_semantics = [#tpu.dimension_semantics<core_parallel>, #tpu.dimension_semantics<subcore_parallel>], iteration_bounds = array<i64: 2, 16>, scalar_prefetch = 0 : i64, scratch_operands = 10 : i64, tpu.core_type = #tpu.core_type<sc_vector_subcore>, window_params = [{transform_indices = #map}, {transform_indices = #map}, {transform_indices = #map1}, {transform_indices = #map}, {transform_indices = #map1}]} {
    %mul3A = arith.constant 2 : i32
    %mul3A_0 = arith.muli %arg1, %mul3A : i32
    %add3A = arith.addi %mul3A_0, %arg0 : i32
    "tpu.region"() ({
      %run_scoped3A_106 = tpu.sem_alloc : memref<!tpu.dma_semaphore, #tpu.memory_space<semaphore_mem>>
      %dma_start3A_107 = arith.constant 0 : i32
      %dma_start3A_108 = tpu.memref_slice %arg3[%add3A, %dma_start3A_107] : memref<32x10000xi32, #tpu.memory_space<hbm>> -> memref<1x10000xi32, #tpu.memory_space<hbm>>
      %dma_start3A_109 = tpu.memref_squeeze %dma_start3A_108 : memref<1x10000xi32, #tpu.memory_space<hbm>> -> memref<10000xi32, #tpu.memory_space<hbm>>
      %dma_start3A_110 = arith.constant 0 : i32
      %dma_start3A_111 = tpu.memref_slice %arg3[%add3A, %dma_start3A_110] : memref<32x10000xi32, #tpu.memory_space<hbm>> -> memref<1x10000xi32, #tpu.memory_space<hbm>>
      %dma_start3A_112 = tpu.memref_squeeze %dma_start3A_111 : memref<1x10000xi32, #tpu.memory_space<hbm>> -> memref<10000xi32, #tpu.memory_space<hbm>>
      tpu.enqueue_dma source(%dma_start3A_112 : memref<10000xi32, #tpu.memory_space<hbm>>) target(%arg7 : memref<10000xi32, #tpu.memory_space<vmem>>) target_semaphore(%run_scoped3A_106 : memref<!tpu.dma_semaphore, #tpu.memory_space<semaphore_mem>>)
      %dma_wait3A_113 = arith.constant 0 : i32
      %dma_wait3A_114 = tpu.memref_slice %arg3[%add3A, %dma_wait3A_113] : memref<32x10000xi32, #tpu.memory_space<hbm>> -> memref<1x10000xi32, #tpu.memory_space<hbm>>
      %dma_wait3A_115 = tpu.memref_squeeze %dma_wait3A_114 : memref<1x10000xi32, #tpu.memory_space<hbm>> -> memref<10000xi32, #tpu.memory_space<hbm>>
      %dma_wait3A_116 = arith.constant 0 : i32
      %dma_wait3A_117 = tpu.memref_slice %arg3[%add3A, %dma_wait3A_116] : memref<32x10000xi32, #tpu.memory_space<hbm>> -> memref<1x10000xi32, #tpu.memory_space<hbm>>
      %dma_wait3A_118 = tpu.memref_squeeze %dma_wait3A_117 : memref<1x10000xi32, #tpu.memory_space<hbm>> -> memref<10000xi32, #tpu.memory_space<hbm>>
      tpu.wait_dma2 semaphore(%run_scoped3A_106 : memref<!tpu.dma_semaphore, #tpu.memory_space<semaphore_mem>>) src(%dma_wait3A_118 : memref<10000xi32, #tpu.memory_space<hbm>>) dst(%arg7 : memref<10000xi32, #tpu.memory_space<vmem>>)
      tpu.yield
    }) : () -> ()
    "tpu.region"() ({
      %run_scoped3A_106 = tpu.sem_alloc : memref<!tpu.dma_semaphore, #tpu.memory_space<semaphore_mem>>
      %dma_start3A_107 = arith.constant 0 : i32
      %dma_start3A_108 = arith.constant 0 : i32
      %dma_start3A_109 = tpu.memref_slice %arg4[%add3A, %dma_start3A_107, %dma_start3A_108] : memref<32x125x80xi32, #tpu.memory_space<hbm>> -> memref<1x125x80xi32, #tpu.memory_space<hbm>>
      %dma_start3A_110 = tpu.memref_squeeze %dma_start3A_109 : memref<1x125x80xi32, #tpu.memory_space<hbm>> -> memref<125x80xi32, #tpu.memory_space<hbm>>
      %dma_start3A_111 = arith.constant 0 : i32
      %dma_start3A_112 = arith.constant 0 : i32
      %dma_start3A_113 = tpu.memref_slice %arg4[%add3A, %dma_start3A_111, %dma_start3A_112] : memref<32x125x80xi32, #tpu.memory_space<hbm>> -> memref<1x125x80xi32, #tpu.memory_space<hbm>>
      %dma_start3A_114 = tpu.memref_squeeze %dma_start3A_113 : memref<1x125x80xi32, #tpu.memory_space<hbm>> -> memref<125x80xi32, #tpu.memory_space<hbm>>
      tpu.enqueue_dma source(%dma_start3A_114 : memref<125x80xi32, #tpu.memory_space<hbm>>) target(%arg8 : memref<125x80xi32, #tpu.memory_space<vmem>>) target_semaphore(%run_scoped3A_106 : memref<!tpu.dma_semaphore, #tpu.memory_space<semaphore_mem>>)
      %dma_wait3A_115 = arith.constant 0 : i32
      %dma_wait3A_116 = arith.constant 0 : i32
      %dma_wait3A_117 = tpu.memref_slice %arg4[%add3A, %dma_wait3A_115, %dma_wait3A_116] : memref<32x125x80xi32, #tpu.memory_space<hbm>> -> memref<1x125x80xi32, #tpu.memory_space<hbm>>
      %dma_wait3A_118 = tpu.memref_squeeze %dma_wait3A_117 : memref<1x125x80xi32, #tpu.memory_space<hbm>> -> memref<125x80xi32, #tpu.memory_space<hbm>>
      %dma_wait3A_119 = arith.constant 0 : i32
      %dma_wait3A_120 = arith.constant 0 : i32
      %dma_wait3A_121 = tpu.memref_slice %arg4[%add3A, %dma_wait3A_119, %dma_wait3A_120] : memref<32x125x80xi32, #tpu.memory_space<hbm>> -> memref<1x125x80xi32, #tpu.memory_space<hbm>>
      %dma_wait3A_122 = tpu.memref_squeeze %dma_wait3A_121 : memref<1x125x80xi32, #tpu.memory_space<hbm>> -> memref<125x80xi32, #tpu.memory_space<hbm>>
      tpu.wait_dma2 semaphore(%run_scoped3A_106 : memref<!tpu.dma_semaphore, #tpu.memory_space<semaphore_mem>>) src(%dma_wait3A_122 : memref<125x80xi32, #tpu.memory_space<hbm>>) dst(%arg8 : memref<125x80xi32, #tpu.memory_space<vmem>>)
      tpu.yield
    }) : () -> ()
    %run_scoped3A = arith.constant 0 : i32
    "tpu.region"() ({
      %run_scoped3A_106 = tpu.sem_alloc : memref<!tpu.dma_semaphore, #tpu.memory_space<semaphore_mem>>
      %dma_start3A_107 = arith.constant 0 : i32
      %dma_start3A_108 = arith.constant 0 : i32
      %dma_start3A_109 = tpu.memref_slice %arg9[%run_scoped3A, %dma_start3A_107, %dma_start3A_108] : memref<3x80x128xf32, #tpu.memory_space<vmem>> -> memref<1x80x128xf32, #tpu.memory_space<vmem>>
      %dma_start3A_110 = tpu.memref_squeeze %dma_start3A_109 : memref<1x80x128xf32, #tpu.memory_space<vmem>> -> memref<80x128xf32, #tpu.memory_space<vmem>>
      %dma_start3A_111 = arith.constant 0 : i32
      %dma_start3A_112 = arith.constant 0 : i32
      %dma_start3A_113 = tpu.memref_slice %arg9[%run_scoped3A, %dma_start3A_111, %dma_start3A_112] : memref<3x80x128xf32, #tpu.memory_space<vmem>> -> memref<1x80x128xf32, #tpu.memory_space<vmem>>
      %dma_start3A_114 = tpu.memref_squeeze %dma_start3A_113 : memref<1x80x128xf32, #tpu.memory_space<vmem>> -> memref<80x128xf32, #tpu.memory_space<vmem>>
      tpu.enqueue_dma source(%arg5 : memref<80x128xf32, #tpu.memory_space<hbm>>) target(%dma_start3A_114 : memref<80x128xf32, #tpu.memory_space<vmem>>) target_semaphore(%run_scoped3A_106 : memref<!tpu.dma_semaphore, #tpu.memory_space<semaphore_mem>>)
      %dma_wait3A_115 = arith.constant 0 : i32
      %dma_wait3A_116 = arith.constant 0 : i32
      %dma_wait3A_117 = tpu.memref_slice %arg9[%run_scoped3A, %dma_wait3A_115, %dma_wait3A_116] : memref<3x80x128xf32, #tpu.memory_space<vmem>> -> memref<1x80x128xf32, #tpu.memory_space<vmem>>
      %dma_wait3A_118 = tpu.memref_squeeze %dma_wait3A_117 : memref<1x80x128xf32, #tpu.memory_space<vmem>> -> memref<80x128xf32, #tpu.memory_space<vmem>>
      %dma_wait3A_119 = arith.constant 0 : i32
      %dma_wait3A_120 = arith.constant 0 : i32
      %dma_wait3A_121 = tpu.memref_slice %arg9[%run_scoped3A, %dma_wait3A_119, %dma_wait3A_120] : memref<3x80x128xf32, #tpu.memory_space<vmem>> -> memref<1x80x128xf32, #tpu.memory_space<vmem>>
      %dma_wait3A_122 = tpu.memref_squeeze %dma_wait3A_121 : memref<1x80x128xf32, #tpu.memory_space<vmem>> -> memref<80x128xf32, #tpu.memory_space<vmem>>
      tpu.wait_dma2 semaphore(%run_scoped3A_106 : memref<!tpu.dma_semaphore, #tpu.memory_space<semaphore_mem>>) src(%arg5 : memref<80x128xf32, #tpu.memory_space<hbm>>) dst(%dma_wait3A_122 : memref<80x128xf32, #tpu.memory_space<vmem>>)
      tpu.yield
    }) : () -> ()
    %mul3A_1 = arith.constant 625 : i32
    %mul3A_2 = arith.muli %arg1, %mul3A_1 : i32
    %add3A_3 = arith.constant 0 : i32
    %add3A_4 = arith.addi %mul3A_2, %add3A_3 : i32
    %run_scoped3A_5 = arith.constant 0 : i32
    "tpu.region"() ({
      %run_scoped3A_106 = tpu.sem_alloc : memref<!tpu.dma_semaphore, #tpu.memory_space<semaphore_mem>>
      %dma_start3A_107 = arith.constant 0 : i32
      %dma_start3A_108 = arith.constant 0 : i32
      %dma_start3A_109 = tpu.memref_slice %arg9[%run_scoped3A_5, %dma_start3A_107, %dma_start3A_108] : memref<3x80x128xf32, #tpu.memory_space<vmem>> -> memref<1x80x128xf32, #tpu.memory_space<vmem>>
      %dma_start3A_110 = tpu.memref_squeeze %dma_start3A_109 : memref<1x80x128xf32, #tpu.memory_space<vmem>> -> memref<80x128xf32, #tpu.memory_space<vmem>>
      %dma_start3A_111 = arith.constant 0 : i32
      %dma_start3A_112 = tpu.memref_slice %arg10[%add3A_4, %dma_start3A_111] : memref<10000x128xf32, #tpu.memory_space<vmem_shared>> -> memref<80x128xf32, #tpu.memory_space<vmem_shared>>
      %dma_start3A_113 = arith.constant 0 : i32
      %dma_start3A_114 = tpu.memref_slice %arg10[%add3A_4, %dma_start3A_113] : memref<10000x128xf32, #tpu.memory_space<vmem_shared>> -> memref<80x128xf32, #tpu.memory_space<vmem_shared>>
      %dma_start3A_115 = arith.constant 0 : i32
      %dma_start3A_116 = arith.constant 0 : i32
      %dma_start3A_117 = tpu.memref_slice %arg9[%run_scoped3A_5, %dma_start3A_115, %dma_start3A_116] : memref<3x80x128xf32, #tpu.memory_space<vmem>> -> memref<1x80x128xf32, #tpu.memory_space<vmem>>
      %dma_start3A_118 = tpu.memref_squeeze %dma_start3A_117 : memref<1x80x128xf32, #tpu.memory_space<vmem>> -> memref<80x128xf32, #tpu.memory_space<vmem>>
      tpu.enqueue_dma source(%dma_start3A_118 : memref<80x128xf32, #tpu.memory_space<vmem>>) target(%dma_start3A_114 : memref<80x128xf32, #tpu.memory_space<vmem_shared>>) target_semaphore(%run_scoped3A_106 : memref<!tpu.dma_semaphore, #tpu.memory_space<semaphore_mem>>)
      %dma_wait3A_119 = arith.constant 0 : i32
      %dma_wait3A_120 = arith.constant 0 : i32
      %dma_wait3A_121 = tpu.memref_slice %arg9[%run_scoped3A_5, %dma_wait3A_119, %dma_wait3A_120] : memref<3x80x128xf32, #tpu.memory_space<vmem>> -> memref<1x80x128xf32, #tpu.memory_space<vmem>>
      %dma_wait3A_122 = tpu.memref_squeeze %dma_wait3A_121 : memref<1x80x128xf32, #tpu.memory_space<vmem>> -> memref<80x128xf32, #tpu.memory_space<vmem>>
      %dma_wait3A_123 = arith.constant 0 : i32
      %dma_wait3A_124 = tpu.memref_slice %arg10[%add3A_4, %dma_wait3A_123] : memref<10000x128xf32, #tpu.memory_space<vmem_shared>> -> memref<80x128xf32, #tpu.memory_space<vmem_shared>>
      %dma_wait3A_125 = arith.constant 0 : i32
      %dma_wait3A_126 = tpu.memref_slice %arg10[%add3A_4, %dma_wait3A_125] : memref<10000x128xf32, #tpu.memory_space<vmem_shared>> -> memref<80x128xf32, #tpu.memory_space<vmem_shared>>
      %dma_wait3A_127 = arith.constant 0 : i32
      %dma_wait3A_128 = arith.constant 0 : i32
      %dma_wait3A_129 = tpu.memref_slice %arg9[%run_scoped3A_5, %dma_wait3A_127, %dma_wait3A_128] : memref<3x80x128xf32, #tpu.memory_space<vmem>> -> memref<1x80x128xf32, #tpu.memory_space<vmem>>
      %dma_wait3A_130 = tpu.memref_squeeze %dma_wait3A_129 : memref<1x80x128xf32, #tpu.memory_space<vmem>> -> memref<80x128xf32, #tpu.memory_space<vmem>>
      tpu.wait_dma2 semaphore(%run_scoped3A_106 : memref<!tpu.dma_semaphore, #tpu.memory_space<semaphore_mem>>) src(%dma_wait3A_130 : memref<80x128xf32, #tpu.memory_space<vmem>>) dst(%dma_wait3A_126 : memref<80x128xf32, #tpu.memory_space<vmem_shared>>)
      tpu.yield
    }) : () -> ()
    %mul3A_6 = arith.constant 625 : i32
    %mul3A_7 = arith.muli %arg1, %mul3A_6 : i32
    %add3A_8 = arith.constant 80 : i32
    %add3A_9 = arith.addi %mul3A_7, %add3A_8 : i32
    %run_scoped3A_10 = arith.constant 0 : i32
    "tpu.region"() ({
      %run_scoped3A_106 = tpu.sem_alloc : memref<!tpu.dma_semaphore, #tpu.memory_space<semaphore_mem>>
      %dma_start3A_107 = arith.constant 0 : i32
      %dma_start3A_108 = arith.constant 0 : i32
      %dma_start3A_109 = tpu.memref_slice %arg9[%run_scoped3A_10, %dma_start3A_107, %dma_start3A_108] : memref<3x80x128xf32, #tpu.memory_space<vmem>> -> memref<1x80x128xf32, #tpu.memory_space<vmem>>
      %dma_start3A_110 = tpu.memref_squeeze %dma_start3A_109 : memref<1x80x128xf32, #tpu.memory_space<vmem>> -> memref<80x128xf32, #tpu.memory_space<vmem>>
      %dma_start3A_111 = arith.constant 0 : i32
      %dma_start3A_112 = tpu.memref_slice %arg10[%add3A_9, %dma_start3A_111] : memref<10000x128xf32, #tpu.memory_space<vmem_shared>> -> memref<80x128xf32, #tpu.memory_space<vmem_shared>>
      %dma_start3A_113 = arith.constant 0 : i32
      %dma_start3A_114 = tpu.memref_slice %arg10[%add3A_9, %dma_start3A_113] : memref<10000x128xf32, #tpu.memory_space<vmem_shared>> -> memref<80x128xf32, #tpu.memory_space<vmem_shared>>
      %dma_start3A_115 = arith.constant 0 : i32
      %dma_start3A_116 = arith.constant 0 : i32
      %dma_start3A_117 = tpu.memref_slice %arg9[%run_scoped3A_10, %dma_start3A_115, %dma_start3A_116] : memref<3x80x128xf32, #tpu.memory_space<vmem>> -> memref<1x80x128xf32, #tpu.memory_space<vmem>>
      %dma_start3A_118 = tpu.memref_squeeze %dma_start3A_117 : memref<1x80x128xf32, #tpu.memory_space<vmem>> -> memref<80x128xf32, #tpu.memory_space<vmem>>
      tpu.enqueue_dma source(%dma_start3A_118 : memref<80x128xf32, #tpu.memory_space<vmem>>) target(%dma_start3A_114 : memref<80x128xf32, #tpu.memory_space<vmem_shared>>) target_semaphore(%run_scoped3A_106 : memref<!tpu.dma_semaphore, #tpu.memory_space<semaphore_mem>>)
      %dma_wait3A_119 = arith.constant 0 : i32
      %dma_wait3A_120 = arith.constant 0 : i32
      %dma_wait3A_121 = tpu.memref_slice %arg9[%run_scoped3A_10, %dma_wait3A_119, %dma_wait3A_120] : memref<3x80x128xf32, #tpu.memory_space<vmem>> -> memref<1x80x128xf32, #tpu.memory_space<vmem>>
      %dma_wait3A_122 = tpu.memref_squeeze %dma_wait3A_121 : memref<1x80x128xf32, #tpu.memory_space<vmem>> -> memref<80x128xf32, #tpu.memory_space<vmem>>
      %dma_wait3A_123 = arith.constant 0 : i32
      %dma_wait3A_124 = tpu.memref_slice %arg10[%add3A_9, %dma_wait3A_123] : memref<10000x128xf32, #tpu.memory_space<vmem_shared>> -> memref<80x128xf32, #tpu.memory_space<vmem_shared>>
      %dma_wait3A_125 = arith.constant 0 : i32
      %dma_wait3A_126 = tpu.memref_slice %arg10[%add3A_9, %dma_wait3A_125] : memref<10000x128xf32, #tpu.memory_space<vmem_shared>> -> memref<80x128xf32, #tpu.memory_space<vmem_shared>>
      %dma_wait3A_127 = arith.constant 0 : i32
      %dma_wait3A_128 = arith.constant 0 : i32
      %dma_wait3A_129 = tpu.memref_slice %arg9[%run_scoped3A_10, %dma_wait3A_127, %dma_wait3A_128] : memref<3x80x128xf32, #tpu.memory_space<vmem>> -> memref<1x80x128xf32, #tpu.memory_space<vmem>>
      %dma_wait3A_130 = tpu.memref_squeeze %dma_wait3A_129 : memref<1x80x128xf32, #tpu.memory_space<vmem>> -> memref<80x128xf32, #tpu.memory_space<vmem>>
      tpu.wait_dma2 semaphore(%run_scoped3A_106 : memref<!tpu.dma_semaphore, #tpu.memory_space<semaphore_mem>>) src(%dma_wait3A_130 : memref<80x128xf32, #tpu.memory_space<vmem>>) dst(%dma_wait3A_126 : memref<80x128xf32, #tpu.memory_space<vmem_shared>>)
      tpu.yield
    }) : () -> ()
    %mul3A_11 = arith.constant 625 : i32
    %mul3A_12 = arith.muli %arg1, %mul3A_11 : i32
    %add3A_13 = arith.constant 160 : i32
    %add3A_14 = arith.addi %mul3A_12, %add3A_13 : i32
    %run_scoped3A_15 = arith.constant 0 : i32
    "tpu.region"() ({
      %run_scoped3A_106 = tpu.sem_alloc : memref<!tpu.dma_semaphore, #tpu.memory_space<semaphore_mem>>
      %dma_start3A_107 = arith.constant 0 : i32
      %dma_start3A_108 = arith.constant 0 : i32
      %dma_start3A_109 = tpu.memref_slice %arg9[%run_scoped3A_15, %dma_start3A_107, %dma_start3A_108] : memref<3x80x128xf32, #tpu.memory_space<vmem>> -> memref<1x80x128xf32, #tpu.memory_space<vmem>>
      %dma_start3A_110 = tpu.memref_squeeze %dma_start3A_109 : memref<1x80x128xf32, #tpu.memory_space<vmem>> -> memref<80x128xf32, #tpu.memory_space<vmem>>
      %dma_start3A_111 = arith.constant 0 : i32
      %dma_start3A_112 = tpu.memref_slice %arg10[%add3A_14, %dma_start3A_111] : memref<10000x128xf32, #tpu.memory_space<vmem_shared>> -> memref<80x128xf32, #tpu.memory_space<vmem_shared>>
      %dma_start3A_113 = arith.constant 0 : i32
      %dma_start3A_114 = tpu.memref_slice %arg10[%add3A_14, %dma_start3A_113] : memref<10000x128xf32, #tpu.memory_space<vmem_shared>> -> memref<80x128xf32, #tpu.memory_space<vmem_shared>>
      %dma_start3A_115 = arith.constant 0 : i32
      %dma_start3A_116 = arith.constant 0 : i32
      %dma_start3A_117 = tpu.memref_slice %arg9[%run_scoped3A_15, %dma_start3A_115, %dma_start3A_116] : memref<3x80x128xf32, #tpu.memory_space<vmem>> -> memref<1x80x128xf32, #tpu.memory_space<vmem>>
      %dma_start3A_118 = tpu.memref_squeeze %dma_start3A_117 : memref<1x80x128xf32, #tpu.memory_space<vmem>> -> memref<80x128xf32, #tpu.memory_space<vmem>>
      tpu.enqueue_dma source(%dma_start3A_118 : memref<80x128xf32, #tpu.memory_space<vmem>>) target(%dma_start3A_114 : memref<80x128xf32, #tpu.memory_space<vmem_shared>>) target_semaphore(%run_scoped3A_106 : memref<!tpu.dma_semaphore, #tpu.memory_space<semaphore_mem>>)
      %dma_wait3A_119 = arith.constant 0 : i32
      %dma_wait3A_120 = arith.constant 0 : i32
      %dma_wait3A_121 = tpu.memref_slice %arg9[%run_scoped3A_15, %dma_wait3A_119, %dma_wait3A_120] : memref<3x80x128xf32, #tpu.memory_space<vmem>> -> memref<1x80x128xf32, #tpu.memory_space<vmem>>
      %dma_wait3A_122 = tpu.memref_squeeze %dma_wait3A_121 : memref<1x80x128xf32, #tpu.memory_space<vmem>> -> memref<80x128xf32, #tpu.memory_space<vmem>>
      %dma_wait3A_123 = arith.constant 0 : i32
      %dma_wait3A_124 = tpu.memref_slice %arg10[%add3A_14, %dma_wait3A_123] : memref<10000x128xf32, #tpu.memory_space<vmem_shared>> -> memref<80x128xf32, #tpu.memory_space<vmem_shared>>
      %dma_wait3A_125 = arith.constant 0 : i32
      %dma_wait3A_126 = tpu.memref_slice %arg10[%add3A_14, %dma_wait3A_125] : memref<10000x128xf32, #tpu.memory_space<vmem_shared>> -> memref<80x128xf32, #tpu.memory_space<vmem_shared>>
      %dma_wait3A_127 = arith.constant 0 : i32
      %dma_wait3A_128 = arith.constant 0 : i32
      %dma_wait3A_129 = tpu.memref_slice %arg9[%run_scoped3A_15, %dma_wait3A_127, %dma_wait3A_128] : memref<3x80x128xf32, #tpu.memory_space<vmem>> -> memref<1x80x128xf32, #tpu.memory_space<vmem>>
      %dma_wait3A_130 = tpu.memref_squeeze %dma_wait3A_129 : memref<1x80x128xf32, #tpu.memory_space<vmem>> -> memref<80x128xf32, #tpu.memory_space<vmem>>
      tpu.wait_dma2 semaphore(%run_scoped3A_106 : memref<!tpu.dma_semaphore, #tpu.memory_space<semaphore_mem>>) src(%dma_wait3A_130 : memref<80x128xf32, #tpu.memory_space<vmem>>) dst(%dma_wait3A_126 : memref<80x128xf32, #tpu.memory_space<vmem_shared>>)
      tpu.yield
    }) : () -> ()
    %mul3A_16 = arith.constant 625 : i32
    %mul3A_17 = arith.muli %arg1, %mul3A_16 : i32
    %add3A_18 = arith.constant 240 : i32
    %add3A_19 = arith.addi %mul3A_17, %add3A_18 : i32
    %run_scoped3A_20 = arith.constant 0 : i32
    "tpu.region"() ({
      %run_scoped3A_106 = tpu.sem_alloc : memref<!tpu.dma_semaphore, #tpu.memory_space<semaphore_mem>>
      %dma_start3A_107 = arith.constant 0 : i32
      %dma_start3A_108 = arith.constant 0 : i32
      %dma_start3A_109 = tpu.memref_slice %arg9[%run_scoped3A_20, %dma_start3A_107, %dma_start3A_108] : memref<3x80x128xf32, #tpu.memory_space<vmem>> -> memref<1x80x128xf32, #tpu.memory_space<vmem>>
      %dma_start3A_110 = tpu.memref_squeeze %dma_start3A_109 : memref<1x80x128xf32, #tpu.memory_space<vmem>> -> memref<80x128xf32, #tpu.memory_space<vmem>>
      %dma_start3A_111 = arith.constant 0 : i32
      %dma_start3A_112 = tpu.memref_slice %arg10[%add3A_19, %dma_start3A_111] : memref<10000x128xf32, #tpu.memory_space<vmem_shared>> -> memref<80x128xf32, #tpu.memory_space<vmem_shared>>
      %dma_start3A_113 = arith.constant 0 : i32
      %dma_start3A_114 = tpu.memref_slice %arg10[%add3A_19, %dma_start3A_113] : memref<10000x128xf32, #tpu.memory_space<vmem_shared>> -> memref<80x128xf32, #tpu.memory_space<vmem_shared>>
      %dma_start3A_115 = arith.constant 0 : i32
      %dma_start3A_116 = arith.constant 0 : i32
      %dma_start3A_117 = tpu.memref_slice %arg9[%run_scoped3A_20, %dma_start3A_115, %dma_start3A_116] : memref<3x80x128xf32, #tpu.memory_space<vmem>> -> memref<1x80x128xf32, #tpu.memory_space<vmem>>
      %dma_start3A_118 = tpu.memref_squeeze %dma_start3A_117 : memref<1x80x128xf32, #tpu.memory_space<vmem>> -> memref<80x128xf32, #tpu.memory_space<vmem>>
      tpu.enqueue_dma source(%dma_start3A_118 : memref<80x128xf32, #tpu.memory_space<vmem>>) target(%dma_start3A_114 : memref<80x128xf32, #tpu.memory_space<vmem_shared>>) target_semaphore(%run_scoped3A_106 : memref<!tpu.dma_semaphore, #tpu.memory_space<semaphore_mem>>)
      %dma_wait3A_119 = arith.constant 0 : i32
      %dma_wait3A_120 = arith.constant 0 : i32
      %dma_wait3A_121 = tpu.memref_slice %arg9[%run_scoped3A_20, %dma_wait3A_119, %dma_wait3A_120] : memref<3x80x128xf32, #tpu.memory_space<vmem>> -> memref<1x80x128xf32, #tpu.memory_space<vmem>>
      %dma_wait3A_122 = tpu.memref_squeeze %dma_wait3A_121 : memref<1x80x128xf32, #tpu.memory_space<vmem>> -> memref<80x128xf32, #tpu.memory_space<vmem>>
      %dma_wait3A_123 = arith.constant 0 : i32
      %dma_wait3A_124 = tpu.memref_slice %arg10[%add3A_19, %dma_wait3A_123] : memref<10000x128xf32, #tpu.memory_space<vmem_shared>> -> memref<80x128xf32, #tpu.memory_space<vmem_shared>>
      %dma_wait3A_125 = arith.constant 0 : i32
      %dma_wait3A_126 = tpu.memref_slice %arg10[%add3A_19, %dma_wait3A_125] : memref<10000x128xf32, #tpu.memory_space<vmem_shared>> -> memref<80x128xf32, #tpu.memory_space<vmem_shared>>
      %dma_wait3A_127 = arith.constant 0 : i32
      %dma_wait3A_128 = arith.constant 0 : i32
      %dma_wait3A_129 = tpu.memref_slice %arg9[%run_scoped3A_20, %dma_wait3A_127, %dma_wait3A_128] : memref<3x80x128xf32, #tpu.memory_space<vmem>> -> memref<1x80x128xf32, #tpu.memory_space<vmem>>
      %dma_wait3A_130 = tpu.memref_squeeze %dma_wait3A_129 : memref<1x80x128xf32, #tpu.memory_space<vmem>> -> memref<80x128xf32, #tpu.memory_space<vmem>>
      tpu.wait_dma2 semaphore(%run_scoped3A_106 : memref<!tpu.dma_semaphore, #tpu.memory_space<semaphore_mem>>) src(%dma_wait3A_130 : memref<80x128xf32, #tpu.memory_space<vmem>>) dst(%dma_wait3A_126 : memref<80x128xf32, #tpu.memory_space<vmem_shared>>)
      tpu.yield
    }) : () -> ()
    %mul3A_21 = arith.constant 625 : i32
    %mul3A_22 = arith.muli %arg1, %mul3A_21 : i32
    %add3A_23 = arith.constant 320 : i32
    %add3A_24 = arith.addi %mul3A_22, %add3A_23 : i32
    %run_scoped3A_25 = arith.constant 0 : i32
    "tpu.region"() ({
      %run_scoped3A_106 = tpu.sem_alloc : memref<!tpu.dma_semaphore, #tpu.memory_space<semaphore_mem>>
      %dma_start3A_107 = arith.constant 0 : i32
      %dma_start3A_108 = arith.constant 0 : i32
      %dma_start3A_109 = tpu.memref_slice %arg9[%run_scoped3A_25, %dma_start3A_107, %dma_start3A_108] : memref<3x80x128xf32, #tpu.memory_space<vmem>> -> memref<1x80x128xf32, #tpu.memory_space<vmem>>
      %dma_start3A_110 = tpu.memref_squeeze %dma_start3A_109 : memref<1x80x128xf32, #tpu.memory_space<vmem>> -> memref<80x128xf32, #tpu.memory_space<vmem>>
      %dma_start3A_111 = arith.constant 0 : i32
      %dma_start3A_112 = tpu.memref_slice %arg10[%add3A_24, %dma_start3A_111] : memref<10000x128xf32, #tpu.memory_space<vmem_shared>> -> memref<80x128xf32, #tpu.memory_space<vmem_shared>>
      %dma_start3A_113 = arith.constant 0 : i32
      %dma_start3A_114 = tpu.memref_slice %arg10[%add3A_24, %dma_start3A_113] : memref<10000x128xf32, #tpu.memory_space<vmem_shared>> -> memref<80x128xf32, #tpu.memory_space<vmem_shared>>
      %dma_start3A_115 = arith.constant 0 : i32
      %dma_start3A_116 = arith.constant 0 : i32
      %dma_start3A_117 = tpu.memref_slice %arg9[%run_scoped3A_25, %dma_start3A_115, %dma_start3A_116] : memref<3x80x128xf32, #tpu.memory_space<vmem>> -> memref<1x80x128xf32, #tpu.memory_space<vmem>>
      %dma_start3A_118 = tpu.memref_squeeze %dma_start3A_117 : memref<1x80x128xf32, #tpu.memory_space<vmem>> -> memref<80x128xf32, #tpu.memory_space<vmem>>
      tpu.enqueue_dma source(%dma_start3A_118 : memref<80x128xf32, #tpu.memory_space<vmem>>) target(%dma_start3A_114 : memref<80x128xf32, #tpu.memory_space<vmem_shared>>) target_semaphore(%run_scoped3A_106 : memref<!tpu.dma_semaphore, #tpu.memory_space<semaphore_mem>>)
      %dma_wait3A_119 = arith.constant 0 : i32
      %dma_wait3A_120 = arith.constant 0 : i32
      %dma_wait3A_121 = tpu.memref_slice %arg9[%run_scoped3A_25, %dma_wait3A_119, %dma_wait3A_120] : memref<3x80x128xf32, #tpu.memory_space<vmem>> -> memref<1x80x128xf32, #tpu.memory_space<vmem>>
      %dma_wait3A_122 = tpu.memref_squeeze %dma_wait3A_121 : memref<1x80x128xf32, #tpu.memory_space<vmem>> -> memref<80x128xf32, #tpu.memory_space<vmem>>
      %dma_wait3A_123 = arith.constant 0 : i32
      %dma_wait3A_124 = tpu.memref_slice %arg10[%add3A_24, %dma_wait3A_123] : memref<10000x128xf32, #tpu.memory_space<vmem_shared>> -> memref<80x128xf32, #tpu.memory_space<vmem_shared>>
      %dma_wait3A_125 = arith.constant 0 : i32
      %dma_wait3A_126 = tpu.memref_slice %arg10[%add3A_24, %dma_wait3A_125] : memref<10000x128xf32, #tpu.memory_space<vmem_shared>> -> memref<80x128xf32, #tpu.memory_space<vmem_shared>>
      %dma_wait3A_127 = arith.constant 0 : i32
      %dma_wait3A_128 = arith.constant 0 : i32
      %dma_wait3A_129 = tpu.memref_slice %arg9[%run_scoped3A_25, %dma_wait3A_127, %dma_wait3A_128] : memref<3x80x128xf32, #tpu.memory_space<vmem>> -> memref<1x80x128xf32, #tpu.memory_space<vmem>>
      %dma_wait3A_130 = tpu.memref_squeeze %dma_wait3A_129 : memref<1x80x128xf32, #tpu.memory_space<vmem>> -> memref<80x128xf32, #tpu.memory_space<vmem>>
      tpu.wait_dma2 semaphore(%run_scoped3A_106 : memref<!tpu.dma_semaphore, #tpu.memory_space<semaphore_mem>>) src(%dma_wait3A_130 : memref<80x128xf32, #tpu.memory_space<vmem>>) dst(%dma_wait3A_126 : memref<80x128xf32, #tpu.memory_space<vmem_shared>>)
      tpu.yield
    }) : () -> ()
    %mul3A_26 = arith.constant 625 : i32
    %mul3A_27 = arith.muli %arg1, %mul3A_26 : i32
    %add3A_28 = arith.constant 400 : i32
    %add3A_29 = arith.addi %mul3A_27, %add3A_28 : i32
    %run_scoped3A_30 = arith.constant 0 : i32
    "tpu.region"() ({
      %run_scoped3A_106 = tpu.sem_alloc : memref<!tpu.dma_semaphore, #tpu.memory_space<semaphore_mem>>
      %dma_start3A_107 = arith.constant 0 : i32
      %dma_start3A_108 = arith.constant 0 : i32
      %dma_start3A_109 = tpu.memref_slice %arg9[%run_scoped3A_30, %dma_start3A_107, %dma_start3A_108] : memref<3x80x128xf32, #tpu.memory_space<vmem>> -> memref<1x80x128xf32, #tpu.memory_space<vmem>>
      %dma_start3A_110 = tpu.memref_squeeze %dma_start3A_109 : memref<1x80x128xf32, #tpu.memory_space<vmem>> -> memref<80x128xf32, #tpu.memory_space<vmem>>
      %dma_start3A_111 = arith.constant 0 : i32
      %dma_start3A_112 = tpu.memref_slice %arg10[%add3A_29, %dma_start3A_111] : memref<10000x128xf32, #tpu.memory_space<vmem_shared>> -> memref<80x128xf32, #tpu.memory_space<vmem_shared>>
      %dma_start3A_113 = arith.constant 0 : i32
      %dma_start3A_114 = tpu.memref_slice %arg10[%add3A_29, %dma_start3A_113] : memref<10000x128xf32, #tpu.memory_space<vmem_shared>> -> memref<80x128xf32, #tpu.memory_space<vmem_shared>>
      %dma_start3A_115 = arith.constant 0 : i32
      %dma_start3A_116 = arith.constant 0 : i32
      %dma_start3A_117 = tpu.memref_slice %arg9[%run_scoped3A_30, %dma_start3A_115, %dma_start3A_116] : memref<3x80x128xf32, #tpu.memory_space<vmem>> -> memref<1x80x128xf32, #tpu.memory_space<vmem>>
      %dma_start3A_118 = tpu.memref_squeeze %dma_start3A_117 : memref<1x80x128xf32, #tpu.memory_space<vmem>> -> memref<80x128xf32, #tpu.memory_space<vmem>>
      tpu.enqueue_dma source(%dma_start3A_118 : memref<80x128xf32, #tpu.memory_space<vmem>>) target(%dma_start3A_114 : memref<80x128xf32, #tpu.memory_space<vmem_shared>>) target_semaphore(%run_scoped3A_106 : memref<!tpu.dma_semaphore, #tpu.memory_space<semaphore_mem>>)
      %dma_wait3A_119 = arith.constant 0 : i32
      %dma_wait3A_120 = arith.constant 0 : i32
      %dma_wait3A_121 = tpu.memref_slice %arg9[%run_scoped3A_30, %dma_wait3A_119, %dma_wait3A_120] : memref<3x80x128xf32, #tpu.memory_space<vmem>> -> memref<1x80x128xf32, #tpu.memory_space<vmem>>
      %dma_wait3A_122 = tpu.memref_squeeze %dma_wait3A_121 : memref<1x80x128xf32, #tpu.memory_space<vmem>> -> memref<80x128xf32, #tpu.memory_space<vmem>>
      %dma_wait3A_123 = arith.constant 0 : i32
      %dma_wait3A_124 = tpu.memref_slice %arg10[%add3A_29, %dma_wait3A_123] : memref<10000x128xf32, #tpu.memory_space<vmem_shared>> -> memref<80x128xf32, #tpu.memory_space<vmem_shared>>
      %dma_wait3A_125 = arith.constant 0 : i32
      %dma_wait3A_126 = tpu.memref_slice %arg10[%add3A_29, %dma_wait3A_125] : memref<10000x128xf32, #tpu.memory_space<vmem_shared>> -> memref<80x128xf32, #tpu.memory_space<vmem_shared>>
      %dma_wait3A_127 = arith.constant 0 : i32
      %dma_wait3A_128 = arith.constant 0 : i32
      %dma_wait3A_129 = tpu.memref_slice %arg9[%run_scoped3A_30, %dma_wait3A_127, %dma_wait3A_128] : memref<3x80x128xf32, #tpu.memory_space<vmem>> -> memref<1x80x128xf32, #tpu.memory_space<vmem>>
      %dma_wait3A_130 = tpu.memref_squeeze %dma_wait3A_129 : memref<1x80x128xf32, #tpu.memory_space<vmem>> -> memref<80x128xf32, #tpu.memory_space<vmem>>
      tpu.wait_dma2 semaphore(%run_scoped3A_106 : memref<!tpu.dma_semaphore, #tpu.memory_space<semaphore_mem>>) src(%dma_wait3A_130 : memref<80x128xf32, #tpu.memory_space<vmem>>) dst(%dma_wait3A_126 : memref<80x128xf32, #tpu.memory_space<vmem_shared>>)
      tpu.yield
    }) : () -> ()
    %mul3A_31 = arith.constant 625 : i32
    %mul3A_32 = arith.muli %arg1, %mul3A_31 : i32
    %add3A_33 = arith.constant 480 : i32
    %add3A_34 = arith.addi %mul3A_32, %add3A_33 : i32
    %run_scoped3A_35 = arith.constant 0 : i32
    "tpu.region"() ({
      %run_scoped3A_106 = tpu.sem_alloc : memref<!tpu.dma_semaphore, #tpu.memory_space<semaphore_mem>>
      %dma_start3A_107 = arith.constant 0 : i32
      %dma_start3A_108 = arith.constant 0 : i32
      %dma_start3A_109 = tpu.memref_slice %arg9[%run_scoped3A_35, %dma_start3A_107, %dma_start3A_108] : memref<3x80x128xf32, #tpu.memory_space<vmem>> -> memref<1x80x128xf32, #tpu.memory_space<vmem>>
      %dma_start3A_110 = tpu.memref_squeeze %dma_start3A_109 : memref<1x80x128xf32, #tpu.memory_space<vmem>> -> memref<80x128xf32, #tpu.memory_space<vmem>>
      %dma_start3A_111 = arith.constant 0 : i32
      %dma_start3A_112 = tpu.memref_slice %arg10[%add3A_34, %dma_start3A_111] : memref<10000x128xf32, #tpu.memory_space<vmem_shared>> -> memref<80x128xf32, #tpu.memory_space<vmem_shared>>
      %dma_start3A_113 = arith.constant 0 : i32
      %dma_start3A_114 = tpu.memref_slice %arg10[%add3A_34, %dma_start3A_113] : memref<10000x128xf32, #tpu.memory_space<vmem_shared>> -> memref<80x128xf32, #tpu.memory_space<vmem_shared>>
      %dma_start3A_115 = arith.constant 0 : i32
      %dma_start3A_116 = arith.constant 0 : i32
      %dma_start3A_117 = tpu.memref_slice %arg9[%run_scoped3A_35, %dma_start3A_115, %dma_start3A_116] : memref<3x80x128xf32, #tpu.memory_space<vmem>> -> memref<1x80x128xf32, #tpu.memory_space<vmem>>
      %dma_start3A_118 = tpu.memref_squeeze %dma_start3A_117 : memref<1x80x128xf32, #tpu.memory_space<vmem>> -> memref<80x128xf32, #tpu.memory_space<vmem>>
      tpu.enqueue_dma source(%dma_start3A_118 : memref<80x128xf32, #tpu.memory_space<vmem>>) target(%dma_start3A_114 : memref<80x128xf32, #tpu.memory_space<vmem_shared>>) target_semaphore(%run_scoped3A_106 : memref<!tpu.dma_semaphore, #tpu.memory_space<semaphore_mem>>)
      %dma_wait3A_119 = arith.constant 0 : i32
      %dma_wait3A_120 = arith.constant 0 : i32
      %dma_wait3A_121 = tpu.memref_slice %arg9[%run_scoped3A_35, %dma_wait3A_119, %dma_wait3A_120] : memref<3x80x128xf32, #tpu.memory_space<vmem>> -> memref<1x80x128xf32, #tpu.memory_space<vmem>>
      %dma_wait3A_122 = tpu.memref_squeeze %dma_wait3A_121 : memref<1x80x128xf32, #tpu.memory_space<vmem>> -> memref<80x128xf32, #tpu.memory_space<vmem>>
      %dma_wait3A_123 = arith.constant 0 : i32
      %dma_wait3A_124 = tpu.memref_slice %arg10[%add3A_34, %dma_wait3A_123] : memref<10000x128xf32, #tpu.memory_space<vmem_shared>> -> memref<80x128xf32, #tpu.memory_space<vmem_shared>>
      %dma_wait3A_125 = arith.constant 0 : i32
      %dma_wait3A_126 = tpu.memref_slice %arg10[%add3A_34, %dma_wait3A_125] : memref<10000x128xf32, #tpu.memory_space<vmem_shared>> -> memref<80x128xf32, #tpu.memory_space<vmem_shared>>
      %dma_wait3A_127 = arith.constant 0 : i32
      %dma_wait3A_128 = arith.constant 0 : i32
      %dma_wait3A_129 = tpu.memref_slice %arg9[%run_scoped3A_35, %dma_wait3A_127, %dma_wait3A_128] : memref<3x80x128xf32, #tpu.memory_space<vmem>> -> memref<1x80x128xf32, #tpu.memory_space<vmem>>
      %dma_wait3A_130 = tpu.memref_squeeze %dma_wait3A_129 : memref<1x80x128xf32, #tpu.memory_space<vmem>> -> memref<80x128xf32, #tpu.memory_space<vmem>>
      tpu.wait_dma2 semaphore(%run_scoped3A_106 : memref<!tpu.dma_semaphore, #tpu.memory_space<semaphore_mem>>) src(%dma_wait3A_130 : memref<80x128xf32, #tpu.memory_space<vmem>>) dst(%dma_wait3A_126 : memref<80x128xf32, #tpu.memory_space<vmem_shared>>)
      tpu.yield
    }) : () -> ()
    %mul3A_36 = arith.constant 625 : i32
    %mul3A_37 = arith.muli %arg1, %mul3A_36 : i32
    %add3A_38 = arith.constant 625 : i32
    %add3A_39 = arith.addi %mul3A_37, %add3A_38 : i32
    %sub3A = arith.constant 65 : i32
    %sub3A_40 = arith.subi %add3A_39, %sub3A : i32
    %run_scoped3A_41 = arith.constant 0 : i32
    "tpu.region"() ({
      %run_scoped3A_106 = tpu.sem_alloc : memref<!tpu.dma_semaphore, #tpu.memory_space<semaphore_mem>>
      %dma_start3A_107 = arith.constant 0 : i32
      %dma_start3A_108 = arith.constant 0 : i32
      %dma_start3A_109 = tpu.memref_slice %arg9[%run_scoped3A_41, %dma_start3A_107, %dma_start3A_108] : memref<3x80x128xf32, #tpu.memory_space<vmem>> -> memref<1x80x128xf32, #tpu.memory_space<vmem>>
      %dma_start3A_110 = tpu.memref_squeeze %dma_start3A_109 : memref<1x80x128xf32, #tpu.memory_space<vmem>> -> memref<80x128xf32, #tpu.memory_space<vmem>>
      %dma_start3A_111 = arith.constant 0 : i32
      %dma_start3A_112 = arith.constant 0 : i32
      %dma_start3A_113 = tpu.memref_slice %dma_start3A_110[%dma_start3A_111, %dma_start3A_112] : memref<80x128xf32, #tpu.memory_space<vmem>> -> memref<65x128xf32, #tpu.memory_space<vmem>>
      %dma_start3A_114 = arith.constant 0 : i32
      %dma_start3A_115 = tpu.memref_slice %arg10[%sub3A_40, %dma_start3A_114] : memref<10000x128xf32, #tpu.memory_space<vmem_shared>> -> memref<65x128xf32, #tpu.memory_space<vmem_shared>>
      %dma_start3A_116 = arith.constant 0 : i32
      %dma_start3A_117 = tpu.memref_slice %arg10[%sub3A_40, %dma_start3A_116] : memref<10000x128xf32, #tpu.memory_space<vmem_shared>> -> memref<65x128xf32, #tpu.memory_space<vmem_shared>>
      %dma_start3A_118 = arith.constant 0 : i32
      %dma_start3A_119 = arith.constant 0 : i32
      %dma_start3A_120 = tpu.memref_slice %arg9[%run_scoped3A_41, %dma_start3A_118, %dma_start3A_119] : memref<3x80x128xf32, #tpu.memory_space<vmem>> -> memref<1x80x128xf32, #tpu.memory_space<vmem>>
      %dma_start3A_121 = tpu.memref_squeeze %dma_start3A_120 : memref<1x80x128xf32, #tpu.memory_space<vmem>> -> memref<80x128xf32, #tpu.memory_space<vmem>>
      %dma_start3A_122 = arith.constant 0 : i32
      %dma_start3A_123 = arith.constant 0 : i32
      %dma_start3A_124 = tpu.memref_slice %dma_start3A_121[%dma_start3A_122, %dma_start3A_123] : memref<80x128xf32, #tpu.memory_space<vmem>> -> memref<65x128xf32, #tpu.memory_space<vmem>>
      tpu.enqueue_dma source(%dma_start3A_124 : memref<65x128xf32, #tpu.memory_space<vmem>>) target(%dma_start3A_117 : memref<65x128xf32, #tpu.memory_space<vmem_shared>>) target_semaphore(%run_scoped3A_106 : memref<!tpu.dma_semaphore, #tpu.memory_space<semaphore_mem>>)
      %dma_wait3A_125 = arith.constant 0 : i32
      %dma_wait3A_126 = arith.constant 0 : i32
      %dma_wait3A_127 = tpu.memref_slice %arg9[%run_scoped3A_41, %dma_wait3A_125, %dma_wait3A_126] : memref<3x80x128xf32, #tpu.memory_space<vmem>> -> memref<1x80x128xf32, #tpu.memory_space<vmem>>
      %dma_wait3A_128 = tpu.memref_squeeze %dma_wait3A_127 : memref<1x80x128xf32, #tpu.memory_space<vmem>> -> memref<80x128xf32, #tpu.memory_space<vmem>>
      %dma_wait3A_129 = arith.constant 0 : i32
      %dma_wait3A_130 = arith.constant 0 : i32
      %dma_wait3A_131 = tpu.memref_slice %dma_wait3A_128[%dma_wait3A_129, %dma_wait3A_130] : memref<80x128xf32, #tpu.memory_space<vmem>> -> memref<65x128xf32, #tpu.memory_space<vmem>>
      %dma_wait3A_132 = arith.constant 0 : i32
      %dma_wait3A_133 = tpu.memref_slice %arg10[%sub3A_40, %dma_wait3A_132] : memref<10000x128xf32, #tpu.memory_space<vmem_shared>> -> memref<65x128xf32, #tpu.memory_space<vmem_shared>>
      %dma_wait3A_134 = arith.constant 0 : i32
      %dma_wait3A_135 = tpu.memref_slice %arg10[%sub3A_40, %dma_wait3A_134] : memref<10000x128xf32, #tpu.memory_space<vmem_shared>> -> memref<65x128xf32, #tpu.memory_space<vmem_shared>>
      %dma_wait3A_136 = arith.constant 0 : i32
      %dma_wait3A_137 = arith.constant 0 : i32
      %dma_wait3A_138 = tpu.memref_slice %arg9[%run_scoped3A_41, %dma_wait3A_136, %dma_wait3A_137] : memref<3x80x128xf32, #tpu.memory_space<vmem>> -> memref<1x80x128xf32, #tpu.memory_space<vmem>>
      %dma_wait3A_139 = tpu.memref_squeeze %dma_wait3A_138 : memref<1x80x128xf32, #tpu.memory_space<vmem>> -> memref<80x128xf32, #tpu.memory_space<vmem>>
      %dma_wait3A_140 = arith.constant 0 : i32
      %dma_wait3A_141 = arith.constant 0 : i32
      %dma_wait3A_142 = tpu.memref_slice %dma_wait3A_139[%dma_wait3A_140, %dma_wait3A_141] : memref<80x128xf32, #tpu.memory_space<vmem>> -> memref<65x128xf32, #tpu.memory_space<vmem>>
      tpu.wait_dma2 semaphore(%run_scoped3A_106 : memref<!tpu.dma_semaphore, #tpu.memory_space<semaphore_mem>>) src(%dma_wait3A_142 : memref<65x128xf32, #tpu.memory_space<vmem>>) dst(%dma_wait3A_135 : memref<65x128xf32, #tpu.memory_space<vmem_shared>>)
      tpu.yield
    }) : () -> ()
    %barrier3A = arith.constant 0 : index
    tpu.barrier barrier_id(%barrier3A)
    %dma_start3A = arith.constant 0 : i32
    %dma_start3A_42 = arith.constant 0 : i32
    %dma_start3A_43 = arith.constant 0 : i32
    %dma_start3A_44 = tpu.memref_slice %arg9[%dma_start3A, %dma_start3A_42, %dma_start3A_43] : memref<3x80x128xf32, #tpu.memory_space<vmem>> -> memref<1x80x128xf32, #tpu.memory_space<vmem>>
    %dma_start3A_45 = tpu.memref_squeeze %dma_start3A_44 : memref<1x80x128xf32, #tpu.memory_space<vmem>> -> memref<80x128xf32, #tpu.memory_space<vmem>>
    %dma_start3A_46 = arith.constant 0 : i32
    %dma_start3A_47 = tpu.memref_slice %arg7[%dma_start3A_46] : memref<10000xi32, #tpu.memory_space<vmem>> -> memref<80xi32, #tpu.memory_space<vmem>>
    %dma_start3A_48 = arith.constant 0 : i32
    %dma_start3A_49 = arith.constant 0 : i32
    %dma_start3A_50 = tpu.memref_slice %arg2[%dma_start3A_48, %dma_start3A_49] : memref<10000x128xf32, #tpu.memory_space<hbm>> -> memref<10000x128xf32, #tpu.memory_space<hbm>>
    tpu.enqueue_indirect_dma source(%dma_start3A_50 : memref<10000x128xf32, #tpu.memory_space<hbm>>) target(%dma_start3A_45 : memref<80x128xf32, #tpu.memory_space<vmem>>) offsets(%dma_start3A_47 : memref<80xi32, #tpu.memory_space<vmem>>) semaphore(%arg11 : memref<!tpu.dma_semaphore, #tpu.memory_space<semaphore_mem>>)
    %dma_start3A_51 = arith.constant 1 : i32
    %dma_start3A_52 = arith.constant 0 : i32
    %dma_start3A_53 = arith.constant 0 : i32
    %dma_start3A_54 = tpu.memref_slice %arg9[%dma_start3A_51, %dma_start3A_52, %dma_start3A_53] : memref<3x80x128xf32, #tpu.memory_space<vmem>> -> memref<1x80x128xf32, #tpu.memory_space<vmem>>
    %dma_start3A_55 = tpu.memref_squeeze %dma_start3A_54 : memref<1x80x128xf32, #tpu.memory_space<vmem>> -> memref<80x128xf32, #tpu.memory_space<vmem>>
    %dma_start3A_56 = arith.constant 80 : i32
    %dma_start3A_57 = tpu.memref_slice %arg7[%dma_start3A_56] : memref<10000xi32, #tpu.memory_space<vmem>> -> memref<80xi32, #tpu.memory_space<vmem>>
    %dma_start3A_58 = arith.constant 0 : i32
    %dma_start3A_59 = arith.constant 0 : i32
    %dma_start3A_60 = tpu.memref_slice %arg2[%dma_start3A_58, %dma_start3A_59] : memref<10000x128xf32, #tpu.memory_space<hbm>> -> memref<10000x128xf32, #tpu.memory_space<hbm>>
    tpu.enqueue_indirect_dma source(%dma_start3A_60 : memref<10000x128xf32, #tpu.memory_space<hbm>>) target(%dma_start3A_55 : memref<80x128xf32, #tpu.memory_space<vmem>>) offsets(%dma_start3A_57 : memref<80xi32, #tpu.memory_space<vmem>>) semaphore(%arg12 : memref<!tpu.dma_semaphore, #tpu.memory_space<semaphore_mem>>)
    %scan3A = arith.constant 0 : i32
    %scan3A_61 = arith.constant 0 : i32
    %scan3A_62 = arith.constant 42 : i32
    %scan3A_63 = arith.addi %scan3A_61, %scan3A_62 : i32
    %scan3A_64 = arith.constant 1 : i32
    scf.for %scan3A_106 = %scan3A_61 to %scan3A_63 step %scan3A_64  : i32 {
      %mul3A_107 = arith.constant 3 : i32
      %mul3A_108 = arith.muli %scan3A_106, %mul3A_107 : i32
      %add3A_109 = arith.constant 0 : i32
      %add3A_110 = arith.addi %mul3A_108, %add3A_109 : i32
      %lt3A = arith.constant 125 : i32
      %lt3A_111 = arith.cmpi slt, %add3A_110, %lt3A : i32
      %convert_element_type3A = arith.extui %lt3A_111 : i1 to i32
      %cond3A = arith.constant 0 : i32
      %cond3A_112 = arith.cmpi ne, %convert_element_type3A, %cond3A : i32
      scf.if %cond3A_112 {
        %mul3A_131 = arith.constant 80 : i32
        %mul3A_132 = arith.muli %add3A_110, %mul3A_131 : i32
        %dma_wait3A_133 = arith.constant 0 : i32
        %dma_wait3A_134 = arith.constant 0 : i32
        %dma_wait3A_135 = arith.constant 0 : i32
        %dma_wait3A_136 = tpu.memref_slice %arg9[%dma_wait3A_133, %dma_wait3A_134, %dma_wait3A_135] : memref<3x80x128xf32, #tpu.memory_space<vmem>> -> memref<1x80x128xf32, #tpu.memory_space<vmem>>
        %dma_wait3A_137 = tpu.memref_squeeze %dma_wait3A_136 : memref<1x80x128xf32, #tpu.memory_space<vmem>> -> memref<80x128xf32, #tpu.memory_space<vmem>>
        %dma_wait3A_138 = tpu.memref_slice %arg7[%mul3A_132] : memref<10000xi32, #tpu.memory_space<vmem>> -> memref<80xi32, #tpu.memory_space<vmem>>
        %dma_wait3A_139 = arith.constant 0 : i32
        %dma_wait3A_140 = arith.constant 0 : i32
        %dma_wait3A_141 = tpu.memref_slice %arg2[%dma_wait3A_139, %dma_wait3A_140] : memref<10000x128xf32, #tpu.memory_space<hbm>> -> memref<10000x128xf32, #tpu.memory_space<hbm>>
        tpu.wait_indirect_dma semaphore(%arg11 : memref<!tpu.dma_semaphore, #tpu.memory_space<semaphore_mem>>) src(%dma_wait3A_141 : memref<10000x128xf32, #tpu.memory_space<hbm>>) dst(%dma_wait3A_137 : memref<80x128xf32, #tpu.memory_space<vmem>>)
        %dma_start3A_142 = arith.constant 0 : i32
        %dma_start3A_143 = arith.constant 0 : i32
        %dma_start3A_144 = arith.constant 0 : i32
        %dma_start3A_145 = tpu.memref_slice %arg9[%dma_start3A_142, %dma_start3A_143, %dma_start3A_144] : memref<3x80x128xf32, #tpu.memory_space<vmem>> -> memref<1x80x128xf32, #tpu.memory_space<vmem>>
        %dma_start3A_146 = tpu.memref_squeeze %dma_start3A_145 : memref<1x80x128xf32, #tpu.memory_space<vmem>> -> memref<80x128xf32, #tpu.memory_space<vmem>>
        %dma_start3A_147 = arith.constant 0 : i32
        %dma_start3A_148 = tpu.memref_slice %arg8[%add3A_110, %dma_start3A_147] : memref<125x80xi32, #tpu.memory_space<vmem>> -> memref<1x80xi32, #tpu.memory_space<vmem>>
        %dma_start3A_149 = tpu.memref_squeeze %dma_start3A_148 : memref<1x80xi32, #tpu.memory_space<vmem>> -> memref<80xi32, #tpu.memory_space<vmem>>
        %dma_start3A_150 = arith.constant 0 : i32
        %dma_start3A_151 = arith.constant 0 : i32
        %dma_start3A_152 = tpu.memref_slice %arg10[%dma_start3A_150, %dma_start3A_151] : memref<10000x128xf32, #tpu.memory_space<vmem_shared>> -> memref<10000x128xf32, #tpu.memory_space<vmem_shared>>
        tpu.enqueue_indirect_dma source(%dma_start3A_146 : memref<80x128xf32, #tpu.memory_space<vmem>>) target(%dma_start3A_152 : memref<10000x128xf32, #tpu.memory_space<vmem_shared>>) offsets(%dma_start3A_149 : memref<80xi32, #tpu.memory_space<vmem>>) semaphore(%arg14 : memref<!tpu.dma_semaphore, #tpu.memory_space<semaphore_mem>>) {add = true}
        %eq3A = arith.constant 0 : i32
        %eq3A_153 = arith.cmpi eq, %add3A_110, %eq3A : i32
        %convert_element_type3A_154 = arith.extui %eq3A_153 : i1 to i32
        %cond3A_155 = arith.constant 0 : i32
        %cond3A_156 = arith.cmpi ne, %convert_element_type3A_154, %cond3A_155 : i32
        scf.if %cond3A_156 {
          %dma_start3A_167 = arith.constant 2 : i32
          %dma_start3A_168 = arith.constant 0 : i32
          %dma_start3A_169 = arith.constant 0 : i32
          %dma_start3A_170 = tpu.memref_slice %arg9[%dma_start3A_167, %dma_start3A_168, %dma_start3A_169] : memref<3x80x128xf32, #tpu.memory_space<vmem>> -> memref<1x80x128xf32, #tpu.memory_space<vmem>>
          %dma_start3A_171 = tpu.memref_squeeze %dma_start3A_170 : memref<1x80x128xf32, #tpu.memory_space<vmem>> -> memref<80x128xf32, #tpu.memory_space<vmem>>
          %dma_start3A_172 = arith.constant 160 : i32
          %dma_start3A_173 = tpu.memref_slice %arg7[%dma_start3A_172] : memref<10000xi32, #tpu.memory_space<vmem>> -> memref<80xi32, #tpu.memory_space<vmem>>
          %dma_start3A_174 = arith.constant 0 : i32
          %dma_start3A_175 = arith.constant 0 : i32
          %dma_start3A_176 = tpu.memref_slice %arg2[%dma_start3A_174, %dma_start3A_175] : memref<10000x128xf32, #tpu.memory_space<hbm>> -> memref<10000x128xf32, #tpu.memory_space<hbm>>
          tpu.enqueue_indirect_dma source(%dma_start3A_176 : memref<10000x128xf32, #tpu.memory_space<hbm>>) target(%dma_start3A_171 : memref<80x128xf32, #tpu.memory_space<vmem>>) offsets(%dma_start3A_173 : memref<80xi32, #tpu.memory_space<vmem>>) semaphore(%arg13 : memref<!tpu.dma_semaphore, #tpu.memory_space<semaphore_mem>>)
        } else {
        }
        %ge3A = arith.constant 1 : i32
        %ge3A_157 = arith.cmpi sge, %add3A_110, %ge3A : i32
        %add3A_158 = arith.constant 3 : i32
        %add3A_159 = arith.addi %add3A_110, %add3A_158 : i32
        %sub3A_160 = arith.constant 1 : i32
        %sub3A_161 = arith.subi %add3A_159, %sub3A_160 : i32
        %lt3A_162 = arith.constant 125 : i32
        %lt3A_163 = arith.cmpi slt, %sub3A_161, %lt3A_162 : i32
        %and3A = arith.andi %ge3A_157, %lt3A_163 : i1
        %convert_element_type3A_164 = arith.extui %and3A : i1 to i32
        %cond3A_165 = arith.constant 0 : i32
        %cond3A_166 = arith.cmpi ne, %convert_element_type3A_164, %cond3A_165 : i32
        scf.if %cond3A_166 {
          %sub3A_167 = arith.constant 1 : i32
          %sub3A_168 = arith.subi %add3A_110, %sub3A_167 : i32
          %dma_wait3A_169 = arith.constant 2 : i32
          %dma_wait3A_170 = arith.constant 0 : i32
          %dma_wait3A_171 = arith.constant 0 : i32
          %dma_wait3A_172 = tpu.memref_slice %arg9[%dma_wait3A_169, %dma_wait3A_170, %dma_wait3A_171] : memref<3x80x128xf32, #tpu.memory_space<vmem>> -> memref<1x80x128xf32, #tpu.memory_space<vmem>>
          %dma_wait3A_173 = tpu.memref_squeeze %dma_wait3A_172 : memref<1x80x128xf32, #tpu.memory_space<vmem>> -> memref<80x128xf32, #tpu.memory_space<vmem>>
          %dma_wait3A_174 = arith.constant 0 : i32
          %dma_wait3A_175 = tpu.memref_slice %arg8[%sub3A_168, %dma_wait3A_174] : memref<125x80xi32, #tpu.memory_space<vmem>> -> memref<1x80xi32, #tpu.memory_space<vmem>>
          %dma_wait3A_176 = tpu.memref_squeeze %dma_wait3A_175 : memref<1x80xi32, #tpu.memory_space<vmem>> -> memref<80xi32, #tpu.memory_space<vmem>>
          %dma_wait3A_177 = arith.constant 0 : i32
          %dma_wait3A_178 = arith.constant 0 : i32
          %dma_wait3A_179 = tpu.memref_slice %arg10[%dma_wait3A_177, %dma_wait3A_178] : memref<10000x128xf32, #tpu.memory_space<vmem_shared>> -> memref<10000x128xf32, #tpu.memory_space<vmem_shared>>
          tpu.wait_indirect_dma semaphore(%arg16 : memref<!tpu.dma_semaphore, #tpu.memory_space<semaphore_mem>>) src(%dma_wait3A_173 : memref<80x128xf32, #tpu.memory_space<vmem>>) dst(%dma_wait3A_179 : memref<10000x128xf32, #tpu.memory_space<vmem_shared>>)
          %add3A_180 = arith.constant 3 : i32
          %add3A_181 = arith.addi %add3A_110, %add3A_180 : i32
          %sub3A_182 = arith.constant 1 : i32
          %sub3A_183 = arith.subi %add3A_181, %sub3A_182 : i32
          %mul3A_184 = arith.constant 80 : i32
          %mul3A_185 = arith.muli %sub3A_183, %mul3A_184 : i32
          %dma_start3A_186 = arith.constant 2 : i32
          %dma_start3A_187 = arith.constant 0 : i32
          %dma_start3A_188 = arith.constant 0 : i32
          %dma_start3A_189 = tpu.memref_slice %arg9[%dma_start3A_186, %dma_start3A_187, %dma_start3A_188] : memref<3x80x128xf32, #tpu.memory_space<vmem>> -> memref<1x80x128xf32, #tpu.memory_space<vmem>>
          %dma_start3A_190 = tpu.memref_squeeze %dma_start3A_189 : memref<1x80x128xf32, #tpu.memory_space<vmem>> -> memref<80x128xf32, #tpu.memory_space<vmem>>
          %dma_start3A_191 = tpu.memref_slice %arg7[%mul3A_185] : memref<10000xi32, #tpu.memory_space<vmem>> -> memref<80xi32, #tpu.memory_space<vmem>>
          %dma_start3A_192 = arith.constant 0 : i32
          %dma_start3A_193 = arith.constant 0 : i32
          %dma_start3A_194 = tpu.memref_slice %arg2[%dma_start3A_192, %dma_start3A_193] : memref<10000x128xf32, #tpu.memory_space<hbm>> -> memref<10000x128xf32, #tpu.memory_space<hbm>>
          tpu.enqueue_indirect_dma source(%dma_start3A_194 : memref<10000x128xf32, #tpu.memory_space<hbm>>) target(%dma_start3A_190 : memref<80x128xf32, #tpu.memory_space<vmem>>) offsets(%dma_start3A_191 : memref<80xi32, #tpu.memory_space<vmem>>) semaphore(%arg13 : memref<!tpu.dma_semaphore, #tpu.memory_space<semaphore_mem>>)
        } else {
        }
      } else {
      }
      %mul3A_113 = arith.constant 3 : i32
      %mul3A_114 = arith.muli %scan3A_106, %mul3A_113 : i32
      %add3A_115 = arith.constant 1 : i32
      %add3A_116 = arith.addi %mul3A_114, %add3A_115 : i32
      %lt3A_117 = arith.constant 125 : i32
      %lt3A_118 = arith.cmpi slt, %add3A_116, %lt3A_117 : i32
      %convert_element_type3A_119 = arith.extui %lt3A_118 : i1 to i32
      %cond3A_120 = arith.constant 0 : i32
      %cond3A_121 = arith.cmpi ne, %convert_element_type3A_119, %cond3A_120 : i32
      scf.if %cond3A_121 {
        %mul3A_131 = arith.constant 80 : i32
        %mul3A_132 = arith.muli %add3A_116, %mul3A_131 : i32
        %dma_wait3A_133 = arith.constant 1 : i32
        %dma_wait3A_134 = arith.constant 0 : i32
        %dma_wait3A_135 = arith.constant 0 : i32
        %dma_wait3A_136 = tpu.memref_slice %arg9[%dma_wait3A_133, %dma_wait3A_134, %dma_wait3A_135] : memref<3x80x128xf32, #tpu.memory_space<vmem>> -> memref<1x80x128xf32, #tpu.memory_space<vmem>>
        %dma_wait3A_137 = tpu.memref_squeeze %dma_wait3A_136 : memref<1x80x128xf32, #tpu.memory_space<vmem>> -> memref<80x128xf32, #tpu.memory_space<vmem>>
        %dma_wait3A_138 = tpu.memref_slice %arg7[%mul3A_132] : memref<10000xi32, #tpu.memory_space<vmem>> -> memref<80xi32, #tpu.memory_space<vmem>>
        %dma_wait3A_139 = arith.constant 0 : i32
        %dma_wait3A_140 = arith.constant 0 : i32
        %dma_wait3A_141 = tpu.memref_slice %arg2[%dma_wait3A_139, %dma_wait3A_140] : memref<10000x128xf32, #tpu.memory_space<hbm>> -> memref<10000x128xf32, #tpu.memory_space<hbm>>
        tpu.wait_indirect_dma semaphore(%arg12 : memref<!tpu.dma_semaphore, #tpu.memory_space<semaphore_mem>>) src(%dma_wait3A_141 : memref<10000x128xf32, #tpu.memory_space<hbm>>) dst(%dma_wait3A_137 : memref<80x128xf32, #tpu.memory_space<vmem>>)
        %dma_start3A_142 = arith.constant 1 : i32
        %dma_start3A_143 = arith.constant 0 : i32
        %dma_start3A_144 = arith.constant 0 : i32
        %dma_start3A_145 = tpu.memref_slice %arg9[%dma_start3A_142, %dma_start3A_143, %dma_start3A_144] : memref<3x80x128xf32, #tpu.memory_space<vmem>> -> memref<1x80x128xf32, #tpu.memory_space<vmem>>
        %dma_start3A_146 = tpu.memref_squeeze %dma_start3A_145 : memref<1x80x128xf32, #tpu.memory_space<vmem>> -> memref<80x128xf32, #tpu.memory_space<vmem>>
        %dma_start3A_147 = arith.constant 0 : i32
        %dma_start3A_148 = tpu.memref_slice %arg8[%add3A_116, %dma_start3A_147] : memref<125x80xi32, #tpu.memory_space<vmem>> -> memref<1x80xi32, #tpu.memory_space<vmem>>
        %dma_start3A_149 = tpu.memref_squeeze %dma_start3A_148 : memref<1x80xi32, #tpu.memory_space<vmem>> -> memref<80xi32, #tpu.memory_space<vmem>>
        %dma_start3A_150 = arith.constant 0 : i32
        %dma_start3A_151 = arith.constant 0 : i32
        %dma_start3A_152 = tpu.memref_slice %arg10[%dma_start3A_150, %dma_start3A_151] : memref<10000x128xf32, #tpu.memory_space<vmem_shared>> -> memref<10000x128xf32, #tpu.memory_space<vmem_shared>>
        tpu.enqueue_indirect_dma source(%dma_start3A_146 : memref<80x128xf32, #tpu.memory_space<vmem>>) target(%dma_start3A_152 : memref<10000x128xf32, #tpu.memory_space<vmem_shared>>) offsets(%dma_start3A_149 : memref<80xi32, #tpu.memory_space<vmem>>) semaphore(%arg15 : memref<!tpu.dma_semaphore, #tpu.memory_space<semaphore_mem>>) {add = true}
        %eq3A = arith.constant 0 : i32
        %eq3A_153 = arith.cmpi eq, %add3A_116, %eq3A : i32
        %convert_element_type3A_154 = arith.extui %eq3A_153 : i1 to i32
        %cond3A_155 = arith.constant 0 : i32
        %cond3A_156 = arith.cmpi ne, %convert_element_type3A_154, %cond3A_155 : i32
        scf.if %cond3A_156 {
          %dma_start3A_167 = arith.constant 2 : i32
          %dma_start3A_168 = arith.constant 0 : i32
          %dma_start3A_169 = arith.constant 0 : i32
          %dma_start3A_170 = tpu.memref_slice %arg9[%dma_start3A_167, %dma_start3A_168, %dma_start3A_169] : memref<3x80x128xf32, #tpu.memory_space<vmem>> -> memref<1x80x128xf32, #tpu.memory_space<vmem>>
          %dma_start3A_171 = tpu.memref_squeeze %dma_start3A_170 : memref<1x80x128xf32, #tpu.memory_space<vmem>> -> memref<80x128xf32, #tpu.memory_space<vmem>>
          %dma_start3A_172 = arith.constant 160 : i32
          %dma_start3A_173 = tpu.memref_slice %arg7[%dma_start3A_172] : memref<10000xi32, #tpu.memory_space<vmem>> -> memref<80xi32, #tpu.memory_space<vmem>>
          %dma_start3A_174 = arith.constant 0 : i32
          %dma_start3A_175 = arith.constant 0 : i32
          %dma_start3A_176 = tpu.memref_slice %arg2[%dma_start3A_174, %dma_start3A_175] : memref<10000x128xf32, #tpu.memory_space<hbm>> -> memref<10000x128xf32, #tpu.memory_space<hbm>>
          tpu.enqueue_indirect_dma source(%dma_start3A_176 : memref<10000x128xf32, #tpu.memory_space<hbm>>) target(%dma_start3A_171 : memref<80x128xf32, #tpu.memory_space<vmem>>) offsets(%dma_start3A_173 : memref<80xi32, #tpu.memory_space<vmem>>) semaphore(%arg13 : memref<!tpu.dma_semaphore, #tpu.memory_space<semaphore_mem>>)
        } else {
        }
        %ge3A = arith.constant 1 : i32
        %ge3A_157 = arith.cmpi sge, %add3A_116, %ge3A : i32
        %add3A_158 = arith.constant 3 : i32
        %add3A_159 = arith.addi %add3A_116, %add3A_158 : i32
        %sub3A_160 = arith.constant 1 : i32
        %sub3A_161 = arith.subi %add3A_159, %sub3A_160 : i32
        %lt3A_162 = arith.constant 125 : i32
        %lt3A_163 = arith.cmpi slt, %sub3A_161, %lt3A_162 : i32
        %and3A = arith.andi %ge3A_157, %lt3A_163 : i1
        %convert_element_type3A_164 = arith.extui %and3A : i1 to i32
        %cond3A_165 = arith.constant 0 : i32
        %cond3A_166 = arith.cmpi ne, %convert_element_type3A_164, %cond3A_165 : i32
        scf.if %cond3A_166 {
          %sub3A_167 = arith.constant 1 : i32
          %sub3A_168 = arith.subi %add3A_116, %sub3A_167 : i32
          %dma_wait3A_169 = arith.constant 0 : i32
          %dma_wait3A_170 = arith.constant 0 : i32
          %dma_wait3A_171 = arith.constant 0 : i32
          %dma_wait3A_172 = tpu.memref_slice %arg9[%dma_wait3A_169, %dma_wait3A_170, %dma_wait3A_171] : memref<3x80x128xf32, #tpu.memory_space<vmem>> -> memref<1x80x128xf32, #tpu.memory_space<vmem>>
          %dma_wait3A_173 = tpu.memref_squeeze %dma_wait3A_172 : memref<1x80x128xf32, #tpu.memory_space<vmem>> -> memref<80x128xf32, #tpu.memory_space<vmem>>
          %dma_wait3A_174 = arith.constant 0 : i32
          %dma_wait3A_175 = tpu.memref_slice %arg8[%sub3A_168, %dma_wait3A_174] : memref<125x80xi32, #tpu.memory_space<vmem>> -> memref<1x80xi32, #tpu.memory_space<vmem>>
          %dma_wait3A_176 = tpu.memref_squeeze %dma_wait3A_175 : memref<1x80xi32, #tpu.memory_space<vmem>> -> memref<80xi32, #tpu.memory_space<vmem>>
          %dma_wait3A_177 = arith.constant 0 : i32
          %dma_wait3A_178 = arith.constant 0 : i32
          %dma_wait3A_179 = tpu.memref_slice %arg10[%dma_wait3A_177, %dma_wait3A_178] : memref<10000x128xf32, #tpu.memory_space<vmem_shared>> -> memref<10000x128xf32, #tpu.memory_space<vmem_shared>>
          tpu.wait_indirect_dma semaphore(%arg14 : memref<!tpu.dma_semaphore, #tpu.memory_space<semaphore_mem>>) src(%dma_wait3A_173 : memref<80x128xf32, #tpu.memory_space<vmem>>) dst(%dma_wait3A_179 : memref<10000x128xf32, #tpu.memory_space<vmem_shared>>)
          %add3A_180 = arith.constant 3 : i32
          %add3A_181 = arith.addi %add3A_116, %add3A_180 : i32
          %sub3A_182 = arith.constant 1 : i32
          %sub3A_183 = arith.subi %add3A_181, %sub3A_182 : i32
          %mul3A_184 = arith.constant 80 : i32
          %mul3A_185 = arith.muli %sub3A_183, %mul3A_184 : i32
          %dma_start3A_186 = arith.constant 0 : i32
          %dma_start3A_187 = arith.constant 0 : i32
          %dma_start3A_188 = arith.constant 0 : i32
          %dma_start3A_189 = tpu.memref_slice %arg9[%dma_start3A_186, %dma_start3A_187, %dma_start3A_188] : memref<3x80x128xf32, #tpu.memory_space<vmem>> -> memref<1x80x128xf32, #tpu.memory_space<vmem>>
          %dma_start3A_190 = tpu.memref_squeeze %dma_start3A_189 : memref<1x80x128xf32, #tpu.memory_space<vmem>> -> memref<80x128xf32, #tpu.memory_space<vmem>>
          %dma_start3A_191 = tpu.memref_slice %arg7[%mul3A_185] : memref<10000xi32, #tpu.memory_space<vmem>> -> memref<80xi32, #tpu.memory_space<vmem>>
          %dma_start3A_192 = arith.constant 0 : i32
          %dma_start3A_193 = arith.constant 0 : i32
          %dma_start3A_194 = tpu.memref_slice %arg2[%dma_start3A_192, %dma_start3A_193] : memref<10000x128xf32, #tpu.memory_space<hbm>> -> memref<10000x128xf32, #tpu.memory_space<hbm>>
          tpu.enqueue_indirect_dma source(%dma_start3A_194 : memref<10000x128xf32, #tpu.memory_space<hbm>>) target(%dma_start3A_190 : memref<80x128xf32, #tpu.memory_space<vmem>>) offsets(%dma_start3A_191 : memref<80xi32, #tpu.memory_space<vmem>>) semaphore(%arg11 : memref<!tpu.dma_semaphore, #tpu.memory_space<semaphore_mem>>)
        } else {
        }
      } else {
      }
      %mul3A_122 = arith.constant 3 : i32
      %mul3A_123 = arith.muli %scan3A_106, %mul3A_122 : i32
      %add3A_124 = arith.constant 2 : i32
      %add3A_125 = arith.addi %mul3A_123, %add3A_124 : i32
      %lt3A_126 = arith.constant 125 : i32
      %lt3A_127 = arith.cmpi slt, %add3A_125, %lt3A_126 : i32
      %convert_element_type3A_128 = arith.extui %lt3A_127 : i1 to i32
      %cond3A_129 = arith.constant 0 : i32
      %cond3A_130 = arith.cmpi ne, %convert_element_type3A_128, %cond3A_129 : i32
      scf.if %cond3A_130 {
        %mul3A_131 = arith.constant 80 : i32
        %mul3A_132 = arith.muli %add3A_125, %mul3A_131 : i32
        %dma_wait3A_133 = arith.constant 2 : i32
        %dma_wait3A_134 = arith.constant 0 : i32
        %dma_wait3A_135 = arith.constant 0 : i32
        %dma_wait3A_136 = tpu.memref_slice %arg9[%dma_wait3A_133, %dma_wait3A_134, %dma_wait3A_135] : memref<3x80x128xf32, #tpu.memory_space<vmem>> -> memref<1x80x128xf32, #tpu.memory_space<vmem>>
        %dma_wait3A_137 = tpu.memref_squeeze %dma_wait3A_136 : memref<1x80x128xf32, #tpu.memory_space<vmem>> -> memref<80x128xf32, #tpu.memory_space<vmem>>
        %dma_wait3A_138 = tpu.memref_slice %arg7[%mul3A_132] : memref<10000xi32, #tpu.memory_space<vmem>> -> memref<80xi32, #tpu.memory_space<vmem>>
        %dma_wait3A_139 = arith.constant 0 : i32
        %dma_wait3A_140 = arith.constant 0 : i32
        %dma_wait3A_141 = tpu.memref_slice %arg2[%dma_wait3A_139, %dma_wait3A_140] : memref<10000x128xf32, #tpu.memory_space<hbm>> -> memref<10000x128xf32, #tpu.memory_space<hbm>>
        tpu.wait_indirect_dma semaphore(%arg13 : memref<!tpu.dma_semaphore, #tpu.memory_space<semaphore_mem>>) src(%dma_wait3A_141 : memref<10000x128xf32, #tpu.memory_space<hbm>>) dst(%dma_wait3A_137 : memref<80x128xf32, #tpu.memory_space<vmem>>)
        %dma_start3A_142 = arith.constant 2 : i32
        %dma_start3A_143 = arith.constant 0 : i32
        %dma_start3A_144 = arith.constant 0 : i32
        %dma_start3A_145 = tpu.memref_slice %arg9[%dma_start3A_142, %dma_start3A_143, %dma_start3A_144] : memref<3x80x128xf32, #tpu.memory_space<vmem>> -> memref<1x80x128xf32, #tpu.memory_space<vmem>>
        %dma_start3A_146 = tpu.memref_squeeze %dma_start3A_145 : memref<1x80x128xf32, #tpu.memory_space<vmem>> -> memref<80x128xf32, #tpu.memory_space<vmem>>
        %dma_start3A_147 = arith.constant 0 : i32
        %dma_start3A_148 = tpu.memref_slice %arg8[%add3A_125, %dma_start3A_147] : memref<125x80xi32, #tpu.memory_space<vmem>> -> memref<1x80xi32, #tpu.memory_space<vmem>>
        %dma_start3A_149 = tpu.memref_squeeze %dma_start3A_148 : memref<1x80xi32, #tpu.memory_space<vmem>> -> memref<80xi32, #tpu.memory_space<vmem>>
        %dma_start3A_150 = arith.constant 0 : i32
        %dma_start3A_151 = arith.constant 0 : i32
        %dma_start3A_152 = tpu.memref_slice %arg10[%dma_start3A_150, %dma_start3A_151] : memref<10000x128xf32, #tpu.memory_space<vmem_shared>> -> memref<10000x128xf32, #tpu.memory_space<vmem_shared>>
        tpu.enqueue_indirect_dma source(%dma_start3A_146 : memref<80x128xf32, #tpu.memory_space<vmem>>) target(%dma_start3A_152 : memref<10000x128xf32, #tpu.memory_space<vmem_shared>>) offsets(%dma_start3A_149 : memref<80xi32, #tpu.memory_space<vmem>>) semaphore(%arg16 : memref<!tpu.dma_semaphore, #tpu.memory_space<semaphore_mem>>) {add = true}
        %eq3A = arith.constant 0 : i32
        %eq3A_153 = arith.cmpi eq, %add3A_125, %eq3A : i32
        %convert_element_type3A_154 = arith.extui %eq3A_153 : i1 to i32
        %cond3A_155 = arith.constant 0 : i32
        %cond3A_156 = arith.cmpi ne, %convert_element_type3A_154, %cond3A_155 : i32
        scf.if %cond3A_156 {
          %dma_start3A_167 = arith.constant 2 : i32
          %dma_start3A_168 = arith.constant 0 : i32
          %dma_start3A_169 = arith.constant 0 : i32
          %dma_start3A_170 = tpu.memref_slice %arg9[%dma_start3A_167, %dma_start3A_168, %dma_start3A_169] : memref<3x80x128xf32, #tpu.memory_space<vmem>> -> memref<1x80x128xf32, #tpu.memory_space<vmem>>
          %dma_start3A_171 = tpu.memref_squeeze %dma_start3A_170 : memref<1x80x128xf32, #tpu.memory_space<vmem>> -> memref<80x128xf32, #tpu.memory_space<vmem>>
          %dma_start3A_172 = arith.constant 160 : i32
          %dma_start3A_173 = tpu.memref_slice %arg7[%dma_start3A_172] : memref<10000xi32, #tpu.memory_space<vmem>> -> memref<80xi32, #tpu.memory_space<vmem>>
          %dma_start3A_174 = arith.constant 0 : i32
          %dma_start3A_175 = arith.constant 0 : i32
          %dma_start3A_176 = tpu.memref_slice %arg2[%dma_start3A_174, %dma_start3A_175] : memref<10000x128xf32, #tpu.memory_space<hbm>> -> memref<10000x128xf32, #tpu.memory_space<hbm>>
          tpu.enqueue_indirect_dma source(%dma_start3A_176 : memref<10000x128xf32, #tpu.memory_space<hbm>>) target(%dma_start3A_171 : memref<80x128xf32, #tpu.memory_space<vmem>>) offsets(%dma_start3A_173 : memref<80xi32, #tpu.memory_space<vmem>>) semaphore(%arg13 : memref<!tpu.dma_semaphore, #tpu.memory_space<semaphore_mem>>)
        } else {
        }
        %ge3A = arith.constant 1 : i32
        %ge3A_157 = arith.cmpi sge, %add3A_125, %ge3A : i32
        %add3A_158 = arith.constant 3 : i32
        %add3A_159 = arith.addi %add3A_125, %add3A_158 : i32
        %sub3A_160 = arith.constant 1 : i32
        %sub3A_161 = arith.subi %add3A_159, %sub3A_160 : i32
        %lt3A_162 = arith.constant 125 : i32
        %lt3A_163 = arith.cmpi slt, %sub3A_161, %lt3A_162 : i32
        %and3A = arith.andi %ge3A_157, %lt3A_163 : i1
        %convert_element_type3A_164 = arith.extui %and3A : i1 to i32
        %cond3A_165 = arith.constant 0 : i32
        %cond3A_166 = arith.cmpi ne, %convert_element_type3A_164, %cond3A_165 : i32
        scf.if %cond3A_166 {
          %sub3A_167 = arith.constant 1 : i32
          %sub3A_168 = arith.subi %add3A_125, %sub3A_167 : i32
          %dma_wait3A_169 = arith.constant 1 : i32
          %dma_wait3A_170 = arith.constant 0 : i32
          %dma_wait3A_171 = arith.constant 0 : i32
          %dma_wait3A_172 = tpu.memref_slice %arg9[%dma_wait3A_169, %dma_wait3A_170, %dma_wait3A_171] : memref<3x80x128xf32, #tpu.memory_space<vmem>> -> memref<1x80x128xf32, #tpu.memory_space<vmem>>
          %dma_wait3A_173 = tpu.memref_squeeze %dma_wait3A_172 : memref<1x80x128xf32, #tpu.memory_space<vmem>> -> memref<80x128xf32, #tpu.memory_space<vmem>>
          %dma_wait3A_174 = arith.constant 0 : i32
          %dma_wait3A_175 = tpu.memref_slice %arg8[%sub3A_168, %dma_wait3A_174] : memref<125x80xi32, #tpu.memory_space<vmem>> -> memref<1x80xi32, #tpu.memory_space<vmem>>
          %dma_wait3A_176 = tpu.memref_squeeze %dma_wait3A_175 : memref<1x80xi32, #tpu.memory_space<vmem>> -> memref<80xi32, #tpu.memory_space<vmem>>
          %dma_wait3A_177 = arith.constant 0 : i32
          %dma_wait3A_178 = arith.constant 0 : i32
          %dma_wait3A_179 = tpu.memref_slice %arg10[%dma_wait3A_177, %dma_wait3A_178] : memref<10000x128xf32, #tpu.memory_space<vmem_shared>> -> memref<10000x128xf32, #tpu.memory_space<vmem_shared>>
          tpu.wait_indirect_dma semaphore(%arg15 : memref<!tpu.dma_semaphore, #tpu.memory_space<semaphore_mem>>) src(%dma_wait3A_173 : memref<80x128xf32, #tpu.memory_space<vmem>>) dst(%dma_wait3A_179 : memref<10000x128xf32, #tpu.memory_space<vmem_shared>>)
          %add3A_180 = arith.constant 3 : i32
          %add3A_181 = arith.addi %add3A_125, %add3A_180 : i32
          %sub3A_182 = arith.constant 1 : i32
          %sub3A_183 = arith.subi %add3A_181, %sub3A_182 : i32
          %mul3A_184 = arith.constant 80 : i32
          %mul3A_185 = arith.muli %sub3A_183, %mul3A_184 : i32
          %dma_start3A_186 = arith.constant 1 : i32
          %dma_start3A_187 = arith.constant 0 : i32
          %dma_start3A_188 = arith.constant 0 : i32
          %dma_start3A_189 = tpu.memref_slice %arg9[%dma_start3A_186, %dma_start3A_187, %dma_start3A_188] : memref<3x80x128xf32, #tpu.memory_space<vmem>> -> memref<1x80x128xf32, #tpu.memory_space<vmem>>
          %dma_start3A_190 = tpu.memref_squeeze %dma_start3A_189 : memref<1x80x128xf32, #tpu.memory_space<vmem>> -> memref<80x128xf32, #tpu.memory_space<vmem>>
          %dma_start3A_191 = tpu.memref_slice %arg7[%mul3A_185] : memref<10000xi32, #tpu.memory_space<vmem>> -> memref<80xi32, #tpu.memory_space<vmem>>
          %dma_start3A_192 = arith.constant 0 : i32
          %dma_start3A_193 = arith.constant 0 : i32
          %dma_start3A_194 = tpu.memref_slice %arg2[%dma_start3A_192, %dma_start3A_193] : memref<10000x128xf32, #tpu.memory_space<hbm>> -> memref<10000x128xf32, #tpu.memory_space<hbm>>
          tpu.enqueue_indirect_dma source(%dma_start3A_194 : memref<10000x128xf32, #tpu.memory_space<hbm>>) target(%dma_start3A_190 : memref<80x128xf32, #tpu.memory_space<vmem>>) offsets(%dma_start3A_191 : memref<80xi32, #tpu.memory_space<vmem>>) semaphore(%arg12 : memref<!tpu.dma_semaphore, #tpu.memory_space<semaphore_mem>>)
        } else {
        }
      } else {
      }
    }
    %scan3A_65 = arith.constant 42 : i32
    %dma_wait3A = arith.constant 2 : i32
    %dma_wait3A_66 = arith.constant 122 : i32
    %dma_wait3A_67 = arith.constant 0 : i32
    %dma_wait3A_68 = arith.constant 0 : i32
    %dma_wait3A_69 = tpu.memref_slice %arg9[%dma_wait3A, %dma_wait3A_67, %dma_wait3A_68] : memref<3x80x128xf32, #tpu.memory_space<vmem>> -> memref<1x80x128xf32, #tpu.memory_space<vmem>>
    %dma_wait3A_70 = tpu.memref_squeeze %dma_wait3A_69 : memref<1x80x128xf32, #tpu.memory_space<vmem>> -> memref<80x128xf32, #tpu.memory_space<vmem>>
    %dma_wait3A_71 = arith.constant 0 : i32
    %dma_wait3A_72 = tpu.memref_slice %arg8[%dma_wait3A_66, %dma_wait3A_71] : memref<125x80xi32, #tpu.memory_space<vmem>> -> memref<1x80xi32, #tpu.memory_space<vmem>>
    %dma_wait3A_73 = tpu.memref_squeeze %dma_wait3A_72 : memref<1x80xi32, #tpu.memory_space<vmem>> -> memref<80xi32, #tpu.memory_space<vmem>>
    %dma_wait3A_74 = arith.constant 0 : i32
    %dma_wait3A_75 = arith.constant 0 : i32
    %dma_wait3A_76 = tpu.memref_slice %arg10[%dma_wait3A_74, %dma_wait3A_75] : memref<10000x128xf32, #tpu.memory_space<vmem_shared>> -> memref<10000x128xf32, #tpu.memory_space<vmem_shared>>
    tpu.wait_indirect_dma semaphore(%arg16 : memref<!tpu.dma_semaphore, #tpu.memory_space<semaphore_mem>>) src(%dma_wait3A_70 : memref<80x128xf32, #tpu.memory_space<vmem>>) dst(%dma_wait3A_76 : memref<10000x128xf32, #tpu.memory_space<vmem_shared>>)
    %dma_wait3A_77 = arith.constant 0 : i32
    %dma_wait3A_78 = arith.constant 123 : i32
    %dma_wait3A_79 = arith.constant 0 : i32
    %dma_wait3A_80 = arith.constant 0 : i32
    %dma_wait3A_81 = tpu.memref_slice %arg9[%dma_wait3A_77, %dma_wait3A_79, %dma_wait3A_80] : memref<3x80x128xf32, #tpu.memory_space<vmem>> -> memref<1x80x128xf32, #tpu.memory_space<vmem>>
    %dma_wait3A_82 = tpu.memref_squeeze %dma_wait3A_81 : memref<1x80x128xf32, #tpu.memory_space<vmem>> -> memref<80x128xf32, #tpu.memory_space<vmem>>
    %dma_wait3A_83 = arith.constant 0 : i32
    %dma_wait3A_84 = tpu.memref_slice %arg8[%dma_wait3A_78, %dma_wait3A_83] : memref<125x80xi32, #tpu.memory_space<vmem>> -> memref<1x80xi32, #tpu.memory_space<vmem>>
    %dma_wait3A_85 = tpu.memref_squeeze %dma_wait3A_84 : memref<1x80xi32, #tpu.memory_space<vmem>> -> memref<80xi32, #tpu.memory_space<vmem>>
    %dma_wait3A_86 = arith.constant 0 : i32
    %dma_wait3A_87 = arith.constant 0 : i32
    %dma_wait3A_88 = tpu.memref_slice %arg10[%dma_wait3A_86, %dma_wait3A_87] : memref<10000x128xf32, #tpu.memory_space<vmem_shared>> -> memref<10000x128xf32, #tpu.memory_space<vmem_shared>>
    tpu.wait_indirect_dma semaphore(%arg14 : memref<!tpu.dma_semaphore, #tpu.memory_space<semaphore_mem>>) src(%dma_wait3A_82 : memref<80x128xf32, #tpu.memory_space<vmem>>) dst(%dma_wait3A_88 : memref<10000x128xf32, #tpu.memory_space<vmem_shared>>)
    %dma_wait3A_89 = arith.constant 1 : i32
    %dma_wait3A_90 = arith.constant 124 : i32
    %dma_wait3A_91 = arith.constant 0 : i32
    %dma_wait3A_92 = arith.constant 0 : i32
    %dma_wait3A_93 = tpu.memref_slice %arg9[%dma_wait3A_89, %dma_wait3A_91, %dma_wait3A_92] : memref<3x80x128xf32, #tpu.memory_space<vmem>> -> memref<1x80x128xf32, #tpu.memory_space<vmem>>
    %dma_wait3A_94 = tpu.memref_squeeze %dma_wait3A_93 : memref<1x80x128xf32, #tpu.memory_space<vmem>> -> memref<80x128xf32, #tpu.memory_space<vmem>>
    %dma_wait3A_95 = arith.constant 0 : i32
    %dma_wait3A_96 = tpu.memref_slice %arg8[%dma_wait3A_90, %dma_wait3A_95] : memref<125x80xi32, #tpu.memory_space<vmem>> -> memref<1x80xi32, #tpu.memory_space<vmem>>
    %dma_wait3A_97 = tpu.memref_squeeze %dma_wait3A_96 : memref<1x80xi32, #tpu.memory_space<vmem>> -> memref<80xi32, #tpu.memory_space<vmem>>
    %dma_wait3A_98 = arith.constant 0 : i32
    %dma_wait3A_99 = arith.constant 0 : i32
    %dma_wait3A_100 = tpu.memref_slice %arg10[%dma_wait3A_98, %dma_wait3A_99] : memref<10000x128xf32, #tpu.memory_space<vmem_shared>> -> memref<10000x128xf32, #tpu.memory_space<vmem_shared>>
    tpu.wait_indirect_dma semaphore(%arg15 : memref<!tpu.dma_semaphore, #tpu.memory_space<semaphore_mem>>) src(%dma_wait3A_94 : memref<80x128xf32, #tpu.memory_space<vmem>>) dst(%dma_wait3A_100 : memref<10000x128xf32, #tpu.memory_space<vmem_shared>>)
    %barrier3A_101 = arith.constant 0 : index
    tpu.barrier barrier_id(%barrier3A_101)
    %mul3A_102 = arith.constant 625 : i32
    %mul3A_103 = arith.muli %arg1, %mul3A_102 : i32
    %mul3A_104 = arith.constant 625 : i32
    %mul3A_105 = arith.muli %arg1, %mul3A_104 : i32
    "tpu.region"() ({
      %run_scoped3A_106 = tpu.sem_alloc : memref<!tpu.dma_semaphore, #tpu.memory_space<semaphore_mem>>
      %dma_start3A_107 = arith.constant 0 : i32
      %dma_start3A_108 = tpu.memref_slice %arg6[%arg0, %mul3A_105, %dma_start3A_107] : memref<2x10000x128xf32, #tpu.memory_space<hbm>> -> memref<1x625x128xf32, #tpu.memory_space<hbm>>
      %dma_start3A_109 = tpu.memref_squeeze %dma_start3A_108 : memref<1x625x128xf32, #tpu.memory_space<hbm>> -> memref<625x128xf32, #tpu.memory_space<hbm>>
      %dma_start3A_110 = arith.constant 0 : i32
      %dma_start3A_111 = tpu.memref_slice %arg10[%mul3A_103, %dma_start3A_110] : memref<10000x128xf32, #tpu.memory_space<vmem_shared>> -> memref<625x128xf32, #tpu.memory_space<vmem_shared>>
      tpu.enqueue_dma source(%dma_start3A_111 : memref<625x128xf32, #tpu.memory_space<vmem_shared>>) target(%dma_start3A_109 : memref<625x128xf32, #tpu.memory_space<hbm>>) target_semaphore(%run_scoped3A_106 : memref<!tpu.dma_semaphore, #tpu.memory_space<semaphore_mem>>)
      %dma_wait3A_112 = arith.constant 0 : i32
      %dma_wait3A_113 = tpu.memref_slice %arg6[%arg0, %mul3A_105, %dma_wait3A_112] : memref<2x10000x128xf32, #tpu.memory_space<hbm>> -> memref<1x625x128xf32, #tpu.memory_space<hbm>>
      %dma_wait3A_114 = tpu.memref_squeeze %dma_wait3A_113 : memref<1x625x128xf32, #tpu.memory_space<hbm>> -> memref<625x128xf32, #tpu.memory_space<hbm>>
      %dma_wait3A_115 = arith.constant 0 : i32
      %dma_wait3A_116 = tpu.memref_slice %arg10[%mul3A_103, %dma_wait3A_115] : memref<10000x128xf32, #tpu.memory_space<vmem_shared>> -> memref<625x128xf32, #tpu.memory_space<vmem_shared>>
      tpu.wait_dma2 semaphore(%run_scoped3A_106 : memref<!tpu.dma_semaphore, #tpu.memory_space<semaphore_mem>>) src(%dma_wait3A_116 : memref<625x128xf32, #tpu.memory_space<vmem_shared>>) dst(%dma_wait3A_114 : memref<625x128xf32, #tpu.memory_space<hbm>>)
      tpu.yield
    }) : () -> ()
    return
  }
}

module attributes {stable_mosaic.version = 14 : i64} {
  func.func @_tca_body(%arg0: i32, %arg1: memref<2x2000x16xf32, #tpu.memory_space<vmem>>, %arg2: memref<2000x128xf32, #tpu.memory_space<vmem>>, %arg3: memref<128x128xf32, #tpu.memory_space<vmem>>, %arg4: memref<2000x1xf32, #tpu.memory_space<vmem>>, %arg5: memref<2000x128xf32, #tpu.memory_space<vmem>>) attributes {dimension_semantics = [#tpu.dimension_semantics<arbitrary>], iteration_bounds = array<i64: 5>, scalar_prefetch = 0 : i64, scratch_operands = 0 : i64, tpu.core_type = #tpu.core_type<tc>, window_params = [{transform_indices = @transform_0, window_bounds = array<i64: 2, 2000, 16>}, {transform_indices = @transform_1, window_bounds = array<i64: 2000, 128>}, {pipeline_mode = #tpu.pipeline_mode<synchronous>, transform_indices = @transform_2, window_bounds = array<i64: 128, 128>}, {transform_indices = @transform_3, window_bounds = array<i64: 2000, 1>}, {transform_indices = @transform_4, window_bounds = array<i64: 2000, 128>}]} {
    %get3A = arith.constant 0 : index
    %get3A_0 = arith.constant 0 : index
    %get3A_1 = arith.constant 0 : index
    %get3A_2 = vector.load %arg1[%get3A, %get3A_0, %get3A_1] : memref<2x2000x16xf32, #tpu.memory_space<vmem>>, vector<1x2000x1xf32>
    %get3A_3 = vector.shape_cast %get3A_2 : vector<1x2000x1xf32> to vector<2000x1xf32>
    %get3A_4 = arith.constant 1 : index
    %get3A_5 = arith.constant 0 : index
    %get3A_6 = arith.constant 0 : index
    %get3A_7 = vector.load %arg1[%get3A_4, %get3A_5, %get3A_6] : memref<2x2000x16xf32, #tpu.memory_space<vmem>>, vector<1x2000x1xf32>
    %get3A_8 = vector.shape_cast %get3A_7 : vector<1x2000x1xf32> to vector<2000x1xf32>
    %add3A = arith.addf %get3A_3, %get3A_8 : vector<2000x1xf32>
    %add3A_9 = arith.constant 1.000000e+00 : f32
    %add3A_10 = vector.broadcast %add3A_9 : f32 to vector<2000x1xf32>
    %add3A_11 = arith.addf %add3A, %add3A_10 : vector<2000x1xf32>
    %rsqrt3A = math.rsqrt %add3A_11 : vector<2000x1xf32>
    %swap3A = arith.constant 0 : index
    %swap3A_12 = arith.constant 0 : index
    %swap3A_13 = vector.load %arg4[%swap3A, %swap3A_12] : memref<2000x1xf32, #tpu.memory_space<vmem>>, vector<2000x1xf32>
    tpu.vector_store %arg4[%swap3A, %swap3A_12], %rsqrt3A {strides = array<i32>} : memref<2000x1xf32, #tpu.memory_space<vmem>>, vector<2000x1xf32>,
    %get3A_14 = arith.constant 0 : index
    %get3A_15 = arith.constant 0 : index
    %get3A_16 = vector.load %arg2[%get3A_14, %get3A_15] : memref<2000x128xf32, #tpu.memory_space<vmem>>, vector<2000x128xf32>
    %get3A_17 = arith.constant 0 : index
    %get3A_18 = arith.constant 0 : index
    %get3A_19 = vector.load %arg3[%get3A_17, %get3A_18] : memref<128x128xf32, #tpu.memory_space<vmem>>, vector<128x128xf32>
    %dot_general3A = arith.constant dense<0.000000e+00> : vector<2000x128xf32>
    %dot_general3A_20 = tpu.matmul %get3A_16, %get3A_19, %dot_general3A {dimension_numbers = #tpu.dot_dimension_numbers<[1], [0], [0], [1], [0, 0, 1, 1], [], []>, transpose_lhs_hint = false} : vector<2000x128xf32>, vector<128x128xf32>, vector<2000x128xf32> -> vector<2000x128xf32>
    %mul3A = vector.broadcast %rsqrt3A : vector<2000x1xf32> to vector<2000x128xf32>
    %mul3A_21 = arith.mulf %dot_general3A_20, %mul3A : vector<2000x128xf32>
    %swap3A_22 = arith.constant 0 : index
    %swap3A_23 = arith.constant 0 : index
    %swap3A_24 = vector.load %arg5[%swap3A_22, %swap3A_23] : memref<2000x128xf32, #tpu.memory_space<vmem>>, vector<2000x128xf32>
    tpu.vector_store %arg5[%swap3A_22, %swap3A_23], %mul3A_21 {strides = array<i32>} : memref<2000x128xf32, #tpu.memory_space<vmem>>, vector<2000x128xf32>,
    return
  }
  func.func @transform_0(%arg0: i32) -> (i32, i32, i32) {
    %c0_i32 = arith.constant 0 : i32
    %c0_i32_0 = arith.constant 0 : i32
    %c0_i32_1 = arith.constant 0 : i32
    return %c0_i32, %arg0, %c0_i32_0 : i32, i32, i32
  }
  func.func @transform_1(%arg0: i32) -> (i32, i32) {
    %c0_i32 = arith.constant 0 : i32
    %c0_i32_0 = arith.constant 0 : i32
    return %arg0, %c0_i32 : i32, i32
  }
  func.func @transform_2(%arg0: i32) -> (i32, i32) {
    %c0_i32 = arith.constant 0 : i32
    %c0_i32_0 = arith.constant 0 : i32
    %c0_i32_1 = arith.constant 0 : i32
    return %c0_i32, %c0_i32_0 : i32, i32
  }
  func.func @transform_3(%arg0: i32) -> (i32, i32) {
    %c0_i32 = arith.constant 0 : i32
    %c0_i32_0 = arith.constant 0 : i32
    return %arg0, %c0_i32 : i32, i32
  }
  func.func @transform_4(%arg0: i32) -> (i32, i32) {
    %c0_i32 = arith.constant 0 : i32
    %c0_i32_0 = arith.constant 0 : i32
    return %arg0, %c0_i32 : i32, i32
  }
}

module attributes {stable_mosaic.version = 14 : i64} {
  func.func @_tcb_body(%arg0: i32, %arg1: memref<2x2000x128xf32, #tpu.memory_space<vmem>>, %arg2: memref<2000x128xf32, #tpu.memory_space<vmem>>, %arg3: memref<2000x1xf32, #tpu.memory_space<vmem>>, %arg4: memref<2x128xf32, #tpu.memory_space<vmem>>, %arg5: memref<128x128xf32, #tpu.memory_space<vmem>>, %arg6: memref<2000x128xf32, #tpu.memory_space<vmem>>) attributes {dimension_semantics = [#tpu.dimension_semantics<arbitrary>], iteration_bounds = array<i64: 5>, scalar_prefetch = 0 : i64, scratch_operands = 0 : i64, tpu.core_type = #tpu.core_type<tc>, window_params = [{transform_indices = @transform_0, window_bounds = array<i64: 2, 2000, 128>}, {transform_indices = @transform_1, window_bounds = array<i64: 2000, 128>}, {transform_indices = @transform_2, window_bounds = array<i64: 2000, 1>}, {pipeline_mode = #tpu.pipeline_mode<synchronous>, transform_indices = @transform_3, window_bounds = array<i64: 2, 128>}, {pipeline_mode = #tpu.pipeline_mode<synchronous>, transform_indices = @transform_4, window_bounds = array<i64: 128, 128>}, {transform_indices = @transform_5, window_bounds = array<i64: 2000, 128>}]} {
    %get3A = arith.constant 0 : index
    %get3A_0 = arith.constant 0 : index
    %get3A_1 = vector.load %arg3[%get3A, %get3A_0] : memref<2000x1xf32, #tpu.memory_space<vmem>>, vector<2000x1xf32>
    %get3A_2 = arith.constant 0 : index
    %get3A_3 = arith.constant 0 : index
    %get3A_4 = arith.constant 0 : index
    %get3A_5 = vector.load %arg1[%get3A_2, %get3A_3, %get3A_4] : memref<2x2000x128xf32, #tpu.memory_space<vmem>>, vector<1x2000x128xf32>
    %get3A_6 = vector.shape_cast %get3A_5 : vector<1x2000x128xf32> to vector<2000x128xf32>
    %get3A_7 = arith.constant 1 : index
    %get3A_8 = arith.constant 0 : index
    %get3A_9 = arith.constant 0 : index
    %get3A_10 = vector.load %arg1[%get3A_7, %get3A_8, %get3A_9] : memref<2x2000x128xf32, #tpu.memory_space<vmem>>, vector<1x2000x128xf32>
    %get3A_11 = vector.shape_cast %get3A_10 : vector<1x2000x128xf32> to vector<2000x128xf32>
    %add3A = arith.addf %get3A_6, %get3A_11 : vector<2000x128xf32>
    %get3A_12 = arith.constant 0 : index
    %get3A_13 = arith.constant 0 : index
    %get3A_14 = vector.load %arg2[%get3A_12, %get3A_13] : memref<2000x128xf32, #tpu.memory_space<vmem>>, vector<2000x128xf32>
    %add3A_15 = arith.addf %add3A, %get3A_14 : vector<2000x128xf32>
    %mul3A = vector.broadcast %get3A_1 : vector<2000x1xf32> to vector<2000x128xf32>
    %mul3A_16 = arith.mulf %add3A_15, %mul3A : vector<2000x128xf32>
    %get3A_17 = arith.constant 0 : index
    %get3A_18 = arith.constant 0 : index
    %get3A_19 = vector.load %arg4[%get3A_17, %get3A_18] : memref<2x128xf32, #tpu.memory_space<vmem>>, vector<1x128xf32>
    %mul3A_20 = vector.broadcast %get3A_19 : vector<1x128xf32> to vector<2000x128xf32>
    %mul3A_21 = arith.mulf %mul3A_16, %mul3A_20 : vector<2000x128xf32>
    %get3A_22 = arith.constant 1 : index
    %get3A_23 = arith.constant 0 : index
    %get3A_24 = vector.load %arg4[%get3A_22, %get3A_23] : memref<2x128xf32, #tpu.memory_space<vmem>>, vector<1x128xf32>
    %add3A_25 = vector.broadcast %get3A_24 : vector<1x128xf32> to vector<2000x128xf32>
    %add3A_26 = arith.addf %mul3A_21, %add3A_25 : vector<2000x128xf32>
    %max3A = arith.constant 0.000000e+00 : f32
    %max3A_27 = vector.broadcast %max3A : f32 to vector<2000x128xf32>
    %max3A_28 = arith.maximumf %add3A_26, %max3A_27 : vector<2000x128xf32>
    %get3A_29 = arith.constant 0 : index
    %get3A_30 = arith.constant 0 : index
    %get3A_31 = vector.load %arg5[%get3A_29, %get3A_30] : memref<128x128xf32, #tpu.memory_space<vmem>>, vector<128x128xf32>
    %dot_general3A = arith.constant dense<0.000000e+00> : vector<2000x128xf32>
    %dot_general3A_32 = tpu.matmul %max3A_28, %get3A_31, %dot_general3A {dimension_numbers = #tpu.dot_dimension_numbers<[1], [0], [0], [1], [0, 0, 1, 1], [], []>, transpose_lhs_hint = false} : vector<2000x128xf32>, vector<128x128xf32>, vector<2000x128xf32> -> vector<2000x128xf32>
    %mul3A_33 = vector.broadcast %get3A_1 : vector<2000x1xf32> to vector<2000x128xf32>
    %mul3A_34 = arith.mulf %dot_general3A_32, %mul3A_33 : vector<2000x128xf32>
    %swap3A = arith.constant 0 : index
    %swap3A_35 = arith.constant 0 : index
    %swap3A_36 = vector.load %arg6[%swap3A, %swap3A_35] : memref<2000x128xf32, #tpu.memory_space<vmem>>, vector<2000x128xf32>
    tpu.vector_store %arg6[%swap3A, %swap3A_35], %mul3A_34 {strides = array<i32>} : memref<2000x128xf32, #tpu.memory_space<vmem>>, vector<2000x128xf32>,
    return
  }
  func.func @transform_0(%arg0: i32) -> (i32, i32, i32) {
    %c0_i32 = arith.constant 0 : i32
    %c0_i32_0 = arith.constant 0 : i32
    %c0_i32_1 = arith.constant 0 : i32
    return %c0_i32, %arg0, %c0_i32_0 : i32, i32, i32
  }
  func.func @transform_1(%arg0: i32) -> (i32, i32) {
    %c0_i32 = arith.constant 0 : i32
    %c0_i32_0 = arith.constant 0 : i32
    return %arg0, %c0_i32 : i32, i32
  }
  func.func @transform_2(%arg0: i32) -> (i32, i32) {
    %c0_i32 = arith.constant 0 : i32
    %c0_i32_0 = arith.constant 0 : i32
    return %arg0, %c0_i32 : i32, i32
  }
  func.func @transform_3(%arg0: i32) -> (i32, i32) {
    %c0_i32 = arith.constant 0 : i32
    %c0_i32_0 = arith.constant 0 : i32
    %c0_i32_1 = arith.constant 0 : i32
    return %c0_i32, %c0_i32_0 : i32, i32
  }
  func.func @transform_4(%arg0: i32) -> (i32, i32) {
    %c0_i32 = arith.constant 0 : i32
    %c0_i32_0 = arith.constant 0 : i32
    %c0_i32_1 = arith.constant 0 : i32
    return %c0_i32, %c0_i32_0 : i32, i32
  }
  func.func @transform_5(%arg0: i32) -> (i32, i32) {
    %c0_i32 = arith.constant 0 : i32
    %c0_i32_0 = arith.constant 0 : i32
    return %arg0, %c0_i32 : i32, i32
  }
}

module attributes {stable_mosaic.version = 14 : i64} {
  func.func @_tcb_body(%arg0: i32, %arg1: memref<2x2000x128xf32, #tpu.memory_space<vmem>>, %arg2: memref<2000x128xf32, #tpu.memory_space<vmem>>, %arg3: memref<2000x1xf32, #tpu.memory_space<vmem>>, %arg4: memref<2x128xf32, #tpu.memory_space<vmem>>, %arg5: memref<128x64xf32, #tpu.memory_space<vmem>>, %arg6: memref<2000x64xf32, #tpu.memory_space<vmem>>) attributes {dimension_semantics = [#tpu.dimension_semantics<arbitrary>], iteration_bounds = array<i64: 5>, scalar_prefetch = 0 : i64, scratch_operands = 0 : i64, tpu.core_type = #tpu.core_type<tc>, window_params = [{transform_indices = @transform_0, window_bounds = array<i64: 2, 2000, 128>}, {transform_indices = @transform_1, window_bounds = array<i64: 2000, 128>}, {transform_indices = @transform_2, window_bounds = array<i64: 2000, 1>}, {pipeline_mode = #tpu.pipeline_mode<synchronous>, transform_indices = @transform_3, window_bounds = array<i64: 2, 128>}, {pipeline_mode = #tpu.pipeline_mode<synchronous>, transform_indices = @transform_4, window_bounds = array<i64: 128, 64>}, {transform_indices = @transform_5, window_bounds = array<i64: 2000, 64>}]} {
    %get3A = arith.constant 0 : index
    %get3A_0 = arith.constant 0 : index
    %get3A_1 = vector.load %arg3[%get3A, %get3A_0] : memref<2000x1xf32, #tpu.memory_space<vmem>>, vector<2000x1xf32>
    %get3A_2 = arith.constant 0 : index
    %get3A_3 = arith.constant 0 : index
    %get3A_4 = arith.constant 0 : index
    %get3A_5 = vector.load %arg1[%get3A_2, %get3A_3, %get3A_4] : memref<2x2000x128xf32, #tpu.memory_space<vmem>>, vector<1x2000x128xf32>
    %get3A_6 = vector.shape_cast %get3A_5 : vector<1x2000x128xf32> to vector<2000x128xf32>
    %get3A_7 = arith.constant 1 : index
    %get3A_8 = arith.constant 0 : index
    %get3A_9 = arith.constant 0 : index
    %get3A_10 = vector.load %arg1[%get3A_7, %get3A_8, %get3A_9] : memref<2x2000x128xf32, #tpu.memory_space<vmem>>, vector<1x2000x128xf32>
    %get3A_11 = vector.shape_cast %get3A_10 : vector<1x2000x128xf32> to vector<2000x128xf32>
    %add3A = arith.addf %get3A_6, %get3A_11 : vector<2000x128xf32>
    %get3A_12 = arith.constant 0 : index
    %get3A_13 = arith.constant 0 : index
    %get3A_14 = vector.load %arg2[%get3A_12, %get3A_13] : memref<2000x128xf32, #tpu.memory_space<vmem>>, vector<2000x128xf32>
    %add3A_15 = arith.addf %add3A, %get3A_14 : vector<2000x128xf32>
    %mul3A = vector.broadcast %get3A_1 : vector<2000x1xf32> to vector<2000x128xf32>
    %mul3A_16 = arith.mulf %add3A_15, %mul3A : vector<2000x128xf32>
    %get3A_17 = arith.constant 0 : index
    %get3A_18 = arith.constant 0 : index
    %get3A_19 = vector.load %arg4[%get3A_17, %get3A_18] : memref<2x128xf32, #tpu.memory_space<vmem>>, vector<1x128xf32>
    %mul3A_20 = vector.broadcast %get3A_19 : vector<1x128xf32> to vector<2000x128xf32>
    %mul3A_21 = arith.mulf %mul3A_16, %mul3A_20 : vector<2000x128xf32>
    %get3A_22 = arith.constant 1 : index
    %get3A_23 = arith.constant 0 : index
    %get3A_24 = vector.load %arg4[%get3A_22, %get3A_23] : memref<2x128xf32, #tpu.memory_space<vmem>>, vector<1x128xf32>
    %add3A_25 = vector.broadcast %get3A_24 : vector<1x128xf32> to vector<2000x128xf32>
    %add3A_26 = arith.addf %mul3A_21, %add3A_25 : vector<2000x128xf32>
    %max3A = arith.constant 0.000000e+00 : f32
    %max3A_27 = vector.broadcast %max3A : f32 to vector<2000x128xf32>
    %max3A_28 = arith.maximumf %add3A_26, %max3A_27 : vector<2000x128xf32>
    %get3A_29 = arith.constant 0 : index
    %get3A_30 = arith.constant 0 : index
    %get3A_31 = vector.load %arg5[%get3A_29, %get3A_30] : memref<128x64xf32, #tpu.memory_space<vmem>>, vector<128x64xf32>
    %dot_general3A = arith.constant dense<0.000000e+00> : vector<2000x64xf32>
    %dot_general3A_32 = tpu.matmul %max3A_28, %get3A_31, %dot_general3A {dimension_numbers = #tpu.dot_dimension_numbers<[1], [0], [0], [1], [0, 0, 1, 1], [], []>, transpose_lhs_hint = false} : vector<2000x128xf32>, vector<128x64xf32>, vector<2000x64xf32> -> vector<2000x64xf32>
    %mul3A_33 = vector.broadcast %get3A_1 : vector<2000x1xf32> to vector<2000x64xf32>
    %mul3A_34 = arith.mulf %dot_general3A_32, %mul3A_33 : vector<2000x64xf32>
    %swap3A = arith.constant 0 : index
    %swap3A_35 = arith.constant 0 : index
    %swap3A_36 = vector.load %arg6[%swap3A, %swap3A_35] : memref<2000x64xf32, #tpu.memory_space<vmem>>, vector<2000x64xf32>
    tpu.vector_store %arg6[%swap3A, %swap3A_35], %mul3A_34 {strides = array<i32>} : memref<2000x64xf32, #tpu.memory_space<vmem>>, vector<2000x64xf32>,
    return
  }
  func.func @transform_0(%arg0: i32) -> (i32, i32, i32) {
    %c0_i32 = arith.constant 0 : i32
    %c0_i32_0 = arith.constant 0 : i32
    %c0_i32_1 = arith.constant 0 : i32
    return %c0_i32, %arg0, %c0_i32_0 : i32, i32, i32
  }
  func.func @transform_1(%arg0: i32) -> (i32, i32) {
    %c0_i32 = arith.constant 0 : i32
    %c0_i32_0 = arith.constant 0 : i32
    return %arg0, %c0_i32 : i32, i32
  }
  func.func @transform_2(%arg0: i32) -> (i32, i32) {
    %c0_i32 = arith.constant 0 : i32
    %c0_i32_0 = arith.constant 0 : i32
    return %arg0, %c0_i32 : i32, i32
  }
  func.func @transform_3(%arg0: i32) -> (i32, i32) {
    %c0_i32 = arith.constant 0 : i32
    %c0_i32_0 = arith.constant 0 : i32
    %c0_i32_1 = arith.constant 0 : i32
    return %c0_i32, %c0_i32_0 : i32, i32
  }
  func.func @transform_4(%arg0: i32) -> (i32, i32) {
    %c0_i32 = arith.constant 0 : i32
    %c0_i32_0 = arith.constant 0 : i32
    %c0_i32_1 = arith.constant 0 : i32
    return %c0_i32, %c0_i32_0 : i32, i32
  }
  func.func @transform_5(%arg0: i32) -> (i32, i32) {
    %c0_i32 = arith.constant 0 : i32
    %c0_i32_0 = arith.constant 0 : i32
    return %arg0, %c0_i32 : i32, i32
  }
}

module attributes {stable_mosaic.version = 14 : i64} {
  func.func @_tcc_body(%arg0: i32, %arg1: memref<2x2000x64xf32, #tpu.memory_space<vmem>>, %arg2: memref<2000x64xf32, #tpu.memory_space<vmem>>, %arg3: memref<2000x1xf32, #tpu.memory_space<vmem>>, %arg4: memref<1x64xf32, #tpu.memory_space<vmem>>, %arg5: memref<2000x64xf32, #tpu.memory_space<vmem>>) attributes {dimension_semantics = [#tpu.dimension_semantics<arbitrary>], iteration_bounds = array<i64: 5>, scalar_prefetch = 0 : i64, scratch_operands = 0 : i64, tpu.core_type = #tpu.core_type<tc>, window_params = [{transform_indices = @transform_0, window_bounds = array<i64: 2, 2000, 64>}, {transform_indices = @transform_1, window_bounds = array<i64: 2000, 64>}, {transform_indices = @transform_2, window_bounds = array<i64: 2000, 1>}, {pipeline_mode = #tpu.pipeline_mode<synchronous>, transform_indices = @transform_3, window_bounds = array<i64: 1, 64>}, {transform_indices = @transform_4, window_bounds = array<i64: 2000, 64>}]} {
    %get3A = arith.constant 0 : index
    %get3A_0 = arith.constant 0 : index
    %get3A_1 = arith.constant 0 : index
    %get3A_2 = vector.load %arg1[%get3A, %get3A_0, %get3A_1] : memref<2x2000x64xf32, #tpu.memory_space<vmem>>, vector<1x2000x64xf32>
    %get3A_3 = vector.shape_cast %get3A_2 : vector<1x2000x64xf32> to vector<2000x64xf32>
    %get3A_4 = arith.constant 1 : index
    %get3A_5 = arith.constant 0 : index
    %get3A_6 = arith.constant 0 : index
    %get3A_7 = vector.load %arg1[%get3A_4, %get3A_5, %get3A_6] : memref<2x2000x64xf32, #tpu.memory_space<vmem>>, vector<1x2000x64xf32>
    %get3A_8 = vector.shape_cast %get3A_7 : vector<1x2000x64xf32> to vector<2000x64xf32>
    %add3A = arith.addf %get3A_3, %get3A_8 : vector<2000x64xf32>
    %get3A_9 = arith.constant 0 : index
    %get3A_10 = arith.constant 0 : index
    %get3A_11 = vector.load %arg2[%get3A_9, %get3A_10] : memref<2000x64xf32, #tpu.memory_space<vmem>>, vector<2000x64xf32>
    %add3A_12 = arith.addf %add3A, %get3A_11 : vector<2000x64xf32>
    %get3A_13 = arith.constant 0 : index
    %get3A_14 = arith.constant 0 : index
    %get3A_15 = vector.load %arg3[%get3A_13, %get3A_14] : memref<2000x1xf32, #tpu.memory_space<vmem>>, vector<2000x1xf32>
    %mul3A = vector.broadcast %get3A_15 : vector<2000x1xf32> to vector<2000x64xf32>
    %mul3A_16 = arith.mulf %add3A_12, %mul3A : vector<2000x64xf32>
    %get3A_17 = arith.constant 0 : index
    %get3A_18 = arith.constant 0 : index
    %get3A_19 = vector.load %arg4[%get3A_17, %get3A_18] : memref<1x64xf32, #tpu.memory_space<vmem>>, vector<1x64xf32>
    %add3A_20 = vector.broadcast %get3A_19 : vector<1x64xf32> to vector<2000x64xf32>
    %add3A_21 = arith.addf %mul3A_16, %add3A_20 : vector<2000x64xf32>
    %swap3A = arith.constant 0 : index
    %swap3A_22 = arith.constant 0 : index
    %swap3A_23 = vector.load %arg5[%swap3A, %swap3A_22] : memref<2000x64xf32, #tpu.memory_space<vmem>>, vector<2000x64xf32>
    tpu.vector_store %arg5[%swap3A, %swap3A_22], %add3A_21 {strides = array<i32>} : memref<2000x64xf32, #tpu.memory_space<vmem>>, vector<2000x64xf32>,
    return
  }
  func.func @transform_0(%arg0: i32) -> (i32, i32, i32) {
    %c0_i32 = arith.constant 0 : i32
    %c0_i32_0 = arith.constant 0 : i32
    %c0_i32_1 = arith.constant 0 : i32
    return %c0_i32, %arg0, %c0_i32_0 : i32, i32, i32
  }
  func.func @transform_1(%arg0: i32) -> (i32, i32) {
    %c0_i32 = arith.constant 0 : i32
    %c0_i32_0 = arith.constant 0 : i32
    return %arg0, %c0_i32 : i32, i32
  }
  func.func @transform_2(%arg0: i32) -> (i32, i32) {
    %c0_i32 = arith.constant 0 : i32
    %c0_i32_0 = arith.constant 0 : i32
    return %arg0, %c0_i32 : i32, i32
  }
  func.func @transform_3(%arg0: i32) -> (i32, i32) {
    %c0_i32 = arith.constant 0 : i32
    %c0_i32_0 = arith.constant 0 : i32
    %c0_i32_1 = arith.constant 0 : i32
    return %c0_i32, %c0_i32_0 : i32, i32
  }
  func.func @transform_4(%arg0: i32) -> (i32, i32) {
    %c0_i32 = arith.constant 0 : i32
    %c0_i32_0 = arith.constant 0 : i32
    return %arg0, %c0_i32 : i32, i32
  }
}

</mosaic_0001>

<sc_bundles>
// kernel: kernel.10.cloned.1.call-start
scs
__scs_entry_jumppad:
0x0: {  	(pc) =	sbr.rel $0x88, $3  }
0x1: {  	(tag) =	ssettag $0x0;
	lr =	simm.s32 $0x1  }
0x2: {  	[smem:$0x3F91] =	sst lr;
	_ =	strace $0xD0000000  }
0x3: {  	_ = 	snop  }
0x4: {  	_ = 	snop  }
0x5: {  	_ = 	snop  }
0x6: {  	_ = 	snop  }
0x7: {  	_ = 	snop  }
__scs_overlays_trampoline_lowered:
0x8: {  	[smem:$0x3FA0] =	sst s0  }
0x9: {  	[smem:$0x3FA1] =	sst s1  }
0xa: {  	[smem:$0x3FA2] =	sst s2  }
0xb: {  	[smem:$0x3FA3] =	sst s3  }
0xc: {  	[smem:$0x3FA4] =	sst s4  }
0xd: {  	[smem:$0x3FA5] =	sst s5  }
0xe: {  	[smem:$0x3FA6] =	sst s6  }
0xf: {  	[smem:$0x3FA7] =	sst s7  }
0x10: {  	[smem:$0x3FA8] =	sst s8  }
0x11: {  	[smem:$0x3FA9] =	sst s9;
	s0 =	simm.s32 @!p0 $0x0  }
0x12: {  	s1 =	sld [smem:$0x3F8F];
	s0 =	simm.s32 @p0 $0x1  }
0x13: {  	[smem:$0x3FAA] =	sst s0;
	s0 =	simm.s32 @!p1 $0x0  }
0x14: {  	s2 =	sld [smem:$0x3F8E];
	s0 =	simm.s32 @p1 $0x1  }
0x15: {  	[smem:$0x3FAB] =	sst s0;
	s0 =	simm.s32 @!p2 $0x0  }
0x16: {  	s3 =	sld [smem:$0x3FDB];
	s0 =	simm.s32 @p2 $0x1  }
0x17: {  	s4 =	simm.s32 $0x1BF5;
	[smem:$0x3FAD] =	sst s0  }
0x18: {  	s0 =	sld [smem:$0x3F90];
	_ =	swait.ge [sflag:s4], $0x0  }
0x19: {  	s7 =	sld [smem:$0x3F91]  }
0x1a: {  	s8 =	sadd.s32 $0xFFFFE003, lr  }
0x1b: {  	s9 =	sadd.s32 $0xFFFFFEF7, lr;
	s5 =	simm.s32 $0xFFFFFFFF;
	p2 =	slt.u32 s8, $0xFFFFF086  }
0x1c: {  	p1 =	slt.u32 s9, $0xF7A;
	s5 =	simm.s32 @!p2 $0x0  }
0x1d: {  	s5 =	simm.s32 @p1 $0x1;
	p0 =	seq.s32 s7, s2  }
0x1e: {  	s7 =	smul.u32 @!p0 $0xF7A, s2;
	p2 =	seq.s32 @!p0 s5, $0x0  }
0x1f: {  	s9 =	smul.u32 $0xF7A, s1;
	s8 =	simm.s32 @!p0 $0x1BF5;
	p2 =	por !p2, p0  }
0x20: {  	[sflag:s8] =	ssyncset.s32 @!p0 $0xFFFFF086;
	s6 =	sadd.s32 @!p0 s3, s7;
	s7 =	simm.s32 @!p0 $0x108  }
0x21: {  	s3 =	sadd.s32 s3, s9;
	s6 =	sadd.s32 @!p0 $0x88, s6;
	s7 =	simm.s32 @p2 $0x1082  }
0x22: {  	[simem:s7], [sflag:s8] =	dma.local @!p0 [hbm:s6], $0xF7A  }
0x23: {  	s9 =	sor.u32 $0xD0000000, s2;
	s6 =	simm.s32 $0x108;
	_ =	swait.ge @!p0 [sflag:s8], $0x0  }
0x24: {  	s3 =	sadd.s32 $0x88, s3;
	s6 =	simm.s32 @!p1 $0x1082;
	[sflag:s4] =	ssyncset.s32 $0xFFFFF086  }
0x25: {  	[simem:s6], [sflag:s4] =	dma.local [hbm:s3], $0xF7A  }
0x26: {  	[smem:$0x3F91] =	sst s1;
	(tag) =	ssettag s2;
	_ =	strace s9  }
0x27: {  	s1 =	sld [smem:$0x3FA1]  }
0x28: {  	s2 =	sld [smem:$0x3FA2]  }
0x29: {  	s4 =	sld [smem:$0x3FA4]  }
0x2a: {  	p0 =	seq.s32 s5, $0x0;
	s5 =	sld [smem:$0x3FA5]  }
0x2b: {  	s6 =	sld [smem:$0x3FA6]  }
0x2c: {  	s7 =	sld [smem:$0x3FA7]  }
0x2d: {  	s3 =	simm.s32 $0x108;
	s8 =	sld [smem:$0x3FA8]  }
0x2e: {  	s3 =	simm.s32 @!p0 $0x1082;
	s9 =	sld [smem:$0x3FA9]  }
0x2f: {  	lr =	sadd.s32 s0, s3;
	s0 =	sld [smem:$0x3FA0]  }
0x30: {  	s3 =	sld [smem:$0x3FA3]  }
0x31: {  	[smem:$0x3FAC] =	sst s10  }
0x32: {  	s10 =	sld [smem:$0x3FAA];
	_ =	sdelay $0x3  }
0x33: {  	p0 =	seq.s32 s10, $0x1;
	s10 =	sld [smem:$0x3FAC];
	_ =	sdelay $0x3  }
0x34: {  	[smem:$0x3FAC] =	sst s10  }
0x35: {  	s10 =	sld [smem:$0x3FAB];
	_ =	sdelay $0x3  }
0x36: {  	p1 =	seq.s32 s10, $0x1;
	s10 =	sld [smem:$0x3FAC];
	_ =	sdelay $0x3  }
0x37: {  	[smem:$0x3FAC] =	sst s10  }
0x38: {  	s10 =	sld [smem:$0x3FAD]  }
0x39: {  	_ = 	snop;
	(pc) =	sbr.ind lr, $3  }
0x3a: {  	_ = 	snop  }
0x3b: {  	_ = 	snop  }
0x3c: {  	p2 =	seq.s32 s10, $0x1;
	s10 =	sld [smem:$0x3FAC]  }
0x3d: {  	_ =	shalt  }
0x3e: {  	_ =	shalt  }
0x3f: {  	_ =	shalt  }
0x40: {  	_ =	shalt  }
0x41: {  	_ =	shalt  }
0x42: {  	_ =	shalt  }
0x43: {  	_ =	shalt  }
0x44: {  	_ =	shalt  }
0x45: {  	_ =	shalt  }
0x46: {  	_ =	shalt  }
0x47: {  	_ =	shalt  }
0x48: {  	_ =	shalt  }
0x49: {  	_ =	shalt  }
0x4a: {  	_ =	shalt  }
0x4b: {  	_ =	shalt  }
0x4c: {  	_ =	shalt  }
0x4d: {  	_ =	shalt  }
0x4e: {  	_ =	shalt  }
0x4f: {  	_ =	shalt  }
0x50: {  	_ =	shalt  }
0x51: {  	_ =	shalt  }
0x52: {  	_ =	shalt  }
0x53: {  	_ =	shalt  }
0x54: {  	_ =	shalt  }
0x55: {  	_ =	shalt  }
0x56: {  	_ =	shalt  }
0x57: {  	_ =	shalt  }
0x58: {  	_ =	shalt  }
0x59: {  	_ =	shalt  }
0x5a: {  	_ =	shalt  }
0x5b: {  	_ =	shalt  }
0x5c: {  	_ =	shalt  }
0x5d: {  	_ =	shalt  }
0x5e: {  	_ =	shalt  }
0x5f: {  	_ =	shalt  }
0x60: {  	_ =	shalt  }
0x61: {  	_ =	shalt  }
0x62: {  	_ =	shalt  }
0x63: {  	_ =	shalt  }
0x64: {  	_ =	shalt  }
0x65: {  	_ =	shalt  }
0x66: {  	_ =	shalt  }
0x67: {  	_ =	shalt  }
0x68: {  	_ =	shalt  }
0x69: {  	_ =	shalt  }
0x6a: {  	_ =	shalt  }
0x6b: {  	_ =	shalt  }
0x6c: {  	_ =	shalt  }
0x6d: {  	_ =	shalt  }
0x6e: {  	_ =	shalt  }
0x6f: {  	_ =	shalt  }
0x70: {  	_ =	shalt  }
0x71: {  	_ =	shalt  }
0x72: {  	_ =	shalt  }
0x73: {  	_ =	shalt  }
0x74: {  	_ =	shalt  }
0x75: {  	_ =	shalt  }
0x76: {  	_ =	shalt  }
0x77: {  	_ =	shalt  }
0x78: {  	_ =	shalt  }
0x79: {  	_ =	shalt  }
0x7a: {  	_ =	shalt  }
0x7b: {  	_ =	shalt  }
0x7c: {  	_ =	shalt  }
0x7d: {  	_ =	shalt  }
0x7e: {  	_ =	shalt  }
0x7f: {  	_ =	shalt  }
0x80: {  	_ =	shalt  }
0x81: {  	_ =	shalt  }
0x82: {  	_ =	shalt  }
0x83: {  	_ =	shalt  }
0x84: {  	_ =	shalt  }
0x85: {  	_ =	shalt  }
0x86: {  	_ =	shalt  }
0x87: {  	_ =	shalt  }
.Lfunc_end0:
.L_simem_size_0:
called_computation_lowered:
.L_overlay_start_0:
0x88: {  	s2 =	sld [smem:$0x3FD9]  }
0x89: {  	s3 =	sld [smem:$0x3FFE];
	_ =	sdelay $0x1  }
0x8a: {  	s1 =	srdreg.scid  }
0x8b: {  	s0 =	sand.u32 $0x1, s1  }
0x8c: {  	s16 =	sshll.u32 s0, $0xA;
	s2 =	sadd.s32 s3, s2  }
0x8d: {  	s2 =	sadd.s32 s2, s16  }
0x8e: {  	[smem:$0x3FB8] =	sst s2  }
0x8f: {  	_ = 	snop  }
0x90: {  	(tm) =	ssettm $0x1  }
0x91: {  	s17 =	sld [smem:$0x3FFB];
	_ =	sdelay $0x3  }
0x92: {  	_ =	strace s17  }
0x93: {  	s2 =	sld [smem:$0x3FFC];
	_ =	sdelay $0x3  }
0x94: {  	_ =	strace s2  }
0x95: {  	s2 =	sld [smem:$0x3FFD];
	_ =	sdelay $0x3  }
0x96: {  	_ =	strace s2  }
0x97: {  	_ =	strace $0x8FFFFFFF  }
0x98: {  	s18 =	sld [smem:$0x3FDB];
	_ =	sdelay $0x1  }
0x99: {  	s19 =	simm.s32 $_scs_section_size  }
0x9a: {  	s4 =	simm.s32 $_size__tile_overlayer_lowered;
	s5 =	simm.s32 $_tile_overlayer_lowered  }
0x9b: {  	s22 =	simm.s32 $0x1BFF;
	s21 =	sshll.u32 s5, $0x1;
	s2 =	sadd.s32 s19, s18  }
0x9c: {  	s6 =	simm.s32 $0x0;
	s20 =	sshll.u32 s4, $0x1;
	s4 =	sadd.s32 s21, s2  }
0x9d: {  	[timem:s6], [sflag:s22] =	dma.local [hbm:s4], s20  }
0x9e: {  	_ =	swait.ge [sflag:s22], s20  }
0x9f: {  	s3 =	ssub.s32 $0x0, s20;
	[sflag:s22] =	ssyncset.done $0x0  }
0xa0: {  	[sflag:s22] =	ssyncadd.s32 s3;
	_ =	sdelay $0x1  }
0xa1: {  	s23 =	simm.s32 $0x1B8B  }
0xa2: {  	_ =	swait.ge [sflag:s23], $0x1  }
0xa3: {  	[sflag:s23] =	ssyncset.done $0x0  }
0xa4: {  	s25 =	simm.s32 $0x1B8E;
	s24 =	sld [smem:$0x3FFE];
	[sflag:s23] =	ssyncadd.s32 $0xFFFFFFFF  }
0xa5: {  	s26 =	simm.s32 $execute0_lowered;
	[smem:$0x3FD2] =	sst s25  }
0xa6: {  	s4 =	sshll.u32 s26, $0x1;
	_ =	strace $0x80000046;
	[dreg:$0x1] =	wrdreg $0xFFFFFFFF  }
0xa7: {  	s28 =	simm.s32 $_size_execute0_lowered;
	s2 =	sadd.s32 s2, s4;
	[dreg:$0x0] =	wrdreg $0x0  }
0xa8: {  	s4 =	sshll.u32 s28, $0x1;
	[dreg:$0x2] =	wrdreg s2  }
0xa9: {  	[dreg:$0x3] =	wrdreg s4  }
0xaa: {  	[dreg:$0x4] =	wrdreg $0xC0  }
0xab: {  	_ =	task [dreg:s6], $0x5FFFF  }
0xac: {  	[dreg:$0x1] =	wrdreg $0xFFFFFFFF  }
0xad: {  	[dreg:$0x0] =	wrdreg $0x60  }
0xae: {  	[dreg:$0x2] =	wrdreg s24  }
0xaf: {  	[dreg:$0x3] =	wrdreg $0x6C000  }
0xb0: {  	[dreg:$0x4] =	wrdreg $0x9  }
0xb1: {  	_ =	task.clear_ibuf [dreg:s6], $0x5FFFF;
	_ =	strace $0x90000046  }
0xb2: {  	s29 =	simm.s32 $0x9;
	_ =	strace $0x80000048  }
0xb3: {  	_ =	swait.ge [sflag:s29], $0x1  }
0xb4: {  	[sflag:s29] =	ssyncadd.s32 $0xFFFFFFFF  }
0xb5: {  	_ =	strace $0x90000048  }
0xb6: {  	_ =	sfence  }
0xb7: {  	s30 =	sld [smem:$0x0];
	_ =	sdelay $0x2  }
0xb8: {  	s31 =	sshll.u32 s1, $0xD;
	s1 =	sshrl.u32 s1, $0x2  }
0xb9: {  	s3 =	sand.u32 $0x4000, s31;
	s1 =	sadd.s32 s1, s30  }
0xba: {  	s0 =	sor.u32 s3, s0;
	s1 =	sshll.u32 s1, $0x11  }
0xbb: {  	s0 =	sor.u32 s1, s0  }
0xbc: {  	s0 =	sadd.s32 $0x8F2B, s0  }
0xbd: {  	[sflag:s0] =	ssyncadd.remote.s32 $0x1  }
0xbe: {  	_ =	sfence.sel $0xFFFF  }
0xbf: {  	[dreg:$0x0] =	wrdreg $0xFFFFFFFF;
	(pc) =	sbr.abs _section_cstart, $3  }
0xc0: {  	[dreg:$0x1] =	wrdreg $0xFFFFFFFF  }
0xc1: {  	_ =	task.clear_ibuf [dreg:s6], $0x2FFFF;
	_ =	strace $0x9FFFFFFF  }
0xc2: {  	(tm) =	ssettm $0x7FFFFFFF  }
0xc3: {  	_ =	shalt  }
tec
execute0_lowered:
.L_overlay_start_1:
0x0: {  	(tag) =	ssettag $0x1  }
0x1: {  	s6 =	rddreg [dreg:$0x0];
	s0 =	srdreg.scid  }
0x2: {  	s2 =	rddreg [dreg:$0x1];
	s1 =	stileid.u32;
	s3 =	simm.s32 $0x0  }
0x3: {  	s13 =	simm.s32 $0x50;
	s14 =	simm.s32 $0x1;
	s17 =	simm.s32 $0x0  }
0x4: {  	s5 =	sand.u32 $0x1, s0;
	s0 =	rddreg [dreg:$0x2];
	s7 =	smul.u32 $0x14000, s1  }
0x5: {  	[smem:$0x7FF] =	sst s3;
	s10 =	sshll.u32 s1, $0xC;
	s11 =	smul.u32 $0x50000, s1  }
0x6: {  	s15 =	sshll.u32 s1, $0x6;
	s4 =	smul.u32 $0x140000, s5;
	s8 =	sshll.u32 s5, $0xB  }
0x7: {  	_ =	strace $0x80000047;
	s5 =	ssub.s32 $0x2, s5;
	s15 =	sor.u32 $0x1C02, s15  }
0x8: {  	s8 =	sadd.s32 s8, s6;
	s9 =	sshrl.u32 s5, $0x1;
	s31 =	sshrl.u32 s11, $0x2  }
0x9: {  	s11 =	simm.s32 $0x4000;
	s7 =	sadd.s32 s7, s4;
	s4 =	sadd.s32 $0x1DC00, s6  }
0xa: {  	s9 =	ssub.s32 s5, s9;
	s30 =	sadd.s32 s10, s8;
	s10 =	simm.s32 $0x2  }
0xb: {  	s7 =	sshrl.u32 s7, $0x3;
	s5 =	sadd.s32 $0xDC00, s30;
	s9 =	smax.u32 s9, $0x1  }
0xc: {  	s12 =	sadd.s32 s7, s6;
	s6 =	sadd.s32 $0x1E100, s6;
	s7 =	sadd.s32 s31, s2  }
0xd: {  	s8 =	sadd.s32 $0x1E200, s12;
	s12 =	simm.s32 $0x6800;
	s16 =	sshrl.u32 s7, $0x3  }
.LBB2_1:
0xe: {  	[tilespmem:s3], [sflag:$0x2] =	stream.linear.gather [hbm4b:s5+s3], $0x3E80, $0x38;
	[tilespmem:$0x9400] =	vst v63  }
0xf: {  	_ =	swait.ge [sflag:s10], $0x3E80  }
0x10: {  	[sflag:s10] =	ssyncset.done $0x0  }
0x11: {  	[sflag:s10] =	ssyncadd.s32 $0xFFFFC180  }
0x12: {  	[tilespmem:s11], [sflag:$0x2] =	stream.linear.gather [hbm4b:s4+s3], $0x2800, $0x38;
	[tilespmem:$0x9400] =	vst v63  }
0x13: {  	_ =	swait.ge [sflag:s10], $0x2800  }
0x14: {  	[sflag:s10] =	ssyncset.done $0x0  }
0x15: {  	[sflag:s10] =	ssyncadd.s32 $0xFFFFD800  }
0x16: {  	[tilespmem:s12], [sflag:$0x2] =	stream.linear.gather [hbm4b:s6+s3], $0x400, $0x38;
	[tilespmem:$0x9400] =	vst v63  }
0x17: {  	_ =	swait.ge [sflag:s10], $0x400  }
0x18: {  	[sflag:s10] =	ssyncset.done $0x0  }
0x19: {  	s18 =	sadd.s32 $0x0, s7;
	[sflag:s10] =	ssyncadd.s32 $0xFFFFFC00  }
0x1a: {  	[spmem:s18] =	stream.linear.scatter [tilespmem:s12], [sflag:$0x2], $0x400, $0x38;
	[tilespmem:$0x9400] =	vst v63  }
0x1b: {  	s18 =	simm.s32 $0x1000;
	_ =	swait.ge [sflag:s10], $0x400  }
.LBB2_2:
0x1c: {  	s19 =	sshra.s32 s18, $0x2;
	[sflag:s10] =	ssyncset.done $0x0;
	p0 =	sne.s32 s18, $0x4F000  }
.Ltmp0:
0x1d: {  	s19 =	sadd.s32 s19, s7;
	[sflag:s10] =	ssyncadd.s32 $0xFFFFFC00;
	(pc) =	sbr.rel @p0 .LBB2_2-.Ltmp0, $3  }
0x1e: {  	[spmem:s19] =	stream.linear.scatter [tilespmem:s12], [sflag:$0x2], $0x400, $0x38;
	[tilespmem:$0x9400] =	vst v63  }
0x1f: {  	s18 =	sadd.s32 $0x1000, s18;
	_ =	sdelay $0x1  }
0x20: {  	_ =	swait.ge [sflag:s10], $0x400  }
0x21: {  	[sflag:s10] =	ssyncset.done $0x0  }
0x22: {  	[sflag:s10] =	ssyncadd.s32 $0xFFFFFC00  }
0x23: {  	s18 =	simm.s32 $0x0;
	[bflag:$0x0] =	sbarrier.arrive $0xFFFF  }
.LBB2_4:
0x24: {  	p0 =	sne.s32 s18, $0xF800  }
.Ltmp1:
0x25: {  	_ = 	snop;
	(pc) =	sbr.rel @p0 .LBB2_4-.Ltmp1, $3  }
0x26: {  	_ =	sdelay $0x1  }
0x27: {  	s19 =	sshra.s32 s18, $0x2;
	s18 =	sadd.s32 $0x200, s18  }
0x28: {  	[spmem:s2] =	stream.indirect.scatter.add.f32 [tilespmem:s11], [sflag:$0x1], $0x10, s19, s13, $0xb8;
	[tilespmem:$0x9400] =	vst v63  }
0x29: {  	_ =	swait.ge [sflag:s14], $0x500  }
0x2a: {  	s18 =	simm.s32 $0x7C;
	[sflag:s14] =	ssyncset.done $0x0  }
.LBB2_6:
0x2b: {  	p0 =	sne.s32 s18, $0x1;
	s18 =	sadd.s32 $0xFFFFFFFF, s18;
	[sflag:s14] =	ssyncadd.s32 $0xFFFFFB00  }
.Ltmp2:
0x2c: {  	(pc) =	sbr.rel @p0 .LBB2_6-.Ltmp2, $3  }
0x2d: {  	_ =	sdelay $0x1  }
0x2e: {  	_ =	swait.ge [sflag:s14], $0x500  }
0x2f: {  	[sflag:s14] =	ssyncset.done $0x0  }
0x30: {  	s17 =	sadd.s32 $0x1, s17  }
0x31: {  	[sflag:s14] =	ssyncadd.s32 $0xFFFFFB00;
	p0 =	sne.s32 s17, s9  }
.Ltmp3:
0x32: {  	[bflag:$0x0] =	sbarrier.arrive $0xFFFF;
	(pc) =	sbr.rel @p0 .LBB2_1-.Ltmp3, $4  }
0x33: {  	[hbm:s8], [sflag:s15] =	dma.local [spmem:s16], $0x2800  }
0x34: {  	_ =	swait.ge [sflag:s10], $0x2800  }
0x35: {  	[sflag:s10] =	ssyncset.done $0x0  }
0x36: {  	[sflag:s10] =	ssyncadd.s32 $0xFFFFD800  }
0x37: {  	_ =	sfence.sel $0x180000  }
0x38: {  	[bflag:$0x0] =	sbarrier.arrive $0xFFFF  }
0x39: {  	p0 =	sne.s32 s1, $0x0;
	_ =	strace $0x90000047  }
0x3a: {  	s0 =	sadd.s32 @!p0 $0x100000, s0;
	[bflag:$0x2] =	sbarrier.arrive $0xFFFF  }
0x3b: {  	[sflag:s0] =	ssyncadd.tile.s32 @!p0 $0x1;
	_ =	shalt  }
.Lfunc_end2:
_tile_overlayer_lowered:
.L_overlay_start_2:
0x3c: {  	(tag) =	ssettag $0x2  }
0x3d: {  	s0 =	rddreg [dreg:$0x0];
	s2 =	stileid.u32  }
0x3e: {  	s1 =	rddreg [dreg:$0x1];
	p0 =	sne.s32 s2, $0x0  }
0x3f: {  	s3 =	rddreg [dreg:$0x2];
	[bflag:$0x3] =	sbarrier.arrive $0xFFFF;
	s2 =	simm.s32 @!p0 $0x1C02  }
0x40: {  	[timem:s3], [sflag:s2] =	dma.local @!p0 [hbm:s0], s1  }
0x41: {  	s0 =	simm.s32 @!p0 $0x2  }
0x42: {  	_ =	swait.ge @!p0 [sflag:s0], s1  }
0x43: {  	s1 =	ssub.s32 @!p0 $0x0, s1;
	[sflag:s0] =	ssyncset.done @!p0 $0x0  }
0x44: {  	[sflag:s0] =	ssyncadd.s32 @!p0 s1  }
0x45: {  	[bflag:$0x3] =	sbarrier.arrive $0xFFFF  }
0x46: {  	_ =	shalt  }

// kernel: kernel.13.cloned.1.call-start
scs
__scs_entry_jumppad:
0x0: {  	(pc) =	sbr.rel $0x88, $3  }
0x1: {  	(tag) =	ssettag $0x0;
	lr =	simm.s32 $0x1  }
0x2: {  	[smem:$0x3F91] =	sst lr;
	_ =	strace $0xD0000000  }
0x3: {  	_ = 	snop  }
0x4: {  	_ = 	snop  }
0x5: {  	_ = 	snop  }
0x6: {  	_ = 	snop  }
0x7: {  	_ = 	snop  }
__scs_overlays_trampoline_lowered:
0x8: {  	[smem:$0x3FA0] =	sst s0  }
0x9: {  	[smem:$0x3FA1] =	sst s1  }
0xa: {  	[smem:$0x3FA2] =	sst s2  }
0xb: {  	[smem:$0x3FA3] =	sst s3  }
0xc: {  	[smem:$0x3FA4] =	sst s4  }
0xd: {  	[smem:$0x3FA5] =	sst s5  }
0xe: {  	[smem:$0x3FA6] =	sst s6  }
0xf: {  	[smem:$0x3FA7] =	sst s7  }
0x10: {  	[smem:$0x3FA8] =	sst s8  }
0x11: {  	[smem:$0x3FA9] =	sst s9;
	s0 =	simm.s32 @!p0 $0x0  }
0x12: {  	s1 =	sld [smem:$0x3F8F];
	s0 =	simm.s32 @p0 $0x1  }
0x13: {  	[smem:$0x3FAA] =	sst s0;
	s0 =	simm.s32 @!p1 $0x0  }
0x14: {  	s2 =	sld [smem:$0x3F8E];
	s0 =	simm.s32 @p1 $0x1  }
0x15: {  	[smem:$0x3FAB] =	sst s0;
	s0 =	simm.s32 @!p2 $0x0  }
0x16: {  	s3 =	sld [smem:$0x3FDB];
	s0 =	simm.s32 @p2 $0x1  }
0x17: {  	s4 =	simm.s32 $0x1BF5;
	[smem:$0x3FAD] =	sst s0  }
0x18: {  	s0 =	sld [smem:$0x3F90];
	_ =	swait.ge [sflag:s4], $0x0  }
0x19: {  	s7 =	sld [smem:$0x3F91]  }
0x1a: {  	s8 =	sadd.s32 $0xFFFFE003, lr  }
0x1b: {  	s9 =	sadd.s32 $0xFFFFFEF7, lr;
	s5 =	simm.s32 $0xFFFFFFFF;
	p2 =	slt.u32 s8, $0xFFFFF086  }
0x1c: {  	p1 =	slt.u32 s9, $0xF7A;
	s5 =	simm.s32 @!p2 $0x0  }
0x1d: {  	s5 =	simm.s32 @p1 $0x1;
	p0 =	seq.s32 s7, s2  }
0x1e: {  	s7 =	smul.u32 @!p0 $0xF7A, s2;
	p2 =	seq.s32 @!p0 s5, $0x0  }
0x1f: {  	s9 =	smul.u32 $0xF7A, s1;
	s8 =	simm.s32 @!p0 $0x1BF5;
	p2 =	por !p2, p0  }
0x20: {  	[sflag:s8] =	ssyncset.s32 @!p0 $0xFFFFF086;
	s6 =	sadd.s32 @!p0 s3, s7;
	s7 =	simm.s32 @!p0 $0x108  }
0x21: {  	s3 =	sadd.s32 s3, s9;
	s6 =	sadd.s32 @!p0 $0x88, s6;
	s7 =	simm.s32 @p2 $0x1082  }
0x22: {  	[simem:s7], [sflag:s8] =	dma.local @!p0 [hbm:s6], $0xF7A  }
0x23: {  	s9 =	sor.u32 $0xD0000000, s2;
	s6 =	simm.s32 $0x108;
	_ =	swait.ge @!p0 [sflag:s8], $0x0  }
0x24: {  	s3 =	sadd.s32 $0x88, s3;
	s6 =	simm.s32 @!p1 $0x1082;
	[sflag:s4] =	ssyncset.s32 $0xFFFFF086  }
0x25: {  	[simem:s6], [sflag:s4] =	dma.local [hbm:s3], $0xF7A  }
0x26: {  	[smem:$0x3F91] =	sst s1;
	(tag) =	ssettag s2;
	_ =	strace s9  }
0x27: {  	s1 =	sld [smem:$0x3FA1]  }
0x28: {  	s2 =	sld [smem:$0x3FA2]  }
0x29: {  	s4 =	sld [smem:$0x3FA4]  }
0x2a: {  	p0 =	seq.s32 s5, $0x0;
	s5 =	sld [smem:$0x3FA5]  }
0x2b: {  	s6 =	sld [smem:$0x3FA6]  }
0x2c: {  	s7 =	sld [smem:$0x3FA7]  }
0x2d: {  	s3 =	simm.s32 $0x108;
	s8 =	sld [smem:$0x3FA8]  }
0x2e: {  	s3 =	simm.s32 @!p0 $0x1082;
	s9 =	sld [smem:$0x3FA9]  }
0x2f: {  	lr =	sadd.s32 s0, s3;
	s0 =	sld [smem:$0x3FA0]  }
0x30: {  	s3 =	sld [smem:$0x3FA3]  }
0x31: {  	[smem:$0x3FAC] =	sst s10  }
0x32: {  	s10 =	sld [smem:$0x3FAA];
	_ =	sdelay $0x3  }
0x33: {  	p0 =	seq.s32 s10, $0x1;
	s10 =	sld [smem:$0x3FAC];
	_ =	sdelay $0x3  }
0x34: {  	[smem:$0x3FAC] =	sst s10  }
0x35: {  	s10 =	sld [smem:$0x3FAB];
	_ =	sdelay $0x3  }
0x36: {  	p1 =	seq.s32 s10, $0x1;
	s10 =	sld [smem:$0x3FAC];
	_ =	sdelay $0x3  }
0x37: {  	[smem:$0x3FAC] =	sst s10  }
0x38: {  	s10 =	sld [smem:$0x3FAD]  }
0x39: {  	_ = 	snop;
	(pc) =	sbr.ind lr, $3  }
0x3a: {  	_ = 	snop  }
0x3b: {  	_ = 	snop  }
0x3c: {  	p2 =	seq.s32 s10, $0x1;
	s10 =	sld [smem:$0x3FAC]  }
0x3d: {  	_ =	shalt  }
0x3e: {  	_ =	shalt  }
0x3f: {  	_ =	shalt  }
0x40: {  	_ =	shalt  }
0x41: {  	_ =	shalt  }
0x42: {  	_ =	shalt  }
0x43: {  	_ =	shalt  }
0x44: {  	_ =	shalt  }
0x45: {  	_ =	shalt  }
0x46: {  	_ =	shalt  }
0x47: {  	_ =	shalt  }
0x48: {  	_ =	shalt  }
0x49: {  	_ =	shalt  }
0x4a: {  	_ =	shalt  }
0x4b: {  	_ =	shalt  }
0x4c: {  	_ =	shalt  }
0x4d: {  	_ =	shalt  }
0x4e: {  	_ =	shalt  }
0x4f: {  	_ =	shalt  }
0x50: {  	_ =	shalt  }
0x51: {  	_ =	shalt  }
0x52: {  	_ =	shalt  }
0x53: {  	_ =	shalt  }
0x54: {  	_ =	shalt  }
0x55: {  	_ =	shalt  }
0x56: {  	_ =	shalt  }
0x57: {  	_ =	shalt  }
0x58: {  	_ =	shalt  }
0x59: {  	_ =	shalt  }
0x5a: {  	_ =	shalt  }
0x5b: {  	_ =	shalt  }
0x5c: {  	_ =	shalt  }
0x5d: {  	_ =	shalt  }
0x5e: {  	_ =	shalt  }
0x5f: {  	_ =	shalt  }
0x60: {  	_ =	shalt  }
0x61: {  	_ =	shalt  }
0x62: {  	_ =	shalt  }
0x63: {  	_ =	shalt  }
0x64: {  	_ =	shalt  }
0x65: {  	_ =	shalt  }
0x66: {  	_ =	shalt  }
0x67: {  	_ =	shalt  }
0x68: {  	_ =	shalt  }
0x69: {  	_ =	shalt  }
0x6a: {  	_ =	shalt  }
0x6b: {  	_ =	shalt  }
0x6c: {  	_ =	shalt  }
0x6d: {  	_ =	shalt  }
0x6e: {  	_ =	shalt  }
0x6f: {  	_ =	shalt  }
0x70: {  	_ =	shalt  }
0x71: {  	_ =	shalt  }
0x72: {  	_ =	shalt  }
0x73: {  	_ =	shalt  }
0x74: {  	_ =	shalt  }
0x75: {  	_ =	shalt  }
0x76: {  	_ =	shalt  }
0x77: {  	_ =	shalt  }
0x78: {  	_ =	shalt  }
0x79: {  	_ =	shalt  }
0x7a: {  	_ =	shalt  }
0x7b: {  	_ =	shalt  }
0x7c: {  	_ =	shalt  }
0x7d: {  	_ =	shalt  }
0x7e: {  	_ =	shalt  }
0x7f: {  	_ =	shalt  }
0x80: {  	_ =	shalt  }
0x81: {  	_ =	shalt  }
0x82: {  	_ =	shalt  }
0x83: {  	_ =	shalt  }
0x84: {  	_ =	shalt  }
0x85: {  	_ =	shalt  }
0x86: {  	_ =	shalt  }
0x87: {  	_ =	shalt  }
.Lfunc_end0:
.L_simem_size_0:
called_computation.1_lowered:
.L_overlay_start_0:
0x88: {  	s2 =	sld [smem:$0x3FD9]  }
0x89: {  	s3 =	sld [smem:$0x3FFE];
	_ =	sdelay $0x1  }
0x8a: {  	s1 =	srdreg.scid  }
0x8b: {  	s0 =	sand.u32 $0x1, s1  }
0x8c: {  	s17 =	sshll.u32 s0, $0xA;
	s2 =	sadd.s32 s3, s2  }
0x8d: {  	s2 =	sadd.s32 s2, s17  }
0x8e: {  	[smem:$0x3FB8] =	sst s2  }
0x8f: {  	_ = 	snop  }
0x90: {  	s2 =	sld [smem:$0x3FD0];
	(tm) =	ssettm $0x1  }
0x91: {  	s18 =	sld [smem:$0x3FFB];
	_ =	sdelay $0x3  }
0x92: {  	_ =	strace s18  }
0x93: {  	s3 =	sld [smem:$0x3FFC];
	_ =	sdelay $0x3  }
0x94: {  	_ =	strace s3  }
0x95: {  	s3 =	sld [smem:$0x3FFD];
	_ =	sdelay $0x3  }
0x96: {  	_ =	strace s3  }
0x97: {  	_ =	strace $0x8FFFFFFF  }
0x98: {  	s19 =	sld [smem:$0x3FDB];
	_ =	sdelay $0x1  }
0x99: {  	s4 =	simm.s32 $_scs_section_size  }
0x9a: {  	s5 =	simm.s32 $_size__tile_overlayer_lowered;
	s6 =	simm.s32 $_tile_overlayer_lowered  }
0x9b: {  	s22 =	simm.s32 $0x1BFF;
	s21 =	sshll.u32 s6, $0x1;
	s3 =	sadd.s32 s4, s19  }
0x9c: {  	s7 =	simm.s32 $0x0;
	s20 =	sshll.u32 s5, $0x1;
	s5 =	sadd.s32 s21, s3  }
0x9d: {  	[timem:s7], [sflag:s22] =	dma.local [hbm:s5], s20  }
0x9e: {  	_ =	swait.ge [sflag:s22], s20  }
0x9f: {  	s4 =	ssub.s32 $0x0, s20;
	[sflag:s22] =	ssyncset.done $0x0  }
0xa0: {  	[sflag:s22] =	ssyncadd.s32 s4;
	_ =	sdelay $0x1  }
0xa1: {  	s23 =	simm.s32 $0x1B8B  }
0xa2: {  	_ =	swait.ge [sflag:s23], $0x1  }
0xa3: {  	[sflag:s23] =	ssyncset.done $0x0  }
0xa4: {  	s25 =	simm.s32 $0x1B8E;
	s24 =	sld [smem:$0x3FFE];
	[sflag:s23] =	ssyncadd.s32 $0xFFFFFFFF  }
0xa5: {  	s26 =	simm.s32 $execute0_lowered;
	[smem:$0x3FD2] =	sst s25  }
0xa6: {  	s5 =	sshll.u32 s26, $0x1;
	_ =	strace $0x80000049;
	[dreg:$0x1] =	wrdreg $0xFFFFFFFF  }
0xa7: {  	s28 =	simm.s32 $_size_execute0_lowered;
	s3 =	sadd.s32 s3, s5;
	[dreg:$0x0] =	wrdreg $0x0  }
0xa8: {  	s5 =	sshll.u32 s28, $0x1;
	[dreg:$0x2] =	wrdreg s3  }
0xa9: {  	[dreg:$0x3] =	wrdreg s5  }
0xaa: {  	[dreg:$0x4] =	wrdreg $0xC0  }
0xab: {  	_ =	task [dreg:s7], $0x5FFFF  }
0xac: {  	[dreg:$0x1] =	wrdreg $0xFFFFFFFF  }
0xad: {  	[dreg:$0x0] =	wrdreg $0x60  }
0xae: {  	[dreg:$0x2] =	wrdreg s24  }
0xaf: {  	[dreg:$0x3] =	wrdreg s2  }
0xb0: {  	[dreg:$0x4] =	wrdreg $0xC6200  }
0xb1: {  	[dreg:$0x5] =	wrdreg $0x9  }
0xb2: {  	_ =	task.clear_ibuf [dreg:s7], $0x6FFFF;
	_ =	strace $0x90000049  }
0xb3: {  	s29 =	simm.s32 $0x9;
	_ =	strace $0x8000004B  }
0xb4: {  	_ =	swait.ge [sflag:s29], $0x1  }
0xb5: {  	[sflag:s29] =	ssyncadd.s32 $0xFFFFFFFF  }
0xb6: {  	_ =	strace $0x9000004B  }
0xb7: {  	_ =	sfence  }
0xb8: {  	s30 =	sld [smem:$0x0];
	_ =	sdelay $0x2  }
0xb9: {  	s31 =	sshll.u32 s1, $0xD;
	s1 =	sshrl.u32 s1, $0x2  }
0xba: {  	s3 =	sand.u32 $0x4000, s31;
	s1 =	sadd.s32 s1, s30  }
0xbb: {  	s0 =	sor.u32 s3, s0;
	s1 =	sshll.u32 s1, $0x11  }
0xbc: {  	s0 =	sor.u32 s1, s0  }
0xbd: {  	s0 =	sadd.s32 $0x8F2B, s0  }
0xbe: {  	[sflag:s0] =	ssyncadd.remote.s32 $0x1  }
0xbf: {  	_ =	sfence.sel $0xFFFF  }
0xc0: {  	[dreg:$0x0] =	wrdreg $0xFFFFFFFF;
	(pc) =	sbr.abs _section_cstart, $3  }
0xc1: {  	[dreg:$0x1] =	wrdreg $0xFFFFFFFF  }
0xc2: {  	_ =	task.clear_ibuf [dreg:s7], $0x2FFFF;
	_ =	strace $0x9FFFFFFF  }
0xc3: {  	(tm) =	ssettm $0x7FFFFFFF  }
tec
execute0_lowered:
.L_overlay_start_1:
0x0: {  	(tag) =	ssettag $0x1  }
0x1: {  	s0 =	srdreg.scid;
	s1 =	rddreg [dreg:$0x0]  }
0x2: {  	s11 =	stileid.u32;
	s6 =	rddreg [dreg:$0x1]  }
0x3: {  	s18 =	simm.s32 $0x7;
	s20 =	simm.s32 $0x4E20;
	s21 =	simm.s32 $0x50  }
0x4: {  	s22 =	simm.s32 $0x7620;
	s23 =	simm.s32 $0x1;
	s24 =	simm.s32 $0x9E20  }
0x5: {  	s25 =	simm.s32 $0x2;
	s28 =	simm.s32 $0x3;
	s29 =	simm.s32 $0x5  }
0x6: {  	s0 =	sand.u32 $0x1, s0;
	s2 =	sshll.u32 s11, $0x1;
	s8 =	smul.u32 $0x13880, s11  }
0x7: {  	s4 =	sadd.s32 $0xDC00, s1;
	s11 =	smul.u32 $0x4E200, s11;
	s26 =	sadd.s32 $0x34E00, s1  }
0x8: {  	s3 =	sor.u32 s0, s2;
	s2 =	rddreg [dreg:$0x2];
	s5 =	smul.u32 $0x138800, s0  }
0x9: {  	s0 =	ssub.s32 $0x2, s0;
	s7 =	smul.u32 $0x4E2, s3;
	s3 =	simm.s32 $0x0  }
0xa: {  	s30 =	sshrl.u32 s0, $0x1;
	s31 =	sshrl.u32 s11, $0x2;
	[smem:$0x7FF] =	sst s3  }
0xb: {  	s5 =	sadd.s32 s8, s5;
	s0 =	ssub.s32 s0, s30;
	s8 =	sadd.s32 s8, s2  }
0xc: {  	s15 =	sadd.s32 s31, s2;
	_ =	strace $0x8000004A;
	s9 =	sadd.s32 s7, s1  }
0xd: {  	s10 =	sshrl.u32 s5, $0x3;
	[dreg:$0x4] =	wrdreg s26;
	s6 =	sadd.s32 s6, s7  }
.Ltmp0:
0xe: {  	s11 =	sadd.s32 $0x7800, s15;
	s12 =	sadd.s32 $0xA000, s15;
	(pc) =	sbr.rel .LBB2_1-.Ltmp0, $4  }
0xf: {  	s13 =	sadd.s32 $0xC800, s15;
	s14 =	sadd.s32 $0xF000, s15;
	s17 =	smax.u32 s0, $0x1  }
0x10: {  	s26 =	simm.s32 $0x4;
	s0 =	simm.s32 $0x0;
	s1 =	sadd.s32 s10, s1  }
0x11: {  	s7 =	sadd.s32 $0x3E00, s9;
	s9 =	sadd.s32 $0x2800, s15;
	s10 =	sadd.s32 $0x5000, s15  }
0x12: {  	s15 =	sadd.s32 $0x11800, s15;
	s16 =	sadd.s32 $0x35400, s1;
	s1 =	simm.s32 $0x6  }
.LBB2_8:
0x13: {  	_ =	swait.ge [sflag:s23], $0x2800  }
0x14: {  	[sflag:s23] =	ssyncset.done $0x0  }
0x15: {  	s5 =	simm.s32 $0x4D80;
	[sflag:s23] =	ssyncadd.s32 $0xFFFFD800  }
0x16: {  	[spmem:s2] =	stream.indirect.scatter.add.f32 [tilespmem:s20], [sflag:$0x4], $0x80, s5, s21, $0xb8;
	[tilespmem:$0x1FEA0] =	vst v63  }
0x17: {  	_ =	swait.ge [sflag:s25], $0x2800  }
0x18: {  	[sflag:s25] =	ssyncset.done $0x0  }
0x19: {  	s30 =	simm.s32 $0x4DD0;
	[sflag:s25] =	ssyncadd.s32 $0xFFFFD800  }
0x1a: {  	[spmem:s2] =	stream.indirect.scatter.add.f32 [tilespmem:s22], [sflag:$0x5], $0x80, s30, s21, $0xb8;
	[tilespmem:$0x1FEA0] =	vst v63  }
0x1b: {  	_ =	swait.ge [sflag:s1], $0x2800  }
0x1c: {  	[sflag:s1] =	ssyncset.done $0x0  }
0x1d: {  	[sflag:s1] =	ssyncadd.s32 $0xFFFFD800  }
0x1e: {  	_ =	swait.ge [sflag:s26], $0x2800  }
0x1f: {  	[sflag:s26] =	ssyncset.done $0x0  }
0x20: {  	[sflag:s26] =	ssyncadd.s32 $0xFFFFD800  }
0x21: {  	s31 =	stileid.u32;
	_ =	swait.ge [sflag:s29], $0x2800  }
0x22: {  	s19 =	sshrl.u32 s8, $0x3;
	s0 =	sadd.s32 $0x1, s0;
	[sflag:s29] =	ssyncset.done $0x0  }
0x23: {  	p0 =	sne.s32 s0, s17;
	s5 =	sshll.u32 s31, $0x6;
	[sflag:s29] =	ssyncadd.s32 $0xFFFFD800  }
.Ltmp1:
0x24: {  	s5 =	sor.u32 $0x1C07, s5;
	[bflag:$0x0] =	sbarrier.arrive $0xFFFF;
	(pc) =	sbr.rel @!p0 .LBB2_9-.Ltmp1, $4  }
0x25: {  	[hbm:s16], [sflag:s5] =	dma.local [spmem:s19], $0x2710  }
0x26: {  	_ =	swait.ge [sflag:s18], $0x2710  }
0x27: {  	[sflag:s18] =	ssyncset.done $0x0  }
0x28: {  	[sflag:s18] =	ssyncadd.s32 $0xFFFFD8F0  }
.LBB2_1:
0x29: {  	[tilespmem:s3], [sflag:$0x7] =	stream.linear.gather [hbm4b:s6+s3], $0x2710, $0x38;
	[tilespmem:$0x1FEA0] =	vst v63  }
0x2a: {  	_ =	swait.ge [sflag:s18], $0x2710  }
0x2b: {  	[sflag:s18] =	ssyncset.done $0x0  }
0x2c: {  	s5 =	simm.s32 $0x2710;
	[sflag:s18] =	ssyncadd.s32 $0xFFFFD8F0  }
0x2d: {  	[tilespmem:s5], [sflag:$0x7] =	stream.linear.gather [hbm4b:s7+s3], $0x2710, $0x38;
	[tilespmem:$0x1FEA0] =	vst v63  }
0x2e: {  	_ =	swait.ge [sflag:s18], $0x2710  }
0x2f: {  	[sflag:s18] =	ssyncset.done $0x0  }
0x30: {  	s31 =	rddreg [dreg:$0x4];
	[sflag:s18] =	ssyncadd.s32 $0xFFFFD8F0  }
0x31: {  	[tilespmem:s20], [sflag:$0x7] =	stream.linear.gather [hbm4b:s31+s3], $0x2800, $0x38;
	[tilespmem:$0x1FEA0] =	vst v63  }
0x32: {  	_ =	swait.ge [sflag:s18], $0x2800  }
0x33: {  	[sflag:s18] =	ssyncset.done $0x0  }
0x34: {  	[sflag:s18] =	ssyncadd.s32 $0xFFFFD800  }
0x35: {  	[spmem:s8] =	stream.linear.scatter [tilespmem:s20], [sflag:$0x7], $0x2800, $0x38;
	[tilespmem:$0x1FEA0] =	vst v63  }
0x36: {  	_ =	swait.ge [sflag:s18], $0x2800  }
0x37: {  	[sflag:s18] =	ssyncset.done $0x0  }
0x38: {  	[sflag:s18] =	ssyncadd.s32 $0xFFFFD800  }
0x39: {  	[spmem:s9] =	stream.linear.scatter [tilespmem:s20], [sflag:$0x7], $0x2800, $0x38;
	[tilespmem:$0x1FEA0] =	vst v63  }
0x3a: {  	_ =	swait.ge [sflag:s18], $0x2800  }
0x3b: {  	[sflag:s18] =	ssyncset.done $0x0  }
0x3c: {  	[sflag:s18] =	ssyncadd.s32 $0xFFFFD800  }
0x3d: {  	[spmem:s10] =	stream.linear.scatter [tilespmem:s20], [sflag:$0x7], $0x2800, $0x38;
	[tilespmem:$0x1FEA0] =	vst v63  }
0x3e: {  	_ =	swait.ge [sflag:s18], $0x2800  }
0x3f: {  	[sflag:s18] =	ssyncset.done $0x0  }
0x40: {  	[sflag:s18] =	ssyncadd.s32 $0xFFFFD800  }
0x41: {  	[spmem:s11] =	stream.linear.scatter [tilespmem:s20], [sflag:$0x7], $0x2800, $0x38;
	[tilespmem:$0x1FEA0] =	vst v63  }
0x42: {  	_ =	swait.ge [sflag:s18], $0x2800  }
0x43: {  	[sflag:s18] =	ssyncset.done $0x0  }
0x44: {  	[sflag:s18] =	ssyncadd.s32 $0xFFFFD800  }
0x45: {  	[spmem:s12] =	stream.linear.scatter [tilespmem:s20], [sflag:$0x7], $0x2800, $0x38;
	[tilespmem:$0x1FEA0] =	vst v63  }
0x46: {  	_ =	swait.ge [sflag:s18], $0x2800  }
0x47: {  	[sflag:s18] =	ssyncset.done $0x0  }
0x48: {  	[sflag:s18] =	ssyncadd.s32 $0xFFFFD800  }
0x49: {  	[spmem:s13] =	stream.linear.scatter [tilespmem:s20], [sflag:$0x7], $0x2800, $0x38;
	[tilespmem:$0x1FEA0] =	vst v63  }
0x4a: {  	_ =	swait.ge [sflag:s18], $0x2800  }
0x4b: {  	[sflag:s18] =	ssyncset.done $0x0  }
0x4c: {  	[sflag:s18] =	ssyncadd.s32 $0xFFFFD800  }
0x4d: {  	[spmem:s14] =	stream.linear.scatter [tilespmem:s20], [sflag:$0x7], $0x2800, $0x38;
	[tilespmem:$0x1FEA0] =	vst v63  }
0x4e: {  	_ =	swait.ge [sflag:s18], $0x2800  }
0x4f: {  	[sflag:s18] =	ssyncset.done $0x0  }
0x50: {  	[sflag:s18] =	ssyncadd.s32 $0xFFFFD800  }
0x51: {  	[spmem:s15] =	stream.linear.scatter [tilespmem:s20], [sflag:$0x7], $0x2080, $0x38;
	[tilespmem:$0x1FEA0] =	vst v63  }
0x52: {  	_ =	swait.ge [sflag:s18], $0x2080  }
0x53: {  	[sflag:s18] =	ssyncset.done $0x0  }
.Ltmp2:
0x54: {  	[sflag:s18] =	ssyncadd.s32 $0xFFFFDF80;
	(pc) =	sbr.rel .LBB2_2-.Ltmp2, $4  }
0x55: {  	[bflag:$0x0] =	sbarrier.arrive $0xFFFF  }
0x56: {  	[tilespmem:s20], [sflag:$0x1] =	stream.indirect.gather [hbm4b:s4+s21], $0x80, s3, s21, $0xb8;
	[tilespmem:$0x1FEA0] =	vst v63  }
0x57: {  	s19 =	simm.s32 $0x0;
	s30 =	simm.s32 $0x0  }
0x58: {  	[tilespmem:s22], [sflag:$0x2] =	stream.indirect.gather [hbm4b:s4+s21], $0x80, s21, s21, $0xb8;
	[tilespmem:$0x1FEA0] =	vst v63  }
.LBB2_3:
0x59: {  	s31 =	simm.s32 $0x0  }
.LBB2_6:
0x5a: {  	s5 =	sadd.s32 $0xA0, s31  }
0x5b: {  	[tilespmem:s24], [sflag:$0x3] =	stream.indirect.gather [hbm4b:s4+s21], $0x80, s5, s21, $0xb8;
	[tilespmem:$0x1FEA0] =	vst v63  }
.LBB2_7:
0x5c: {  	_ =	swait.ge [sflag:s25], $0x2800  }
0x5d: {  	s5 =	sshra.s32 s19, $0x2;
	[sflag:s25] =	ssyncset.done $0x0  }
0x5e: {  	s31 =	sadd.s32 $0x2760, s5;
	[sflag:s25] =	ssyncadd.s32 $0xFFFFD800  }
0x5f: {  	[spmem:s2] =	stream.indirect.scatter.add.f32 [tilespmem:s22], [sflag:$0x5], $0x80, s31, s21, $0xb8;
	[tilespmem:$0x1FEA0] =	vst v63  }
0x60: {  	_ =	swait.ge [sflag:s26], $0x2800  }
0x61: {  	[sflag:s26] =	ssyncset.done $0x0  }
0x62: {  	s31 =	sadd.s32 $0xF0, s5;
	[sflag:s26] =	ssyncadd.s32 $0xFFFFD800  }
0x63: {  	[tilespmem:s20], [sflag:$0x1] =	stream.indirect.gather [hbm4b:s4+s21], $0x80, s31, s21, $0xb8;
	[tilespmem:$0x1FEA0] =	vst v63  }
0x64: {  	_ =	swait.ge [sflag:s28], $0x2800  }
0x65: {  	s19 =	sadd.s32 $0x3C0, s19;
	[sflag:s28] =	ssyncset.done $0x0  }
0x66: {  	p0 =	sne.s32 s19, $0x99C0;
	s31 =	sadd.s32 $0x27B0, s5;
	[sflag:s28] =	ssyncadd.s32 $0xFFFFD800  }
0x67: {  	[spmem:s2] =	stream.indirect.scatter.add.f32 [tilespmem:s24], [sflag:$0x6], $0x80, s31, s21, $0xb8;
	[tilespmem:$0x1FEA0] =	vst v63  }
.Ltmp3:
0x68: {  	_ = 	snop;
	(pc) =	sbr.rel @!p0 .LBB2_8-.Ltmp3, $4  }
0x69: {  	_ =	swait.ge [sflag:s29], $0x2800  }
0x6a: {  	[sflag:s29] =	ssyncset.done $0x0  }
0x6b: {  	s30 =	sadd.s32 $0x1, s30;
	s5 =	sadd.s32 $0x140, s5;
	[sflag:s29] =	ssyncadd.s32 $0xFFFFD800  }
0x6c: {  	[tilespmem:s22], [sflag:$0x2] =	stream.indirect.gather [hbm4b:s4+s21], $0x80, s5, s21, $0xb8;
	[tilespmem:$0x1FEA0] =	vst v63  }
.LBB2_2:
0x6d: {  	p0 =	seq.s32 s30, $0x0  }
.Ltmp4:
0x6e: {  	_ = 	snop;
	(pc) =	sbr.rel @p0 .LBB2_3-.Ltmp4, $4  }
0x6f: {  	_ =	swait.ge [sflag:s23], $0x2800  }
0x70: {  	s31 =	sshra.s32 s19, $0x2;
	[sflag:s23] =	ssyncset.done $0x0  }
0x71: {  	s5 =	sadd.s32 $0x2710, s31;
	[sflag:s23] =	ssyncadd.s32 $0xFFFFD800  }
0x72: {  	[spmem:s2] =	stream.indirect.scatter.add.f32 [tilespmem:s20], [sflag:$0x4], $0x80, s5, s21, $0xb8;
	[tilespmem:$0x1FEA0] =	vst v63  }
0x73: {  	p0 =	seq.s32 s30, $0x29  }
.Ltmp5:
0x74: {  	_ = 	snop;
	(pc) =	sbr.rel @p0 .LBB2_7-.Ltmp5, $1  }
0x75: {  	_ =	sdelay $0x3  }
.Ltmp6:
0x76: {  	(pc) =	sbr.rel .LBB2_6-.Ltmp6, $4  }
0x77: {  	_ = 	snop  }
0x78: {  	_ =	swait.ge [sflag:s1], $0x2800  }
0x79: {  	[sflag:s1] =	ssyncset.done $0x0  }
0x7a: {  	[sflag:s1] =	ssyncadd.s32 $0xFFFFD800  }
.LBB2_9:
0x7b: {  	_ =	sfence.sel $0x180000  }
0x7c: {  	[bflag:$0x0] =	sbarrier.arrive $0xFFFF  }
0x7d: {  	_ =	strace $0x9000004A  }
0x7e: {  	s0 =	stileid.u32;
	[bflag:$0x2] =	sbarrier.arrive $0xFFFF  }
0x7f: {  	p0 =	sne.s32 s0, $0x0;
	s0 =	rddreg [dreg:$0x3]  }
0x80: {  	s0 =	sadd.s32 @!p0 $0x100000, s0  }
0x81: {  	[sflag:s0] =	ssyncadd.tile.s32 @!p0 $0x1;
	_ =	shalt  }
.Lfunc_end2:
_tile_overlayer_lowered:
.L_overlay_start_2:
0x82: {  	(tag) =	ssettag $0x2  }
0x83: {  	s0 =	rddreg [dreg:$0x0];
	s2 =	stileid.u32  }
0x84: {  	s1 =	rddreg [dreg:$0x1];
	p0 =	sne.s32 s2, $0x0  }
0x85: {  	s3 =	rddreg [dreg:$0x2];
	[bflag:$0x3] =	sbarrier.arrive $0xFFFF;
	s2 =	simm.s32 @!p0 $0x1C07  }
0x86: {  	[timem:s3], [sflag:s2] =	dma.local @!p0 [hbm:s0], s1  }
0x87: {  	s0 =	simm.s32 @!p0 $0x7  }
0x88: {  	_ =	swait.ge @!p0 [sflag:s0], s1  }
0x89: {  	s1 =	ssub.s32 @!p0 $0x0, s1;
	[sflag:s0] =	ssyncset.done @!p0 $0x0  }
0x8a: {  	[sflag:s0] =	ssyncadd.s32 @!p0 s1  }
0x8b: {  	[bflag:$0x3] =	sbarrier.arrive $0xFFFF  }
0x8c: {  	_ =	shalt  }

// kernel: kernel.16.cloned.1.call-start
scs
__scs_entry_jumppad:
0x0: {  	(pc) =	sbr.rel $0x88, $3  }
0x1: {  	(tag) =	ssettag $0x0;
	lr =	simm.s32 $0x1  }
0x2: {  	[smem:$0x3F91] =	sst lr;
	_ =	strace $0xD0000000  }
0x3: {  	_ = 	snop  }
0x4: {  	_ = 	snop  }
0x5: {  	_ = 	snop  }
0x6: {  	_ = 	snop  }
0x7: {  	_ = 	snop  }
__scs_overlays_trampoline_lowered:
0x8: {  	[smem:$0x3FA0] =	sst s0  }
0x9: {  	[smem:$0x3FA1] =	sst s1  }
0xa: {  	[smem:$0x3FA2] =	sst s2  }
0xb: {  	[smem:$0x3FA3] =	sst s3  }
0xc: {  	[smem:$0x3FA4] =	sst s4  }
0xd: {  	[smem:$0x3FA5] =	sst s5  }
0xe: {  	[smem:$0x3FA6] =	sst s6  }
0xf: {  	[smem:$0x3FA7] =	sst s7  }
0x10: {  	[smem:$0x3FA8] =	sst s8  }
0x11: {  	[smem:$0x3FA9] =	sst s9;
	s0 =	simm.s32 @!p0 $0x0  }
0x12: {  	s1 =	sld [smem:$0x3F8F];
	s0 =	simm.s32 @p0 $0x1  }
0x13: {  	[smem:$0x3FAA] =	sst s0;
	s0 =	simm.s32 @!p1 $0x0  }
0x14: {  	s2 =	sld [smem:$0x3F8E];
	s0 =	simm.s32 @p1 $0x1  }
0x15: {  	[smem:$0x3FAB] =	sst s0;
	s0 =	simm.s32 @!p2 $0x0  }
0x16: {  	s3 =	sld [smem:$0x3FDB];
	s0 =	simm.s32 @p2 $0x1  }
0x17: {  	s4 =	simm.s32 $0x1BF5;
	[smem:$0x3FAD] =	sst s0  }
0x18: {  	s0 =	sld [smem:$0x3F90];
	_ =	swait.ge [sflag:s4], $0x0  }
0x19: {  	s7 =	sld [smem:$0x3F91]  }
0x1a: {  	s8 =	sadd.s32 $0xFFFFE003, lr  }
0x1b: {  	s9 =	sadd.s32 $0xFFFFFEF7, lr;
	s5 =	simm.s32 $0xFFFFFFFF;
	p2 =	slt.u32 s8, $0xFFFFF086  }
0x1c: {  	p1 =	slt.u32 s9, $0xF7A;
	s5 =	simm.s32 @!p2 $0x0  }
0x1d: {  	s5 =	simm.s32 @p1 $0x1;
	p0 =	seq.s32 s7, s2  }
0x1e: {  	s7 =	smul.u32 @!p0 $0xF7A, s2;
	p2 =	seq.s32 @!p0 s5, $0x0  }
0x1f: {  	s9 =	smul.u32 $0xF7A, s1;
	s8 =	simm.s32 @!p0 $0x1BF5;
	p2 =	por !p2, p0  }
0x20: {  	[sflag:s8] =	ssyncset.s32 @!p0 $0xFFFFF086;
	s6 =	sadd.s32 @!p0 s3, s7;
	s7 =	simm.s32 @!p0 $0x108  }
0x21: {  	s3 =	sadd.s32 s3, s9;
	s6 =	sadd.s32 @!p0 $0x88, s6;
	s7 =	simm.s32 @p2 $0x1082  }
0x22: {  	[simem:s7], [sflag:s8] =	dma.local @!p0 [hbm:s6], $0xF7A  }
0x23: {  	s9 =	sor.u32 $0xD0000000, s2;
	s6 =	simm.s32 $0x108;
	_ =	swait.ge @!p0 [sflag:s8], $0x0  }
0x24: {  	s3 =	sadd.s32 $0x88, s3;
	s6 =	simm.s32 @!p1 $0x1082;
	[sflag:s4] =	ssyncset.s32 $0xFFFFF086  }
0x25: {  	[simem:s6], [sflag:s4] =	dma.local [hbm:s3], $0xF7A  }
0x26: {  	[smem:$0x3F91] =	sst s1;
	(tag) =	ssettag s2;
	_ =	strace s9  }
0x27: {  	s1 =	sld [smem:$0x3FA1]  }
0x28: {  	s2 =	sld [smem:$0x3FA2]  }
0x29: {  	s4 =	sld [smem:$0x3FA4]  }
0x2a: {  	p0 =	seq.s32 s5, $0x0;
	s5 =	sld [smem:$0x3FA5]  }
0x2b: {  	s6 =	sld [smem:$0x3FA6]  }
0x2c: {  	s7 =	sld [smem:$0x3FA7]  }
0x2d: {  	s3 =	simm.s32 $0x108;
	s8 =	sld [smem:$0x3FA8]  }
0x2e: {  	s3 =	simm.s32 @!p0 $0x1082;
	s9 =	sld [smem:$0x3FA9]  }
0x2f: {  	lr =	sadd.s32 s0, s3;
	s0 =	sld [smem:$0x3FA0]  }
0x30: {  	s3 =	sld [smem:$0x3FA3]  }
0x31: {  	[smem:$0x3FAC] =	sst s10  }
0x32: {  	s10 =	sld [smem:$0x3FAA];
	_ =	sdelay $0x3  }
0x33: {  	p0 =	seq.s32 s10, $0x1;
	s10 =	sld [smem:$0x3FAC];
	_ =	sdelay $0x3  }
0x34: {  	[smem:$0x3FAC] =	sst s10  }
0x35: {  	s10 =	sld [smem:$0x3FAB];
	_ =	sdelay $0x3  }
0x36: {  	p1 =	seq.s32 s10, $0x1;
	s10 =	sld [smem:$0x3FAC];
	_ =	sdelay $0x3  }
0x37: {  	[smem:$0x3FAC] =	sst s10  }
0x38: {  	s10 =	sld [smem:$0x3FAD]  }
0x39: {  	_ = 	snop;
	(pc) =	sbr.ind lr, $3  }
0x3a: {  	_ = 	snop  }
0x3b: {  	_ = 	snop  }
0x3c: {  	p2 =	seq.s32 s10, $0x1;
	s10 =	sld [smem:$0x3FAC]  }
0x3d: {  	_ =	shalt  }
0x3e: {  	_ =	shalt  }
0x3f: {  	_ =	shalt  }
0x40: {  	_ =	shalt  }
0x41: {  	_ =	shalt  }
0x42: {  	_ =	shalt  }
0x43: {  	_ =	shalt  }
0x44: {  	_ =	shalt  }
0x45: {  	_ =	shalt  }
0x46: {  	_ =	shalt  }
0x47: {  	_ =	shalt  }
0x48: {  	_ =	shalt  }
0x49: {  	_ =	shalt  }
0x4a: {  	_ =	shalt  }
0x4b: {  	_ =	shalt  }
0x4c: {  	_ =	shalt  }
0x4d: {  	_ =	shalt  }
0x4e: {  	_ =	shalt  }
0x4f: {  	_ =	shalt  }
0x50: {  	_ =	shalt  }
0x51: {  	_ =	shalt  }
0x52: {  	_ =	shalt  }
0x53: {  	_ =	shalt  }
0x54: {  	_ =	shalt  }
0x55: {  	_ =	shalt  }
0x56: {  	_ =	shalt  }
0x57: {  	_ =	shalt  }
0x58: {  	_ =	shalt  }
0x59: {  	_ =	shalt  }
0x5a: {  	_ =	shalt  }
0x5b: {  	_ =	shalt  }
0x5c: {  	_ =	shalt  }
0x5d: {  	_ =	shalt  }
0x5e: {  	_ =	shalt  }
0x5f: {  	_ =	shalt  }
0x60: {  	_ =	shalt  }
0x61: {  	_ =	shalt  }
0x62: {  	_ =	shalt  }
0x63: {  	_ =	shalt  }
0x64: {  	_ =	shalt  }
0x65: {  	_ =	shalt  }
0x66: {  	_ =	shalt  }
0x67: {  	_ =	shalt  }
0x68: {  	_ =	shalt  }
0x69: {  	_ =	shalt  }
0x6a: {  	_ =	shalt  }
0x6b: {  	_ =	shalt  }
0x6c: {  	_ =	shalt  }
0x6d: {  	_ =	shalt  }
0x6e: {  	_ =	shalt  }
0x6f: {  	_ =	shalt  }
0x70: {  	_ =	shalt  }
0x71: {  	_ =	shalt  }
0x72: {  	_ =	shalt  }
0x73: {  	_ =	shalt  }
0x74: {  	_ =	shalt  }
0x75: {  	_ =	shalt  }
0x76: {  	_ =	shalt  }
0x77: {  	_ =	shalt  }
0x78: {  	_ =	shalt  }
0x79: {  	_ =	shalt  }
0x7a: {  	_ =	shalt  }
0x7b: {  	_ =	shalt  }
0x7c: {  	_ =	shalt  }
0x7d: {  	_ =	shalt  }
0x7e: {  	_ =	shalt  }
0x7f: {  	_ =	shalt  }
0x80: {  	_ =	shalt  }
0x81: {  	_ =	shalt  }
0x82: {  	_ =	shalt  }
0x83: {  	_ =	shalt  }
0x84: {  	_ =	shalt  }
0x85: {  	_ =	shalt  }
0x86: {  	_ =	shalt  }
0x87: {  	_ =	shalt  }
.Lfunc_end0:
.L_simem_size_0:
called_computation.2_lowered:
.L_overlay_start_0:
0x88: {  	s2 =	sld [smem:$0x3FD9]  }
0x89: {  	s3 =	sld [smem:$0x3FFE];
	_ =	sdelay $0x1  }
0x8a: {  	s1 =	srdreg.scid  }
0x8b: {  	s0 =	sand.u32 $0x1, s1  }
0x8c: {  	s17 =	sshll.u32 s0, $0xA;
	s2 =	sadd.s32 s3, s2  }
0x8d: {  	s2 =	sadd.s32 s2, s17  }
0x8e: {  	[smem:$0x3FB8] =	sst s2  }
0x8f: {  	_ = 	snop  }
0x90: {  	s2 =	sld [smem:$0x3FD0];
	(tm) =	ssettm $0x1  }
0x91: {  	s18 =	sld [smem:$0x3FFB];
	_ =	sdelay $0x3  }
0x92: {  	_ =	strace s18  }
0x93: {  	s3 =	sld [smem:$0x3FFC];
	_ =	sdelay $0x3  }
0x94: {  	_ =	strace s3  }
0x95: {  	s3 =	sld [smem:$0x3FFD];
	_ =	sdelay $0x3  }
0x96: {  	_ =	strace s3  }
0x97: {  	_ =	strace $0x8FFFFFFF  }
0x98: {  	s19 =	sld [smem:$0x3FDB];
	_ =	sdelay $0x1  }
0x99: {  	s4 =	simm.s32 $_scs_section_size  }
0x9a: {  	s5 =	simm.s32 $_size__tile_overlayer_lowered;
	s6 =	simm.s32 $_tile_overlayer_lowered  }
0x9b: {  	s22 =	simm.s32 $0x1BFF;
	s21 =	sshll.u32 s6, $0x1;
	s3 =	sadd.s32 s4, s19  }
0x9c: {  	s7 =	simm.s32 $0x0;
	s20 =	sshll.u32 s5, $0x1;
	s5 =	sadd.s32 s21, s3  }
0x9d: {  	[timem:s7], [sflag:s22] =	dma.local [hbm:s5], s20  }
0x9e: {  	_ =	swait.ge [sflag:s22], s20  }
0x9f: {  	s4 =	ssub.s32 $0x0, s20;
	[sflag:s22] =	ssyncset.done $0x0  }
0xa0: {  	[sflag:s22] =	ssyncadd.s32 s4;
	_ =	sdelay $0x1  }
0xa1: {  	s23 =	simm.s32 $0x1B8B  }
0xa2: {  	_ =	swait.ge [sflag:s23], $0x1  }
0xa3: {  	[sflag:s23] =	ssyncset.done $0x0  }
0xa4: {  	s25 =	simm.s32 $0x1B8E;
	s24 =	sld [smem:$0x3FFE];
	[sflag:s23] =	ssyncadd.s32 $0xFFFFFFFF  }
0xa5: {  	s26 =	simm.s32 $execute0_lowered;
	[smem:$0x3FD2] =	sst s25  }
0xa6: {  	s5 =	sshll.u32 s26, $0x1;
	_ =	strace $0x8000004C;
	[dreg:$0x1] =	wrdreg $0xFFFFFFFF  }
0xa7: {  	s28 =	simm.s32 $_size_execute0_lowered;
	s3 =	sadd.s32 s3, s5;
	[dreg:$0x0] =	wrdreg $0x0  }
0xa8: {  	s5 =	sshll.u32 s28, $0x1;
	[dreg:$0x2] =	wrdreg s3  }
0xa9: {  	[dreg:$0x3] =	wrdreg s5  }
0xaa: {  	[dreg:$0x4] =	wrdreg $0xC0  }
0xab: {  	_ =	task [dreg:s7], $0x5FFFF  }
0xac: {  	[dreg:$0x1] =	wrdreg $0xFFFFFFFF  }
0xad: {  	[dreg:$0x0] =	wrdreg $0x60  }
0xae: {  	[dreg:$0x2] =	wrdreg s24  }
0xaf: {  	[dreg:$0x3] =	wrdreg s2  }
0xb0: {  	[dreg:$0x4] =	wrdreg $0xC6200  }
0xb1: {  	[dreg:$0x5] =	wrdreg $0x9  }
0xb2: {  	_ =	task.clear_ibuf [dreg:s7], $0x6FFFF;
	_ =	strace $0x9000004C  }
0xb3: {  	s29 =	simm.s32 $0x9;
	_ =	strace $0x8000004E  }
0xb4: {  	_ =	swait.ge [sflag:s29], $0x1  }
0xb5: {  	[sflag:s29] =	ssyncadd.s32 $0xFFFFFFFF  }
0xb6: {  	_ =	strace $0x9000004E  }
0xb7: {  	_ =	sfence  }
0xb8: {  	s30 =	sld [smem:$0x0];
	_ =	sdelay $0x2  }
0xb9: {  	s31 =	sshll.u32 s1, $0xD;
	s1 =	sshrl.u32 s1, $0x2  }
0xba: {  	s3 =	sand.u32 $0x4000, s31;
	s1 =	sadd.s32 s1, s30  }
0xbb: {  	s0 =	sor.u32 s3, s0;
	s1 =	sshll.u32 s1, $0x11  }
0xbc: {  	s0 =	sor.u32 s1, s0  }
0xbd: {  	s0 =	sadd.s32 $0x8F2B, s0  }
0xbe: {  	[sflag:s0] =	ssyncadd.remote.s32 $0x1  }
0xbf: {  	_ =	sfence.sel $0xFFFF  }
0xc0: {  	[dreg:$0x0] =	wrdreg $0xFFFFFFFF;
	(pc) =	sbr.abs _section_cstart, $3  }
0xc1: {  	[dreg:$0x1] =	wrdreg $0xFFFFFFFF  }
0xc2: {  	_ =	task.clear_ibuf [dreg:s7], $0x2FFFF;
	_ =	strace $0x9FFFFFFF  }
0xc3: {  	(tm) =	ssettm $0x7FFFFFFF  }
tec
execute0_lowered:
.L_overlay_start_1:
0x0: {  	(tag) =	ssettag $0x1  }
0x1: {  	s0 =	srdreg.scid;
	s1 =	rddreg [dreg:$0x0]  }
0x2: {  	s11 =	stileid.u32;
	s6 =	rddreg [dreg:$0x1]  }
0x3: {  	s18 =	simm.s32 $0x7;
	s20 =	simm.s32 $0x4E20;
	s21 =	simm.s32 $0x50  }
0x4: {  	s22 =	simm.s32 $0x7620;
	s23 =	simm.s32 $0x1;
	s24 =	simm.s32 $0x9E20  }
0x5: {  	s25 =	simm.s32 $0x2;
	s28 =	simm.s32 $0x3;
	s29 =	simm.s32 $0x5  }
0x6: {  	s0 =	sand.u32 $0x1, s0;
	s2 =	sshll.u32 s11, $0x1;
	s8 =	smul.u32 $0x13880, s11  }
0x7: {  	s4 =	sadd.s32 $0xDC00, s1;
	s11 =	smul.u32 $0x4E200, s11;
	s26 =	sadd.s32 $0x34E00, s1  }
0x8: {  	s3 =	sor.u32 s0, s2;
	s2 =	rddreg [dreg:$0x2];
	s5 =	smul.u32 $0x138800, s0  }
0x9: {  	s0 =	ssub.s32 $0x2, s0;
	s7 =	smul.u32 $0x4E2, s3;
	s3 =	simm.s32 $0x0  }
0xa: {  	s30 =	sshrl.u32 s0, $0x1;
	s31 =	sshrl.u32 s11, $0x2;
	[smem:$0x7FF] =	sst s3  }
0xb: {  	s5 =	sadd.s32 s8, s5;
	s0 =	ssub.s32 s0, s30;
	s8 =	sadd.s32 s8, s2  }
0xc: {  	s15 =	sadd.s32 s31, s2;
	_ =	strace $0x8000004D;
	s9 =	sadd.s32 s7, s1  }
0xd: {  	s10 =	sshrl.u32 s5, $0x3;
	[dreg:$0x4] =	wrdreg s26;
	s6 =	sadd.s32 s6, s7  }
.Ltmp0:
0xe: {  	s11 =	sadd.s32 $0x7800, s15;
	s12 =	sadd.s32 $0xA000, s15;
	(pc) =	sbr.rel .LBB2_1-.Ltmp0, $4  }
0xf: {  	s13 =	sadd.s32 $0xC800, s15;
	s14 =	sadd.s32 $0xF000, s15;
	s17 =	smax.u32 s0, $0x1  }
0x10: {  	s26 =	simm.s32 $0x4;
	s0 =	simm.s32 $0x0;
	s1 =	sadd.s32 s10, s1  }
0x11: {  	s7 =	sadd.s32 $0x3E00, s9;
	s9 =	sadd.s32 $0x2800, s15;
	s10 =	sadd.s32 $0x5000, s15  }
0x12: {  	s15 =	sadd.s32 $0x11800, s15;
	s16 =	sadd.s32 $0x35400, s1;
	s1 =	simm.s32 $0x6  }
.LBB2_8:
0x13: {  	_ =	swait.ge [sflag:s23], $0x2800  }
0x14: {  	[sflag:s23] =	ssyncset.done $0x0  }
0x15: {  	s5 =	simm.s32 $0x4D80;
	[sflag:s23] =	ssyncadd.s32 $0xFFFFD800  }
0x16: {  	[spmem:s2] =	stream.indirect.scatter.add.f32 [tilespmem:s20], [sflag:$0x4], $0x80, s5, s21, $0xb8;
	[tilespmem:$0x1FEA0] =	vst v63  }
0x17: {  	_ =	swait.ge [sflag:s25], $0x2800  }
0x18: {  	[sflag:s25] =	ssyncset.done $0x0  }
0x19: {  	s30 =	simm.s32 $0x4DD0;
	[sflag:s25] =	ssyncadd.s32 $0xFFFFD800  }
0x1a: {  	[spmem:s2] =	stream.indirect.scatter.add.f32 [tilespmem:s22], [sflag:$0x5], $0x80, s30, s21, $0xb8;
	[tilespmem:$0x1FEA0] =	vst v63  }
0x1b: {  	_ =	swait.ge [sflag:s1], $0x2800  }
0x1c: {  	[sflag:s1] =	ssyncset.done $0x0  }
0x1d: {  	[sflag:s1] =	ssyncadd.s32 $0xFFFFD800  }
0x1e: {  	_ =	swait.ge [sflag:s26], $0x2800  }
0x1f: {  	[sflag:s26] =	ssyncset.done $0x0  }
0x20: {  	[sflag:s26] =	ssyncadd.s32 $0xFFFFD800  }
0x21: {  	s31 =	stileid.u32;
	_ =	swait.ge [sflag:s29], $0x2800  }
0x22: {  	s19 =	sshrl.u32 s8, $0x3;
	s0 =	sadd.s32 $0x1, s0;
	[sflag:s29] =	ssyncset.done $0x0  }
0x23: {  	p0 =	sne.s32 s0, s17;
	s5 =	sshll.u32 s31, $0x6;
	[sflag:s29] =	ssyncadd.s32 $0xFFFFD800  }
.Ltmp1:
0x24: {  	s5 =	sor.u32 $0x1C07, s5;
	[bflag:$0x0] =	sbarrier.arrive $0xFFFF;
	(pc) =	sbr.rel @!p0 .LBB2_9-.Ltmp1, $4  }
0x25: {  	[hbm:s16], [sflag:s5] =	dma.local [spmem:s19], $0x2710  }
0x26: {  	_ =	swait.ge [sflag:s18], $0x2710  }
0x27: {  	[sflag:s18] =	ssyncset.done $0x0  }
0x28: {  	[sflag:s18] =	ssyncadd.s32 $0xFFFFD8F0  }
.LBB2_1:
0x29: {  	[tilespmem:s3], [sflag:$0x7] =	stream.linear.gather [hbm4b:s6+s3], $0x2710, $0x38;
	[tilespmem:$0x1FEA0] =	vst v63  }
0x2a: {  	_ =	swait.ge [sflag:s18], $0x2710  }
0x2b: {  	[sflag:s18] =	ssyncset.done $0x0  }
0x2c: {  	s5 =	simm.s32 $0x2710;
	[sflag:s18] =	ssyncadd.s32 $0xFFFFD8F0  }
0x2d: {  	[tilespmem:s5], [sflag:$0x7] =	stream.linear.gather [hbm4b:s7+s3], $0x2710, $0x38;
	[tilespmem:$0x1FEA0] =	vst v63  }
0x2e: {  	_ =	swait.ge [sflag:s18], $0x2710  }
0x2f: {  	[sflag:s18] =	ssyncset.done $0x0  }
0x30: {  	s31 =	rddreg [dreg:$0x4];
	[sflag:s18] =	ssyncadd.s32 $0xFFFFD8F0  }
0x31: {  	[tilespmem:s20], [sflag:$0x7] =	stream.linear.gather [hbm4b:s31+s3], $0x2800, $0x38;
	[tilespmem:$0x1FEA0] =	vst v63  }
0x32: {  	_ =	swait.ge [sflag:s18], $0x2800  }
0x33: {  	[sflag:s18] =	ssyncset.done $0x0  }
0x34: {  	[sflag:s18] =	ssyncadd.s32 $0xFFFFD800  }
0x35: {  	[spmem:s8] =	stream.linear.scatter [tilespmem:s20], [sflag:$0x7], $0x2800, $0x38;
	[tilespmem:$0x1FEA0] =	vst v63  }
0x36: {  	_ =	swait.ge [sflag:s18], $0x2800  }
0x37: {  	[sflag:s18] =	ssyncset.done $0x0  }
0x38: {  	[sflag:s18] =	ssyncadd.s32 $0xFFFFD800  }
0x39: {  	[spmem:s9] =	stream.linear.scatter [tilespmem:s20], [sflag:$0x7], $0x2800, $0x38;
	[tilespmem:$0x1FEA0] =	vst v63  }
0x3a: {  	_ =	swait.ge [sflag:s18], $0x2800  }
0x3b: {  	[sflag:s18] =	ssyncset.done $0x0  }
0x3c: {  	[sflag:s18] =	ssyncadd.s32 $0xFFFFD800  }
0x3d: {  	[spmem:s10] =	stream.linear.scatter [tilespmem:s20], [sflag:$0x7], $0x2800, $0x38;
	[tilespmem:$0x1FEA0] =	vst v63  }
0x3e: {  	_ =	swait.ge [sflag:s18], $0x2800  }
0x3f: {  	[sflag:s18] =	ssyncset.done $0x0  }
0x40: {  	[sflag:s18] =	ssyncadd.s32 $0xFFFFD800  }
0x41: {  	[spmem:s11] =	stream.linear.scatter [tilespmem:s20], [sflag:$0x7], $0x2800, $0x38;
	[tilespmem:$0x1FEA0] =	vst v63  }
0x42: {  	_ =	swait.ge [sflag:s18], $0x2800  }
0x43: {  	[sflag:s18] =	ssyncset.done $0x0  }
0x44: {  	[sflag:s18] =	ssyncadd.s32 $0xFFFFD800  }
0x45: {  	[spmem:s12] =	stream.linear.scatter [tilespmem:s20], [sflag:$0x7], $0x2800, $0x38;
	[tilespmem:$0x1FEA0] =	vst v63  }
0x46: {  	_ =	swait.ge [sflag:s18], $0x2800  }
0x47: {  	[sflag:s18] =	ssyncset.done $0x0  }
0x48: {  	[sflag:s18] =	ssyncadd.s32 $0xFFFFD800  }
0x49: {  	[spmem:s13] =	stream.linear.scatter [tilespmem:s20], [sflag:$0x7], $0x2800, $0x38;
	[tilespmem:$0x1FEA0] =	vst v63  }
0x4a: {  	_ =	swait.ge [sflag:s18], $0x2800  }
0x4b: {  	[sflag:s18] =	ssyncset.done $0x0  }
0x4c: {  	[sflag:s18] =	ssyncadd.s32 $0xFFFFD800  }
0x4d: {  	[spmem:s14] =	stream.linear.scatter [tilespmem:s20], [sflag:$0x7], $0x2800, $0x38;
	[tilespmem:$0x1FEA0] =	vst v63  }
0x4e: {  	_ =	swait.ge [sflag:s18], $0x2800  }
0x4f: {  	[sflag:s18] =	ssyncset.done $0x0  }
0x50: {  	[sflag:s18] =	ssyncadd.s32 $0xFFFFD800  }
0x51: {  	[spmem:s15] =	stream.linear.scatter [tilespmem:s20], [sflag:$0x7], $0x2080, $0x38;
	[tilespmem:$0x1FEA0] =	vst v63  }
0x52: {  	_ =	swait.ge [sflag:s18], $0x2080  }
0x53: {  	[sflag:s18] =	ssyncset.done $0x0  }
.Ltmp2:
0x54: {  	[sflag:s18] =	ssyncadd.s32 $0xFFFFDF80;
	(pc) =	sbr.rel .LBB2_2-.Ltmp2, $4  }
0x55: {  	[bflag:$0x0] =	sbarrier.arrive $0xFFFF  }
0x56: {  	[tilespmem:s20], [sflag:$0x1] =	stream.indirect.gather [hbm4b:s4+s21], $0x80, s3, s21, $0xb8;
	[tilespmem:$0x1FEA0] =	vst v63  }
0x57: {  	s19 =	simm.s32 $0x0;
	s30 =	simm.s32 $0x0  }
0x58: {  	[tilespmem:s22], [sflag:$0x2] =	stream.indirect.gather [hbm4b:s4+s21], $0x80, s21, s21, $0xb8;
	[tilespmem:$0x1FEA0] =	vst v63  }
.LBB2_3:
0x59: {  	s31 =	simm.s32 $0x0  }
.LBB2_6:
0x5a: {  	s5 =	sadd.s32 $0xA0, s31  }
0x5b: {  	[tilespmem:s24], [sflag:$0x3] =	stream.indirect.gather [hbm4b:s4+s21], $0x80, s5, s21, $0xb8;
	[tilespmem:$0x1FEA0] =	vst v63  }
.LBB2_7:
0x5c: {  	_ =	swait.ge [sflag:s25], $0x2800  }
0x5d: {  	s5 =	sshra.s32 s19, $0x2;
	[sflag:s25] =	ssyncset.done $0x0  }
0x5e: {  	s31 =	sadd.s32 $0x2760, s5;
	[sflag:s25] =	ssyncadd.s32 $0xFFFFD800  }
0x5f: {  	[spmem:s2] =	stream.indirect.scatter.add.f32 [tilespmem:s22], [sflag:$0x5], $0x80, s31, s21, $0xb8;
	[tilespmem:$0x1FEA0] =	vst v63  }
0x60: {  	_ =	swait.ge [sflag:s26], $0x2800  }
0x61: {  	[sflag:s26] =	ssyncset.done $0x0  }
0x62: {  	s31 =	sadd.s32 $0xF0, s5;
	[sflag:s26] =	ssyncadd.s32 $0xFFFFD800  }
0x63: {  	[tilespmem:s20], [sflag:$0x1] =	stream.indirect.gather [hbm4b:s4+s21], $0x80, s31, s21, $0xb8;
	[tilespmem:$0x1FEA0] =	vst v63  }
0x64: {  	_ =	swait.ge [sflag:s28], $0x2800  }
0x65: {  	s19 =	sadd.s32 $0x3C0, s19;
	[sflag:s28] =	ssyncset.done $0x0  }
0x66: {  	p0 =	sne.s32 s19, $0x99C0;
	s31 =	sadd.s32 $0x27B0, s5;
	[sflag:s28] =	ssyncadd.s32 $0xFFFFD800  }
0x67: {  	[spmem:s2] =	stream.indirect.scatter.add.f32 [tilespmem:s24], [sflag:$0x6], $0x80, s31, s21, $0xb8;
	[tilespmem:$0x1FEA0] =	vst v63  }
.Ltmp3:
0x68: {  	_ = 	snop;
	(pc) =	sbr.rel @!p0 .LBB2_8-.Ltmp3, $4  }
0x69: {  	_ =	swait.ge [sflag:s29], $0x2800  }
0x6a: {  	[sflag:s29] =	ssyncset.done $0x0  }
0x6b: {  	s30 =	sadd.s32 $0x1, s30;
	s5 =	sadd.s32 $0x140, s5;
	[sflag:s29] =	ssyncadd.s32 $0xFFFFD800  }
0x6c: {  	[tilespmem:s22], [sflag:$0x2] =	stream.indirect.gather [hbm4b:s4+s21], $0x80, s5, s21, $0xb8;
	[tilespmem:$0x1FEA0] =	vst v63  }
.LBB2_2:
0x6d: {  	p0 =	seq.s32 s30, $0x0  }
.Ltmp4:
0x6e: {  	_ = 	snop;
	(pc) =	sbr.rel @p0 .LBB2_3-.Ltmp4, $4  }
0x6f: {  	_ =	swait.ge [sflag:s23], $0x2800  }
0x70: {  	s31 =	sshra.s32 s19, $0x2;
	[sflag:s23] =	ssyncset.done $0x0  }
0x71: {  	s5 =	sadd.s32 $0x2710, s31;
	[sflag:s23] =	ssyncadd.s32 $0xFFFFD800  }
0x72: {  	[spmem:s2] =	stream.indirect.scatter.add.f32 [tilespmem:s20], [sflag:$0x4], $0x80, s5, s21, $0xb8;
	[tilespmem:$0x1FEA0] =	vst v63  }
0x73: {  	p0 =	seq.s32 s30, $0x29  }
.Ltmp5:
0x74: {  	_ = 	snop;
	(pc) =	sbr.rel @p0 .LBB2_7-.Ltmp5, $1  }
0x75: {  	_ =	sdelay $0x3  }
.Ltmp6:
0x76: {  	(pc) =	sbr.rel .LBB2_6-.Ltmp6, $4  }
0x77: {  	_ = 	snop  }
0x78: {  	_ =	swait.ge [sflag:s1], $0x2800  }
0x79: {  	[sflag:s1] =	ssyncset.done $0x0  }
0x7a: {  	[sflag:s1] =	ssyncadd.s32 $0xFFFFD800  }
.LBB2_9:
0x7b: {  	_ =	sfence.sel $0x180000  }
0x7c: {  	[bflag:$0x0] =	sbarrier.arrive $0xFFFF  }
0x7d: {  	_ =	strace $0x9000004D  }
0x7e: {  	s0 =	stileid.u32;
	[bflag:$0x2] =	sbarrier.arrive $0xFFFF  }
0x7f: {  	p0 =	sne.s32 s0, $0x0;
	s0 =	rddreg [dreg:$0x3]  }
0x80: {  	s0 =	sadd.s32 @!p0 $0x100000, s0  }
0x81: {  	[sflag:s0] =	ssyncadd.tile.s32 @!p0 $0x1;
	_ =	shalt  }
.Lfunc_end2:
_tile_overlayer_lowered:
.L_overlay_start_2:
0x82: {  	(tag) =	ssettag $0x2  }
0x83: {  	s0 =	rddreg [dreg:$0x0];
	s2 =	stileid.u32  }
0x84: {  	s1 =	rddreg [dreg:$0x1];
	p0 =	sne.s32 s2, $0x0  }
0x85: {  	s3 =	rddreg [dreg:$0x2];
	[bflag:$0x3] =	sbarrier.arrive $0xFFFF;
	s2 =	simm.s32 @!p0 $0x1C07  }
0x86: {  	[timem:s3], [sflag:s2] =	dma.local @!p0 [hbm:s0], s1  }
0x87: {  	s0 =	simm.s32 @!p0 $0x7  }
0x88: {  	_ =	swait.ge @!p0 [sflag:s0], s1  }
0x89: {  	s1 =	ssub.s32 @!p0 $0x0, s1;
	[sflag:s0] =	ssyncset.done @!p0 $0x0  }
0x8a: {  	[sflag:s0] =	ssyncadd.s32 @!p0 s1  }
0x8b: {  	[bflag:$0x3] =	sbarrier.arrive $0xFFFF  }
0x8c: {  	_ =	shalt  }

// kernel: kernel.19.cloned.1.call-start
scs
__scs_entry_jumppad:
0x0: {  	(pc) =	sbr.rel $0x88, $3  }
0x1: {  	(tag) =	ssettag $0x0;
	lr =	simm.s32 $0x1  }
0x2: {  	[smem:$0x3F91] =	sst lr;
	_ =	strace $0xD0000000  }
0x3: {  	_ = 	snop  }
0x4: {  	_ = 	snop  }
0x5: {  	_ = 	snop  }
0x6: {  	_ = 	snop  }
0x7: {  	_ = 	snop  }
__scs_overlays_trampoline_lowered:
0x8: {  	[smem:$0x3FA0] =	sst s0  }
0x9: {  	[smem:$0x3FA1] =	sst s1  }
0xa: {  	[smem:$0x3FA2] =	sst s2  }
0xb: {  	[smem:$0x3FA3] =	sst s3  }
0xc: {  	[smem:$0x3FA4] =	sst s4  }
0xd: {  	[smem:$0x3FA5] =	sst s5  }
0xe: {  	[smem:$0x3FA6] =	sst s6  }
0xf: {  	[smem:$0x3FA7] =	sst s7  }
0x10: {  	[smem:$0x3FA8] =	sst s8  }
0x11: {  	[smem:$0x3FA9] =	sst s9;
	s0 =	simm.s32 @!p0 $0x0  }
0x12: {  	s1 =	sld [smem:$0x3F8F];
	s0 =	simm.s32 @p0 $0x1  }
0x13: {  	[smem:$0x3FAA] =	sst s0;
	s0 =	simm.s32 @!p1 $0x0  }
0x14: {  	s2 =	sld [smem:$0x3F8E];
	s0 =	simm.s32 @p1 $0x1  }
0x15: {  	[smem:$0x3FAB] =	sst s0;
	s0 =	simm.s32 @!p2 $0x0  }
0x16: {  	s3 =	sld [smem:$0x3FDB];
	s0 =	simm.s32 @p2 $0x1  }
0x17: {  	s4 =	simm.s32 $0x1BF5;
	[smem:$0x3FAD] =	sst s0  }
0x18: {  	s0 =	sld [smem:$0x3F90];
	_ =	swait.ge [sflag:s4], $0x0  }
0x19: {  	s7 =	sld [smem:$0x3F91]  }
0x1a: {  	s8 =	sadd.s32 $0xFFFFE003, lr  }
0x1b: {  	s9 =	sadd.s32 $0xFFFFFEF7, lr;
	s5 =	simm.s32 $0xFFFFFFFF;
	p2 =	slt.u32 s8, $0xFFFFF086  }
0x1c: {  	p1 =	slt.u32 s9, $0xF7A;
	s5 =	simm.s32 @!p2 $0x0  }
0x1d: {  	s5 =	simm.s32 @p1 $0x1;
	p0 =	seq.s32 s7, s2  }
0x1e: {  	s7 =	smul.u32 @!p0 $0xF7A, s2;
	p2 =	seq.s32 @!p0 s5, $0x0  }
0x1f: {  	s9 =	smul.u32 $0xF7A, s1;
	s8 =	simm.s32 @!p0 $0x1BF5;
	p2 =	por !p2, p0  }
0x20: {  	[sflag:s8] =	ssyncset.s32 @!p0 $0xFFFFF086;
	s6 =	sadd.s32 @!p0 s3, s7;
	s7 =	simm.s32 @!p0 $0x108  }
0x21: {  	s3 =	sadd.s32 s3, s9;
	s6 =	sadd.s32 @!p0 $0x88, s6;
	s7 =	simm.s32 @p2 $0x1082  }
0x22: {  	[simem:s7], [sflag:s8] =	dma.local @!p0 [hbm:s6], $0xF7A  }
0x23: {  	s9 =	sor.u32 $0xD0000000, s2;
	s6 =	simm.s32 $0x108;
	_ =	swait.ge @!p0 [sflag:s8], $0x0  }
0x24: {  	s3 =	sadd.s32 $0x88, s3;
	s6 =	simm.s32 @!p1 $0x1082;
	[sflag:s4] =	ssyncset.s32 $0xFFFFF086  }
0x25: {  	[simem:s6], [sflag:s4] =	dma.local [hbm:s3], $0xF7A  }
0x26: {  	[smem:$0x3F91] =	sst s1;
	(tag) =	ssettag s2;
	_ =	strace s9  }
0x27: {  	s1 =	sld [smem:$0x3FA1]  }
0x28: {  	s2 =	sld [smem:$0x3FA2]  }
0x29: {  	s4 =	sld [smem:$0x3FA4]  }
0x2a: {  	p0 =	seq.s32 s5, $0x0;
	s5 =	sld [smem:$0x3FA5]  }
0x2b: {  	s6 =	sld [smem:$0x3FA6]  }
0x2c: {  	s7 =	sld [smem:$0x3FA7]  }
0x2d: {  	s3 =	simm.s32 $0x108;
	s8 =	sld [smem:$0x3FA8]  }
0x2e: {  	s3 =	simm.s32 @!p0 $0x1082;
	s9 =	sld [smem:$0x3FA9]  }
0x2f: {  	lr =	sadd.s32 s0, s3;
	s0 =	sld [smem:$0x3FA0]  }
0x30: {  	s3 =	sld [smem:$0x3FA3]  }
0x31: {  	[smem:$0x3FAC] =	sst s10  }
0x32: {  	s10 =	sld [smem:$0x3FAA];
	_ =	sdelay $0x3  }
0x33: {  	p0 =	seq.s32 s10, $0x1;
	s10 =	sld [smem:$0x3FAC];
	_ =	sdelay $0x3  }
0x34: {  	[smem:$0x3FAC] =	sst s10  }
0x35: {  	s10 =	sld [smem:$0x3FAB];
	_ =	sdelay $0x3  }
0x36: {  	p1 =	seq.s32 s10, $0x1;
	s10 =	sld [smem:$0x3FAC];
	_ =	sdelay $0x3  }
0x37: {  	[smem:$0x3FAC] =	sst s10  }
0x38: {  	s10 =	sld [smem:$0x3FAD]  }
0x39: {  	_ = 	snop;
	(pc) =	sbr.ind lr, $3  }
0x3a: {  	_ = 	snop  }
0x3b: {  	_ = 	snop  }
0x3c: {  	p2 =	seq.s32 s10, $0x1;
	s10 =	sld [smem:$0x3FAC]  }
0x3d: {  	_ =	shalt  }
0x3e: {  	_ =	shalt  }
0x3f: {  	_ =	shalt  }
0x40: {  	_ =	shalt  }
0x41: {  	_ =	shalt  }
0x42: {  	_ =	shalt  }
0x43: {  	_ =	shalt  }
0x44: {  	_ =	shalt  }
0x45: {  	_ =	shalt  }
0x46: {  	_ =	shalt  }
0x47: {  	_ =	shalt  }
0x48: {  	_ =	shalt  }
0x49: {  	_ =	shalt  }
0x4a: {  	_ =	shalt  }
0x4b: {  	_ =	shalt  }
0x4c: {  	_ =	shalt  }
0x4d: {  	_ =	shalt  }
0x4e: {  	_ =	shalt  }
0x4f: {  	_ =	shalt  }
0x50: {  	_ =	shalt  }
0x51: {  	_ =	shalt  }
0x52: {  	_ =	shalt  }
0x53: {  	_ =	shalt  }
0x54: {  	_ =	shalt  }
0x55: {  	_ =	shalt  }
0x56: {  	_ =	shalt  }
0x57: {  	_ =	shalt  }
0x58: {  	_ =	shalt  }
0x59: {  	_ =	shalt  }
0x5a: {  	_ =	shalt  }
0x5b: {  	_ =	shalt  }
0x5c: {  	_ =	shalt  }
0x5d: {  	_ =	shalt  }
0x5e: {  	_ =	shalt  }
0x5f: {  	_ =	shalt  }
0x60: {  	_ =	shalt  }
0x61: {  	_ =	shalt  }
0x62: {  	_ =	shalt  }
0x63: {  	_ =	shalt  }
0x64: {  	_ =	shalt  }
0x65: {  	_ =	shalt  }
0x66: {  	_ =	shalt  }
0x67: {  	_ =	shalt  }
0x68: {  	_ =	shalt  }
0x69: {  	_ =	shalt  }
0x6a: {  	_ =	shalt  }
0x6b: {  	_ =	shalt  }
0x6c: {  	_ =	shalt  }
0x6d: {  	_ =	shalt  }
0x6e: {  	_ =	shalt  }
0x6f: {  	_ =	shalt  }
0x70: {  	_ =	shalt  }
0x71: {  	_ =	shalt  }
0x72: {  	_ =	shalt  }
0x73: {  	_ =	shalt  }
0x74: {  	_ =	shalt  }
0x75: {  	_ =	shalt  }
0x76: {  	_ =	shalt  }
0x77: {  	_ =	shalt  }
0x78: {  	_ =	shalt  }
0x79: {  	_ =	shalt  }
0x7a: {  	_ =	shalt  }
0x7b: {  	_ =	shalt  }
0x7c: {  	_ =	shalt  }
0x7d: {  	_ =	shalt  }
0x7e: {  	_ =	shalt  }
0x7f: {  	_ =	shalt  }
0x80: {  	_ =	shalt  }
0x81: {  	_ =	shalt  }
0x82: {  	_ =	shalt  }
0x83: {  	_ =	shalt  }
0x84: {  	_ =	shalt  }
0x85: {  	_ =	shalt  }
0x86: {  	_ =	shalt  }
0x87: {  	_ =	shalt  }
.Lfunc_end0:
.L_simem_size_0:
called_computation.3_lowered:
.L_overlay_start_0:
0x88: {  	s2 =	sld [smem:$0x3FD9]  }
0x89: {  	s3 =	sld [smem:$0x3FFE];
	_ =	sdelay $0x1  }
0x8a: {  	s1 =	srdreg.scid  }
0x8b: {  	s0 =	sand.u32 $0x1, s1  }
0x8c: {  	s17 =	sshll.u32 s0, $0xA;
	s2 =	sadd.s32 s3, s2  }
0x8d: {  	s2 =	sadd.s32 s2, s17  }
0x8e: {  	[smem:$0x3FB8] =	sst s2  }
0x8f: {  	_ = 	snop  }
0x90: {  	s2 =	sld [smem:$0x3FD0];
	(tm) =	ssettm $0x1  }
0x91: {  	s18 =	sld [smem:$0x3FFB];
	_ =	sdelay $0x3  }
0x92: {  	_ =	strace s18  }
0x93: {  	s3 =	sld [smem:$0x3FFC];
	_ =	sdelay $0x3  }
0x94: {  	_ =	strace s3  }
0x95: {  	s3 =	sld [smem:$0x3FFD];
	_ =	sdelay $0x3  }
0x96: {  	_ =	strace s3  }
0x97: {  	_ =	strace $0x8FFFFFFF  }
0x98: {  	s19 =	sld [smem:$0x3FDB];
	_ =	sdelay $0x1  }
0x99: {  	s4 =	simm.s32 $_scs_section_size  }
0x9a: {  	s5 =	simm.s32 $_size__tile_overlayer_lowered;
	s6 =	simm.s32 $_tile_overlayer_lowered  }
0x9b: {  	s22 =	simm.s32 $0x1BFF;
	s21 =	sshll.u32 s6, $0x1;
	s3 =	sadd.s32 s4, s19  }
0x9c: {  	s7 =	simm.s32 $0x0;
	s20 =	sshll.u32 s5, $0x1;
	s5 =	sadd.s32 s21, s3  }
0x9d: {  	[timem:s7], [sflag:s22] =	dma.local [hbm:s5], s20  }
0x9e: {  	_ =	swait.ge [sflag:s22], s20  }
0x9f: {  	s4 =	ssub.s32 $0x0, s20;
	[sflag:s22] =	ssyncset.done $0x0  }
0xa0: {  	[sflag:s22] =	ssyncadd.s32 s4;
	_ =	sdelay $0x1  }
0xa1: {  	s23 =	simm.s32 $0x1B8B  }
0xa2: {  	_ =	swait.ge [sflag:s23], $0x1  }
0xa3: {  	[sflag:s23] =	ssyncset.done $0x0  }
0xa4: {  	s25 =	simm.s32 $0x1B8E;
	s24 =	sld [smem:$0x3FFE];
	[sflag:s23] =	ssyncadd.s32 $0xFFFFFFFF  }
0xa5: {  	s26 =	simm.s32 $execute0_lowered;
	[smem:$0x3FD2] =	sst s25  }
0xa6: {  	s5 =	sshll.u32 s26, $0x1;
	_ =	strace $0x8000004F;
	[dreg:$0x1] =	wrdreg $0xFFFFFFFF  }
0xa7: {  	s28 =	simm.s32 $_size_execute0_lowered;
	s3 =	sadd.s32 s3, s5;
	[dreg:$0x0] =	wrdreg $0x0  }
0xa8: {  	s5 =	sshll.u32 s28, $0x1;
	[dreg:$0x2] =	wrdreg s3  }
0xa9: {  	[dreg:$0x3] =	wrdreg s5  }
0xaa: {  	[dreg:$0x4] =	wrdreg $0xC0  }
0xab: {  	_ =	task [dreg:s7], $0x5FFFF  }
0xac: {  	[dreg:$0x1] =	wrdreg $0xFFFFFFFF  }
0xad: {  	[dreg:$0x0] =	wrdreg $0x60  }
0xae: {  	[dreg:$0x2] =	wrdreg s24  }
0xaf: {  	[dreg:$0x3] =	wrdreg s2  }
0xb0: {  	[dreg:$0x4] =	wrdreg $0x8A200  }
0xb1: {  	[dreg:$0x5] =	wrdreg $0x9  }
0xb2: {  	_ =	task.clear_ibuf [dreg:s7], $0x6FFFF;
	_ =	strace $0x9000004F  }
0xb3: {  	s29 =	simm.s32 $0x9;
	_ =	strace $0x80000051  }
0xb4: {  	_ =	swait.ge [sflag:s29], $0x1  }
0xb5: {  	[sflag:s29] =	ssyncadd.s32 $0xFFFFFFFF  }
0xb6: {  	_ =	strace $0x90000051  }
0xb7: {  	_ =	sfence  }
0xb8: {  	s30 =	sld [smem:$0x0];
	_ =	sdelay $0x2  }
0xb9: {  	s31 =	sshll.u32 s1, $0xD;
	s1 =	sshrl.u32 s1, $0x2  }
0xba: {  	s3 =	sand.u32 $0x4000, s31;
	s1 =	sadd.s32 s1, s30  }
0xbb: {  	s0 =	sor.u32 s3, s0;
	s1 =	sshll.u32 s1, $0x11  }
0xbc: {  	s0 =	sor.u32 s1, s0  }
0xbd: {  	s0 =	sadd.s32 $0x8F2B, s0  }
0xbe: {  	[sflag:s0] =	ssyncadd.remote.s32 $0x1  }
0xbf: {  	_ =	sfence.sel $0xFFFF  }
0xc0: {  	[dreg:$0x0] =	wrdreg $0xFFFFFFFF;
	(pc) =	sbr.abs _section_cstart, $3  }
0xc1: {  	[dreg:$0x1] =	wrdreg $0xFFFFFFFF  }
0xc2: {  	_ =	task.clear_ibuf [dreg:s7], $0x2FFFF;
	_ =	strace $0x9FFFFFFF  }
0xc3: {  	(tm) =	ssettm $0x7FFFFFFF  }
tec
execute0_lowered:
.L_overlay_start_1:
0x0: {  	(tag) =	ssettag $0x1  }
0x1: {  	s0 =	srdreg.scid;
	s1 =	rddreg [dreg:$0x0]  }
0x2: {  	s11 =	stileid.u32;
	s6 =	rddreg [dreg:$0x1]  }
0x3: {  	s18 =	simm.s32 $0x7;
	s20 =	simm.s32 $0x4E20;
	s21 =	simm.s32 $0x50  }
0x4: {  	s22 =	simm.s32 $0x6220;
	s23 =	simm.s32 $0x1;
	s24 =	simm.s32 $0x7620  }
0x5: {  	s25 =	simm.s32 $0x2;
	s28 =	simm.s32 $0x3;
	s29 =	simm.s32 $0x5  }
0x6: {  	s0 =	sand.u32 $0x1, s0;
	s2 =	sshll.u32 s11, $0x1;
	s8 =	smul.u32 $0x9C40, s11  }
0x7: {  	s4 =	sadd.s32 $0xDC00, s1;
	s11 =	smul.u32 $0x27100, s11;
	s26 =	sadd.s32 $0x21600, s1  }
0x8: {  	s3 =	sor.u32 s0, s2;
	s2 =	rddreg [dreg:$0x2];
	s5 =	smul.u32 $0x9C400, s0  }
0x9: {  	s0 =	ssub.s32 $0x2, s0;
	s7 =	smul.u32 $0x4E2, s3;
	s3 =	simm.s32 $0x0  }
0xa: {  	s30 =	sshrl.u32 s0, $0x1;
	s31 =	sshrl.u32 s11, $0x2;
	[smem:$0x7FF] =	sst s3  }
0xb: {  	s5 =	sadd.s32 s8, s5;
	s0 =	ssub.s32 s0, s30;
	s8 =	sadd.s32 s8, s2  }
0xc: {  	s15 =	sadd.s32 s31, s2;
	_ =	strace $0x80000050;
	s9 =	sadd.s32 s7, s1  }
0xd: {  	s10 =	sshrl.u32 s5, $0x3;
	[dreg:$0x4] =	wrdreg s26;
	s6 =	sadd.s32 s6, s7  }
.Ltmp0:
0xe: {  	s11 =	sadd.s32 $0x3C00, s15;
	s12 =	sadd.s32 $0x5000, s15;
	(pc) =	sbr.rel .LBB2_1-.Ltmp0, $4  }
0xf: {  	s13 =	sadd.s32 $0x6400, s15;
	s14 =	sadd.s32 $0x7800, s15;
	s17 =	smax.u32 s0, $0x1  }
0x10: {  	s26 =	simm.s32 $0x4;
	s0 =	simm.s32 $0x0;
	s1 =	sadd.s32 s10, s1  }
0x11: {  	s7 =	sadd.s32 $0x3E00, s9;
	s9 =	sadd.s32 $0x1400, s15;
	s10 =	sadd.s32 $0x2800, s15  }
0x12: {  	s15 =	sadd.s32 $0x8C00, s15;
	s16 =	sadd.s32 $0x21A00, s1;
	s1 =	simm.s32 $0x6  }
.LBB2_8:
0x13: {  	_ =	swait.ge [sflag:s23], $0x1400  }
0x14: {  	[sflag:s23] =	ssyncset.done $0x0  }
0x15: {  	s5 =	simm.s32 $0x4D80;
	[sflag:s23] =	ssyncadd.s32 $0xFFFFEC00  }
0x16: {  	[spmem:s2] =	stream.indirect.scatter.add.f32 [tilespmem:s20], [sflag:$0x4], $0x40, s5, s21, $0xb8;
	[tilespmem:$0x12660] =	vst v63  }
0x17: {  	_ =	swait.ge [sflag:s25], $0x1400  }
0x18: {  	[sflag:s25] =	ssyncset.done $0x0  }
0x19: {  	s30 =	simm.s32 $0x4DD0;
	[sflag:s25] =	ssyncadd.s32 $0xFFFFEC00  }
0x1a: {  	[spmem:s2] =	stream.indirect.scatter.add.f32 [tilespmem:s22], [sflag:$0x5], $0x40, s30, s21, $0xb8;
	[tilespmem:$0x12660] =	vst v63  }
0x1b: {  	_ =	swait.ge [sflag:s1], $0x1400  }
0x1c: {  	[sflag:s1] =	ssyncset.done $0x0  }
0x1d: {  	[sflag:s1] =	ssyncadd.s32 $0xFFFFEC00  }
0x1e: {  	_ =	swait.ge [sflag:s26], $0x1400  }
0x1f: {  	[sflag:s26] =	ssyncset.done $0x0  }
0x20: {  	[sflag:s26] =	ssyncadd.s32 $0xFFFFEC00  }
0x21: {  	s31 =	stileid.u32;
	_ =	swait.ge [sflag:s29], $0x1400  }
0x22: {  	s19 =	sshrl.u32 s8, $0x3;
	s0 =	sadd.s32 $0x1, s0;
	[sflag:s29] =	ssyncset.done $0x0  }
0x23: {  	p0 =	sne.s32 s0, s17;
	s5 =	sshll.u32 s31, $0x6;
	[sflag:s29] =	ssyncadd.s32 $0xFFFFEC00  }
.Ltmp1:
0x24: {  	s5 =	sor.u32 $0x1C07, s5;
	[bflag:$0x0] =	sbarrier.arrive $0xFFFF;
	(pc) =	sbr.rel @!p0 .LBB2_9-.Ltmp1, $4  }
0x25: {  	[hbm:s16], [sflag:s5] =	dma.local [spmem:s19], $0x1388  }
0x26: {  	_ =	swait.ge [sflag:s18], $0x1388  }
0x27: {  	[sflag:s18] =	ssyncset.done $0x0  }
0x28: {  	[sflag:s18] =	ssyncadd.s32 $0xFFFFEC78  }
.LBB2_1:
0x29: {  	[tilespmem:s3], [sflag:$0x7] =	stream.linear.gather [hbm4b:s6+s3], $0x2710, $0x38;
	[tilespmem:$0x12660] =	vst v63  }
0x2a: {  	_ =	swait.ge [sflag:s18], $0x2710  }
0x2b: {  	[sflag:s18] =	ssyncset.done $0x0  }
0x2c: {  	s5 =	simm.s32 $0x2710;
	[sflag:s18] =	ssyncadd.s32 $0xFFFFD8F0  }
0x2d: {  	[tilespmem:s5], [sflag:$0x7] =	stream.linear.gather [hbm4b:s7+s3], $0x2710, $0x38;
	[tilespmem:$0x12660] =	vst v63  }
0x2e: {  	_ =	swait.ge [sflag:s18], $0x2710  }
0x2f: {  	[sflag:s18] =	ssyncset.done $0x0  }
0x30: {  	s31 =	rddreg [dreg:$0x4];
	[sflag:s18] =	ssyncadd.s32 $0xFFFFD8F0  }
0x31: {  	[tilespmem:s20], [sflag:$0x7] =	stream.linear.gather [hbm4b:s31+s3], $0x1400, $0x38;
	[tilespmem:$0x12660] =	vst v63  }
0x32: {  	_ =	swait.ge [sflag:s18], $0x1400  }
0x33: {  	[sflag:s18] =	ssyncset.done $0x0  }
0x34: {  	[sflag:s18] =	ssyncadd.s32 $0xFFFFEC00  }
0x35: {  	[spmem:s8] =	stream.linear.scatter [tilespmem:s20], [sflag:$0x7], $0x1400, $0x38;
	[tilespmem:$0x12660] =	vst v63  }
0x36: {  	_ =	swait.ge [sflag:s18], $0x1400  }
0x37: {  	[sflag:s18] =	ssyncset.done $0x0  }
0x38: {  	[sflag:s18] =	ssyncadd.s32 $0xFFFFEC00  }
0x39: {  	[spmem:s9] =	stream.linear.scatter [tilespmem:s20], [sflag:$0x7], $0x1400, $0x38;
	[tilespmem:$0x12660] =	vst v63  }
0x3a: {  	_ =	swait.ge [sflag:s18], $0x1400  }
0x3b: {  	[sflag:s18] =	ssyncset.done $0x0  }
0x3c: {  	[sflag:s18] =	ssyncadd.s32 $0xFFFFEC00  }
0x3d: {  	[spmem:s10] =	stream.linear.scatter [tilespmem:s20], [sflag:$0x7], $0x1400, $0x38;
	[tilespmem:$0x12660] =	vst v63  }
0x3e: {  	_ =	swait.ge [sflag:s18], $0x1400  }
0x3f: {  	[sflag:s18] =	ssyncset.done $0x0  }
0x40: {  	[sflag:s18] =	ssyncadd.s32 $0xFFFFEC00  }
0x41: {  	[spmem:s11] =	stream.linear.scatter [tilespmem:s20], [sflag:$0x7], $0x1400, $0x38;
	[tilespmem:$0x12660] =	vst v63  }
0x42: {  	_ =	swait.ge [sflag:s18], $0x1400  }
0x43: {  	[sflag:s18] =	ssyncset.done $0x0  }
0x44: {  	[sflag:s18] =	ssyncadd.s32 $0xFFFFEC00  }
0x45: {  	[spmem:s12] =	stream.linear.scatter [tilespmem:s20], [sflag:$0x7], $0x1400, $0x38;
	[tilespmem:$0x12660] =	vst v63  }
0x46: {  	_ =	swait.ge [sflag:s18], $0x1400  }
0x47: {  	[sflag:s18] =	ssyncset.done $0x0  }
0x48: {  	[sflag:s18] =	ssyncadd.s32 $0xFFFFEC00  }
0x49: {  	[spmem:s13] =	stream.linear.scatter [tilespmem:s20], [sflag:$0x7], $0x1400, $0x38;
	[tilespmem:$0x12660] =	vst v63  }
0x4a: {  	_ =	swait.ge [sflag:s18], $0x1400  }
0x4b: {  	[sflag:s18] =	ssyncset.done $0x0  }
0x4c: {  	[sflag:s18] =	ssyncadd.s32 $0xFFFFEC00  }
0x4d: {  	[spmem:s14] =	stream.linear.scatter [tilespmem:s20], [sflag:$0x7], $0x1400, $0x38;
	[tilespmem:$0x12660] =	vst v63  }
0x4e: {  	_ =	swait.ge [sflag:s18], $0x1400  }
0x4f: {  	[sflag:s18] =	ssyncset.done $0x0  }
0x50: {  	[sflag:s18] =	ssyncadd.s32 $0xFFFFEC00  }
0x51: {  	[spmem:s15] =	stream.linear.scatter [tilespmem:s20], [sflag:$0x7], $0x1040, $0x38;
	[tilespmem:$0x12660] =	vst v63  }
0x52: {  	_ =	swait.ge [sflag:s18], $0x1040  }
0x53: {  	[sflag:s18] =	ssyncset.done $0x0  }
.Ltmp2:
0x54: {  	[sflag:s18] =	ssyncadd.s32 $0xFFFFEFC0;
	(pc) =	sbr.rel .LBB2_2-.Ltmp2, $4  }
0x55: {  	[bflag:$0x0] =	sbarrier.arrive $0xFFFF  }
0x56: {  	[tilespmem:s20], [sflag:$0x1] =	stream.indirect.gather [hbm4b:s4+s21], $0x40, s3, s21, $0xb8;
	[tilespmem:$0x12660] =	vst v63  }
0x57: {  	s19 =	simm.s32 $0x0;
	s30 =	simm.s32 $0x0  }
0x58: {  	[tilespmem:s22], [sflag:$0x2] =	stream.indirect.gather [hbm4b:s4+s21], $0x40, s21, s21, $0xb8;
	[tilespmem:$0x12660] =	vst v63  }
.LBB2_3:
0x59: {  	s31 =	simm.s32 $0x0  }
.LBB2_6:
0x5a: {  	s5 =	sadd.s32 $0xA0, s31  }
0x5b: {  	[tilespmem:s24], [sflag:$0x3] =	stream.indirect.gather [hbm4b:s4+s21], $0x40, s5, s21, $0xb8;
	[tilespmem:$0x12660] =	vst v63  }
.LBB2_7:
0x5c: {  	_ =	swait.ge [sflag:s25], $0x1400  }
0x5d: {  	s5 =	sshra.s32 s19, $0x2;
	[sflag:s25] =	ssyncset.done $0x0  }
0x5e: {  	s31 =	sadd.s32 $0x2760, s5;
	[sflag:s25] =	ssyncadd.s32 $0xFFFFEC00  }
0x5f: {  	[spmem:s2] =	stream.indirect.scatter.add.f32 [tilespmem:s22], [sflag:$0x5], $0x40, s31, s21, $0xb8;
	[tilespmem:$0x12660] =	vst v63  }
0x60: {  	_ =	swait.ge [sflag:s26], $0x1400  }
0x61: {  	[sflag:s26] =	ssyncset.done $0x0  }
0x62: {  	s31 =	sadd.s32 $0xF0, s5;
	[sflag:s26] =	ssyncadd.s32 $0xFFFFEC00  }
0x63: {  	[tilespmem:s20], [sflag:$0x1] =	stream.indirect.gather [hbm4b:s4+s21], $0x40, s31, s21, $0xb8;
	[tilespmem:$0x12660] =	vst v63  }
0x64: {  	_ =	swait.ge [sflag:s28], $0x1400  }
0x65: {  	s19 =	sadd.s32 $0x3C0, s19;
	[sflag:s28] =	ssyncset.done $0x0  }
0x66: {  	p0 =	sne.s32 s19, $0x99C0;
	s31 =	sadd.s32 $0x27B0, s5;
	[sflag:s28] =	ssyncadd.s32 $0xFFFFEC00  }
0x67: {  	[spmem:s2] =	stream.indirect.scatter.add.f32 [tilespmem:s24], [sflag:$0x6], $0x40, s31, s21, $0xb8;
	[tilespmem:$0x12660] =	vst v63  }
.Ltmp3:
0x68: {  	_ = 	snop;
	(pc) =	sbr.rel @!p0 .LBB2_8-.Ltmp3, $4  }
0x69: {  	_ =	swait.ge [sflag:s29], $0x1400  }
0x6a: {  	[sflag:s29] =	ssyncset.done $0x0  }
0x6b: {  	s30 =	sadd.s32 $0x1, s30;
	s5 =	sadd.s32 $0x140, s5;
	[sflag:s29] =	ssyncadd.s32 $0xFFFFEC00  }
0x6c: {  	[tilespmem:s22], [sflag:$0x2] =	stream.indirect.gather [hbm4b:s4+s21], $0x40, s5, s21, $0xb8;
	[tilespmem:$0x12660] =	vst v63  }
.LBB2_2:
0x6d: {  	p0 =	seq.s32 s30, $0x0  }
.Ltmp4:
0x6e: {  	_ = 	snop;
	(pc) =	sbr.rel @p0 .LBB2_3-.Ltmp4, $4  }
0x6f: {  	_ =	swait.ge [sflag:s23], $0x1400  }
0x70: {  	s31 =	sshra.s32 s19, $0x2;
	[sflag:s23] =	ssyncset.done $0x0  }
0x71: {  	s5 =	sadd.s32 $0x2710, s31;
	[sflag:s23] =	ssyncadd.s32 $0xFFFFEC00  }
0x72: {  	[spmem:s2] =	stream.indirect.scatter.add.f32 [tilespmem:s20], [sflag:$0x4], $0x40, s5, s21, $0xb8;
	[tilespmem:$0x12660] =	vst v63  }
0x73: {  	p0 =	seq.s32 s30, $0x29  }
.Ltmp5:
0x74: {  	_ = 	snop;
	(pc) =	sbr.rel @p0 .LBB2_7-.Ltmp5, $1  }
0x75: {  	_ =	sdelay $0x3  }
.Ltmp6:
0x76: {  	(pc) =	sbr.rel .LBB2_6-.Ltmp6, $4  }
0x77: {  	_ = 	snop  }
0x78: {  	_ =	swait.ge [sflag:s1], $0x1400  }
0x79: {  	[sflag:s1] =	ssyncset.done $0x0  }
0x7a: {  	[sflag:s1] =	ssyncadd.s32 $0xFFFFEC00  }
.LBB2_9:
0x7b: {  	_ =	sfence.sel $0x180000  }
0x7c: {  	[bflag:$0x0] =	sbarrier.arrive $0xFFFF  }
0x7d: {  	_ =	strace $0x90000050  }
0x7e: {  	s0 =	stileid.u32;
	[bflag:$0x2] =	sbarrier.arrive $0xFFFF  }
0x7f: {  	p0 =	sne.s32 s0, $0x0;
	s0 =	rddreg [dreg:$0x3]  }
0x80: {  	s0 =	sadd.s32 @!p0 $0x100000, s0  }
0x81: {  	[sflag:s0] =	ssyncadd.tile.s32 @!p0 $0x1;
	_ =	shalt  }
.Lfunc_end2:
_tile_overlayer_lowered:
.L_overlay_start_2:
0x82: {  	(tag) =	ssettag $0x2  }
0x83: {  	s0 =	rddreg [dreg:$0x0];
	s2 =	stileid.u32  }
0x84: {  	s1 =	rddreg [dreg:$0x1];
	p0 =	sne.s32 s2, $0x0  }
0x85: {  	s3 =	rddreg [dreg:$0x2];
	[bflag:$0x3] =	sbarrier.arrive $0xFFFF;
	s2 =	simm.s32 @!p0 $0x1C07  }
0x86: {  	[timem:s3], [sflag:s2] =	dma.local @!p0 [hbm:s0], s1  }
0x87: {  	s0 =	simm.s32 @!p0 $0x7  }
0x88: {  	_ =	swait.ge @!p0 [sflag:s0], s1  }
0x89: {  	s1 =	ssub.s32 @!p0 $0x0, s1;
	[sflag:s0] =	ssyncset.done @!p0 $0x0  }
0x8a: {  	[sflag:s0] =	ssyncadd.s32 @!p0 s1  }
0x8b: {  	[bflag:$0x3] =	sbarrier.arrive $0xFFFF  }
0x8c: {  	_ =	shalt  }

</sc_bundles>
